<compile_context>
chip_gen: v7x
topology: tpu7x:2x2x1
jax: 0.10.2.dev20260603
libtpu: 0.0.44.dev20260713+nightly
codegen_flags: <defaults>
</compile_context>

<pallas_src>
import functools

import jax
import jax.numpy as jnp
from jax import lax
from jax.experimental import pallas as pl
from jax.experimental.pallas import tpu as pltpu
from jax.experimental.pallas import tpu_sc as plsc

_E = 256
_C = 128
_S = 64
_NREP = 64
_NW = 32
_TAB_ROWS = _E * _NREP
_QROWS = 64
_NBUF = 4


def _sc_body(lat_hbm, sel_hbm, tab_hbm, out_hbm,
             sel_v, idx_v, lat_v, emb_v, sem_l, sem_g, sem_o):
    wid = lax.axis_index("s") * 2 + lax.axis_index("c")
    b_per_w = lat_hbm.shape[0] // _NW
    base = wid * b_per_w
    nsteps = b_per_w

    pltpu.sync_copy(sel_hbm.at[pl.ds(base, b_per_w)], sel_v)

    lane = lax.iota(jnp.int32, 16)
    rep4 = lax.shift_right_logical(lane, 2)
    gdn = lax.GatherDimensionNumbers(
        offset_dims=(), collapsed_slice_dims=(0,), start_index_map=(0,))

    def start(t, q):
        b = base + t
        s16 = sel_v[t, pl.ds(q * 16, 16)]
        for c in range(4):
            sval = lax.gather(s16, (4 * c + rep4)[:, None], gdn, (1,),
                              mode=lax.GatherScatterMode.PROMISE_IN_BOUNDS)
            i16 = (q * _QROWS + c * 16) + lane
            idx_v[q, pl.ds(c * 16, 16)] = i16 * _NREP + sval
        pltpu.async_copy(
            lat_hbm.at[b, pl.ds(q * _QROWS, _QROWS)], lat_v.at[q], sem_l.at[q])
        pltpu.async_copy(tab_hbm.at[idx_v.at[q]], emb_v.at[q], sem_g.at[q])

    def finish(t, q):
        b = base + t
        pltpu.make_async_copy(
            lat_hbm.at[b, pl.ds(q * _QROWS, _QROWS)], lat_v.at[q],
            sem_l.at[q]).wait()
        pltpu.make_async_copy(
            tab_hbm.at[idx_v.at[q]], emb_v.at[q], sem_g.at[q]).wait()

        def addrow(r, inner):
            for rr in range(2):
                for ch in range(8):
                    sl = pl.ds(ch * 16, 16)
                    emb_v[q, 2 * r + rr, sl] = (
                        emb_v[q, 2 * r + rr, sl] + lat_v[q, 2 * r + rr, sl])
            return inner

        lax.fori_loop(0, _QROWS // 2, addrow, 0)
        pltpu.async_copy(
            emb_v.at[q], out_hbm.at[b, pl.ds(q * _QROWS, _QROWS)], sem_o.at[q])

    def drain_out(t, q):
        pltpu.make_async_copy(
            emb_v.at[q], out_hbm.at[base + t, pl.ds(q * _QROWS, _QROWS)],
            sem_o.at[q]).wait()

    start(0, 0)
    start(0, 1)
    start(0, 2)

    def step(t, carry):
        for p in range(4):
            finish(t, p)
            if p == 0:
                @pl.when(t >= 1)
                def _():
                    drain_out(t - 1, 3)
            else:
                drain_out(t, p - 1)
            if p == 0:
                start(t, 3)
            else:
                @pl.when(t < nsteps - 1)
                def _():
                    start(t + 1, p - 1)
        return carry

    lax.fori_loop(0, nsteps, step, 0)
    drain_out(nsteps - 1, 3)


def kernel(latents, selections, emb):
    b = latents.shape[0]
    sel = selections.astype(jnp.int32)
    tab = emb.reshape(_TAB_ROWS, _C)
    b_per_w = b // _NW
    run = functools.partial(
        pl.kernel,
        mesh=plsc.VectorSubcoreMesh(core_axis_name="c", subcore_axis_name="s"),
        out_type=jax.ShapeDtypeStruct((b, _E, _C), jnp.float32),
        scratch_types=[
            pltpu.VMEM((b_per_w, _S), jnp.int32),
            pltpu.VMEM((_NBUF, _QROWS), jnp.int32),
            pltpu.VMEM((_NBUF, _QROWS, _C), jnp.float32),
            pltpu.VMEM((_NBUF, _QROWS, _C), jnp.float32),
            pltpu.SemaphoreType.DMA((_NBUF,)),
            pltpu.SemaphoreType.DMA((_NBUF,)),
            pltpu.SemaphoreType.DMA((_NBUF,)),
        ],
    )(_sc_body)
    return run(latents, sel, tab)

# --- scband reference (transcript-rebuilt; emitter-appended) ---
"""Pipeline reference for scband-quantization-embedding-73091753443329 (READ-ONLY COPY).

The authoritative reference and input builder live on the scoring server;
editing this copy changes nothing except your own understanding.
"""

import jax, jax.numpy as jnp
import numpy as np

E = 256
C = 128
N_REP = 64
TEMPERATURE = 10000.0
S = 64
M = E // S


def _build_emb():
    h, w, dim = E, N_REP, C
    qc = dim // 4
    y, x = jnp.meshgrid(jnp.arange(h), jnp.arange(w), indexing='ij')
    omega = jnp.arange(qc) / (qc - 1)
    omega = 1.0 / (TEMPERATURE ** omega)
    y = (y.flatten()[:, None] * omega[None, :]).reshape(h, w, qc)
    x = (x.flatten()[:, None] * omega[None, :]).reshape(h, w, qc)
    emb = jnp.concatenate((jnp.sin(x), jnp.cos(x), jnp.sin(y), jnp.cos(y)), axis=2)
    return emb.astype(jnp.float32)


def setup_inputs(seed: int = 0) -> dict:
    key = jax.random.key(seed)
    k1, k2 = jax.random.split(key)
    latents = jax.random.normal(k1, (1024, E, C), dtype=jnp.float32)
    selections = jax.random.randint(k2, (1024, S), 0, N_REP, dtype=jnp.int64 if jax.config.jax_enable_x64 else jnp.int32)
    emb = _build_emb()
    return {"latents": latents, "selections": selections, "emb": emb}


def reference(latents, selections, emb):
    # coordinates: repeat each selection m=E//S times along the E axis -> [B, E]
    coords = jnp.repeat(selections, M, axis=1)
    # gather: for each batch row b, embs[b, i, :] = emb[i, coords[b, i], :]
    embs = emb[jnp.arange(E)[None, :], coords]  # [B, E, C]
    embs = jax.lax.stop_gradient(embs).astype(latents.dtype)
    return latents.reshape(embs.shape) + embs

if __name__ == "__main__":
    import jax
    _d = setup_inputs()
    print(jax.jit(kernel)(*tuple(_d.values())))

</pallas_src>

<mosaic_0001>
#map = affine_map<(d0, d1) -> (0, 0, 0)>
#map1 = affine_map<(d0, d1) -> (0, 0)>
module attributes {stable_mosaic.version = 14 : i64} {
  func.func @_sc_body(%arg0: i32, %arg1: i32, %arg2: memref<1024x256x128xf32, #tpu.memory_space<hbm>>, %arg3: memref<1024x64xi32, #tpu.memory_space<hbm>>, %arg4: memref<16384x128xf32, #tpu.memory_space<hbm>>, %arg5: memref<1024x256x128xf32, #tpu.memory_space<hbm>>, %arg6: memref<32x64xi32, #tpu.memory_space<vmem>>, %arg7: memref<4x64xi32, #tpu.memory_space<vmem>>, %arg8: memref<4x64x128xf32, #tpu.memory_space<vmem>>, %arg9: memref<4x64x128xf32, #tpu.memory_space<vmem>>, %arg10: memref<4x!tpu.dma_semaphore, #tpu.memory_space<semaphore_mem>>, %arg11: memref<4x!tpu.dma_semaphore, #tpu.memory_space<semaphore_mem>>, %arg12: memref<4x!tpu.dma_semaphore, #tpu.memory_space<semaphore_mem>>) attributes {dimension_semantics = [#tpu.dimension_semantics<core_parallel>, #tpu.dimension_semantics<subcore_parallel>], iteration_bounds = array<i64: 2, 16>, scalar_prefetch = 0 : i64, scratch_operands = 7 : i64, tpu.core_type = #tpu.core_type<sc_vector_subcore>, window_params = [{transform_indices = #map}, {transform_indices = #map1}, {transform_indices = #map1}, {transform_indices = #map}]} {
    %mul3A = arith.constant 2 : i32
    %mul3A_0 = arith.muli %arg1, %mul3A : i32
    %add3A = arith.addi %mul3A_0, %arg0 : i32
    %mul3A_1 = arith.constant 32 : i32
    %mul3A_2 = arith.muli %add3A, %mul3A_1 : i32
    "tpu.region"() ({
      %run_scoped3A = tpu.sem_alloc : memref<!tpu.dma_semaphore, #tpu.memory_space<semaphore_mem>>
      %dma_start3A_380 = arith.constant 0 : i32
      %dma_start3A_381 = tpu.memref_slice %arg3[%mul3A_2, %dma_start3A_380] : memref<1024x64xi32, #tpu.memory_space<hbm>> -> memref<32x64xi32, #tpu.memory_space<hbm>>
      %dma_start3A_382 = arith.constant 0 : i32
      %dma_start3A_383 = tpu.memref_slice %arg3[%mul3A_2, %dma_start3A_382] : memref<1024x64xi32, #tpu.memory_space<hbm>> -> memref<32x64xi32, #tpu.memory_space<hbm>>
      tpu.enqueue_dma source(%dma_start3A_383 : memref<32x64xi32, #tpu.memory_space<hbm>>) target(%arg6 : memref<32x64xi32, #tpu.memory_space<vmem>>) target_semaphore(%run_scoped3A : memref<!tpu.dma_semaphore, #tpu.memory_space<semaphore_mem>>)
      %dma_wait3A_384 = arith.constant 0 : i32
      %dma_wait3A_385 = tpu.memref_slice %arg3[%mul3A_2, %dma_wait3A_384] : memref<1024x64xi32, #tpu.memory_space<hbm>> -> memref<32x64xi32, #tpu.memory_space<hbm>>
      %dma_wait3A_386 = arith.constant 0 : i32
      %dma_wait3A_387 = tpu.memref_slice %arg3[%mul3A_2, %dma_wait3A_386] : memref<1024x64xi32, #tpu.memory_space<hbm>> -> memref<32x64xi32, #tpu.memory_space<hbm>>
      tpu.wait_dma2 semaphore(%run_scoped3A : memref<!tpu.dma_semaphore, #tpu.memory_space<semaphore_mem>>) src(%dma_wait3A_387 : memref<32x64xi32, #tpu.memory_space<hbm>>) dst(%arg6 : memref<32x64xi32, #tpu.memory_space<vmem>>)
      tpu.yield
    }) : () -> ()
    %iota3A = tpu.iota {dimensions = array<i32: 0>} : vector<16xi32>
    %shift_right_logical3A = arith.constant 2 : i32
    %shift_right_logical3A_3 = vector.broadcast %shift_right_logical3A : i32 to vector<16xi32>
    %shift_right_logical3A_4 = arith.shrui %iota3A, %shift_right_logical3A_3 : vector<16xi32>
    %add3A_5 = arith.constant 0 : i32
    %add3A_6 = arith.addi %mul3A_2, %add3A_5 : i32
    %get3A = arith.constant 0 : i32
    %get3A_7 = arith.index_cast %get3A : i32 to index
    %get3A_8 = arith.constant 0 : index
    %get3A_9 = tpu.vector_load %arg6[%get3A_7, %get3A_8] {strides = array<i32>} : memref<32x64xi32, #tpu.memory_space<vmem>>, vector<1x16xi32>,
    %get3A_10 = vector.shape_cast %get3A_9 : vector<1x16xi32> to vector<16xi32>
    %add3A_11 = arith.constant 0 : i32
    %add3A_12 = vector.broadcast %add3A_11 : i32 to vector<16xi32>
    %add3A_13 = arith.addi %add3A_12, %shift_right_logical3A_4 : vector<16xi32>
    %broadcast_in_dim3A = vector.shape_cast %add3A_13 : vector<16xi32> to vector<16x1xi32>
    %gather3A = vector.shape_cast %broadcast_in_dim3A : vector<16x1xi32> to vector<16xi32>
    %gather3A_14 = tpu.dynamic_gather %get3A_10[%gather3A] in [0] : vector<16xi32>, vector<16xi32> -> vector<16xi32>
    %add3A_15 = arith.constant 0 : i32
    %add3A_16 = vector.broadcast %add3A_15 : i32 to vector<16xi32>
    %add3A_17 = arith.addi %add3A_16, %iota3A : vector<16xi32>
    %mul3A_18 = arith.constant 64 : i32
    %mul3A_19 = vector.broadcast %mul3A_18 : i32 to vector<16xi32>
    %mul3A_20 = arith.muli %add3A_17, %mul3A_19 : vector<16xi32>
    %add3A_21 = arith.addi %mul3A_20, %gather3A_14 : vector<16xi32>
    %swap3A = arith.constant 0 : i32
    %swap3A_22 = arith.index_cast %swap3A : i32 to index
    %swap3A_23 = arith.constant 0 : index
    %swap3A_24 = tpu.vector_load %arg7[%swap3A_22, %swap3A_23] {strides = array<i32>} : memref<4x64xi32, #tpu.memory_space<vmem>>, vector<1x16xi32>,
    %swap3A_25 = vector.shape_cast %swap3A_24 : vector<1x16xi32> to vector<16xi32>
    %swap3A_26 = vector.shape_cast %add3A_21 : vector<16xi32> to vector<1x16xi32>
    tpu.vector_store %arg7[%swap3A_22, %swap3A_23], %swap3A_26 {strides = array<i32>} : memref<4x64xi32, #tpu.memory_space<vmem>>, vector<1x16xi32>,
    %add3A_27 = arith.constant 4 : i32
    %add3A_28 = vector.broadcast %add3A_27 : i32 to vector<16xi32>
    %add3A_29 = arith.addi %add3A_28, %shift_right_logical3A_4 : vector<16xi32>
    %broadcast_in_dim3A_30 = vector.shape_cast %add3A_29 : vector<16xi32> to vector<16x1xi32>
    %gather3A_31 = vector.shape_cast %broadcast_in_dim3A_30 : vector<16x1xi32> to vector<16xi32>
    %gather3A_32 = tpu.dynamic_gather %get3A_10[%gather3A_31] in [0] : vector<16xi32>, vector<16xi32> -> vector<16xi32>
    %add3A_33 = arith.constant 16 : i32
    %add3A_34 = vector.broadcast %add3A_33 : i32 to vector<16xi32>
    %add3A_35 = arith.addi %add3A_34, %iota3A : vector<16xi32>
    %mul3A_36 = arith.constant 64 : i32
    %mul3A_37 = vector.broadcast %mul3A_36 : i32 to vector<16xi32>
    %mul3A_38 = arith.muli %add3A_35, %mul3A_37 : vector<16xi32>
    %add3A_39 = arith.addi %mul3A_38, %gather3A_32 : vector<16xi32>
    %swap3A_40 = arith.constant 0 : i32
    %swap3A_41 = arith.index_cast %swap3A_40 : i32 to index
    %swap3A_42 = arith.constant 16 : index
    %swap3A_43 = tpu.vector_load %arg7[%swap3A_41, %swap3A_42] {strides = array<i32>} : memref<4x64xi32, #tpu.memory_space<vmem>>, vector<1x16xi32>,
    %swap3A_44 = vector.shape_cast %swap3A_43 : vector<1x16xi32> to vector<16xi32>
    %swap3A_45 = vector.shape_cast %add3A_39 : vector<16xi32> to vector<1x16xi32>
    tpu.vector_store %arg7[%swap3A_41, %swap3A_42], %swap3A_45 {strides = array<i32>} : memref<4x64xi32, #tpu.memory_space<vmem>>, vector<1x16xi32>,
    %add3A_46 = arith.constant 8 : i32
    %add3A_47 = vector.broadcast %add3A_46 : i32 to vector<16xi32>
    %add3A_48 = arith.addi %add3A_47, %shift_right_logical3A_4 : vector<16xi32>
    %broadcast_in_dim3A_49 = vector.shape_cast %add3A_48 : vector<16xi32> to vector<16x1xi32>
    %gather3A_50 = vector.shape_cast %broadcast_in_dim3A_49 : vector<16x1xi32> to vector<16xi32>
    %gather3A_51 = tpu.dynamic_gather %get3A_10[%gather3A_50] in [0] : vector<16xi32>, vector<16xi32> -> vector<16xi32>
    %add3A_52 = arith.constant 32 : i32
    %add3A_53 = vector.broadcast %add3A_52 : i32 to vector<16xi32>
    %add3A_54 = arith.addi %add3A_53, %iota3A : vector<16xi32>
    %mul3A_55 = arith.constant 64 : i32
    %mul3A_56 = vector.broadcast %mul3A_55 : i32 to vector<16xi32>
    %mul3A_57 = arith.muli %add3A_54, %mul3A_56 : vector<16xi32>
    %add3A_58 = arith.addi %mul3A_57, %gather3A_51 : vector<16xi32>
    %swap3A_59 = arith.constant 0 : i32
    %swap3A_60 = arith.index_cast %swap3A_59 : i32 to index
    %swap3A_61 = arith.constant 32 : index
    %swap3A_62 = tpu.vector_load %arg7[%swap3A_60, %swap3A_61] {strides = array<i32>} : memref<4x64xi32, #tpu.memory_space<vmem>>, vector<1x16xi32>,
    %swap3A_63 = vector.shape_cast %swap3A_62 : vector<1x16xi32> to vector<16xi32>
    %swap3A_64 = vector.shape_cast %add3A_58 : vector<16xi32> to vector<1x16xi32>
    tpu.vector_store %arg7[%swap3A_60, %swap3A_61], %swap3A_64 {strides = array<i32>} : memref<4x64xi32, #tpu.memory_space<vmem>>, vector<1x16xi32>,
    %add3A_65 = arith.constant 12 : i32
    %add3A_66 = vector.broadcast %add3A_65 : i32 to vector<16xi32>
    %add3A_67 = arith.addi %add3A_66, %shift_right_logical3A_4 : vector<16xi32>
    %broadcast_in_dim3A_68 = vector.shape_cast %add3A_67 : vector<16xi32> to vector<16x1xi32>
    %gather3A_69 = vector.shape_cast %broadcast_in_dim3A_68 : vector<16x1xi32> to vector<16xi32>
    %gather3A_70 = tpu.dynamic_gather %get3A_10[%gather3A_69] in [0] : vector<16xi32>, vector<16xi32> -> vector<16xi32>
    %add3A_71 = arith.constant 48 : i32
    %add3A_72 = vector.broadcast %add3A_71 : i32 to vector<16xi32>
    %add3A_73 = arith.addi %add3A_72, %iota3A : vector<16xi32>
    %mul3A_74 = arith.constant 64 : i32
    %mul3A_75 = vector.broadcast %mul3A_74 : i32 to vector<16xi32>
    %mul3A_76 = arith.muli %add3A_73, %mul3A_75 : vector<16xi32>
    %add3A_77 = arith.addi %mul3A_76, %gather3A_70 : vector<16xi32>
    %swap3A_78 = arith.constant 0 : i32
    %swap3A_79 = arith.index_cast %swap3A_78 : i32 to index
    %swap3A_80 = arith.constant 48 : index
    %swap3A_81 = tpu.vector_load %arg7[%swap3A_79, %swap3A_80] {strides = array<i32>} : memref<4x64xi32, #tpu.memory_space<vmem>>, vector<1x16xi32>,
    %swap3A_82 = vector.shape_cast %swap3A_81 : vector<1x16xi32> to vector<16xi32>
    %swap3A_83 = vector.shape_cast %add3A_77 : vector<16xi32> to vector<1x16xi32>
    tpu.vector_store %arg7[%swap3A_79, %swap3A_80], %swap3A_83 {strides = array<i32>} : memref<4x64xi32, #tpu.memory_space<vmem>>, vector<1x16xi32>,
    %dma_start3A = arith.constant 0 : i32
    %dma_start3A_84 = arith.constant 0 : i32
    %dma_start3A_85 = arith.constant 0 : i32
    %dma_start3A_86 = arith.constant 0 : i32
    %dma_start3A_87 = tpu.memref_slice %arg8[%dma_start3A, %dma_start3A_85, %dma_start3A_86] : memref<4x64x128xf32, #tpu.memory_space<vmem>> -> memref<1x64x128xf32, #tpu.memory_space<vmem>>
    %dma_start3A_88 = tpu.memref_squeeze %dma_start3A_87 : memref<1x64x128xf32, #tpu.memory_space<vmem>> -> memref<64x128xf32, #tpu.memory_space<vmem>>
    %dma_start3A_89 = arith.constant 0 : i32
    %dma_start3A_90 = arith.constant 0 : i32
    %dma_start3A_91 = tpu.memref_slice %arg2[%add3A_6, %dma_start3A_89, %dma_start3A_90] : memref<1024x256x128xf32, #tpu.memory_space<hbm>> -> memref<1x64x128xf32, #tpu.memory_space<hbm>>
    %dma_start3A_92 = tpu.memref_squeeze %dma_start3A_91 : memref<1x64x128xf32, #tpu.memory_space<hbm>> -> memref<64x128xf32, #tpu.memory_space<hbm>>
    %dma_start3A_93 = tpu.memref_slice %arg10[%dma_start3A_84] : memref<4x!tpu.dma_semaphore, #tpu.memory_space<semaphore_mem>> -> memref<1x!tpu.dma_semaphore, #tpu.memory_space<semaphore_mem>>
    %dma_start3A_94 = tpu.memref_squeeze %dma_start3A_93 : memref<1x!tpu.dma_semaphore, #tpu.memory_space<semaphore_mem>> -> memref<!tpu.dma_semaphore, #tpu.memory_space<semaphore_mem>>
    %dma_start3A_95 = arith.constant 0 : i32
    %dma_start3A_96 = arith.constant 0 : i32
    %dma_start3A_97 = tpu.memref_slice %arg8[%dma_start3A, %dma_start3A_95, %dma_start3A_96] : memref<4x64x128xf32, #tpu.memory_space<vmem>> -> memref<1x64x128xf32, #tpu.memory_space<vmem>>
    %dma_start3A_98 = tpu.memref_squeeze %dma_start3A_97 : memref<1x64x128xf32, #tpu.memory_space<vmem>> -> memref<64x128xf32, #tpu.memory_space<vmem>>
    %dma_start3A_99 = arith.constant 0 : i32
    %dma_start3A_100 = arith.constant 0 : i32
    %dma_start3A_101 = tpu.memref_slice %arg2[%add3A_6, %dma_start3A_99, %dma_start3A_100] : memref<1024x256x128xf32, #tpu.memory_space<hbm>> -> memref<1x64x128xf32, #tpu.memory_space<hbm>>
    %dma_start3A_102 = tpu.memref_squeeze %dma_start3A_101 : memref<1x64x128xf32, #tpu.memory_space<hbm>> -> memref<64x128xf32, #tpu.memory_space<hbm>>
    tpu.enqueue_dma source(%dma_start3A_102 : memref<64x128xf32, #tpu.memory_space<hbm>>) target(%dma_start3A_98 : memref<64x128xf32, #tpu.memory_space<vmem>>) target_semaphore(%dma_start3A_94 : memref<!tpu.dma_semaphore, #tpu.memory_space<semaphore_mem>>)
    %dma_start3A_103 = arith.constant 0 : i32
    %dma_start3A_104 = arith.constant 0 : i32
    %dma_start3A_105 = arith.constant 0 : i32
    %dma_start3A_106 = arith.constant 0 : i32
    %dma_start3A_107 = arith.constant 0 : i32
    %dma_start3A_108 = tpu.memref_slice %arg9[%dma_start3A_104, %dma_start3A_106, %dma_start3A_107] : memref<4x64x128xf32, #tpu.memory_space<vmem>> -> memref<1x64x128xf32, #tpu.memory_space<vmem>>
    %dma_start3A_109 = tpu.memref_squeeze %dma_start3A_108 : memref<1x64x128xf32, #tpu.memory_space<vmem>> -> memref<64x128xf32, #tpu.memory_space<vmem>>
    %dma_start3A_110 = arith.constant 0 : i32
    %dma_start3A_111 = tpu.memref_slice %arg7[%dma_start3A_103, %dma_start3A_110] : memref<4x64xi32, #tpu.memory_space<vmem>> -> memref<1x64xi32, #tpu.memory_space<vmem>>
    %dma_start3A_112 = tpu.memref_squeeze %dma_start3A_111 : memref<1x64xi32, #tpu.memory_space<vmem>> -> memref<64xi32, #tpu.memory_space<vmem>>
    %dma_start3A_113 = arith.constant 0 : i32
    %dma_start3A_114 = arith.constant 0 : i32
    %dma_start3A_115 = tpu.memref_slice %arg4[%dma_start3A_113, %dma_start3A_114] : memref<16384x128xf32, #tpu.memory_space<hbm>> -> memref<16384x128xf32, #tpu.memory_space<hbm>>
    %dma_start3A_116 = tpu.memref_slice %arg11[%dma_start3A_105] : memref<4x!tpu.dma_semaphore, #tpu.memory_space<semaphore_mem>> -> memref<1x!tpu.dma_semaphore, #tpu.memory_space<semaphore_mem>>
    %dma_start3A_117 = tpu.memref_squeeze %dma_start3A_116 : memref<1x!tpu.dma_semaphore, #tpu.memory_space<semaphore_mem>> -> memref<!tpu.dma_semaphore, #tpu.memory_space<semaphore_mem>>
    tpu.enqueue_indirect_dma source(%dma_start3A_115 : memref<16384x128xf32, #tpu.memory_space<hbm>>) target(%dma_start3A_109 : memref<64x128xf32, #tpu.memory_space<vmem>>) offsets(%dma_start3A_112 : memref<64xi32, #tpu.memory_space<vmem>>) semaphore(%dma_start3A_117 : memref<!tpu.dma_semaphore, #tpu.memory_space<semaphore_mem>>)
    %add3A_118 = arith.constant 0 : i32
    %add3A_119 = arith.addi %mul3A_2, %add3A_118 : i32
    %get3A_120 = arith.constant 0 : i32
    %get3A_121 = arith.index_cast %get3A_120 : i32 to index
    %get3A_122 = arith.constant 16 : index
    %get3A_123 = tpu.vector_load %arg6[%get3A_121, %get3A_122] {strides = array<i32>} : memref<32x64xi32, #tpu.memory_space<vmem>>, vector<1x16xi32>,
    %get3A_124 = vector.shape_cast %get3A_123 : vector<1x16xi32> to vector<16xi32>
    %add3A_125 = arith.constant 0 : i32
    %add3A_126 = vector.broadcast %add3A_125 : i32 to vector<16xi32>
    %add3A_127 = arith.addi %add3A_126, %shift_right_logical3A_4 : vector<16xi32>
    %broadcast_in_dim3A_128 = vector.shape_cast %add3A_127 : vector<16xi32> to vector<16x1xi32>
    %gather3A_129 = vector.shape_cast %broadcast_in_dim3A_128 : vector<16x1xi32> to vector<16xi32>
    %gather3A_130 = tpu.dynamic_gather %get3A_124[%gather3A_129] in [0] : vector<16xi32>, vector<16xi32> -> vector<16xi32>
    %add3A_131 = arith.constant 64 : i32
    %add3A_132 = vector.broadcast %add3A_131 : i32 to vector<16xi32>
    %add3A_133 = arith.addi %add3A_132, %iota3A : vector<16xi32>
    %mul3A_134 = arith.constant 64 : i32
    %mul3A_135 = vector.broadcast %mul3A_134 : i32 to vector<16xi32>
    %mul3A_136 = arith.muli %add3A_133, %mul3A_135 : vector<16xi32>
    %add3A_137 = arith.addi %mul3A_136, %gather3A_130 : vector<16xi32>
    %swap3A_138 = arith.constant 1 : i32
    %swap3A_139 = arith.index_cast %swap3A_138 : i32 to index
    %swap3A_140 = arith.constant 0 : index
    %swap3A_141 = tpu.vector_load %arg7[%swap3A_139, %swap3A_140] {strides = array<i32>} : memref<4x64xi32, #tpu.memory_space<vmem>>, vector<1x16xi32>,
    %swap3A_142 = vector.shape_cast %swap3A_141 : vector<1x16xi32> to vector<16xi32>
    %swap3A_143 = vector.shape_cast %add3A_137 : vector<16xi32> to vector<1x16xi32>
    tpu.vector_store %arg7[%swap3A_139, %swap3A_140], %swap3A_143 {strides = array<i32>} : memref<4x64xi32, #tpu.memory_space<vmem>>, vector<1x16xi32>,
    %add3A_144 = arith.constant 4 : i32
    %add3A_145 = vector.broadcast %add3A_144 : i32 to vector<16xi32>
    %add3A_146 = arith.addi %add3A_145, %shift_right_logical3A_4 : vector<16xi32>
    %broadcast_in_dim3A_147 = vector.shape_cast %add3A_146 : vector<16xi32> to vector<16x1xi32>
    %gather3A_148 = vector.shape_cast %broadcast_in_dim3A_147 : vector<16x1xi32> to vector<16xi32>
    %gather3A_149 = tpu.dynamic_gather %get3A_124[%gather3A_148] in [0] : vector<16xi32>, vector<16xi32> -> vector<16xi32>
    %add3A_150 = arith.constant 80 : i32
    %add3A_151 = vector.broadcast %add3A_150 : i32 to vector<16xi32>
    %add3A_152 = arith.addi %add3A_151, %iota3A : vector<16xi32>
    %mul3A_153 = arith.constant 64 : i32
    %mul3A_154 = vector.broadcast %mul3A_153 : i32 to vector<16xi32>
    %mul3A_155 = arith.muli %add3A_152, %mul3A_154 : vector<16xi32>
    %add3A_156 = arith.addi %mul3A_155, %gather3A_149 : vector<16xi32>
    %swap3A_157 = arith.constant 1 : i32
    %swap3A_158 = arith.index_cast %swap3A_157 : i32 to index
    %swap3A_159 = arith.constant 16 : index
    %swap3A_160 = tpu.vector_load %arg7[%swap3A_158, %swap3A_159] {strides = array<i32>} : memref<4x64xi32, #tpu.memory_space<vmem>>, vector<1x16xi32>,
    %swap3A_161 = vector.shape_cast %swap3A_160 : vector<1x16xi32> to vector<16xi32>
    %swap3A_162 = vector.shape_cast %add3A_156 : vector<16xi32> to vector<1x16xi32>
    tpu.vector_store %arg7[%swap3A_158, %swap3A_159], %swap3A_162 {strides = array<i32>} : memref<4x64xi32, #tpu.memory_space<vmem>>, vector<1x16xi32>,
    %add3A_163 = arith.constant 8 : i32
    %add3A_164 = vector.broadcast %add3A_163 : i32 to vector<16xi32>
    %add3A_165 = arith.addi %add3A_164, %shift_right_logical3A_4 : vector<16xi32>
    %broadcast_in_dim3A_166 = vector.shape_cast %add3A_165 : vector<16xi32> to vector<16x1xi32>
    %gather3A_167 = vector.shape_cast %broadcast_in_dim3A_166 : vector<16x1xi32> to vector<16xi32>
    %gather3A_168 = tpu.dynamic_gather %get3A_124[%gather3A_167] in [0] : vector<16xi32>, vector<16xi32> -> vector<16xi32>
    %add3A_169 = arith.constant 96 : i32
    %add3A_170 = vector.broadcast %add3A_169 : i32 to vector<16xi32>
    %add3A_171 = arith.addi %add3A_170, %iota3A : vector<16xi32>
    %mul3A_172 = arith.constant 64 : i32
    %mul3A_173 = vector.broadcast %mul3A_172 : i32 to vector<16xi32>
    %mul3A_174 = arith.muli %add3A_171, %mul3A_173 : vector<16xi32>
    %add3A_175 = arith.addi %mul3A_174, %gather3A_168 : vector<16xi32>
    %swap3A_176 = arith.constant 1 : i32
    %swap3A_177 = arith.index_cast %swap3A_176 : i32 to index
    %swap3A_178 = arith.constant 32 : index
    %swap3A_179 = tpu.vector_load %arg7[%swap3A_177, %swap3A_178] {strides = array<i32>} : memref<4x64xi32, #tpu.memory_space<vmem>>, vector<1x16xi32>,
    %swap3A_180 = vector.shape_cast %swap3A_179 : vector<1x16xi32> to vector<16xi32>
    %swap3A_181 = vector.shape_cast %add3A_175 : vector<16xi32> to vector<1x16xi32>
    tpu.vector_store %arg7[%swap3A_177, %swap3A_178], %swap3A_181 {strides = array<i32>} : memref<4x64xi32, #tpu.memory_space<vmem>>, vector<1x16xi32>,
    %add3A_182 = arith.constant 12 : i32
    %add3A_183 = vector.broadcast %add3A_182 : i32 to vector<16xi32>
    %add3A_184 = arith.addi %add3A_183, %shift_right_logical3A_4 : vector<16xi32>
    %broadcast_in_dim3A_185 = vector.shape_cast %add3A_184 : vector<16xi32> to vector<16x1xi32>
    %gather3A_186 = vector.shape_cast %broadcast_in_dim3A_185 : vector<16x1xi32> to vector<16xi32>
    %gather3A_187 = tpu.dynamic_gather %get3A_124[%gather3A_186] in [0] : vector<16xi32>, vector<16xi32> -> vector<16xi32>
    %add3A_188 = arith.constant 112 : i32
    %add3A_189 = vector.broadcast %add3A_188 : i32 to vector<16xi32>
    %add3A_190 = arith.addi %add3A_189, %iota3A : vector<16xi32>
    %mul3A_191 = arith.constant 64 : i32
    %mul3A_192 = vector.broadcast %mul3A_191 : i32 to vector<16xi32>
    %mul3A_193 = arith.muli %add3A_190, %mul3A_192 : vector<16xi32>
    %add3A_194 = arith.addi %mul3A_193, %gather3A_187 : vector<16xi32>
    %swap3A_195 = arith.constant 1 : i32
    %swap3A_196 = arith.index_cast %swap3A_195 : i32 to index
    %swap3A_197 = arith.constant 48 : index
    %swap3A_198 = tpu.vector_load %arg7[%swap3A_196, %swap3A_197] {strides = array<i32>} : memref<4x64xi32, #tpu.memory_space<vmem>>, vector<1x16xi32>,
    %swap3A_199 = vector.shape_cast %swap3A_198 : vector<1x16xi32> to vector<16xi32>
    %swap3A_200 = vector.shape_cast %add3A_194 : vector<16xi32> to vector<1x16xi32>
    tpu.vector_store %arg7[%swap3A_196, %swap3A_197], %swap3A_200 {strides = array<i32>} : memref<4x64xi32, #tpu.memory_space<vmem>>, vector<1x16xi32>,
    %dma_start3A_201 = arith.constant 1 : i32
    %dma_start3A_202 = arith.constant 1 : i32
    %dma_start3A_203 = arith.constant 0 : i32
    %dma_start3A_204 = arith.constant 0 : i32
    %dma_start3A_205 = tpu.memref_slice %arg8[%dma_start3A_201, %dma_start3A_203, %dma_start3A_204] : memref<4x64x128xf32, #tpu.memory_space<vmem>> -> memref<1x64x128xf32, #tpu.memory_space<vmem>>
    %dma_start3A_206 = tpu.memref_squeeze %dma_start3A_205 : memref<1x64x128xf32, #tpu.memory_space<vmem>> -> memref<64x128xf32, #tpu.memory_space<vmem>>
    %dma_start3A_207 = arith.constant 64 : i32
    %dma_start3A_208 = arith.constant 0 : i32
    %dma_start3A_209 = tpu.memref_slice %arg2[%add3A_119, %dma_start3A_207, %dma_start3A_208] : memref<1024x256x128xf32, #tpu.memory_space<hbm>> -> memref<1x64x128xf32, #tpu.memory_space<hbm>>
    %dma_start3A_210 = tpu.memref_squeeze %dma_start3A_209 : memref<1x64x128xf32, #tpu.memory_space<hbm>> -> memref<64x128xf32, #tpu.memory_space<hbm>>
    %dma_start3A_211 = tpu.memref_slice %arg10[%dma_start3A_202] : memref<4x!tpu.dma_semaphore, #tpu.memory_space<semaphore_mem>> -> memref<1x!tpu.dma_semaphore, #tpu.memory_space<semaphore_mem>>
    %dma_start3A_212 = tpu.memref_squeeze %dma_start3A_211 : memref<1x!tpu.dma_semaphore, #tpu.memory_space<semaphore_mem>> -> memref<!tpu.dma_semaphore, #tpu.memory_space<semaphore_mem>>
    %dma_start3A_213 = arith.constant 0 : i32
    %dma_start3A_214 = arith.constant 0 : i32
    %dma_start3A_215 = tpu.memref_slice %arg8[%dma_start3A_201, %dma_start3A_213, %dma_start3A_214] : memref<4x64x128xf32, #tpu.memory_space<vmem>> -> memref<1x64x128xf32, #tpu.memory_space<vmem>>
    %dma_start3A_216 = tpu.memref_squeeze %dma_start3A_215 : memref<1x64x128xf32, #tpu.memory_space<vmem>> -> memref<64x128xf32, #tpu.memory_space<vmem>>
    %dma_start3A_217 = arith.constant 64 : i32
    %dma_start3A_218 = arith.constant 0 : i32
    %dma_start3A_219 = tpu.memref_slice %arg2[%add3A_119, %dma_start3A_217, %dma_start3A_218] : memref<1024x256x128xf32, #tpu.memory_space<hbm>> -> memref<1x64x128xf32, #tpu.memory_space<hbm>>
    %dma_start3A_220 = tpu.memref_squeeze %dma_start3A_219 : memref<1x64x128xf32, #tpu.memory_space<hbm>> -> memref<64x128xf32, #tpu.memory_space<hbm>>
    tpu.enqueue_dma source(%dma_start3A_220 : memref<64x128xf32, #tpu.memory_space<hbm>>) target(%dma_start3A_216 : memref<64x128xf32, #tpu.memory_space<vmem>>) target_semaphore(%dma_start3A_212 : memref<!tpu.dma_semaphore, #tpu.memory_space<semaphore_mem>>)
    %dma_start3A_221 = arith.constant 1 : i32
    %dma_start3A_222 = arith.constant 1 : i32
    %dma_start3A_223 = arith.constant 1 : i32
    %dma_start3A_224 = arith.constant 0 : i32
    %dma_start3A_225 = arith.constant 0 : i32
    %dma_start3A_226 = tpu.memref_slice %arg9[%dma_start3A_222, %dma_start3A_224, %dma_start3A_225] : memref<4x64x128xf32, #tpu.memory_space<vmem>> -> memref<1x64x128xf32, #tpu.memory_space<vmem>>
    %dma_start3A_227 = tpu.memref_squeeze %dma_start3A_226 : memref<1x64x128xf32, #tpu.memory_space<vmem>> -> memref<64x128xf32, #tpu.memory_space<vmem>>
    %dma_start3A_228 = arith.constant 0 : i32
    %dma_start3A_229 = tpu.memref_slice %arg7[%dma_start3A_221, %dma_start3A_228] : memref<4x64xi32, #tpu.memory_space<vmem>> -> memref<1x64xi32, #tpu.memory_space<vmem>>
    %dma_start3A_230 = tpu.memref_squeeze %dma_start3A_229 : memref<1x64xi32, #tpu.memory_space<vmem>> -> memref<64xi32, #tpu.memory_space<vmem>>
    %dma_start3A_231 = arith.constant 0 : i32
    %dma_start3A_232 = arith.constant 0 : i32
    %dma_start3A_233 = tpu.memref_slice %arg4[%dma_start3A_231, %dma_start3A_232] : memref<16384x128xf32, #tpu.memory_space<hbm>> -> memref<16384x128xf32, #tpu.memory_space<hbm>>
    %dma_start3A_234 = tpu.memref_slice %arg11[%dma_start3A_223] : memref<4x!tpu.dma_semaphore, #tpu.memory_space<semaphore_mem>> -> memref<1x!tpu.dma_semaphore, #tpu.memory_space<semaphore_mem>>
    %dma_start3A_235 = tpu.memref_squeeze %dma_start3A_234 : memref<1x!tpu.dma_semaphore, #tpu.memory_space<semaphore_mem>> -> memref<!tpu.dma_semaphore, #tpu.memory_space<semaphore_mem>>
    tpu.enqueue_indirect_dma source(%dma_start3A_233 : memref<16384x128xf32, #tpu.memory_space<hbm>>) target(%dma_start3A_227 : memref<64x128xf32, #tpu.memory_space<vmem>>) offsets(%dma_start3A_230 : memref<64xi32, #tpu.memory_space<vmem>>) semaphore(%dma_start3A_235 : memref<!tpu.dma_semaphore, #tpu.memory_space<semaphore_mem>>)
    %add3A_236 = arith.constant 0 : i32
    %add3A_237 = arith.addi %mul3A_2, %add3A_236 : i32
    %get3A_238 = arith.constant 0 : i32
    %get3A_239 = arith.index_cast %get3A_238 : i32 to index
    %get3A_240 = arith.constant 32 : index
    %get3A_241 = tpu.vector_load %arg6[%get3A_239, %get3A_240] {strides = array<i32>} : memref<32x64xi32, #tpu.memory_space<vmem>>, vector<1x16xi32>,
    %get3A_242 = vector.shape_cast %get3A_241 : vector<1x16xi32> to vector<16xi32>
    %add3A_243 = arith.constant 0 : i32
    %add3A_244 = vector.broadcast %add3A_243 : i32 to vector<16xi32>
    %add3A_245 = arith.addi %add3A_244, %shift_right_logical3A_4 : vector<16xi32>
    %broadcast_in_dim3A_246 = vector.shape_cast %add3A_245 : vector<16xi32> to vector<16x1xi32>
    %gather3A_247 = vector.shape_cast %broadcast_in_dim3A_246 : vector<16x1xi32> to vector<16xi32>
    %gather3A_248 = tpu.dynamic_gather %get3A_242[%gather3A_247] in [0] : vector<16xi32>, vector<16xi32> -> vector<16xi32>
    %add3A_249 = arith.constant 128 : i32
    %add3A_250 = vector.broadcast %add3A_249 : i32 to vector<16xi32>
    %add3A_251 = arith.addi %add3A_250, %iota3A : vector<16xi32>
    %mul3A_252 = arith.constant 64 : i32
    %mul3A_253 = vector.broadcast %mul3A_252 : i32 to vector<16xi32>
    %mul3A_254 = arith.muli %add3A_251, %mul3A_253 : vector<16xi32>
    %add3A_255 = arith.addi %mul3A_254, %gather3A_248 : vector<16xi32>
    %swap3A_256 = arith.constant 2 : i32
    %swap3A_257 = arith.index_cast %swap3A_256 : i32 to index
    %swap3A_258 = arith.constant 0 : index
    %swap3A_259 = tpu.vector_load %arg7[%swap3A_257, %swap3A_258] {strides = array<i32>} : memref<4x64xi32, #tpu.memory_space<vmem>>, vector<1x16xi32>,
    %swap3A_260 = vector.shape_cast %swap3A_259 : vector<1x16xi32> to vector<16xi32>
    %swap3A_261 = vector.shape_cast %add3A_255 : vector<16xi32> to vector<1x16xi32>
    tpu.vector_store %arg7[%swap3A_257, %swap3A_258], %swap3A_261 {strides = array<i32>} : memref<4x64xi32, #tpu.memory_space<vmem>>, vector<1x16xi32>,
    %add3A_262 = arith.constant 4 : i32
    %add3A_263 = vector.broadcast %add3A_262 : i32 to vector<16xi32>
    %add3A_264 = arith.addi %add3A_263, %shift_right_logical3A_4 : vector<16xi32>
    %broadcast_in_dim3A_265 = vector.shape_cast %add3A_264 : vector<16xi32> to vector<16x1xi32>
    %gather3A_266 = vector.shape_cast %broadcast_in_dim3A_265 : vector<16x1xi32> to vector<16xi32>
    %gather3A_267 = tpu.dynamic_gather %get3A_242[%gather3A_266] in [0] : vector<16xi32>, vector<16xi32> -> vector<16xi32>
    %add3A_268 = arith.constant 144 : i32
    %add3A_269 = vector.broadcast %add3A_268 : i32 to vector<16xi32>
    %add3A_270 = arith.addi %add3A_269, %iota3A : vector<16xi32>
    %mul3A_271 = arith.constant 64 : i32
    %mul3A_272 = vector.broadcast %mul3A_271 : i32 to vector<16xi32>
    %mul3A_273 = arith.muli %add3A_270, %mul3A_272 : vector<16xi32>
    %add3A_274 = arith.addi %mul3A_273, %gather3A_267 : vector<16xi32>
    %swap3A_275 = arith.constant 2 : i32
    %swap3A_276 = arith.index_cast %swap3A_275 : i32 to index
    %swap3A_277 = arith.constant 16 : index
    %swap3A_278 = tpu.vector_load %arg7[%swap3A_276, %swap3A_277] {strides = array<i32>} : memref<4x64xi32, #tpu.memory_space<vmem>>, vector<1x16xi32>,
    %swap3A_279 = vector.shape_cast %swap3A_278 : vector<1x16xi32> to vector<16xi32>
    %swap3A_280 = vector.shape_cast %add3A_274 : vector<16xi32> to vector<1x16xi32>
    tpu.vector_store %arg7[%swap3A_276, %swap3A_277], %swap3A_280 {strides = array<i32>} : memref<4x64xi32, #tpu.memory_space<vmem>>, vector<1x16xi32>,
    %add3A_281 = arith.constant 8 : i32
    %add3A_282 = vector.broadcast %add3A_281 : i32 to vector<16xi32>
    %add3A_283 = arith.addi %add3A_282, %shift_right_logical3A_4 : vector<16xi32>
    %broadcast_in_dim3A_284 = vector.shape_cast %add3A_283 : vector<16xi32> to vector<16x1xi32>
    %gather3A_285 = vector.shape_cast %broadcast_in_dim3A_284 : vector<16x1xi32> to vector<16xi32>
    %gather3A_286 = tpu.dynamic_gather %get3A_242[%gather3A_285] in [0] : vector<16xi32>, vector<16xi32> -> vector<16xi32>
    %add3A_287 = arith.constant 160 : i32
    %add3A_288 = vector.broadcast %add3A_287 : i32 to vector<16xi32>
    %add3A_289 = arith.addi %add3A_288, %iota3A : vector<16xi32>
    %mul3A_290 = arith.constant 64 : i32
    %mul3A_291 = vector.broadcast %mul3A_290 : i32 to vector<16xi32>
    %mul3A_292 = arith.muli %add3A_289, %mul3A_291 : vector<16xi32>
    %add3A_293 = arith.addi %mul3A_292, %gather3A_286 : vector<16xi32>
    %swap3A_294 = arith.constant 2 : i32
    %swap3A_295 = arith.index_cast %swap3A_294 : i32 to index
    %swap3A_296 = arith.constant 32 : index
    %swap3A_297 = tpu.vector_load %arg7[%swap3A_295, %swap3A_296] {strides = array<i32>} : memref<4x64xi32, #tpu.memory_space<vmem>>, vector<1x16xi32>,
    %swap3A_298 = vector.shape_cast %swap3A_297 : vector<1x16xi32> to vector<16xi32>
    %swap3A_299 = vector.shape_cast %add3A_293 : vector<16xi32> to vector<1x16xi32>
    tpu.vector_store %arg7[%swap3A_295, %swap3A_296], %swap3A_299 {strides = array<i32>} : memref<4x64xi32, #tpu.memory_space<vmem>>, vector<1x16xi32>,
    %add3A_300 = arith.constant 12 : i32
    %add3A_301 = vector.broadcast %add3A_300 : i32 to vector<16xi32>
    %add3A_302 = arith.addi %add3A_301, %shift_right_logical3A_4 : vector<16xi32>
    %broadcast_in_dim3A_303 = vector.shape_cast %add3A_302 : vector<16xi32> to vector<16x1xi32>
    %gather3A_304 = vector.shape_cast %broadcast_in_dim3A_303 : vector<16x1xi32> to vector<16xi32>
    %gather3A_305 = tpu.dynamic_gather %get3A_242[%gather3A_304] in [0] : vector<16xi32>, vector<16xi32> -> vector<16xi32>
    %add3A_306 = arith.constant 176 : i32
    %add3A_307 = vector.broadcast %add3A_306 : i32 to vector<16xi32>
    %add3A_308 = arith.addi %add3A_307, %iota3A : vector<16xi32>
    %mul3A_309 = arith.constant 64 : i32
    %mul3A_310 = vector.broadcast %mul3A_309 : i32 to vector<16xi32>
    %mul3A_311 = arith.muli %add3A_308, %mul3A_310 : vector<16xi32>
    %add3A_312 = arith.addi %mul3A_311, %gather3A_305 : vector<16xi32>
    %swap3A_313 = arith.constant 2 : i32
    %swap3A_314 = arith.index_cast %swap3A_313 : i32 to index
    %swap3A_315 = arith.constant 48 : index
    %swap3A_316 = tpu.vector_load %arg7[%swap3A_314, %swap3A_315] {strides = array<i32>} : memref<4x64xi32, #tpu.memory_space<vmem>>, vector<1x16xi32>,
    %swap3A_317 = vector.shape_cast %swap3A_316 : vector<1x16xi32> to vector<16xi32>
    %swap3A_318 = vector.shape_cast %add3A_312 : vector<16xi32> to vector<1x16xi32>
    tpu.vector_store %arg7[%swap3A_314, %swap3A_315], %swap3A_318 {strides = array<i32>} : memref<4x64xi32, #tpu.memory_space<vmem>>, vector<1x16xi32>,
    %dma_start3A_319 = arith.constant 2 : i32
    %dma_start3A_320 = arith.constant 2 : i32
    %dma_start3A_321 = arith.constant 0 : i32
    %dma_start3A_322 = arith.constant 0 : i32
    %dma_start3A_323 = tpu.memref_slice %arg8[%dma_start3A_319, %dma_start3A_321, %dma_start3A_322] : memref<4x64x128xf32, #tpu.memory_space<vmem>> -> memref<1x64x128xf32, #tpu.memory_space<vmem>>
    %dma_start3A_324 = tpu.memref_squeeze %dma_start3A_323 : memref<1x64x128xf32, #tpu.memory_space<vmem>> -> memref<64x128xf32, #tpu.memory_space<vmem>>
    %dma_start3A_325 = arith.constant 128 : i32
    %dma_start3A_326 = arith.constant 0 : i32
    %dma_start3A_327 = tpu.memref_slice %arg2[%add3A_237, %dma_start3A_325, %dma_start3A_326] : memref<1024x256x128xf32, #tpu.memory_space<hbm>> -> memref<1x64x128xf32, #tpu.memory_space<hbm>>
    %dma_start3A_328 = tpu.memref_squeeze %dma_start3A_327 : memref<1x64x128xf32, #tpu.memory_space<hbm>> -> memref<64x128xf32, #tpu.memory_space<hbm>>
    %dma_start3A_329 = tpu.memref_slice %arg10[%dma_start3A_320] : memref<4x!tpu.dma_semaphore, #tpu.memory_space<semaphore_mem>> -> memref<1x!tpu.dma_semaphore, #tpu.memory_space<semaphore_mem>>
    %dma_start3A_330 = tpu.memref_squeeze %dma_start3A_329 : memref<1x!tpu.dma_semaphore, #tpu.memory_space<semaphore_mem>> -> memref<!tpu.dma_semaphore, #tpu.memory_space<semaphore_mem>>
    %dma_start3A_331 = arith.constant 0 : i32
    %dma_start3A_332 = arith.constant 0 : i32
    %dma_start3A_333 = tpu.memref_slice %arg8[%dma_start3A_319, %dma_start3A_331, %dma_start3A_332] : memref<4x64x128xf32, #tpu.memory_space<vmem>> -> memref<1x64x128xf32, #tpu.memory_space<vmem>>
    %dma_start3A_334 = tpu.memref_squeeze %dma_start3A_333 : memref<1x64x128xf32, #tpu.memory_space<vmem>> -> memref<64x128xf32, #tpu.memory_space<vmem>>
    %dma_start3A_335 = arith.constant 128 : i32
    %dma_start3A_336 = arith.constant 0 : i32
    %dma_start3A_337 = tpu.memref_slice %arg2[%add3A_237, %dma_start3A_335, %dma_start3A_336] : memref<1024x256x128xf32, #tpu.memory_space<hbm>> -> memref<1x64x128xf32, #tpu.memory_space<hbm>>
    %dma_start3A_338 = tpu.memref_squeeze %dma_start3A_337 : memref<1x64x128xf32, #tpu.memory_space<hbm>> -> memref<64x128xf32, #tpu.memory_space<hbm>>
    tpu.enqueue_dma source(%dma_start3A_338 : memref<64x128xf32, #tpu.memory_space<hbm>>) target(%dma_start3A_334 : memref<64x128xf32, #tpu.memory_space<vmem>>) target_semaphore(%dma_start3A_330 : memref<!tpu.dma_semaphore, #tpu.memory_space<semaphore_mem>>)
    %dma_start3A_339 = arith.constant 2 : i32
    %dma_start3A_340 = arith.constant 2 : i32
    %dma_start3A_341 = arith.constant 2 : i32
    %dma_start3A_342 = arith.constant 0 : i32
    %dma_start3A_343 = arith.constant 0 : i32
    %dma_start3A_344 = tpu.memref_slice %arg9[%dma_start3A_340, %dma_start3A_342, %dma_start3A_343] : memref<4x64x128xf32, #tpu.memory_space<vmem>> -> memref<1x64x128xf32, #tpu.memory_space<vmem>>
    %dma_start3A_345 = tpu.memref_squeeze %dma_start3A_344 : memref<1x64x128xf32, #tpu.memory_space<vmem>> -> memref<64x128xf32, #tpu.memory_space<vmem>>
    %dma_start3A_346 = arith.constant 0 : i32
    %dma_start3A_347 = tpu.memref_slice %arg7[%dma_start3A_339, %dma_start3A_346] : memref<4x64xi32, #tpu.memory_space<vmem>> -> memref<1x64xi32, #tpu.memory_space<vmem>>
    %dma_start3A_348 = tpu.memref_squeeze %dma_start3A_347 : memref<1x64xi32, #tpu.memory_space<vmem>> -> memref<64xi32, #tpu.memory_space<vmem>>
    %dma_start3A_349 = arith.constant 0 : i32
    %dma_start3A_350 = arith.constant 0 : i32
    %dma_start3A_351 = tpu.memref_slice %arg4[%dma_start3A_349, %dma_start3A_350] : memref<16384x128xf32, #tpu.memory_space<hbm>> -> memref<16384x128xf32, #tpu.memory_space<hbm>>
    %dma_start3A_352 = tpu.memref_slice %arg11[%dma_start3A_341] : memref<4x!tpu.dma_semaphore, #tpu.memory_space<semaphore_mem>> -> memref<1x!tpu.dma_semaphore, #tpu.memory_space<semaphore_mem>>
    %dma_start3A_353 = tpu.memref_squeeze %dma_start3A_352 : memref<1x!tpu.dma_semaphore, #tpu.memory_space<semaphore_mem>> -> memref<!tpu.dma_semaphore, #tpu.memory_space<semaphore_mem>>
    tpu.enqueue_indirect_dma source(%dma_start3A_351 : memref<16384x128xf32, #tpu.memory_space<hbm>>) target(%dma_start3A_345 : memref<64x128xf32, #tpu.memory_space<vmem>>) offsets(%dma_start3A_348 : memref<64xi32, #tpu.memory_space<vmem>>) semaphore(%dma_start3A_353 : memref<!tpu.dma_semaphore, #tpu.memory_space<semaphore_mem>>)
    %scan3A = arith.constant 0 : i32
    %scan3A_354 = arith.constant 0 : i32
    %scan3A_355 = arith.constant 32 : i32
    %scan3A_356 = arith.addi %scan3A_354, %scan3A_355 : i32
    %scan3A_357 = arith.constant 1 : i32
    scf.for %scan3A_380 = %scan3A_354 to %scan3A_356 step %scan3A_357  : i32 {
      %add3A_381 = arith.addi %mul3A_2, %scan3A_380 : i32
      %dma_wait3A_382 = arith.constant 0 : i32
      %dma_wait3A_383 = arith.constant 0 : i32
      %dma_wait3A_384 = arith.constant 0 : i32
      %dma_wait3A_385 = arith.constant 0 : i32
      %dma_wait3A_386 = tpu.memref_slice %arg8[%dma_wait3A_382, %dma_wait3A_384, %dma_wait3A_385] : memref<4x64x128xf32, #tpu.memory_space<vmem>> -> memref<1x64x128xf32, #tpu.memory_space<vmem>>
      %dma_wait3A_387 = tpu.memref_squeeze %dma_wait3A_386 : memref<1x64x128xf32, #tpu.memory_space<vmem>> -> memref<64x128xf32, #tpu.memory_space<vmem>>
      %dma_wait3A_388 = arith.constant 0 : i32
      %dma_wait3A_389 = arith.constant 0 : i32
      %dma_wait3A_390 = tpu.memref_slice %arg2[%add3A_381, %dma_wait3A_388, %dma_wait3A_389] : memref<1024x256x128xf32, #tpu.memory_space<hbm>> -> memref<1x64x128xf32, #tpu.memory_space<hbm>>
      %dma_wait3A_391 = tpu.memref_squeeze %dma_wait3A_390 : memref<1x64x128xf32, #tpu.memory_space<hbm>> -> memref<64x128xf32, #tpu.memory_space<hbm>>
      %dma_wait3A_392 = tpu.memref_slice %arg10[%dma_wait3A_383] : memref<4x!tpu.dma_semaphore, #tpu.memory_space<semaphore_mem>> -> memref<1x!tpu.dma_semaphore, #tpu.memory_space<semaphore_mem>>
      %dma_wait3A_393 = tpu.memref_squeeze %dma_wait3A_392 : memref<1x!tpu.dma_semaphore, #tpu.memory_space<semaphore_mem>> -> memref<!tpu.dma_semaphore, #tpu.memory_space<semaphore_mem>>
      %dma_wait3A_394 = arith.constant 0 : i32
      %dma_wait3A_395 = arith.constant 0 : i32
      %dma_wait3A_396 = tpu.memref_slice %arg8[%dma_wait3A_382, %dma_wait3A_394, %dma_wait3A_395] : memref<4x64x128xf32, #tpu.memory_space<vmem>> -> memref<1x64x128xf32, #tpu.memory_space<vmem>>
      %dma_wait3A_397 = tpu.memref_squeeze %dma_wait3A_396 : memref<1x64x128xf32, #tpu.memory_space<vmem>> -> memref<64x128xf32, #tpu.memory_space<vmem>>
      %dma_wait3A_398 = arith.constant 0 : i32
      %dma_wait3A_399 = arith.constant 0 : i32
      %dma_wait3A_400 = tpu.memref_slice %arg2[%add3A_381, %dma_wait3A_398, %dma_wait3A_399] : memref<1024x256x128xf32, #tpu.memory_space<hbm>> -> memref<1x64x128xf32, #tpu.memory_space<hbm>>
      %dma_wait3A_401 = tpu.memref_squeeze %dma_wait3A_400 : memref<1x64x128xf32, #tpu.memory_space<hbm>> -> memref<64x128xf32, #tpu.memory_space<hbm>>
      tpu.wait_dma2 semaphore(%dma_wait3A_393 : memref<!tpu.dma_semaphore, #tpu.memory_space<semaphore_mem>>) src(%dma_wait3A_401 : memref<64x128xf32, #tpu.memory_space<hbm>>) dst(%dma_wait3A_397 : memref<64x128xf32, #tpu.memory_space<vmem>>)
      %dma_wait3A_402 = arith.constant 0 : i32
      %dma_wait3A_403 = arith.constant 0 : i32
      %dma_wait3A_404 = arith.constant 0 : i32
      %dma_wait3A_405 = arith.constant 0 : i32
      %dma_wait3A_406 = arith.constant 0 : i32
      %dma_wait3A_407 = tpu.memref_slice %arg9[%dma_wait3A_403, %dma_wait3A_405, %dma_wait3A_406] : memref<4x64x128xf32, #tpu.memory_space<vmem>> -> memref<1x64x128xf32, #tpu.memory_space<vmem>>
      %dma_wait3A_408 = tpu.memref_squeeze %dma_wait3A_407 : memref<1x64x128xf32, #tpu.memory_space<vmem>> -> memref<64x128xf32, #tpu.memory_space<vmem>>
      %dma_wait3A_409 = arith.constant 0 : i32
      %dma_wait3A_410 = tpu.memref_slice %arg7[%dma_wait3A_402, %dma_wait3A_409] : memref<4x64xi32, #tpu.memory_space<vmem>> -> memref<1x64xi32, #tpu.memory_space<vmem>>
      %dma_wait3A_411 = tpu.memref_squeeze %dma_wait3A_410 : memref<1x64xi32, #tpu.memory_space<vmem>> -> memref<64xi32, #tpu.memory_space<vmem>>
      %dma_wait3A_412 = arith.constant 0 : i32
      %dma_wait3A_413 = arith.constant 0 : i32
      %dma_wait3A_414 = tpu.memref_slice %arg4[%dma_wait3A_412, %dma_wait3A_413] : memref<16384x128xf32, #tpu.memory_space<hbm>> -> memref<16384x128xf32, #tpu.memory_space<hbm>>
      %dma_wait3A_415 = tpu.memref_slice %arg11[%dma_wait3A_404] : memref<4x!tpu.dma_semaphore, #tpu.memory_space<semaphore_mem>> -> memref<1x!tpu.dma_semaphore, #tpu.memory_space<semaphore_mem>>
      %dma_wait3A_416 = tpu.memref_squeeze %dma_wait3A_415 : memref<1x!tpu.dma_semaphore, #tpu.memory_space<semaphore_mem>> -> memref<!tpu.dma_semaphore, #tpu.memory_space<semaphore_mem>>
      tpu.wait_indirect_dma semaphore(%dma_wait3A_416 : memref<!tpu.dma_semaphore, #tpu.memory_space<semaphore_mem>>) src(%dma_wait3A_414 : memref<16384x128xf32, #tpu.memory_space<hbm>>) dst(%dma_wait3A_408 : memref<64x128xf32, #tpu.memory_space<vmem>>)
      %scan3A_417 = arith.constant 0 : i32
      %scan3A_418 = arith.constant 0 : i32
      %scan3A_419 = arith.constant 32 : i32
      %scan3A_420 = arith.addi %scan3A_418, %scan3A_419 : i32
      %scan3A_421 = arith.constant 1 : i32
      scf.for %scan3A_824 = %scan3A_418 to %scan3A_420 step %scan3A_421  : i32 {
        %mul3A_825 = arith.constant 2 : i32
        %mul3A_826 = arith.muli %mul3A_825, %scan3A_824 : i32
        %add3A_827 = arith.constant 0 : i32
        %add3A_828 = arith.addi %mul3A_826, %add3A_827 : i32
        %get3A_829 = arith.constant 0 : i32
        %get3A_830 = arith.index_cast %get3A_829 : i32 to index
        %get3A_831 = arith.index_cast %add3A_828 : i32 to index
        %get3A_832 = arith.constant 0 : index
        %get3A_833 = tpu.vector_load %arg9[%get3A_830, %get3A_831, %get3A_832] {strides = array<i32>} : memref<4x64x128xf32, #tpu.memory_space<vmem>>, vector<1x1x16xf32>,
        %get3A_834 = vector.shape_cast %get3A_833 : vector<1x1x16xf32> to vector<16xf32>
        %mul3A_835 = arith.constant 2 : i32
        %mul3A_836 = arith.muli %mul3A_835, %scan3A_824 : i32
        %add3A_837 = arith.constant 0 : i32
        %add3A_838 = arith.addi %mul3A_836, %add3A_837 : i32
        %get3A_839 = arith.constant 0 : i32
        %get3A_840 = arith.index_cast %get3A_839 : i32 to index
        %get3A_841 = arith.index_cast %add3A_838 : i32 to index
        %get3A_842 = arith.constant 0 : index
        %get3A_843 = tpu.vector_load %arg8[%get3A_840, %get3A_841, %get3A_842] {strides = array<i32>} : memref<4x64x128xf32, #tpu.memory_space<vmem>>, vector<1x1x16xf32>,
        %get3A_844 = vector.shape_cast %get3A_843 : vector<1x1x16xf32> to vector<16xf32>
        %add3A_845 = arith.addf %get3A_834, %get3A_844 : vector<16xf32>
        %mul3A_846 = arith.constant 2 : i32
        %mul3A_847 = arith.muli %mul3A_846, %scan3A_824 : i32
        %add3A_848 = arith.constant 0 : i32
        %add3A_849 = arith.addi %mul3A_847, %add3A_848 : i32
        %swap3A_850 = arith.constant 0 : i32
        %swap3A_851 = arith.index_cast %swap3A_850 : i32 to index
        %swap3A_852 = arith.index_cast %add3A_849 : i32 to index
        %swap3A_853 = arith.constant 0 : index
        %swap3A_854 = tpu.vector_load %arg9[%swap3A_851, %swap3A_852, %swap3A_853] {strides = array<i32>} : memref<4x64x128xf32, #tpu.memory_space<vmem>>, vector<1x1x16xf32>,
        %swap3A_855 = vector.shape_cast %swap3A_854 : vector<1x1x16xf32> to vector<16xf32>
        %swap3A_856 = vector.shape_cast %add3A_845 : vector<16xf32> to vector<1x1x16xf32>
        tpu.vector_store %arg9[%swap3A_851, %swap3A_852, %swap3A_853], %swap3A_856 {strides = array<i32>} : memref<4x64x128xf32, #tpu.memory_space<vmem>>, vector<1x1x16xf32>,
        %mul3A_857 = arith.constant 2 : i32
        %mul3A_858 = arith.muli %mul3A_857, %scan3A_824 : i32
        %add3A_859 = arith.constant 0 : i32
        %add3A_860 = arith.addi %mul3A_858, %add3A_859 : i32
        %get3A_861 = arith.constant 0 : i32
        %get3A_862 = arith.index_cast %get3A_861 : i32 to index
        %get3A_863 = arith.index_cast %add3A_860 : i32 to index
        %get3A_864 = arith.constant 16 : index
        %get3A_865 = tpu.vector_load %arg9[%get3A_862, %get3A_863, %get3A_864] {strides = array<i32>} : memref<4x64x128xf32, #tpu.memory_space<vmem>>, vector<1x1x16xf32>,
        %get3A_866 = vector.shape_cast %get3A_865 : vector<1x1x16xf32> to vector<16xf32>
        %mul3A_867 = arith.constant 2 : i32
        %mul3A_868 = arith.muli %mul3A_867, %scan3A_824 : i32
        %add3A_869 = arith.constant 0 : i32
        %add3A_870 = arith.addi %mul3A_868, %add3A_869 : i32
        %get3A_871 = arith.constant 0 : i32
        %get3A_872 = arith.index_cast %get3A_871 : i32 to index
        %get3A_873 = arith.index_cast %add3A_870 : i32 to index
        %get3A_874 = arith.constant 16 : index
        %get3A_875 = tpu.vector_load %arg8[%get3A_872, %get3A_873, %get3A_874] {strides = array<i32>} : memref<4x64x128xf32, #tpu.memory_space<vmem>>, vector<1x1x16xf32>,
        %get3A_876 = vector.shape_cast %get3A_875 : vector<1x1x16xf32> to vector<16xf32>
        %add3A_877 = arith.addf %get3A_866, %get3A_876 : vector<16xf32>
        %mul3A_878 = arith.constant 2 : i32
        %mul3A_879 = arith.muli %mul3A_878, %scan3A_824 : i32
        %add3A_880 = arith.constant 0 : i32
        %add3A_881 = arith.addi %mul3A_879, %add3A_880 : i32
        %swap3A_882 = arith.constant 0 : i32
        %swap3A_883 = arith.index_cast %swap3A_882 : i32 to index
        %swap3A_884 = arith.index_cast %add3A_881 : i32 to index
        %swap3A_885 = arith.constant 16 : index
        %swap3A_886 = tpu.vector_load %arg9[%swap3A_883, %swap3A_884, %swap3A_885] {strides = array<i32>} : memref<4x64x128xf32, #tpu.memory_space<vmem>>, vector<1x1x16xf32>,
        %swap3A_887 = vector.shape_cast %swap3A_886 : vector<1x1x16xf32> to vector<16xf32>
        %swap3A_888 = vector.shape_cast %add3A_877 : vector<16xf32> to vector<1x1x16xf32>
        tpu.vector_store %arg9[%swap3A_883, %swap3A_884, %swap3A_885], %swap3A_888 {strides = array<i32>} : memref<4x64x128xf32, #tpu.memory_space<vmem>>, vector<1x1x16xf32>,
        %mul3A_889 = arith.constant 2 : i32
        %mul3A_890 = arith.muli %mul3A_889, %scan3A_824 : i32
        %add3A_891 = arith.constant 0 : i32
        %add3A_892 = arith.addi %mul3A_890, %add3A_891 : i32
        %get3A_893 = arith.constant 0 : i32
        %get3A_894 = arith.index_cast %get3A_893 : i32 to index
        %get3A_895 = arith.index_cast %add3A_892 : i32 to index
        %get3A_896 = arith.constant 32 : index
        %get3A_897 = tpu.vector_load %arg9[%get3A_894, %get3A_895, %get3A_896] {strides = array<i32>} : memref<4x64x128xf32, #tpu.memory_space<vmem>>, vector<1x1x16xf32>,
        %get3A_898 = vector.shape_cast %get3A_897 : vector<1x1x16xf32> to vector<16xf32>
        %mul3A_899 = arith.constant 2 : i32
        %mul3A_900 = arith.muli %mul3A_899, %scan3A_824 : i32
        %add3A_901 = arith.constant 0 : i32
        %add3A_902 = arith.addi %mul3A_900, %add3A_901 : i32
        %get3A_903 = arith.constant 0 : i32
        %get3A_904 = arith.index_cast %get3A_903 : i32 to index
        %get3A_905 = arith.index_cast %add3A_902 : i32 to index
        %get3A_906 = arith.constant 32 : index
        %get3A_907 = tpu.vector_load %arg8[%get3A_904, %get3A_905, %get3A_906] {strides = array<i32>} : memref<4x64x128xf32, #tpu.memory_space<vmem>>, vector<1x1x16xf32>,
        %get3A_908 = vector.shape_cast %get3A_907 : vector<1x1x16xf32> to vector<16xf32>
        %add3A_909 = arith.addf %get3A_898, %get3A_908 : vector<16xf32>
        %mul3A_910 = arith.constant 2 : i32
        %mul3A_911 = arith.muli %mul3A_910, %scan3A_824 : i32
        %add3A_912 = arith.constant 0 : i32
        %add3A_913 = arith.addi %mul3A_911, %add3A_912 : i32
        %swap3A_914 = arith.constant 0 : i32
        %swap3A_915 = arith.index_cast %swap3A_914 : i32 to index
        %swap3A_916 = arith.index_cast %add3A_913 : i32 to index
        %swap3A_917 = arith.constant 32 : index
        %swap3A_918 = tpu.vector_load %arg9[%swap3A_915, %swap3A_916, %swap3A_917] {strides = array<i32>} : memref<4x64x128xf32, #tpu.memory_space<vmem>>, vector<1x1x16xf32>,
        %swap3A_919 = vector.shape_cast %swap3A_918 : vector<1x1x16xf32> to vector<16xf32>
        %swap3A_920 = vector.shape_cast %add3A_909 : vector<16xf32> to vector<1x1x16xf32>
        tpu.vector_store %arg9[%swap3A_915, %swap3A_916, %swap3A_917], %swap3A_920 {strides = array<i32>} : memref<4x64x128xf32, #tpu.memory_space<vmem>>, vector<1x1x16xf32>,
        %mul3A_921 = arith.constant 2 : i32
        %mul3A_922 = arith.muli %mul3A_921, %scan3A_824 : i32
        %add3A_923 = arith.constant 0 : i32
        %add3A_924 = arith.addi %mul3A_922, %add3A_923 : i32
        %get3A_925 = arith.constant 0 : i32
        %get3A_926 = arith.index_cast %get3A_925 : i32 to index
        %get3A_927 = arith.index_cast %add3A_924 : i32 to index
        %get3A_928 = arith.constant 48 : index
        %get3A_929 = tpu.vector_load %arg9[%get3A_926, %get3A_927, %get3A_928] {strides = array<i32>} : memref<4x64x128xf32, #tpu.memory_space<vmem>>, vector<1x1x16xf32>,
        %get3A_930 = vector.shape_cast %get3A_929 : vector<1x1x16xf32> to vector<16xf32>
        %mul3A_931 = arith.constant 2 : i32
        %mul3A_932 = arith.muli %mul3A_931, %scan3A_824 : i32
        %add3A_933 = arith.constant 0 : i32
        %add3A_934 = arith.addi %mul3A_932, %add3A_933 : i32
        %get3A_935 = arith.constant 0 : i32
        %get3A_936 = arith.index_cast %get3A_935 : i32 to index
        %get3A_937 = arith.index_cast %add3A_934 : i32 to index
        %get3A_938 = arith.constant 48 : index
        %get3A_939 = tpu.vector_load %arg8[%get3A_936, %get3A_937, %get3A_938] {strides = array<i32>} : memref<4x64x128xf32, #tpu.memory_space<vmem>>, vector<1x1x16xf32>,
        %get3A_940 = vector.shape_cast %get3A_939 : vector<1x1x16xf32> to vector<16xf32>
        %add3A_941 = arith.addf %get3A_930, %get3A_940 : vector<16xf32>
        %mul3A_942 = arith.constant 2 : i32
        %mul3A_943 = arith.muli %mul3A_942, %scan3A_824 : i32
        %add3A_944 = arith.constant 0 : i32
        %add3A_945 = arith.addi %mul3A_943, %add3A_944 : i32
        %swap3A_946 = arith.constant 0 : i32
        %swap3A_947 = arith.index_cast %swap3A_946 : i32 to index
        %swap3A_948 = arith.index_cast %add3A_945 : i32 to index
        %swap3A_949 = arith.constant 48 : index
        %swap3A_950 = tpu.vector_load %arg9[%swap3A_947, %swap3A_948, %swap3A_949] {strides = array<i32>} : memref<4x64x128xf32, #tpu.memory_space<vmem>>, vector<1x1x16xf32>,
        %swap3A_951 = vector.shape_cast %swap3A_950 : vector<1x1x16xf32> to vector<16xf32>
        %swap3A_952 = vector.shape_cast %add3A_941 : vector<16xf32> to vector<1x1x16xf32>
        tpu.vector_store %arg9[%swap3A_947, %swap3A_948, %swap3A_949], %swap3A_952 {strides = array<i32>} : memref<4x64x128xf32, #tpu.memory_space<vmem>>, vector<1x1x16xf32>,
        %mul3A_953 = arith.constant 2 : i32
        %mul3A_954 = arith.muli %mul3A_953, %scan3A_824 : i32
        %add3A_955 = arith.constant 0 : i32
        %add3A_956 = arith.addi %mul3A_954, %add3A_955 : i32
        %get3A_957 = arith.constant 0 : i32
        %get3A_958 = arith.index_cast %get3A_957 : i32 to index
        %get3A_959 = arith.index_cast %add3A_956 : i32 to index
        %get3A_960 = arith.constant 64 : index
        %get3A_961 = tpu.vector_load %arg9[%get3A_958, %get3A_959, %get3A_960] {strides = array<i32>} : memref<4x64x128xf32, #tpu.memory_space<vmem>>, vector<1x1x16xf32>,
        %get3A_962 = vector.shape_cast %get3A_961 : vector<1x1x16xf32> to vector<16xf32>
        %mul3A_963 = arith.constant 2 : i32
        %mul3A_964 = arith.muli %mul3A_963, %scan3A_824 : i32
        %add3A_965 = arith.constant 0 : i32
        %add3A_966 = arith.addi %mul3A_964, %add3A_965 : i32
        %get3A_967 = arith.constant 0 : i32
        %get3A_968 = arith.index_cast %get3A_967 : i32 to index
        %get3A_969 = arith.index_cast %add3A_966 : i32 to index
        %get3A_970 = arith.constant 64 : index
        %get3A_971 = tpu.vector_load %arg8[%get3A_968, %get3A_969, %get3A_970] {strides = array<i32>} : memref<4x64x128xf32, #tpu.memory_space<vmem>>, vector<1x1x16xf32>,
        %get3A_972 = vector.shape_cast %get3A_971 : vector<1x1x16xf32> to vector<16xf32>
        %add3A_973 = arith.addf %get3A_962, %get3A_972 : vector<16xf32>
        %mul3A_974 = arith.constant 2 : i32
        %mul3A_975 = arith.muli %mul3A_974, %scan3A_824 : i32
        %add3A_976 = arith.constant 0 : i32
        %add3A_977 = arith.addi %mul3A_975, %add3A_976 : i32
        %swap3A_978 = arith.constant 0 : i32
        %swap3A_979 = arith.index_cast %swap3A_978 : i32 to index
        %swap3A_980 = arith.index_cast %add3A_977 : i32 to index
        %swap3A_981 = arith.constant 64 : index
        %swap3A_982 = tpu.vector_load %arg9[%swap3A_979, %swap3A_980, %swap3A_981] {strides = array<i32>} : memref<4x64x128xf32, #tpu.memory_space<vmem>>, vector<1x1x16xf32>,
        %swap3A_983 = vector.shape_cast %swap3A_982 : vector<1x1x16xf32> to vector<16xf32>
        %swap3A_984 = vector.shape_cast %add3A_973 : vector<16xf32> to vector<1x1x16xf32>
        tpu.vector_store %arg9[%swap3A_979, %swap3A_980, %swap3A_981], %swap3A_984 {strides = array<i32>} : memref<4x64x128xf32, #tpu.memory_space<vmem>>, vector<1x1x16xf32>,
        %mul3A_985 = arith.constant 2 : i32
        %mul3A_986 = arith.muli %mul3A_985, %scan3A_824 : i32
        %add3A_987 = arith.constant 0 : i32
        %add3A_988 = arith.addi %mul3A_986, %add3A_987 : i32
        %get3A_989 = arith.constant 0 : i32
        %get3A_990 = arith.index_cast %get3A_989 : i32 to index
        %get3A_991 = arith.index_cast %add3A_988 : i32 to index
        %get3A_992 = arith.constant 80 : index
        %get3A_993 = tpu.vector_load %arg9[%get3A_990, %get3A_991, %get3A_992] {strides = array<i32>} : memref<4x64x128xf32, #tpu.memory_space<vmem>>, vector<1x1x16xf32>,
        %get3A_994 = vector.shape_cast %get3A_993 : vector<1x1x16xf32> to vector<16xf32>
        %mul3A_995 = arith.constant 2 : i32
        %mul3A_996 = arith.muli %mul3A_995, %scan3A_824 : i32
        %add3A_997 = arith.constant 0 : i32
        %add3A_998 = arith.addi %mul3A_996, %add3A_997 : i32
        %get3A_999 = arith.constant 0 : i32
        %get3A_1000 = arith.index_cast %get3A_999 : i32 to index
        %get3A_1001 = arith.index_cast %add3A_998 : i32 to index
        %get3A_1002 = arith.constant 80 : index
        %get3A_1003 = tpu.vector_load %arg8[%get3A_1000, %get3A_1001, %get3A_1002] {strides = array<i32>} : memref<4x64x128xf32, #tpu.memory_space<vmem>>, vector<1x1x16xf32>,
        %get3A_1004 = vector.shape_cast %get3A_1003 : vector<1x1x16xf32> to vector<16xf32>
        %add3A_1005 = arith.addf %get3A_994, %get3A_1004 : vector<16xf32>
        %mul3A_1006 = arith.constant 2 : i32
        %mul3A_1007 = arith.muli %mul3A_1006, %scan3A_824 : i32
        %add3A_1008 = arith.constant 0 : i32
        %add3A_1009 = arith.addi %mul3A_1007, %add3A_1008 : i32
        %swap3A_1010 = arith.constant 0 : i32
        %swap3A_1011 = arith.index_cast %swap3A_1010 : i32 to index
        %swap3A_1012 = arith.index_cast %add3A_1009 : i32 to index
        %swap3A_1013 = arith.constant 80 : index
        %swap3A_1014 = tpu.vector_load %arg9[%swap3A_1011, %swap3A_1012, %swap3A_1013] {strides = array<i32>} : memref<4x64x128xf32, #tpu.memory_space<vmem>>, vector<1x1x16xf32>,
        %swap3A_1015 = vector.shape_cast %swap3A_1014 : vector<1x1x16xf32> to vector<16xf32>
        %swap3A_1016 = vector.shape_cast %add3A_1005 : vector<16xf32> to vector<1x1x16xf32>
        tpu.vector_store %arg9[%swap3A_1011, %swap3A_1012, %swap3A_1013], %swap3A_1016 {strides = array<i32>} : memref<4x64x128xf32, #tpu.memory_space<vmem>>, vector<1x1x16xf32>,
        %mul3A_1017 = arith.constant 2 : i32
        %mul3A_1018 = arith.muli %mul3A_1017, %scan3A_824 : i32
        %add3A_1019 = arith.constant 0 : i32
        %add3A_1020 = arith.addi %mul3A_1018, %add3A_1019 : i32
        %get3A_1021 = arith.constant 0 : i32
        %get3A_1022 = arith.index_cast %get3A_1021 : i32 to index
        %get3A_1023 = arith.index_cast %add3A_1020 : i32 to index
        %get3A_1024 = arith.constant 96 : index
        %get3A_1025 = tpu.vector_load %arg9[%get3A_1022, %get3A_1023, %get3A_1024] {strides = array<i32>} : memref<4x64x128xf32, #tpu.memory_space<vmem>>, vector<1x1x16xf32>,
        %get3A_1026 = vector.shape_cast %get3A_1025 : vector<1x1x16xf32> to vector<16xf32>
        %mul3A_1027 = arith.constant 2 : i32
        %mul3A_1028 = arith.muli %mul3A_1027, %scan3A_824 : i32
        %add3A_1029 = arith.constant 0 : i32
        %add3A_1030 = arith.addi %mul3A_1028, %add3A_1029 : i32
        %get3A_1031 = arith.constant 0 : i32
        %get3A_1032 = arith.index_cast %get3A_1031 : i32 to index
        %get3A_1033 = arith.index_cast %add3A_1030 : i32 to index
        %get3A_1034 = arith.constant 96 : index
        %get3A_1035 = tpu.vector_load %arg8[%get3A_1032, %get3A_1033, %get3A_1034] {strides = array<i32>} : memref<4x64x128xf32, #tpu.memory_space<vmem>>, vector<1x1x16xf32>,
        %get3A_1036 = vector.shape_cast %get3A_1035 : vector<1x1x16xf32> to vector<16xf32>
        %add3A_1037 = arith.addf %get3A_1026, %get3A_1036 : vector<16xf32>
        %mul3A_1038 = arith.constant 2 : i32
        %mul3A_1039 = arith.muli %mul3A_1038, %scan3A_824 : i32
        %add3A_1040 = arith.constant 0 : i32
        %add3A_1041 = arith.addi %mul3A_1039, %add3A_1040 : i32
        %swap3A_1042 = arith.constant 0 : i32
        %swap3A_1043 = arith.index_cast %swap3A_1042 : i32 to index
        %swap3A_1044 = arith.index_cast %add3A_1041 : i32 to index
        %swap3A_1045 = arith.constant 96 : index
        %swap3A_1046 = tpu.vector_load %arg9[%swap3A_1043, %swap3A_1044, %swap3A_1045] {strides = array<i32>} : memref<4x64x128xf32, #tpu.memory_space<vmem>>, vector<1x1x16xf32>,
        %swap3A_1047 = vector.shape_cast %swap3A_1046 : vector<1x1x16xf32> to vector<16xf32>
        %swap3A_1048 = vector.shape_cast %add3A_1037 : vector<16xf32> to vector<1x1x16xf32>
        tpu.vector_store %arg9[%swap3A_1043, %swap3A_1044, %swap3A_1045], %swap3A_1048 {strides = array<i32>} : memref<4x64x128xf32, #tpu.memory_space<vmem>>, vector<1x1x16xf32>,
        %mul3A_1049 = arith.constant 2 : i32
        %mul3A_1050 = arith.muli %mul3A_1049, %scan3A_824 : i32
        %add3A_1051 = arith.constant 0 : i32
        %add3A_1052 = arith.addi %mul3A_1050, %add3A_1051 : i32
        %get3A_1053 = arith.constant 0 : i32
        %get3A_1054 = arith.index_cast %get3A_1053 : i32 to index
        %get3A_1055 = arith.index_cast %add3A_1052 : i32 to index
        %get3A_1056 = arith.constant 112 : index
        %get3A_1057 = tpu.vector_load %arg9[%get3A_1054, %get3A_1055, %get3A_1056] {strides = array<i32>} : memref<4x64x128xf32, #tpu.memory_space<vmem>>, vector<1x1x16xf32>,
        %get3A_1058 = vector.shape_cast %get3A_1057 : vector<1x1x16xf32> to vector<16xf32>
        %mul3A_1059 = arith.constant 2 : i32
        %mul3A_1060 = arith.muli %mul3A_1059, %scan3A_824 : i32
        %add3A_1061 = arith.constant 0 : i32
        %add3A_1062 = arith.addi %mul3A_1060, %add3A_1061 : i32
        %get3A_1063 = arith.constant 0 : i32
        %get3A_1064 = arith.index_cast %get3A_1063 : i32 to index
        %get3A_1065 = arith.index_cast %add3A_1062 : i32 to index
        %get3A_1066 = arith.constant 112 : index
        %get3A_1067 = tpu.vector_load %arg8[%get3A_1064, %get3A_1065, %get3A_1066] {strides = array<i32>} : memref<4x64x128xf32, #tpu.memory_space<vmem>>, vector<1x1x16xf32>,
        %get3A_1068 = vector.shape_cast %get3A_1067 : vector<1x1x16xf32> to vector<16xf32>
        %add3A_1069 = arith.addf %get3A_1058, %get3A_1068 : vector<16xf32>
        %mul3A_1070 = arith.constant 2 : i32
        %mul3A_1071 = arith.muli %mul3A_1070, %scan3A_824 : i32
        %add3A_1072 = arith.constant 0 : i32
        %add3A_1073 = arith.addi %mul3A_1071, %add3A_1072 : i32
        %swap3A_1074 = arith.constant 0 : i32
        %swap3A_1075 = arith.index_cast %swap3A_1074 : i32 to index
        %swap3A_1076 = arith.index_cast %add3A_1073 : i32 to index
        %swap3A_1077 = arith.constant 112 : index
        %swap3A_1078 = tpu.vector_load %arg9[%swap3A_1075, %swap3A_1076, %swap3A_1077] {strides = array<i32>} : memref<4x64x128xf32, #tpu.memory_space<vmem>>, vector<1x1x16xf32>,
        %swap3A_1079 = vector.shape_cast %swap3A_1078 : vector<1x1x16xf32> to vector<16xf32>
        %swap3A_1080 = vector.shape_cast %add3A_1069 : vector<16xf32> to vector<1x1x16xf32>
        tpu.vector_store %arg9[%swap3A_1075, %swap3A_1076, %swap3A_1077], %swap3A_1080 {strides = array<i32>} : memref<4x64x128xf32, #tpu.memory_space<vmem>>, vector<1x1x16xf32>,
        %mul3A_1081 = arith.constant 2 : i32
        %mul3A_1082 = arith.muli %mul3A_1081, %scan3A_824 : i32
        %add3A_1083 = arith.constant 1 : i32
        %add3A_1084 = arith.addi %mul3A_1082, %add3A_1083 : i32
        %get3A_1085 = arith.constant 0 : i32
        %get3A_1086 = arith.index_cast %get3A_1085 : i32 to index
        %get3A_1087 = arith.index_cast %add3A_1084 : i32 to index
        %get3A_1088 = arith.constant 0 : index
        %get3A_1089 = tpu.vector_load %arg9[%get3A_1086, %get3A_1087, %get3A_1088] {strides = array<i32>} : memref<4x64x128xf32, #tpu.memory_space<vmem>>, vector<1x1x16xf32>,
        %get3A_1090 = vector.shape_cast %get3A_1089 : vector<1x1x16xf32> to vector<16xf32>
        %mul3A_1091 = arith.constant 2 : i32
        %mul3A_1092 = arith.muli %mul3A_1091, %scan3A_824 : i32
        %add3A_1093 = arith.constant 1 : i32
        %add3A_1094 = arith.addi %mul3A_1092, %add3A_1093 : i32
        %get3A_1095 = arith.constant 0 : i32
        %get3A_1096 = arith.index_cast %get3A_1095 : i32 to index
        %get3A_1097 = arith.index_cast %add3A_1094 : i32 to index
        %get3A_1098 = arith.constant 0 : index
        %get3A_1099 = tpu.vector_load %arg8[%get3A_1096, %get3A_1097, %get3A_1098] {strides = array<i32>} : memref<4x64x128xf32, #tpu.memory_space<vmem>>, vector<1x1x16xf32>,
        %get3A_1100 = vector.shape_cast %get3A_1099 : vector<1x1x16xf32> to vector<16xf32>
        %add3A_1101 = arith.addf %get3A_1090, %get3A_1100 : vector<16xf32>
        %mul3A_1102 = arith.constant 2 : i32
        %mul3A_1103 = arith.muli %mul3A_1102, %scan3A_824 : i32
        %add3A_1104 = arith.constant 1 : i32
        %add3A_1105 = arith.addi %mul3A_1103, %add3A_1104 : i32
        %swap3A_1106 = arith.constant 0 : i32
        %swap3A_1107 = arith.index_cast %swap3A_1106 : i32 to index
        %swap3A_1108 = arith.index_cast %add3A_1105 : i32 to index
        %swap3A_1109 = arith.constant 0 : index
        %swap3A_1110 = tpu.vector_load %arg9[%swap3A_1107, %swap3A_1108, %swap3A_1109] {strides = array<i32>} : memref<4x64x128xf32, #tpu.memory_space<vmem>>, vector<1x1x16xf32>,
        %swap3A_1111 = vector.shape_cast %swap3A_1110 : vector<1x1x16xf32> to vector<16xf32>
        %swap3A_1112 = vector.shape_cast %add3A_1101 : vector<16xf32> to vector<1x1x16xf32>
        tpu.vector_store %arg9[%swap3A_1107, %swap3A_1108, %swap3A_1109], %swap3A_1112 {strides = array<i32>} : memref<4x64x128xf32, #tpu.memory_space<vmem>>, vector<1x1x16xf32>,
        %mul3A_1113 = arith.constant 2 : i32
        %mul3A_1114 = arith.muli %mul3A_1113, %scan3A_824 : i32
        %add3A_1115 = arith.constant 1 : i32
        %add3A_1116 = arith.addi %mul3A_1114, %add3A_1115 : i32
        %get3A_1117 = arith.constant 0 : i32
        %get3A_1118 = arith.index_cast %get3A_1117 : i32 to index
        %get3A_1119 = arith.index_cast %add3A_1116 : i32 to index
        %get3A_1120 = arith.constant 16 : index
        %get3A_1121 = tpu.vector_load %arg9[%get3A_1118, %get3A_1119, %get3A_1120] {strides = array<i32>} : memref<4x64x128xf32, #tpu.memory_space<vmem>>, vector<1x1x16xf32>,
        %get3A_1122 = vector.shape_cast %get3A_1121 : vector<1x1x16xf32> to vector<16xf32>
        %mul3A_1123 = arith.constant 2 : i32
        %mul3A_1124 = arith.muli %mul3A_1123, %scan3A_824 : i32
        %add3A_1125 = arith.constant 1 : i32
        %add3A_1126 = arith.addi %mul3A_1124, %add3A_1125 : i32
        %get3A_1127 = arith.constant 0 : i32
        %get3A_1128 = arith.index_cast %get3A_1127 : i32 to index
        %get3A_1129 = arith.index_cast %add3A_1126 : i32 to index
        %get3A_1130 = arith.constant 16 : index
        %get3A_1131 = tpu.vector_load %arg8[%get3A_1128, %get3A_1129, %get3A_1130] {strides = array<i32>} : memref<4x64x128xf32, #tpu.memory_space<vmem>>, vector<1x1x16xf32>,
        %get3A_1132 = vector.shape_cast %get3A_1131 : vector<1x1x16xf32> to vector<16xf32>
        %add3A_1133 = arith.addf %get3A_1122, %get3A_1132 : vector<16xf32>
        %mul3A_1134 = arith.constant 2 : i32
        %mul3A_1135 = arith.muli %mul3A_1134, %scan3A_824 : i32
        %add3A_1136 = arith.constant 1 : i32
        %add3A_1137 = arith.addi %mul3A_1135, %add3A_1136 : i32
        %swap3A_1138 = arith.constant 0 : i32
        %swap3A_1139 = arith.index_cast %swap3A_1138 : i32 to index
        %swap3A_1140 = arith.index_cast %add3A_1137 : i32 to index
        %swap3A_1141 = arith.constant 16 : index
        %swap3A_1142 = tpu.vector_load %arg9[%swap3A_1139, %swap3A_1140, %swap3A_1141] {strides = array<i32>} : memref<4x64x128xf32, #tpu.memory_space<vmem>>, vector<1x1x16xf32>,
        %swap3A_1143 = vector.shape_cast %swap3A_1142 : vector<1x1x16xf32> to vector<16xf32>
        %swap3A_1144 = vector.shape_cast %add3A_1133 : vector<16xf32> to vector<1x1x16xf32>
        tpu.vector_store %arg9[%swap3A_1139, %swap3A_1140, %swap3A_1141], %swap3A_1144 {strides = array<i32>} : memref<4x64x128xf32, #tpu.memory_space<vmem>>, vector<1x1x16xf32>,
        %mul3A_1145 = arith.constant 2 : i32
        %mul3A_1146 = arith.muli %mul3A_1145, %scan3A_824 : i32
        %add3A_1147 = arith.constant 1 : i32
        %add3A_1148 = arith.addi %mul3A_1146, %add3A_1147 : i32
        %get3A_1149 = arith.constant 0 : i32
        %get3A_1150 = arith.index_cast %get3A_1149 : i32 to index
        %get3A_1151 = arith.index_cast %add3A_1148 : i32 to index
        %get3A_1152 = arith.constant 32 : index
        %get3A_1153 = tpu.vector_load %arg9[%get3A_1150, %get3A_1151, %get3A_1152] {strides = array<i32>} : memref<4x64x128xf32, #tpu.memory_space<vmem>>, vector<1x1x16xf32>,
        %get3A_1154 = vector.shape_cast %get3A_1153 : vector<1x1x16xf32> to vector<16xf32>
        %mul3A_1155 = arith.constant 2 : i32
        %mul3A_1156 = arith.muli %mul3A_1155, %scan3A_824 : i32
        %add3A_1157 = arith.constant 1 : i32
        %add3A_1158 = arith.addi %mul3A_1156, %add3A_1157 : i32
        %get3A_1159 = arith.constant 0 : i32
        %get3A_1160 = arith.index_cast %get3A_1159 : i32 to index
        %get3A_1161 = arith.index_cast %add3A_1158 : i32 to index
        %get3A_1162 = arith.constant 32 : index
        %get3A_1163 = tpu.vector_load %arg8[%get3A_1160, %get3A_1161, %get3A_1162] {strides = array<i32>} : memref<4x64x128xf32, #tpu.memory_space<vmem>>, vector<1x1x16xf32>,
        %get3A_1164 = vector.shape_cast %get3A_1163 : vector<1x1x16xf32> to vector<16xf32>
        %add3A_1165 = arith.addf %get3A_1154, %get3A_1164 : vector<16xf32>
        %mul3A_1166 = arith.constant 2 : i32
        %mul3A_1167 = arith.muli %mul3A_1166, %scan3A_824 : i32
        %add3A_1168 = arith.constant 1 : i32
        %add3A_1169 = arith.addi %mul3A_1167, %add3A_1168 : i32
        %swap3A_1170 = arith.constant 0 : i32
        %swap3A_1171 = arith.index_cast %swap3A_1170 : i32 to index
        %swap3A_1172 = arith.index_cast %add3A_1169 : i32 to index
        %swap3A_1173 = arith.constant 32 : index
        %swap3A_1174 = tpu.vector_load %arg9[%swap3A_1171, %swap3A_1172, %swap3A_1173] {strides = array<i32>} : memref<4x64x128xf32, #tpu.memory_space<vmem>>, vector<1x1x16xf32>,
        %swap3A_1175 = vector.shape_cast %swap3A_1174 : vector<1x1x16xf32> to vector<16xf32>
        %swap3A_1176 = vector.shape_cast %add3A_1165 : vector<16xf32> to vector<1x1x16xf32>
        tpu.vector_store %arg9[%swap3A_1171, %swap3A_1172, %swap3A_1173], %swap3A_1176 {strides = array<i32>} : memref<4x64x128xf32, #tpu.memory_space<vmem>>, vector<1x1x16xf32>,
        %mul3A_1177 = arith.constant 2 : i32
        %mul3A_1178 = arith.muli %mul3A_1177, %scan3A_824 : i32
        %add3A_1179 = arith.constant 1 : i32
        %add3A_1180 = arith.addi %mul3A_1178, %add3A_1179 : i32
        %get3A_1181 = arith.constant 0 : i32
        %get3A_1182 = arith.index_cast %get3A_1181 : i32 to index
        %get3A_1183 = arith.index_cast %add3A_1180 : i32 to index
        %get3A_1184 = arith.constant 48 : index
        %get3A_1185 = tpu.vector_load %arg9[%get3A_1182, %get3A_1183, %get3A_1184] {strides = array<i32>} : memref<4x64x128xf32, #tpu.memory_space<vmem>>, vector<1x1x16xf32>,
        %get3A_1186 = vector.shape_cast %get3A_1185 : vector<1x1x16xf32> to vector<16xf32>
        %mul3A_1187 = arith.constant 2 : i32
        %mul3A_1188 = arith.muli %mul3A_1187, %scan3A_824 : i32
        %add3A_1189 = arith.constant 1 : i32
        %add3A_1190 = arith.addi %mul3A_1188, %add3A_1189 : i32
        %get3A_1191 = arith.constant 0 : i32
        %get3A_1192 = arith.index_cast %get3A_1191 : i32 to index
        %get3A_1193 = arith.index_cast %add3A_1190 : i32 to index
        %get3A_1194 = arith.constant 48 : index
        %get3A_1195 = tpu.vector_load %arg8[%get3A_1192, %get3A_1193, %get3A_1194] {strides = array<i32>} : memref<4x64x128xf32, #tpu.memory_space<vmem>>, vector<1x1x16xf32>,
        %get3A_1196 = vector.shape_cast %get3A_1195 : vector<1x1x16xf32> to vector<16xf32>
        %add3A_1197 = arith.addf %get3A_1186, %get3A_1196 : vector<16xf32>
        %mul3A_1198 = arith.constant 2 : i32
        %mul3A_1199 = arith.muli %mul3A_1198, %scan3A_824 : i32
        %add3A_1200 = arith.constant 1 : i32
        %add3A_1201 = arith.addi %mul3A_1199, %add3A_1200 : i32
        %swap3A_1202 = arith.constant 0 : i32
        %swap3A_1203 = arith.index_cast %swap3A_1202 : i32 to index
        %swap3A_1204 = arith.index_cast %add3A_1201 : i32 to index
        %swap3A_1205 = arith.constant 48 : index
        %swap3A_1206 = tpu.vector_load %arg9[%swap3A_1203, %swap3A_1204, %swap3A_1205] {strides = array<i32>} : memref<4x64x128xf32, #tpu.memory_space<vmem>>, vector<1x1x16xf32>,
        %swap3A_1207 = vector.shape_cast %swap3A_1206 : vector<1x1x16xf32> to vector<16xf32>
        %swap3A_1208 = vector.shape_cast %add3A_1197 : vector<16xf32> to vector<1x1x16xf32>
        tpu.vector_store %arg9[%swap3A_1203, %swap3A_1204, %swap3A_1205], %swap3A_1208 {strides = array<i32>} : memref<4x64x128xf32, #tpu.memory_space<vmem>>, vector<1x1x16xf32>,
        %mul3A_1209 = arith.constant 2 : i32
        %mul3A_1210 = arith.muli %mul3A_1209, %scan3A_824 : i32
        %add3A_1211 = arith.constant 1 : i32
        %add3A_1212 = arith.addi %mul3A_1210, %add3A_1211 : i32
        %get3A_1213 = arith.constant 0 : i32
        %get3A_1214 = arith.index_cast %get3A_1213 : i32 to index
        %get3A_1215 = arith.index_cast %add3A_1212 : i32 to index
        %get3A_1216 = arith.constant 64 : index
        %get3A_1217 = tpu.vector_load %arg9[%get3A_1214, %get3A_1215, %get3A_1216] {strides = array<i32>} : memref<4x64x128xf32, #tpu.memory_space<vmem>>, vector<1x1x16xf32>,
        %get3A_1218 = vector.shape_cast %get3A_1217 : vector<1x1x16xf32> to vector<16xf32>
        %mul3A_1219 = arith.constant 2 : i32
        %mul3A_1220 = arith.muli %mul3A_1219, %scan3A_824 : i32
        %add3A_1221 = arith.constant 1 : i32
        %add3A_1222 = arith.addi %mul3A_1220, %add3A_1221 : i32
        %get3A_1223 = arith.constant 0 : i32
        %get3A_1224 = arith.index_cast %get3A_1223 : i32 to index
        %get3A_1225 = arith.index_cast %add3A_1222 : i32 to index
        %get3A_1226 = arith.constant 64 : index
        %get3A_1227 = tpu.vector_load %arg8[%get3A_1224, %get3A_1225, %get3A_1226] {strides = array<i32>} : memref<4x64x128xf32, #tpu.memory_space<vmem>>, vector<1x1x16xf32>,
        %get3A_1228 = vector.shape_cast %get3A_1227 : vector<1x1x16xf32> to vector<16xf32>
        %add3A_1229 = arith.addf %get3A_1218, %get3A_1228 : vector<16xf32>
        %mul3A_1230 = arith.constant 2 : i32
        %mul3A_1231 = arith.muli %mul3A_1230, %scan3A_824 : i32
        %add3A_1232 = arith.constant 1 : i32
        %add3A_1233 = arith.addi %mul3A_1231, %add3A_1232 : i32
        %swap3A_1234 = arith.constant 0 : i32
        %swap3A_1235 = arith.index_cast %swap3A_1234 : i32 to index
        %swap3A_1236 = arith.index_cast %add3A_1233 : i32 to index
        %swap3A_1237 = arith.constant 64 : index
        %swap3A_1238 = tpu.vector_load %arg9[%swap3A_1235, %swap3A_1236, %swap3A_1237] {strides = array<i32>} : memref<4x64x128xf32, #tpu.memory_space<vmem>>, vector<1x1x16xf32>,
        %swap3A_1239 = vector.shape_cast %swap3A_1238 : vector<1x1x16xf32> to vector<16xf32>
        %swap3A_1240 = vector.shape_cast %add3A_1229 : vector<16xf32> to vector<1x1x16xf32>
        tpu.vector_store %arg9[%swap3A_1235, %swap3A_1236, %swap3A_1237], %swap3A_1240 {strides = array<i32>} : memref<4x64x128xf32, #tpu.memory_space<vmem>>, vector<1x1x16xf32>,
        %mul3A_1241 = arith.constant 2 : i32
        %mul3A_1242 = arith.muli %mul3A_1241, %scan3A_824 : i32
        %add3A_1243 = arith.constant 1 : i32
        %add3A_1244 = arith.addi %mul3A_1242, %add3A_1243 : i32
        %get3A_1245 = arith.constant 0 : i32
        %get3A_1246 = arith.index_cast %get3A_1245 : i32 to index
        %get3A_1247 = arith.index_cast %add3A_1244 : i32 to index
        %get3A_1248 = arith.constant 80 : index
        %get3A_1249 = tpu.vector_load %arg9[%get3A_1246, %get3A_1247, %get3A_1248] {strides = array<i32>} : memref<4x64x128xf32, #tpu.memory_space<vmem>>, vector<1x1x16xf32>,
        %get3A_1250 = vector.shape_cast %get3A_1249 : vector<1x1x16xf32> to vector<16xf32>
        %mul3A_1251 = arith.constant 2 : i32
        %mul3A_1252 = arith.muli %mul3A_1251, %scan3A_824 : i32
        %add3A_1253 = arith.constant 1 : i32
        %add3A_1254 = arith.addi %mul3A_1252, %add3A_1253 : i32
        %get3A_1255 = arith.constant 0 : i32
        %get3A_1256 = arith.index_cast %get3A_1255 : i32 to index
        %get3A_1257 = arith.index_cast %add3A_1254 : i32 to index
        %get3A_1258 = arith.constant 80 : index
        %get3A_1259 = tpu.vector_load %arg8[%get3A_1256, %get3A_1257, %get3A_1258] {strides = array<i32>} : memref<4x64x128xf32, #tpu.memory_space<vmem>>, vector<1x1x16xf32>,
        %get3A_1260 = vector.shape_cast %get3A_1259 : vector<1x1x16xf32> to vector<16xf32>
        %add3A_1261 = arith.addf %get3A_1250, %get3A_1260 : vector<16xf32>
        %mul3A_1262 = arith.constant 2 : i32
        %mul3A_1263 = arith.muli %mul3A_1262, %scan3A_824 : i32
        %add3A_1264 = arith.constant 1 : i32
        %add3A_1265 = arith.addi %mul3A_1263, %add3A_1264 : i32
        %swap3A_1266 = arith.constant 0 : i32
        %swap3A_1267 = arith.index_cast %swap3A_1266 : i32 to index
        %swap3A_1268 = arith.index_cast %add3A_1265 : i32 to index
        %swap3A_1269 = arith.constant 80 : index
        %swap3A_1270 = tpu.vector_load %arg9[%swap3A_1267, %swap3A_1268, %swap3A_1269] {strides = array<i32>} : memref<4x64x128xf32, #tpu.memory_space<vmem>>, vector<1x1x16xf32>,
        %swap3A_1271 = vector.shape_cast %swap3A_1270 : vector<1x1x16xf32> to vector<16xf32>
        %swap3A_1272 = vector.shape_cast %add3A_1261 : vector<16xf32> to vector<1x1x16xf32>
        tpu.vector_store %arg9[%swap3A_1267, %swap3A_1268, %swap3A_1269], %swap3A_1272 {strides = array<i32>} : memref<4x64x128xf32, #tpu.memory_space<vmem>>, vector<1x1x16xf32>,
        %mul3A_1273 = arith.constant 2 : i32
        %mul3A_1274 = arith.muli %mul3A_1273, %scan3A_824 : i32
        %add3A_1275 = arith.constant 1 : i32
        %add3A_1276 = arith.addi %mul3A_1274, %add3A_1275 : i32
        %get3A_1277 = arith.constant 0 : i32
        %get3A_1278 = arith.index_cast %get3A_1277 : i32 to index
        %get3A_1279 = arith.index_cast %add3A_1276 : i32 to index
        %get3A_1280 = arith.constant 96 : index
        %get3A_1281 = tpu.vector_load %arg9[%get3A_1278, %get3A_1279, %get3A_1280] {strides = array<i32>} : memref<4x64x128xf32, #tpu.memory_space<vmem>>, vector<1x1x16xf32>,
        %get3A_1282 = vector.shape_cast %get3A_1281 : vector<1x1x16xf32> to vector<16xf32>
        %mul3A_1283 = arith.constant 2 : i32
        %mul3A_1284 = arith.muli %mul3A_1283, %scan3A_824 : i32
        %add3A_1285 = arith.constant 1 : i32
        %add3A_1286 = arith.addi %mul3A_1284, %add3A_1285 : i32
        %get3A_1287 = arith.constant 0 : i32
        %get3A_1288 = arith.index_cast %get3A_1287 : i32 to index
        %get3A_1289 = arith.index_cast %add3A_1286 : i32 to index
        %get3A_1290 = arith.constant 96 : index
        %get3A_1291 = tpu.vector_load %arg8[%get3A_1288, %get3A_1289, %get3A_1290] {strides = array<i32>} : memref<4x64x128xf32, #tpu.memory_space<vmem>>, vector<1x1x16xf32>,
        %get3A_1292 = vector.shape_cast %get3A_1291 : vector<1x1x16xf32> to vector<16xf32>
        %add3A_1293 = arith.addf %get3A_1282, %get3A_1292 : vector<16xf32>
        %mul3A_1294 = arith.constant 2 : i32
        %mul3A_1295 = arith.muli %mul3A_1294, %scan3A_824 : i32
        %add3A_1296 = arith.constant 1 : i32
        %add3A_1297 = arith.addi %mul3A_1295, %add3A_1296 : i32
        %swap3A_1298 = arith.constant 0 : i32
        %swap3A_1299 = arith.index_cast %swap3A_1298 : i32 to index
        %swap3A_1300 = arith.index_cast %add3A_1297 : i32 to index
        %swap3A_1301 = arith.constant 96 : index
        %swap3A_1302 = tpu.vector_load %arg9[%swap3A_1299, %swap3A_1300, %swap3A_1301] {strides = array<i32>} : memref<4x64x128xf32, #tpu.memory_space<vmem>>, vector<1x1x16xf32>,
        %swap3A_1303 = vector.shape_cast %swap3A_1302 : vector<1x1x16xf32> to vector<16xf32>
        %swap3A_1304 = vector.shape_cast %add3A_1293 : vector<16xf32> to vector<1x1x16xf32>
        tpu.vector_store %arg9[%swap3A_1299, %swap3A_1300, %swap3A_1301], %swap3A_1304 {strides = array<i32>} : memref<4x64x128xf32, #tpu.memory_space<vmem>>, vector<1x1x16xf32>,
        %mul3A_1305 = arith.constant 2 : i32
        %mul3A_1306 = arith.muli %mul3A_1305, %scan3A_824 : i32
        %add3A_1307 = arith.constant 1 : i32
        %add3A_1308 = arith.addi %mul3A_1306, %add3A_1307 : i32
        %get3A_1309 = arith.constant 0 : i32
        %get3A_1310 = arith.index_cast %get3A_1309 : i32 to index
        %get3A_1311 = arith.index_cast %add3A_1308 : i32 to index
        %get3A_1312 = arith.constant 112 : index
        %get3A_1313 = tpu.vector_load %arg9[%get3A_1310, %get3A_1311, %get3A_1312] {strides = array<i32>} : memref<4x64x128xf32, #tpu.memory_space<vmem>>, vector<1x1x16xf32>,
        %get3A_1314 = vector.shape_cast %get3A_1313 : vector<1x1x16xf32> to vector<16xf32>
        %mul3A_1315 = arith.constant 2 : i32
        %mul3A_1316 = arith.muli %mul3A_1315, %scan3A_824 : i32
        %add3A_1317 = arith.constant 1 : i32
        %add3A_1318 = arith.addi %mul3A_1316, %add3A_1317 : i32
        %get3A_1319 = arith.constant 0 : i32
        %get3A_1320 = arith.index_cast %get3A_1319 : i32 to index
        %get3A_1321 = arith.index_cast %add3A_1318 : i32 to index
        %get3A_1322 = arith.constant 112 : index
        %get3A_1323 = tpu.vector_load %arg8[%get3A_1320, %get3A_1321, %get3A_1322] {strides = array<i32>} : memref<4x64x128xf32, #tpu.memory_space<vmem>>, vector<1x1x16xf32>,
        %get3A_1324 = vector.shape_cast %get3A_1323 : vector<1x1x16xf32> to vector<16xf32>
        %add3A_1325 = arith.addf %get3A_1314, %get3A_1324 : vector<16xf32>
        %mul3A_1326 = arith.constant 2 : i32
        %mul3A_1327 = arith.muli %mul3A_1326, %scan3A_824 : i32
        %add3A_1328 = arith.constant 1 : i32
        %add3A_1329 = arith.addi %mul3A_1327, %add3A_1328 : i32
        %swap3A_1330 = arith.constant 0 : i32
        %swap3A_1331 = arith.index_cast %swap3A_1330 : i32 to index
        %swap3A_1332 = arith.index_cast %add3A_1329 : i32 to index
        %swap3A_1333 = arith.constant 112 : index
        %swap3A_1334 = tpu.vector_load %arg9[%swap3A_1331, %swap3A_1332, %swap3A_1333] {strides = array<i32>} : memref<4x64x128xf32, #tpu.memory_space<vmem>>, vector<1x1x16xf32>,
        %swap3A_1335 = vector.shape_cast %swap3A_1334 : vector<1x1x16xf32> to vector<16xf32>
        %swap3A_1336 = vector.shape_cast %add3A_1325 : vector<16xf32> to vector<1x1x16xf32>
        tpu.vector_store %arg9[%swap3A_1331, %swap3A_1332, %swap3A_1333], %swap3A_1336 {strides = array<i32>} : memref<4x64x128xf32, #tpu.memory_space<vmem>>, vector<1x1x16xf32>,
      }
      %scan3A_422 = arith.constant 32 : i32
      %dma_start3A_423 = arith.constant 0 : i32
      %dma_start3A_424 = arith.constant 0 : i32
      %dma_start3A_425 = arith.constant 0 : i32
      %dma_start3A_426 = arith.constant 0 : i32
      %dma_start3A_427 = tpu.memref_slice %arg9[%dma_start3A_423, %dma_start3A_425, %dma_start3A_426] : memref<4x64x128xf32, #tpu.memory_space<vmem>> -> memref<1x64x128xf32, #tpu.memory_space<vmem>>
      %dma_start3A_428 = tpu.memref_squeeze %dma_start3A_427 : memref<1x64x128xf32, #tpu.memory_space<vmem>> -> memref<64x128xf32, #tpu.memory_space<vmem>>
      %dma_start3A_429 = arith.constant 0 : i32
      %dma_start3A_430 = arith.constant 0 : i32
      %dma_start3A_431 = tpu.memref_slice %arg5[%add3A_381, %dma_start3A_429, %dma_start3A_430] : memref<1024x256x128xf32, #tpu.memory_space<hbm>> -> memref<1x64x128xf32, #tpu.memory_space<hbm>>
      %dma_start3A_432 = tpu.memref_squeeze %dma_start3A_431 : memref<1x64x128xf32, #tpu.memory_space<hbm>> -> memref<64x128xf32, #tpu.memory_space<hbm>>
      %dma_start3A_433 = tpu.memref_slice %arg12[%dma_start3A_424] : memref<4x!tpu.dma_semaphore, #tpu.memory_space<semaphore_mem>> -> memref<1x!tpu.dma_semaphore, #tpu.memory_space<semaphore_mem>>
      %dma_start3A_434 = tpu.memref_squeeze %dma_start3A_433 : memref<1x!tpu.dma_semaphore, #tpu.memory_space<semaphore_mem>> -> memref<!tpu.dma_semaphore, #tpu.memory_space<semaphore_mem>>
      %dma_start3A_435 = arith.constant 0 : i32
      %dma_start3A_436 = arith.constant 0 : i32
      %dma_start3A_437 = tpu.memref_slice %arg5[%add3A_381, %dma_start3A_435, %dma_start3A_436] : memref<1024x256x128xf32, #tpu.memory_space<hbm>> -> memref<1x64x128xf32, #tpu.memory_space<hbm>>
      %dma_start3A_438 = tpu.memref_squeeze %dma_start3A_437 : memref<1x64x128xf32, #tpu.memory_space<hbm>> -> memref<64x128xf32, #tpu.memory_space<hbm>>
      %dma_start3A_439 = arith.constant 0 : i32
      %dma_start3A_440 = arith.constant 0 : i32
      %dma_start3A_441 = tpu.memref_slice %arg9[%dma_start3A_423, %dma_start3A_439, %dma_start3A_440] : memref<4x64x128xf32, #tpu.memory_space<vmem>> -> memref<1x64x128xf32, #tpu.memory_space<vmem>>
      %dma_start3A_442 = tpu.memref_squeeze %dma_start3A_441 : memref<1x64x128xf32, #tpu.memory_space<vmem>> -> memref<64x128xf32, #tpu.memory_space<vmem>>
      tpu.enqueue_dma source(%dma_start3A_442 : memref<64x128xf32, #tpu.memory_space<vmem>>) target(%dma_start3A_438 : memref<64x128xf32, #tpu.memory_space<hbm>>) target_semaphore(%dma_start3A_434 : memref<!tpu.dma_semaphore, #tpu.memory_space<semaphore_mem>>)
      %ge3A = arith.constant 1 : i32
      %ge3A_443 = arith.cmpi sge, %scan3A_380, %ge3A : i32
      %convert_element_type3A = arith.extui %ge3A_443 : i1 to i32
      %cond3A = arith.constant 0 : i32
      %cond3A_444 = arith.cmpi ne, %convert_element_type3A, %cond3A : i32
      scf.if %cond3A_444 {
        %sub3A = arith.constant 1 : i32
        %sub3A_824 = arith.subi %scan3A_380, %sub3A : i32
        %add3A_825 = arith.addi %mul3A_2, %sub3A_824 : i32
        %dma_wait3A_826 = arith.constant 3 : i32
        %dma_wait3A_827 = arith.constant 3 : i32
        %dma_wait3A_828 = arith.constant 0 : i32
        %dma_wait3A_829 = arith.constant 0 : i32
        %dma_wait3A_830 = tpu.memref_slice %arg9[%dma_wait3A_826, %dma_wait3A_828, %dma_wait3A_829] : memref<4x64x128xf32, #tpu.memory_space<vmem>> -> memref<1x64x128xf32, #tpu.memory_space<vmem>>
        %dma_wait3A_831 = tpu.memref_squeeze %dma_wait3A_830 : memref<1x64x128xf32, #tpu.memory_space<vmem>> -> memref<64x128xf32, #tpu.memory_space<vmem>>
        %dma_wait3A_832 = arith.constant 192 : i32
        %dma_wait3A_833 = arith.constant 0 : i32
        %dma_wait3A_834 = tpu.memref_slice %arg5[%add3A_825, %dma_wait3A_832, %dma_wait3A_833] : memref<1024x256x128xf32, #tpu.memory_space<hbm>> -> memref<1x64x128xf32, #tpu.memory_space<hbm>>
        %dma_wait3A_835 = tpu.memref_squeeze %dma_wait3A_834 : memref<1x64x128xf32, #tpu.memory_space<hbm>> -> memref<64x128xf32, #tpu.memory_space<hbm>>
        %dma_wait3A_836 = tpu.memref_slice %arg12[%dma_wait3A_827] : memref<4x!tpu.dma_semaphore, #tpu.memory_space<semaphore_mem>> -> memref<1x!tpu.dma_semaphore, #tpu.memory_space<semaphore_mem>>
        %dma_wait3A_837 = tpu.memref_squeeze %dma_wait3A_836 : memref<1x!tpu.dma_semaphore, #tpu.memory_space<semaphore_mem>> -> memref<!tpu.dma_semaphore, #tpu.memory_space<semaphore_mem>>
        %dma_wait3A_838 = arith.constant 192 : i32
        %dma_wait3A_839 = arith.constant 0 : i32
        %dma_wait3A_840 = tpu.memref_slice %arg5[%add3A_825, %dma_wait3A_838, %dma_wait3A_839] : memref<1024x256x128xf32, #tpu.memory_space<hbm>> -> memref<1x64x128xf32, #tpu.memory_space<hbm>>
        %dma_wait3A_841 = tpu.memref_squeeze %dma_wait3A_840 : memref<1x64x128xf32, #tpu.memory_space<hbm>> -> memref<64x128xf32, #tpu.memory_space<hbm>>
        %dma_wait3A_842 = arith.constant 0 : i32
        %dma_wait3A_843 = arith.constant 0 : i32
        %dma_wait3A_844 = tpu.memref_slice %arg9[%dma_wait3A_826, %dma_wait3A_842, %dma_wait3A_843] : memref<4x64x128xf32, #tpu.memory_space<vmem>> -> memref<1x64x128xf32, #tpu.memory_space<vmem>>
        %dma_wait3A_845 = tpu.memref_squeeze %dma_wait3A_844 : memref<1x64x128xf32, #tpu.memory_space<vmem>> -> memref<64x128xf32, #tpu.memory_space<vmem>>
        tpu.wait_dma2 semaphore(%dma_wait3A_837 : memref<!tpu.dma_semaphore, #tpu.memory_space<semaphore_mem>>) src(%dma_wait3A_845 : memref<64x128xf32, #tpu.memory_space<vmem>>) dst(%dma_wait3A_841 : memref<64x128xf32, #tpu.memory_space<hbm>>)
      } else {
      }
      %add3A_445 = arith.addi %mul3A_2, %scan3A_380 : i32
      %get3A_446 = arith.index_cast %scan3A_380 : i32 to index
      %get3A_447 = arith.constant 48 : index
      %get3A_448 = tpu.vector_load %arg6[%get3A_446, %get3A_447] {strides = array<i32>} : memref<32x64xi32, #tpu.memory_space<vmem>>, vector<1x16xi32>,
      %get3A_449 = vector.shape_cast %get3A_448 : vector<1x16xi32> to vector<16xi32>
      %add3A_450 = arith.constant 0 : i32
      %add3A_451 = vector.broadcast %add3A_450 : i32 to vector<16xi32>
      %add3A_452 = arith.addi %add3A_451, %shift_right_logical3A_4 : vector<16xi32>
      %broadcast_in_dim3A_453 = vector.shape_cast %add3A_452 : vector<16xi32> to vector<16x1xi32>
      %gather3A_454 = vector.shape_cast %broadcast_in_dim3A_453 : vector<16x1xi32> to vector<16xi32>
      %gather3A_455 = tpu.dynamic_gather %get3A_449[%gather3A_454] in [0] : vector<16xi32>, vector<16xi32> -> vector<16xi32>
      %add3A_456 = arith.constant 192 : i32
      %add3A_457 = vector.broadcast %add3A_456 : i32 to vector<16xi32>
      %add3A_458 = arith.addi %add3A_457, %iota3A : vector<16xi32>
      %mul3A_459 = arith.constant 64 : i32
      %mul3A_460 = vector.broadcast %mul3A_459 : i32 to vector<16xi32>
      %mul3A_461 = arith.muli %add3A_458, %mul3A_460 : vector<16xi32>
      %add3A_462 = arith.addi %mul3A_461, %gather3A_455 : vector<16xi32>
      %swap3A_463 = arith.constant 3 : i32
      %swap3A_464 = arith.index_cast %swap3A_463 : i32 to index
      %swap3A_465 = arith.constant 0 : index
      %swap3A_466 = tpu.vector_load %arg7[%swap3A_464, %swap3A_465] {strides = array<i32>} : memref<4x64xi32, #tpu.memory_space<vmem>>, vector<1x16xi32>,
      %swap3A_467 = vector.shape_cast %swap3A_466 : vector<1x16xi32> to vector<16xi32>
      %swap3A_468 = vector.shape_cast %add3A_462 : vector<16xi32> to vector<1x16xi32>
      tpu.vector_store %arg7[%swap3A_464, %swap3A_465], %swap3A_468 {strides = array<i32>} : memref<4x64xi32, #tpu.memory_space<vmem>>, vector<1x16xi32>,
      %add3A_469 = arith.constant 4 : i32
      %add3A_470 = vector.broadcast %add3A_469 : i32 to vector<16xi32>
      %add3A_471 = arith.addi %add3A_470, %shift_right_logical3A_4 : vector<16xi32>
      %broadcast_in_dim3A_472 = vector.shape_cast %add3A_471 : vector<16xi32> to vector<16x1xi32>
      %gather3A_473 = vector.shape_cast %broadcast_in_dim3A_472 : vector<16x1xi32> to vector<16xi32>
      %gather3A_474 = tpu.dynamic_gather %get3A_449[%gather3A_473] in [0] : vector<16xi32>, vector<16xi32> -> vector<16xi32>
      %add3A_475 = arith.constant 208 : i32
      %add3A_476 = vector.broadcast %add3A_475 : i32 to vector<16xi32>
      %add3A_477 = arith.addi %add3A_476, %iota3A : vector<16xi32>
      %mul3A_478 = arith.constant 64 : i32
      %mul3A_479 = vector.broadcast %mul3A_478 : i32 to vector<16xi32>
      %mul3A_480 = arith.muli %add3A_477, %mul3A_479 : vector<16xi32>
      %add3A_481 = arith.addi %mul3A_480, %gather3A_474 : vector<16xi32>
      %swap3A_482 = arith.constant 3 : i32
      %swap3A_483 = arith.index_cast %swap3A_482 : i32 to index
      %swap3A_484 = arith.constant 16 : index
      %swap3A_485 = tpu.vector_load %arg7[%swap3A_483, %swap3A_484] {strides = array<i32>} : memref<4x64xi32, #tpu.memory_space<vmem>>, vector<1x16xi32>,
      %swap3A_486 = vector.shape_cast %swap3A_485 : vector<1x16xi32> to vector<16xi32>
      %swap3A_487 = vector.shape_cast %add3A_481 : vector<16xi32> to vector<1x16xi32>
      tpu.vector_store %arg7[%swap3A_483, %swap3A_484], %swap3A_487 {strides = array<i32>} : memref<4x64xi32, #tpu.memory_space<vmem>>, vector<1x16xi32>,
      %add3A_488 = arith.constant 8 : i32
      %add3A_489 = vector.broadcast %add3A_488 : i32 to vector<16xi32>
      %add3A_490 = arith.addi %add3A_489, %shift_right_logical3A_4 : vector<16xi32>
      %broadcast_in_dim3A_491 = vector.shape_cast %add3A_490 : vector<16xi32> to vector<16x1xi32>
      %gather3A_492 = vector.shape_cast %broadcast_in_dim3A_491 : vector<16x1xi32> to vector<16xi32>
      %gather3A_493 = tpu.dynamic_gather %get3A_449[%gather3A_492] in [0] : vector<16xi32>, vector<16xi32> -> vector<16xi32>
      %add3A_494 = arith.constant 224 : i32
      %add3A_495 = vector.broadcast %add3A_494 : i32 to vector<16xi32>
      %add3A_496 = arith.addi %add3A_495, %iota3A : vector<16xi32>
      %mul3A_497 = arith.constant 64 : i32
      %mul3A_498 = vector.broadcast %mul3A_497 : i32 to vector<16xi32>
      %mul3A_499 = arith.muli %add3A_496, %mul3A_498 : vector<16xi32>
      %add3A_500 = arith.addi %mul3A_499, %gather3A_493 : vector<16xi32>
      %swap3A_501 = arith.constant 3 : i32
      %swap3A_502 = arith.index_cast %swap3A_501 : i32 to index
      %swap3A_503 = arith.constant 32 : index
      %swap3A_504 = tpu.vector_load %arg7[%swap3A_502, %swap3A_503] {strides = array<i32>} : memref<4x64xi32, #tpu.memory_space<vmem>>, vector<1x16xi32>,
      %swap3A_505 = vector.shape_cast %swap3A_504 : vector<1x16xi32> to vector<16xi32>
      %swap3A_506 = vector.shape_cast %add3A_500 : vector<16xi32> to vector<1x16xi32>
      tpu.vector_store %arg7[%swap3A_502, %swap3A_503], %swap3A_506 {strides = array<i32>} : memref<4x64xi32, #tpu.memory_space<vmem>>, vector<1x16xi32>,
      %add3A_507 = arith.constant 12 : i32
      %add3A_508 = vector.broadcast %add3A_507 : i32 to vector<16xi32>
      %add3A_509 = arith.addi %add3A_508, %shift_right_logical3A_4 : vector<16xi32>
      %broadcast_in_dim3A_510 = vector.shape_cast %add3A_509 : vector<16xi32> to vector<16x1xi32>
      %gather3A_511 = vector.shape_cast %broadcast_in_dim3A_510 : vector<16x1xi32> to vector<16xi32>
      %gather3A_512 = tpu.dynamic_gather %get3A_449[%gather3A_511] in [0] : vector<16xi32>, vector<16xi32> -> vector<16xi32>
      %add3A_513 = arith.constant 240 : i32
      %add3A_514 = vector.broadcast %add3A_513 : i32 to vector<16xi32>
      %add3A_515 = arith.addi %add3A_514, %iota3A : vector<16xi32>
      %mul3A_516 = arith.constant 64 : i32
      %mul3A_517 = vector.broadcast %mul3A_516 : i32 to vector<16xi32>
      %mul3A_518 = arith.muli %add3A_515, %mul3A_517 : vector<16xi32>
      %add3A_519 = arith.addi %mul3A_518, %gather3A_512 : vector<16xi32>
      %swap3A_520 = arith.constant 3 : i32
      %swap3A_521 = arith.index_cast %swap3A_520 : i32 to index
      %swap3A_522 = arith.constant 48 : index
      %swap3A_523 = tpu.vector_load %arg7[%swap3A_521, %swap3A_522] {strides = array<i32>} : memref<4x64xi32, #tpu.memory_space<vmem>>, vector<1x16xi32>,
      %swap3A_524 = vector.shape_cast %swap3A_523 : vector<1x16xi32> to vector<16xi32>
      %swap3A_525 = vector.shape_cast %add3A_519 : vector<16xi32> to vector<1x16xi32>
      tpu.vector_store %arg7[%swap3A_521, %swap3A_522], %swap3A_525 {strides = array<i32>} : memref<4x64xi32, #tpu.memory_space<vmem>>, vector<1x16xi32>,
      %dma_start3A_526 = arith.constant 3 : i32
      %dma_start3A_527 = arith.constant 3 : i32
      %dma_start3A_528 = arith.constant 0 : i32
      %dma_start3A_529 = arith.constant 0 : i32
      %dma_start3A_530 = tpu.memref_slice %arg8[%dma_start3A_526, %dma_start3A_528, %dma_start3A_529] : memref<4x64x128xf32, #tpu.memory_space<vmem>> -> memref<1x64x128xf32, #tpu.memory_space<vmem>>
      %dma_start3A_531 = tpu.memref_squeeze %dma_start3A_530 : memref<1x64x128xf32, #tpu.memory_space<vmem>> -> memref<64x128xf32, #tpu.memory_space<vmem>>
      %dma_start3A_532 = arith.constant 192 : i32
      %dma_start3A_533 = arith.constant 0 : i32
      %dma_start3A_534 = tpu.memref_slice %arg2[%add3A_445, %dma_start3A_532, %dma_start3A_533] : memref<1024x256x128xf32, #tpu.memory_space<hbm>> -> memref<1x64x128xf32, #tpu.memory_space<hbm>>
      %dma_start3A_535 = tpu.memref_squeeze %dma_start3A_534 : memref<1x64x128xf32, #tpu.memory_space<hbm>> -> memref<64x128xf32, #tpu.memory_space<hbm>>
      %dma_start3A_536 = tpu.memref_slice %arg10[%dma_start3A_527] : memref<4x!tpu.dma_semaphore, #tpu.memory_space<semaphore_mem>> -> memref<1x!tpu.dma_semaphore, #tpu.memory_space<semaphore_mem>>
      %dma_start3A_537 = tpu.memref_squeeze %dma_start3A_536 : memref<1x!tpu.dma_semaphore, #tpu.memory_space<semaphore_mem>> -> memref<!tpu.dma_semaphore, #tpu.memory_space<semaphore_mem>>
      %dma_start3A_538 = arith.constant 0 : i32
      %dma_start3A_539 = arith.constant 0 : i32
      %dma_start3A_540 = tpu.memref_slice %arg8[%dma_start3A_526, %dma_start3A_538, %dma_start3A_539] : memref<4x64x128xf32, #tpu.memory_space<vmem>> -> memref<1x64x128xf32, #tpu.memory_space<vmem>>
      %dma_start3A_541 = tpu.memref_squeeze %dma_start3A_540 : memref<1x64x128xf32, #tpu.memory_space<vmem>> -> memref<64x128xf32, #tpu.memory_space<vmem>>
      %dma_start3A_542 = arith.constant 192 : i32
      %dma_start3A_543 = arith.constant 0 : i32
      %dma_start3A_544 = tpu.memref_slice %arg2[%add3A_445, %dma_start3A_542, %dma_start3A_543] : memref<1024x256x128xf32, #tpu.memory_space<hbm>> -> memref<1x64x128xf32, #tpu.memory_space<hbm>>
      %dma_start3A_545 = tpu.memref_squeeze %dma_start3A_544 : memref<1x64x128xf32, #tpu.memory_space<hbm>> -> memref<64x128xf32, #tpu.memory_space<hbm>>
      tpu.enqueue_dma source(%dma_start3A_545 : memref<64x128xf32, #tpu.memory_space<hbm>>) target(%dma_start3A_541 : memref<64x128xf32, #tpu.memory_space<vmem>>) target_semaphore(%dma_start3A_537 : memref<!tpu.dma_semaphore, #tpu.memory_space<semaphore_mem>>)
      %dma_start3A_546 = arith.constant 3 : i32
      %dma_start3A_547 = arith.constant 3 : i32
      %dma_start3A_548 = arith.constant 3 : i32
      %dma_start3A_549 = arith.constant 0 : i32
      %dma_start3A_550 = arith.constant 0 : i32
      %dma_start3A_551 = tpu.memref_slice %arg9[%dma_start3A_547, %dma_start3A_549, %dma_start3A_550] : memref<4x64x128xf32, #tpu.memory_space<vmem>> -> memref<1x64x128xf32, #tpu.memory_space<vmem>>
      %dma_start3A_552 = tpu.memref_squeeze %dma_start3A_551 : memref<1x64x128xf32, #tpu.memory_space<vmem>> -> memref<64x128xf32, #tpu.memory_space<vmem>>
      %dma_start3A_553 = arith.constant 0 : i32
      %dma_start3A_554 = tpu.memref_slice %arg7[%dma_start3A_546, %dma_start3A_553] : memref<4x64xi32, #tpu.memory_space<vmem>> -> memref<1x64xi32, #tpu.memory_space<vmem>>
      %dma_start3A_555 = tpu.memref_squeeze %dma_start3A_554 : memref<1x64xi32, #tpu.memory_space<vmem>> -> memref<64xi32, #tpu.memory_space<vmem>>
      %dma_start3A_556 = arith.constant 0 : i32
      %dma_start3A_557 = arith.constant 0 : i32
      %dma_start3A_558 = tpu.memref_slice %arg4[%dma_start3A_556, %dma_start3A_557] : memref<16384x128xf32, #tpu.memory_space<hbm>> -> memref<16384x128xf32, #tpu.memory_space<hbm>>
      %dma_start3A_559 = tpu.memref_slice %arg11[%dma_start3A_548] : memref<4x!tpu.dma_semaphore, #tpu.memory_space<semaphore_mem>> -> memref<1x!tpu.dma_semaphore, #tpu.memory_space<semaphore_mem>>
      %dma_start3A_560 = tpu.memref_squeeze %dma_start3A_559 : memref<1x!tpu.dma_semaphore, #tpu.memory_space<semaphore_mem>> -> memref<!tpu.dma_semaphore, #tpu.memory_space<semaphore_mem>>
      tpu.enqueue_indirect_dma source(%dma_start3A_558 : memref<16384x128xf32, #tpu.memory_space<hbm>>) target(%dma_start3A_552 : memref<64x128xf32, #tpu.memory_space<vmem>>) offsets(%dma_start3A_555 : memref<64xi32, #tpu.memory_space<vmem>>) semaphore(%dma_start3A_560 : memref<!tpu.dma_semaphore, #tpu.memory_space<semaphore_mem>>)
      %add3A_561 = arith.addi %mul3A_2, %scan3A_380 : i32
      %dma_wait3A_562 = arith.constant 1 : i32
      %dma_wait3A_563 = arith.constant 1 : i32
      %dma_wait3A_564 = arith.constant 0 : i32
      %dma_wait3A_565 = arith.constant 0 : i32
      %dma_wait3A_566 = tpu.memref_slice %arg8[%dma_wait3A_562, %dma_wait3A_564, %dma_wait3A_565] : memref<4x64x128xf32, #tpu.memory_space<vmem>> -> memref<1x64x128xf32, #tpu.memory_space<vmem>>
      %dma_wait3A_567 = tpu.memref_squeeze %dma_wait3A_566 : memref<1x64x128xf32, #tpu.memory_space<vmem>> -> memref<64x128xf32, #tpu.memory_space<vmem>>
      %dma_wait3A_568 = arith.constant 64 : i32
      %dma_wait3A_569 = arith.constant 0 : i32
      %dma_wait3A_570 = tpu.memref_slice %arg2[%add3A_561, %dma_wait3A_568, %dma_wait3A_569] : memref<1024x256x128xf32, #tpu.memory_space<hbm>> -> memref<1x64x128xf32, #tpu.memory_space<hbm>>
      %dma_wait3A_571 = tpu.memref_squeeze %dma_wait3A_570 : memref<1x64x128xf32, #tpu.memory_space<hbm>> -> memref<64x128xf32, #tpu.memory_space<hbm>>
      %dma_wait3A_572 = tpu.memref_slice %arg10[%dma_wait3A_563] : memref<4x!tpu.dma_semaphore, #tpu.memory_space<semaphore_mem>> -> memref<1x!tpu.dma_semaphore, #tpu.memory_space<semaphore_mem>>
      %dma_wait3A_573 = tpu.memref_squeeze %dma_wait3A_572 : memref<1x!tpu.dma_semaphore, #tpu.memory_space<semaphore_mem>> -> memref<!tpu.dma_semaphore, #tpu.memory_space<semaphore_mem>>
      %dma_wait3A_574 = arith.constant 0 : i32
      %dma_wait3A_575 = arith.constant 0 : i32
      %dma_wait3A_576 = tpu.memref_slice %arg8[%dma_wait3A_562, %dma_wait3A_574, %dma_wait3A_575] : memref<4x64x128xf32, #tpu.memory_space<vmem>> -> memref<1x64x128xf32, #tpu.memory_space<vmem>>
      %dma_wait3A_577 = tpu.memref_squeeze %dma_wait3A_576 : memref<1x64x128xf32, #tpu.memory_space<vmem>> -> memref<64x128xf32, #tpu.memory_space<vmem>>
      %dma_wait3A_578 = arith.constant 64 : i32
      %dma_wait3A_579 = arith.constant 0 : i32
      %dma_wait3A_580 = tpu.memref_slice %arg2[%add3A_561, %dma_wait3A_578, %dma_wait3A_579] : memref<1024x256x128xf32, #tpu.memory_space<hbm>> -> memref<1x64x128xf32, #tpu.memory_space<hbm>>
      %dma_wait3A_581 = tpu.memref_squeeze %dma_wait3A_580 : memref<1x64x128xf32, #tpu.memory_space<hbm>> -> memref<64x128xf32, #tpu.memory_space<hbm>>
      tpu.wait_dma2 semaphore(%dma_wait3A_573 : memref<!tpu.dma_semaphore, #tpu.memory_space<semaphore_mem>>) src(%dma_wait3A_581 : memref<64x128xf32, #tpu.memory_space<hbm>>) dst(%dma_wait3A_577 : memref<64x128xf32, #tpu.memory_space<vmem>>)
      %dma_wait3A_582 = arith.constant 1 : i32
      %dma_wait3A_583 = arith.constant 1 : i32
      %dma_wait3A_584 = arith.constant 1 : i32
      %dma_wait3A_585 = arith.constant 0 : i32
      %dma_wait3A_586 = arith.constant 0 : i32
      %dma_wait3A_587 = tpu.memref_slice %arg9[%dma_wait3A_583, %dma_wait3A_585, %dma_wait3A_586] : memref<4x64x128xf32, #tpu.memory_space<vmem>> -> memref<1x64x128xf32, #tpu.memory_space<vmem>>
      %dma_wait3A_588 = tpu.memref_squeeze %dma_wait3A_587 : memref<1x64x128xf32, #tpu.memory_space<vmem>> -> memref<64x128xf32, #tpu.memory_space<vmem>>
      %dma_wait3A_589 = arith.constant 0 : i32
      %dma_wait3A_590 = tpu.memref_slice %arg7[%dma_wait3A_582, %dma_wait3A_589] : memref<4x64xi32, #tpu.memory_space<vmem>> -> memref<1x64xi32, #tpu.memory_space<vmem>>
      %dma_wait3A_591 = tpu.memref_squeeze %dma_wait3A_590 : memref<1x64xi32, #tpu.memory_space<vmem>> -> memref<64xi32, #tpu.memory_space<vmem>>
      %dma_wait3A_592 = arith.constant 0 : i32
      %dma_wait3A_593 = arith.constant 0 : i32
      %dma_wait3A_594 = tpu.memref_slice %arg4[%dma_wait3A_592, %dma_wait3A_593] : memref<16384x128xf32, #tpu.memory_space<hbm>> -> memref<16384x128xf32, #tpu.memory_space<hbm>>
      %dma_wait3A_595 = tpu.memref_slice %arg11[%dma_wait3A_584] : memref<4x!tpu.dma_semaphore, #tpu.memory_space<semaphore_mem>> -> memref<1x!tpu.dma_semaphore, #tpu.memory_space<semaphore_mem>>
      %dma_wait3A_596 = tpu.memref_squeeze %dma_wait3A_595 : memref<1x!tpu.dma_semaphore, #tpu.memory_space<semaphore_mem>> -> memref<!tpu.dma_semaphore, #tpu.memory_space<semaphore_mem>>
      tpu.wait_indirect_dma semaphore(%dma_wait3A_596 : memref<!tpu.dma_semaphore, #tpu.memory_space<semaphore_mem>>) src(%dma_wait3A_594 : memref<16384x128xf32, #tpu.memory_space<hbm>>) dst(%dma_wait3A_588 : memref<64x128xf32, #tpu.memory_space<vmem>>)
      %scan3A_597 = arith.constant 0 : i32
      %scan3A_598 = arith.constant 0 : i32
      %scan3A_599 = arith.constant 32 : i32
      %scan3A_600 = arith.addi %scan3A_598, %scan3A_599 : i32
      %scan3A_601 = arith.constant 1 : i32
      scf.for %scan3A_824 = %scan3A_598 to %scan3A_600 step %scan3A_601  : i32 {
        %mul3A_825 = arith.constant 2 : i32
        %mul3A_826 = arith.muli %mul3A_825, %scan3A_824 : i32
        %add3A_827 = arith.constant 0 : i32
        %add3A_828 = arith.addi %mul3A_826, %add3A_827 : i32
        %get3A_829 = arith.constant 1 : i32
        %get3A_830 = arith.index_cast %get3A_829 : i32 to index
        %get3A_831 = arith.index_cast %add3A_828 : i32 to index
        %get3A_832 = arith.constant 0 : index
        %get3A_833 = tpu.vector_load %arg9[%get3A_830, %get3A_831, %get3A_832] {strides = array<i32>} : memref<4x64x128xf32, #tpu.memory_space<vmem>>, vector<1x1x16xf32>,
        %get3A_834 = vector.shape_cast %get3A_833 : vector<1x1x16xf32> to vector<16xf32>
        %mul3A_835 = arith.constant 2 : i32
        %mul3A_836 = arith.muli %mul3A_835, %scan3A_824 : i32
        %add3A_837 = arith.constant 0 : i32
        %add3A_838 = arith.addi %mul3A_836, %add3A_837 : i32
        %get3A_839 = arith.constant 1 : i32
        %get3A_840 = arith.index_cast %get3A_839 : i32 to index
        %get3A_841 = arith.index_cast %add3A_838 : i32 to index
        %get3A_842 = arith.constant 0 : index
        %get3A_843 = tpu.vector_load %arg8[%get3A_840, %get3A_841, %get3A_842] {strides = array<i32>} : memref<4x64x128xf32, #tpu.memory_space<vmem>>, vector<1x1x16xf32>,
        %get3A_844 = vector.shape_cast %get3A_843 : vector<1x1x16xf32> to vector<16xf32>
        %add3A_845 = arith.addf %get3A_834, %get3A_844 : vector<16xf32>
        %mul3A_846 = arith.constant 2 : i32
        %mul3A_847 = arith.muli %mul3A_846, %scan3A_824 : i32
        %add3A_848 = arith.constant 0 : i32
        %add3A_849 = arith.addi %mul3A_847, %add3A_848 : i32
        %swap3A_850 = arith.constant 1 : i32
        %swap3A_851 = arith.index_cast %swap3A_850 : i32 to index
        %swap3A_852 = arith.index_cast %add3A_849 : i32 to index
        %swap3A_853 = arith.constant 0 : index
        %swap3A_854 = tpu.vector_load %arg9[%swap3A_851, %swap3A_852, %swap3A_853] {strides = array<i32>} : memref<4x64x128xf32, #tpu.memory_space<vmem>>, vector<1x1x16xf32>,
        %swap3A_855 = vector.shape_cast %swap3A_854 : vector<1x1x16xf32> to vector<16xf32>
        %swap3A_856 = vector.shape_cast %add3A_845 : vector<16xf32> to vector<1x1x16xf32>
        tpu.vector_store %arg9[%swap3A_851, %swap3A_852, %swap3A_853], %swap3A_856 {strides = array<i32>} : memref<4x64x128xf32, #tpu.memory_space<vmem>>, vector<1x1x16xf32>,
        %mul3A_857 = arith.constant 2 : i32
        %mul3A_858 = arith.muli %mul3A_857, %scan3A_824 : i32
        %add3A_859 = arith.constant 0 : i32
        %add3A_860 = arith.addi %mul3A_858, %add3A_859 : i32
        %get3A_861 = arith.constant 1 : i32
        %get3A_862 = arith.index_cast %get3A_861 : i32 to index
        %get3A_863 = arith.index_cast %add3A_860 : i32 to index
        %get3A_864 = arith.constant 16 : index
        %get3A_865 = tpu.vector_load %arg9[%get3A_862, %get3A_863, %get3A_864] {strides = array<i32>} : memref<4x64x128xf32, #tpu.memory_space<vmem>>, vector<1x1x16xf32>,
        %get3A_866 = vector.shape_cast %get3A_865 : vector<1x1x16xf32> to vector<16xf32>
        %mul3A_867 = arith.constant 2 : i32
        %mul3A_868 = arith.muli %mul3A_867, %scan3A_824 : i32
        %add3A_869 = arith.constant 0 : i32
        %add3A_870 = arith.addi %mul3A_868, %add3A_869 : i32
        %get3A_871 = arith.constant 1 : i32
        %get3A_872 = arith.index_cast %get3A_871 : i32 to index
        %get3A_873 = arith.index_cast %add3A_870 : i32 to index
        %get3A_874 = arith.constant 16 : index
        %get3A_875 = tpu.vector_load %arg8[%get3A_872, %get3A_873, %get3A_874] {strides = array<i32>} : memref<4x64x128xf32, #tpu.memory_space<vmem>>, vector<1x1x16xf32>,
        %get3A_876 = vector.shape_cast %get3A_875 : vector<1x1x16xf32> to vector<16xf32>
        %add3A_877 = arith.addf %get3A_866, %get3A_876 : vector<16xf32>
        %mul3A_878 = arith.constant 2 : i32
        %mul3A_879 = arith.muli %mul3A_878, %scan3A_824 : i32
        %add3A_880 = arith.constant 0 : i32
        %add3A_881 = arith.addi %mul3A_879, %add3A_880 : i32
        %swap3A_882 = arith.constant 1 : i32
        %swap3A_883 = arith.index_cast %swap3A_882 : i32 to index
        %swap3A_884 = arith.index_cast %add3A_881 : i32 to index
        %swap3A_885 = arith.constant 16 : index
        %swap3A_886 = tpu.vector_load %arg9[%swap3A_883, %swap3A_884, %swap3A_885] {strides = array<i32>} : memref<4x64x128xf32, #tpu.memory_space<vmem>>, vector<1x1x16xf32>,
        %swap3A_887 = vector.shape_cast %swap3A_886 : vector<1x1x16xf32> to vector<16xf32>
        %swap3A_888 = vector.shape_cast %add3A_877 : vector<16xf32> to vector<1x1x16xf32>
        tpu.vector_store %arg9[%swap3A_883, %swap3A_884, %swap3A_885], %swap3A_888 {strides = array<i32>} : memref<4x64x128xf32, #tpu.memory_space<vmem>>, vector<1x1x16xf32>,
        %mul3A_889 = arith.constant 2 : i32
        %mul3A_890 = arith.muli %mul3A_889, %scan3A_824 : i32
        %add3A_891 = arith.constant 0 : i32
        %add3A_892 = arith.addi %mul3A_890, %add3A_891 : i32
        %get3A_893 = arith.constant 1 : i32
        %get3A_894 = arith.index_cast %get3A_893 : i32 to index
        %get3A_895 = arith.index_cast %add3A_892 : i32 to index
        %get3A_896 = arith.constant 32 : index
        %get3A_897 = tpu.vector_load %arg9[%get3A_894, %get3A_895, %get3A_896] {strides = array<i32>} : memref<4x64x128xf32, #tpu.memory_space<vmem>>, vector<1x1x16xf32>,
        %get3A_898 = vector.shape_cast %get3A_897 : vector<1x1x16xf32> to vector<16xf32>
        %mul3A_899 = arith.constant 2 : i32
        %mul3A_900 = arith.muli %mul3A_899, %scan3A_824 : i32
        %add3A_901 = arith.constant 0 : i32
        %add3A_902 = arith.addi %mul3A_900, %add3A_901 : i32
        %get3A_903 = arith.constant 1 : i32
        %get3A_904 = arith.index_cast %get3A_903 : i32 to index
        %get3A_905 = arith.index_cast %add3A_902 : i32 to index
        %get3A_906 = arith.constant 32 : index
        %get3A_907 = tpu.vector_load %arg8[%get3A_904, %get3A_905, %get3A_906] {strides = array<i32>} : memref<4x64x128xf32, #tpu.memory_space<vmem>>, vector<1x1x16xf32>,
        %get3A_908 = vector.shape_cast %get3A_907 : vector<1x1x16xf32> to vector<16xf32>
        %add3A_909 = arith.addf %get3A_898, %get3A_908 : vector<16xf32>
        %mul3A_910 = arith.constant 2 : i32
        %mul3A_911 = arith.muli %mul3A_910, %scan3A_824 : i32
        %add3A_912 = arith.constant 0 : i32
        %add3A_913 = arith.addi %mul3A_911, %add3A_912 : i32
        %swap3A_914 = arith.constant 1 : i32
        %swap3A_915 = arith.index_cast %swap3A_914 : i32 to index
        %swap3A_916 = arith.index_cast %add3A_913 : i32 to index
        %swap3A_917 = arith.constant 32 : index
        %swap3A_918 = tpu.vector_load %arg9[%swap3A_915, %swap3A_916, %swap3A_917] {strides = array<i32>} : memref<4x64x128xf32, #tpu.memory_space<vmem>>, vector<1x1x16xf32>,
        %swap3A_919 = vector.shape_cast %swap3A_918 : vector<1x1x16xf32> to vector<16xf32>
        %swap3A_920 = vector.shape_cast %add3A_909 : vector<16xf32> to vector<1x1x16xf32>
        tpu.vector_store %arg9[%swap3A_915, %swap3A_916, %swap3A_917], %swap3A_920 {strides = array<i32>} : memref<4x64x128xf32, #tpu.memory_space<vmem>>, vector<1x1x16xf32>,
        %mul3A_921 = arith.constant 2 : i32
        %mul3A_922 = arith.muli %mul3A_921, %scan3A_824 : i32
        %add3A_923 = arith.constant 0 : i32
        %add3A_924 = arith.addi %mul3A_922, %add3A_923 : i32
        %get3A_925 = arith.constant 1 : i32
        %get3A_926 = arith.index_cast %get3A_925 : i32 to index
        %get3A_927 = arith.index_cast %add3A_924 : i32 to index
        %get3A_928 = arith.constant 48 : index
        %get3A_929 = tpu.vector_load %arg9[%get3A_926, %get3A_927, %get3A_928] {strides = array<i32>} : memref<4x64x128xf32, #tpu.memory_space<vmem>>, vector<1x1x16xf32>,
        %get3A_930 = vector.shape_cast %get3A_929 : vector<1x1x16xf32> to vector<16xf32>
        %mul3A_931 = arith.constant 2 : i32
        %mul3A_932 = arith.muli %mul3A_931, %scan3A_824 : i32
        %add3A_933 = arith.constant 0 : i32
        %add3A_934 = arith.addi %mul3A_932, %add3A_933 : i32
        %get3A_935 = arith.constant 1 : i32
        %get3A_936 = arith.index_cast %get3A_935 : i32 to index
        %get3A_937 = arith.index_cast %add3A_934 : i32 to index
        %get3A_938 = arith.constant 48 : index
        %get3A_939 = tpu.vector_load %arg8[%get3A_936, %get3A_937, %get3A_938] {strides = array<i32>} : memref<4x64x128xf32, #tpu.memory_space<vmem>>, vector<1x1x16xf32>,
        %get3A_940 = vector.shape_cast %get3A_939 : vector<1x1x16xf32> to vector<16xf32>
        %add3A_941 = arith.addf %get3A_930, %get3A_940 : vector<16xf32>
        %mul3A_942 = arith.constant 2 : i32
        %mul3A_943 = arith.muli %mul3A_942, %scan3A_824 : i32
        %add3A_944 = arith.constant 0 : i32
        %add3A_945 = arith.addi %mul3A_943, %add3A_944 : i32
        %swap3A_946 = arith.constant 1 : i32
        %swap3A_947 = arith.index_cast %swap3A_946 : i32 to index
        %swap3A_948 = arith.index_cast %add3A_945 : i32 to index
        %swap3A_949 = arith.constant 48 : index
        %swap3A_950 = tpu.vector_load %arg9[%swap3A_947, %swap3A_948, %swap3A_949] {strides = array<i32>} : memref<4x64x128xf32, #tpu.memory_space<vmem>>, vector<1x1x16xf32>,
        %swap3A_951 = vector.shape_cast %swap3A_950 : vector<1x1x16xf32> to vector<16xf32>
        %swap3A_952 = vector.shape_cast %add3A_941 : vector<16xf32> to vector<1x1x16xf32>
        tpu.vector_store %arg9[%swap3A_947, %swap3A_948, %swap3A_949], %swap3A_952 {strides = array<i32>} : memref<4x64x128xf32, #tpu.memory_space<vmem>>, vector<1x1x16xf32>,
        %mul3A_953 = arith.constant 2 : i32
        %mul3A_954 = arith.muli %mul3A_953, %scan3A_824 : i32
        %add3A_955 = arith.constant 0 : i32
        %add3A_956 = arith.addi %mul3A_954, %add3A_955 : i32
        %get3A_957 = arith.constant 1 : i32
        %get3A_958 = arith.index_cast %get3A_957 : i32 to index
        %get3A_959 = arith.index_cast %add3A_956 : i32 to index
        %get3A_960 = arith.constant 64 : index
        %get3A_961 = tpu.vector_load %arg9[%get3A_958, %get3A_959, %get3A_960] {strides = array<i32>} : memref<4x64x128xf32, #tpu.memory_space<vmem>>, vector<1x1x16xf32>,
        %get3A_962 = vector.shape_cast %get3A_961 : vector<1x1x16xf32> to vector<16xf32>
        %mul3A_963 = arith.constant 2 : i32
        %mul3A_964 = arith.muli %mul3A_963, %scan3A_824 : i32
        %add3A_965 = arith.constant 0 : i32
        %add3A_966 = arith.addi %mul3A_964, %add3A_965 : i32
        %get3A_967 = arith.constant 1 : i32
        %get3A_968 = arith.index_cast %get3A_967 : i32 to index
        %get3A_969 = arith.index_cast %add3A_966 : i32 to index
        %get3A_970 = arith.constant 64 : index
        %get3A_971 = tpu.vector_load %arg8[%get3A_968, %get3A_969, %get3A_970] {strides = array<i32>} : memref<4x64x128xf32, #tpu.memory_space<vmem>>, vector<1x1x16xf32>,
        %get3A_972 = vector.shape_cast %get3A_971 : vector<1x1x16xf32> to vector<16xf32>
        %add3A_973 = arith.addf %get3A_962, %get3A_972 : vector<16xf32>
        %mul3A_974 = arith.constant 2 : i32
        %mul3A_975 = arith.muli %mul3A_974, %scan3A_824 : i32
        %add3A_976 = arith.constant 0 : i32
        %add3A_977 = arith.addi %mul3A_975, %add3A_976 : i32
        %swap3A_978 = arith.constant 1 : i32
        %swap3A_979 = arith.index_cast %swap3A_978 : i32 to index
        %swap3A_980 = arith.index_cast %add3A_977 : i32 to index
        %swap3A_981 = arith.constant 64 : index
        %swap3A_982 = tpu.vector_load %arg9[%swap3A_979, %swap3A_980, %swap3A_981] {strides = array<i32>} : memref<4x64x128xf32, #tpu.memory_space<vmem>>, vector<1x1x16xf32>,
        %swap3A_983 = vector.shape_cast %swap3A_982 : vector<1x1x16xf32> to vector<16xf32>
        %swap3A_984 = vector.shape_cast %add3A_973 : vector<16xf32> to vector<1x1x16xf32>
        tpu.vector_store %arg9[%swap3A_979, %swap3A_980, %swap3A_981], %swap3A_984 {strides = array<i32>} : memref<4x64x128xf32, #tpu.memory_space<vmem>>, vector<1x1x16xf32>,
        %mul3A_985 = arith.constant 2 : i32
        %mul3A_986 = arith.muli %mul3A_985, %scan3A_824 : i32
        %add3A_987 = arith.constant 0 : i32
        %add3A_988 = arith.addi %mul3A_986, %add3A_987 : i32
        %get3A_989 = arith.constant 1 : i32
        %get3A_990 = arith.index_cast %get3A_989 : i32 to index
        %get3A_991 = arith.index_cast %add3A_988 : i32 to index
        %get3A_992 = arith.constant 80 : index
        %get3A_993 = tpu.vector_load %arg9[%get3A_990, %get3A_991, %get3A_992] {strides = array<i32>} : memref<4x64x128xf32, #tpu.memory_space<vmem>>, vector<1x1x16xf32>,
        %get3A_994 = vector.shape_cast %get3A_993 : vector<1x1x16xf32> to vector<16xf32>
        %mul3A_995 = arith.constant 2 : i32
        %mul3A_996 = arith.muli %mul3A_995, %scan3A_824 : i32
        %add3A_997 = arith.constant 0 : i32
        %add3A_998 = arith.addi %mul3A_996, %add3A_997 : i32
        %get3A_999 = arith.constant 1 : i32
        %get3A_1000 = arith.index_cast %get3A_999 : i32 to index
        %get3A_1001 = arith.index_cast %add3A_998 : i32 to index
        %get3A_1002 = arith.constant 80 : index
        %get3A_1003 = tpu.vector_load %arg8[%get3A_1000, %get3A_1001, %get3A_1002] {strides = array<i32>} : memref<4x64x128xf32, #tpu.memory_space<vmem>>, vector<1x1x16xf32>,
        %get3A_1004 = vector.shape_cast %get3A_1003 : vector<1x1x16xf32> to vector<16xf32>
        %add3A_1005 = arith.addf %get3A_994, %get3A_1004 : vector<16xf32>
        %mul3A_1006 = arith.constant 2 : i32
        %mul3A_1007 = arith.muli %mul3A_1006, %scan3A_824 : i32
        %add3A_1008 = arith.constant 0 : i32
        %add3A_1009 = arith.addi %mul3A_1007, %add3A_1008 : i32
        %swap3A_1010 = arith.constant 1 : i32
        %swap3A_1011 = arith.index_cast %swap3A_1010 : i32 to index
        %swap3A_1012 = arith.index_cast %add3A_1009 : i32 to index
        %swap3A_1013 = arith.constant 80 : index
        %swap3A_1014 = tpu.vector_load %arg9[%swap3A_1011, %swap3A_1012, %swap3A_1013] {strides = array<i32>} : memref<4x64x128xf32, #tpu.memory_space<vmem>>, vector<1x1x16xf32>,
        %swap3A_1015 = vector.shape_cast %swap3A_1014 : vector<1x1x16xf32> to vector<16xf32>
        %swap3A_1016 = vector.shape_cast %add3A_1005 : vector<16xf32> to vector<1x1x16xf32>
        tpu.vector_store %arg9[%swap3A_1011, %swap3A_1012, %swap3A_1013], %swap3A_1016 {strides = array<i32>} : memref<4x64x128xf32, #tpu.memory_space<vmem>>, vector<1x1x16xf32>,
        %mul3A_1017 = arith.constant 2 : i32
        %mul3A_1018 = arith.muli %mul3A_1017, %scan3A_824 : i32
        %add3A_1019 = arith.constant 0 : i32
        %add3A_1020 = arith.addi %mul3A_1018, %add3A_1019 : i32
        %get3A_1021 = arith.constant 1 : i32
        %get3A_1022 = arith.index_cast %get3A_1021 : i32 to index
        %get3A_1023 = arith.index_cast %add3A_1020 : i32 to index
        %get3A_1024 = arith.constant 96 : index
        %get3A_1025 = tpu.vector_load %arg9[%get3A_1022, %get3A_1023, %get3A_1024] {strides = array<i32>} : memref<4x64x128xf32, #tpu.memory_space<vmem>>, vector<1x1x16xf32>,
        %get3A_1026 = vector.shape_cast %get3A_1025 : vector<1x1x16xf32> to vector<16xf32>
        %mul3A_1027 = arith.constant 2 : i32
        %mul3A_1028 = arith.muli %mul3A_1027, %scan3A_824 : i32
        %add3A_1029 = arith.constant 0 : i32
        %add3A_1030 = arith.addi %mul3A_1028, %add3A_1029 : i32
        %get3A_1031 = arith.constant 1 : i32
        %get3A_1032 = arith.index_cast %get3A_1031 : i32 to index
        %get3A_1033 = arith.index_cast %add3A_1030 : i32 to index
        %get3A_1034 = arith.constant 96 : index
        %get3A_1035 = tpu.vector_load %arg8[%get3A_1032, %get3A_1033, %get3A_1034] {strides = array<i32>} : memref<4x64x128xf32, #tpu.memory_space<vmem>>, vector<1x1x16xf32>,
        %get3A_1036 = vector.shape_cast %get3A_1035 : vector<1x1x16xf32> to vector<16xf32>
        %add3A_1037 = arith.addf %get3A_1026, %get3A_1036 : vector<16xf32>
        %mul3A_1038 = arith.constant 2 : i32
        %mul3A_1039 = arith.muli %mul3A_1038, %scan3A_824 : i32
        %add3A_1040 = arith.constant 0 : i32
        %add3A_1041 = arith.addi %mul3A_1039, %add3A_1040 : i32
        %swap3A_1042 = arith.constant 1 : i32
        %swap3A_1043 = arith.index_cast %swap3A_1042 : i32 to index
        %swap3A_1044 = arith.index_cast %add3A_1041 : i32 to index
        %swap3A_1045 = arith.constant 96 : index
        %swap3A_1046 = tpu.vector_load %arg9[%swap3A_1043, %swap3A_1044, %swap3A_1045] {strides = array<i32>} : memref<4x64x128xf32, #tpu.memory_space<vmem>>, vector<1x1x16xf32>,
        %swap3A_1047 = vector.shape_cast %swap3A_1046 : vector<1x1x16xf32> to vector<16xf32>
        %swap3A_1048 = vector.shape_cast %add3A_1037 : vector<16xf32> to vector<1x1x16xf32>
        tpu.vector_store %arg9[%swap3A_1043, %swap3A_1044, %swap3A_1045], %swap3A_1048 {strides = array<i32>} : memref<4x64x128xf32, #tpu.memory_space<vmem>>, vector<1x1x16xf32>,
        %mul3A_1049 = arith.constant 2 : i32
        %mul3A_1050 = arith.muli %mul3A_1049, %scan3A_824 : i32
        %add3A_1051 = arith.constant 0 : i32
        %add3A_1052 = arith.addi %mul3A_1050, %add3A_1051 : i32
        %get3A_1053 = arith.constant 1 : i32
        %get3A_1054 = arith.index_cast %get3A_1053 : i32 to index
        %get3A_1055 = arith.index_cast %add3A_1052 : i32 to index
        %get3A_1056 = arith.constant 112 : index
        %get3A_1057 = tpu.vector_load %arg9[%get3A_1054, %get3A_1055, %get3A_1056] {strides = array<i32>} : memref<4x64x128xf32, #tpu.memory_space<vmem>>, vector<1x1x16xf32>,
        %get3A_1058 = vector.shape_cast %get3A_1057 : vector<1x1x16xf32> to vector<16xf32>
        %mul3A_1059 = arith.constant 2 : i32
        %mul3A_1060 = arith.muli %mul3A_1059, %scan3A_824 : i32
        %add3A_1061 = arith.constant 0 : i32
        %add3A_1062 = arith.addi %mul3A_1060, %add3A_1061 : i32
        %get3A_1063 = arith.constant 1 : i32
        %get3A_1064 = arith.index_cast %get3A_1063 : i32 to index
        %get3A_1065 = arith.index_cast %add3A_1062 : i32 to index
        %get3A_1066 = arith.constant 112 : index
        %get3A_1067 = tpu.vector_load %arg8[%get3A_1064, %get3A_1065, %get3A_1066] {strides = array<i32>} : memref<4x64x128xf32, #tpu.memory_space<vmem>>, vector<1x1x16xf32>,
        %get3A_1068 = vector.shape_cast %get3A_1067 : vector<1x1x16xf32> to vector<16xf32>
        %add3A_1069 = arith.addf %get3A_1058, %get3A_1068 : vector<16xf32>
        %mul3A_1070 = arith.constant 2 : i32
        %mul3A_1071 = arith.muli %mul3A_1070, %scan3A_824 : i32
        %add3A_1072 = arith.constant 0 : i32
        %add3A_1073 = arith.addi %mul3A_1071, %add3A_1072 : i32
        %swap3A_1074 = arith.constant 1 : i32
        %swap3A_1075 = arith.index_cast %swap3A_1074 : i32 to index
        %swap3A_1076 = arith.index_cast %add3A_1073 : i32 to index
        %swap3A_1077 = arith.constant 112 : index
        %swap3A_1078 = tpu.vector_load %arg9[%swap3A_1075, %swap3A_1076, %swap3A_1077] {strides = array<i32>} : memref<4x64x128xf32, #tpu.memory_space<vmem>>, vector<1x1x16xf32>,
        %swap3A_1079 = vector.shape_cast %swap3A_1078 : vector<1x1x16xf32> to vector<16xf32>
        %swap3A_1080 = vector.shape_cast %add3A_1069 : vector<16xf32> to vector<1x1x16xf32>
        tpu.vector_store %arg9[%swap3A_1075, %swap3A_1076, %swap3A_1077], %swap3A_1080 {strides = array<i32>} : memref<4x64x128xf32, #tpu.memory_space<vmem>>, vector<1x1x16xf32>,
        %mul3A_1081 = arith.constant 2 : i32
        %mul3A_1082 = arith.muli %mul3A_1081, %scan3A_824 : i32
        %add3A_1083 = arith.constant 1 : i32
        %add3A_1084 = arith.addi %mul3A_1082, %add3A_1083 : i32
        %get3A_1085 = arith.constant 1 : i32
        %get3A_1086 = arith.index_cast %get3A_1085 : i32 to index
        %get3A_1087 = arith.index_cast %add3A_1084 : i32 to index
        %get3A_1088 = arith.constant 0 : index
        %get3A_1089 = tpu.vector_load %arg9[%get3A_1086, %get3A_1087, %get3A_1088] {strides = array<i32>} : memref<4x64x128xf32, #tpu.memory_space<vmem>>, vector<1x1x16xf32>,
        %get3A_1090 = vector.shape_cast %get3A_1089 : vector<1x1x16xf32> to vector<16xf32>
        %mul3A_1091 = arith.constant 2 : i32
        %mul3A_1092 = arith.muli %mul3A_1091, %scan3A_824 : i32
        %add3A_1093 = arith.constant 1 : i32
        %add3A_1094 = arith.addi %mul3A_1092, %add3A_1093 : i32
        %get3A_1095 = arith.constant 1 : i32
        %get3A_1096 = arith.index_cast %get3A_1095 : i32 to index
        %get3A_1097 = arith.index_cast %add3A_1094 : i32 to index
        %get3A_1098 = arith.constant 0 : index
        %get3A_1099 = tpu.vector_load %arg8[%get3A_1096, %get3A_1097, %get3A_1098] {strides = array<i32>} : memref<4x64x128xf32, #tpu.memory_space<vmem>>, vector<1x1x16xf32>,
        %get3A_1100 = vector.shape_cast %get3A_1099 : vector<1x1x16xf32> to vector<16xf32>
        %add3A_1101 = arith.addf %get3A_1090, %get3A_1100 : vector<16xf32>
        %mul3A_1102 = arith.constant 2 : i32
        %mul3A_1103 = arith.muli %mul3A_1102, %scan3A_824 : i32
        %add3A_1104 = arith.constant 1 : i32
        %add3A_1105 = arith.addi %mul3A_1103, %add3A_1104 : i32
        %swap3A_1106 = arith.constant 1 : i32
        %swap3A_1107 = arith.index_cast %swap3A_1106 : i32 to index
        %swap3A_1108 = arith.index_cast %add3A_1105 : i32 to index
        %swap3A_1109 = arith.constant 0 : index
        %swap3A_1110 = tpu.vector_load %arg9[%swap3A_1107, %swap3A_1108, %swap3A_1109] {strides = array<i32>} : memref<4x64x128xf32, #tpu.memory_space<vmem>>, vector<1x1x16xf32>,
        %swap3A_1111 = vector.shape_cast %swap3A_1110 : vector<1x1x16xf32> to vector<16xf32>
        %swap3A_1112 = vector.shape_cast %add3A_1101 : vector<16xf32> to vector<1x1x16xf32>
        tpu.vector_store %arg9[%swap3A_1107, %swap3A_1108, %swap3A_1109], %swap3A_1112 {strides = array<i32>} : memref<4x64x128xf32, #tpu.memory_space<vmem>>, vector<1x1x16xf32>,
        %mul3A_1113 = arith.constant 2 : i32
        %mul3A_1114 = arith.muli %mul3A_1113, %scan3A_824 : i32
        %add3A_1115 = arith.constant 1 : i32
        %add3A_1116 = arith.addi %mul3A_1114, %add3A_1115 : i32
        %get3A_1117 = arith.constant 1 : i32
        %get3A_1118 = arith.index_cast %get3A_1117 : i32 to index
        %get3A_1119 = arith.index_cast %add3A_1116 : i32 to index
        %get3A_1120 = arith.constant 16 : index
        %get3A_1121 = tpu.vector_load %arg9[%get3A_1118, %get3A_1119, %get3A_1120] {strides = array<i32>} : memref<4x64x128xf32, #tpu.memory_space<vmem>>, vector<1x1x16xf32>,
        %get3A_1122 = vector.shape_cast %get3A_1121 : vector<1x1x16xf32> to vector<16xf32>
        %mul3A_1123 = arith.constant 2 : i32
        %mul3A_1124 = arith.muli %mul3A_1123, %scan3A_824 : i32
        %add3A_1125 = arith.constant 1 : i32
        %add3A_1126 = arith.addi %mul3A_1124, %add3A_1125 : i32
        %get3A_1127 = arith.constant 1 : i32
        %get3A_1128 = arith.index_cast %get3A_1127 : i32 to index
        %get3A_1129 = arith.index_cast %add3A_1126 : i32 to index
        %get3A_1130 = arith.constant 16 : index
        %get3A_1131 = tpu.vector_load %arg8[%get3A_1128, %get3A_1129, %get3A_1130] {strides = array<i32>} : memref<4x64x128xf32, #tpu.memory_space<vmem>>, vector<1x1x16xf32>,
        %get3A_1132 = vector.shape_cast %get3A_1131 : vector<1x1x16xf32> to vector<16xf32>
        %add3A_1133 = arith.addf %get3A_1122, %get3A_1132 : vector<16xf32>
        %mul3A_1134 = arith.constant 2 : i32
        %mul3A_1135 = arith.muli %mul3A_1134, %scan3A_824 : i32
        %add3A_1136 = arith.constant 1 : i32
        %add3A_1137 = arith.addi %mul3A_1135, %add3A_1136 : i32
        %swap3A_1138 = arith.constant 1 : i32
        %swap3A_1139 = arith.index_cast %swap3A_1138 : i32 to index
        %swap3A_1140 = arith.index_cast %add3A_1137 : i32 to index
        %swap3A_1141 = arith.constant 16 : index
        %swap3A_1142 = tpu.vector_load %arg9[%swap3A_1139, %swap3A_1140, %swap3A_1141] {strides = array<i32>} : memref<4x64x128xf32, #tpu.memory_space<vmem>>, vector<1x1x16xf32>,
        %swap3A_1143 = vector.shape_cast %swap3A_1142 : vector<1x1x16xf32> to vector<16xf32>
        %swap3A_1144 = vector.shape_cast %add3A_1133 : vector<16xf32> to vector<1x1x16xf32>
        tpu.vector_store %arg9[%swap3A_1139, %swap3A_1140, %swap3A_1141], %swap3A_1144 {strides = array<i32>} : memref<4x64x128xf32, #tpu.memory_space<vmem>>, vector<1x1x16xf32>,
        %mul3A_1145 = arith.constant 2 : i32
        %mul3A_1146 = arith.muli %mul3A_1145, %scan3A_824 : i32
        %add3A_1147 = arith.constant 1 : i32
        %add3A_1148 = arith.addi %mul3A_1146, %add3A_1147 : i32
        %get3A_1149 = arith.constant 1 : i32
        %get3A_1150 = arith.index_cast %get3A_1149 : i32 to index
        %get3A_1151 = arith.index_cast %add3A_1148 : i32 to index
        %get3A_1152 = arith.constant 32 : index
        %get3A_1153 = tpu.vector_load %arg9[%get3A_1150, %get3A_1151, %get3A_1152] {strides = array<i32>} : memref<4x64x128xf32, #tpu.memory_space<vmem>>, vector<1x1x16xf32>,
        %get3A_1154 = vector.shape_cast %get3A_1153 : vector<1x1x16xf32> to vector<16xf32>
        %mul3A_1155 = arith.constant 2 : i32
        %mul3A_1156 = arith.muli %mul3A_1155, %scan3A_824 : i32
        %add3A_1157 = arith.constant 1 : i32
        %add3A_1158 = arith.addi %mul3A_1156, %add3A_1157 : i32
        %get3A_1159 = arith.constant 1 : i32
        %get3A_1160 = arith.index_cast %get3A_1159 : i32 to index
        %get3A_1161 = arith.index_cast %add3A_1158 : i32 to index
        %get3A_1162 = arith.constant 32 : index
        %get3A_1163 = tpu.vector_load %arg8[%get3A_1160, %get3A_1161, %get3A_1162] {strides = array<i32>} : memref<4x64x128xf32, #tpu.memory_space<vmem>>, vector<1x1x16xf32>,
        %get3A_1164 = vector.shape_cast %get3A_1163 : vector<1x1x16xf32> to vector<16xf32>
        %add3A_1165 = arith.addf %get3A_1154, %get3A_1164 : vector<16xf32>
        %mul3A_1166 = arith.constant 2 : i32
        %mul3A_1167 = arith.muli %mul3A_1166, %scan3A_824 : i32
        %add3A_1168 = arith.constant 1 : i32
        %add3A_1169 = arith.addi %mul3A_1167, %add3A_1168 : i32
        %swap3A_1170 = arith.constant 1 : i32
        %swap3A_1171 = arith.index_cast %swap3A_1170 : i32 to index
        %swap3A_1172 = arith.index_cast %add3A_1169 : i32 to index
        %swap3A_1173 = arith.constant 32 : index
        %swap3A_1174 = tpu.vector_load %arg9[%swap3A_1171, %swap3A_1172, %swap3A_1173] {strides = array<i32>} : memref<4x64x128xf32, #tpu.memory_space<vmem>>, vector<1x1x16xf32>,
        %swap3A_1175 = vector.shape_cast %swap3A_1174 : vector<1x1x16xf32> to vector<16xf32>
        %swap3A_1176 = vector.shape_cast %add3A_1165 : vector<16xf32> to vector<1x1x16xf32>
        tpu.vector_store %arg9[%swap3A_1171, %swap3A_1172, %swap3A_1173], %swap3A_1176 {strides = array<i32>} : memref<4x64x128xf32, #tpu.memory_space<vmem>>, vector<1x1x16xf32>,
        %mul3A_1177 = arith.constant 2 : i32
        %mul3A_1178 = arith.muli %mul3A_1177, %scan3A_824 : i32
        %add3A_1179 = arith.constant 1 : i32
        %add3A_1180 = arith.addi %mul3A_1178, %add3A_1179 : i32
        %get3A_1181 = arith.constant 1 : i32
        %get3A_1182 = arith.index_cast %get3A_1181 : i32 to index
        %get3A_1183 = arith.index_cast %add3A_1180 : i32 to index
        %get3A_1184 = arith.constant 48 : index
        %get3A_1185 = tpu.vector_load %arg9[%get3A_1182, %get3A_1183, %get3A_1184] {strides = array<i32>} : memref<4x64x128xf32, #tpu.memory_space<vmem>>, vector<1x1x16xf32>,
        %get3A_1186 = vector.shape_cast %get3A_1185 : vector<1x1x16xf32> to vector<16xf32>
        %mul3A_1187 = arith.constant 2 : i32
        %mul3A_1188 = arith.muli %mul3A_1187, %scan3A_824 : i32
        %add3A_1189 = arith.constant 1 : i32
        %add3A_1190 = arith.addi %mul3A_1188, %add3A_1189 : i32
        %get3A_1191 = arith.constant 1 : i32
        %get3A_1192 = arith.index_cast %get3A_1191 : i32 to index
        %get3A_1193 = arith.index_cast %add3A_1190 : i32 to index
        %get3A_1194 = arith.constant 48 : index
        %get3A_1195 = tpu.vector_load %arg8[%get3A_1192, %get3A_1193, %get3A_1194] {strides = array<i32>} : memref<4x64x128xf32, #tpu.memory_space<vmem>>, vector<1x1x16xf32>,
        %get3A_1196 = vector.shape_cast %get3A_1195 : vector<1x1x16xf32> to vector<16xf32>
        %add3A_1197 = arith.addf %get3A_1186, %get3A_1196 : vector<16xf32>
        %mul3A_1198 = arith.constant 2 : i32
        %mul3A_1199 = arith.muli %mul3A_1198, %scan3A_824 : i32
        %add3A_1200 = arith.constant 1 : i32
        %add3A_1201 = arith.addi %mul3A_1199, %add3A_1200 : i32
        %swap3A_1202 = arith.constant 1 : i32
        %swap3A_1203 = arith.index_cast %swap3A_1202 : i32 to index
        %swap3A_1204 = arith.index_cast %add3A_1201 : i32 to index
        %swap3A_1205 = arith.constant 48 : index
        %swap3A_1206 = tpu.vector_load %arg9[%swap3A_1203, %swap3A_1204, %swap3A_1205] {strides = array<i32>} : memref<4x64x128xf32, #tpu.memory_space<vmem>>, vector<1x1x16xf32>,
        %swap3A_1207 = vector.shape_cast %swap3A_1206 : vector<1x1x16xf32> to vector<16xf32>
        %swap3A_1208 = vector.shape_cast %add3A_1197 : vector<16xf32> to vector<1x1x16xf32>
        tpu.vector_store %arg9[%swap3A_1203, %swap3A_1204, %swap3A_1205], %swap3A_1208 {strides = array<i32>} : memref<4x64x128xf32, #tpu.memory_space<vmem>>, vector<1x1x16xf32>,
        %mul3A_1209 = arith.constant 2 : i32
        %mul3A_1210 = arith.muli %mul3A_1209, %scan3A_824 : i32
        %add3A_1211 = arith.constant 1 : i32
        %add3A_1212 = arith.addi %mul3A_1210, %add3A_1211 : i32
        %get3A_1213 = arith.constant 1 : i32
        %get3A_1214 = arith.index_cast %get3A_1213 : i32 to index
        %get3A_1215 = arith.index_cast %add3A_1212 : i32 to index
        %get3A_1216 = arith.constant 64 : index
        %get3A_1217 = tpu.vector_load %arg9[%get3A_1214, %get3A_1215, %get3A_1216] {strides = array<i32>} : memref<4x64x128xf32, #tpu.memory_space<vmem>>, vector<1x1x16xf32>,
        %get3A_1218 = vector.shape_cast %get3A_1217 : vector<1x1x16xf32> to vector<16xf32>
        %mul3A_1219 = arith.constant 2 : i32
        %mul3A_1220 = arith.muli %mul3A_1219, %scan3A_824 : i32
        %add3A_1221 = arith.constant 1 : i32
        %add3A_1222 = arith.addi %mul3A_1220, %add3A_1221 : i32
        %get3A_1223 = arith.constant 1 : i32
        %get3A_1224 = arith.index_cast %get3A_1223 : i32 to index
        %get3A_1225 = arith.index_cast %add3A_1222 : i32 to index
        %get3A_1226 = arith.constant 64 : index
        %get3A_1227 = tpu.vector_load %arg8[%get3A_1224, %get3A_1225, %get3A_1226] {strides = array<i32>} : memref<4x64x128xf32, #tpu.memory_space<vmem>>, vector<1x1x16xf32>,
        %get3A_1228 = vector.shape_cast %get3A_1227 : vector<1x1x16xf32> to vector<16xf32>
        %add3A_1229 = arith.addf %get3A_1218, %get3A_1228 : vector<16xf32>
        %mul3A_1230 = arith.constant 2 : i32
        %mul3A_1231 = arith.muli %mul3A_1230, %scan3A_824 : i32
        %add3A_1232 = arith.constant 1 : i32
        %add3A_1233 = arith.addi %mul3A_1231, %add3A_1232 : i32
        %swap3A_1234 = arith.constant 1 : i32
        %swap3A_1235 = arith.index_cast %swap3A_1234 : i32 to index
        %swap3A_1236 = arith.index_cast %add3A_1233 : i32 to index
        %swap3A_1237 = arith.constant 64 : index
        %swap3A_1238 = tpu.vector_load %arg9[%swap3A_1235, %swap3A_1236, %swap3A_1237] {strides = array<i32>} : memref<4x64x128xf32, #tpu.memory_space<vmem>>, vector<1x1x16xf32>,
        %swap3A_1239 = vector.shape_cast %swap3A_1238 : vector<1x1x16xf32> to vector<16xf32>
        %swap3A_1240 = vector.shape_cast %add3A_1229 : vector<16xf32> to vector<1x1x16xf32>
        tpu.vector_store %arg9[%swap3A_1235, %swap3A_1236, %swap3A_1237], %swap3A_1240 {strides = array<i32>} : memref<4x64x128xf32, #tpu.memory_space<vmem>>, vector<1x1x16xf32>,
        %mul3A_1241 = arith.constant 2 : i32
        %mul3A_1242 = arith.muli %mul3A_1241, %scan3A_824 : i32
        %add3A_1243 = arith.constant 1 : i32
        %add3A_1244 = arith.addi %mul3A_1242, %add3A_1243 : i32
        %get3A_1245 = arith.constant 1 : i32
        %get3A_1246 = arith.index_cast %get3A_1245 : i32 to index
        %get3A_1247 = arith.index_cast %add3A_1244 : i32 to index
        %get3A_1248 = arith.constant 80 : index
        %get3A_1249 = tpu.vector_load %arg9[%get3A_1246, %get3A_1247, %get3A_1248] {strides = array<i32>} : memref<4x64x128xf32, #tpu.memory_space<vmem>>, vector<1x1x16xf32>,
        %get3A_1250 = vector.shape_cast %get3A_1249 : vector<1x1x16xf32> to vector<16xf32>
        %mul3A_1251 = arith.constant 2 : i32
        %mul3A_1252 = arith.muli %mul3A_1251, %scan3A_824 : i32
        %add3A_1253 = arith.constant 1 : i32
        %add3A_1254 = arith.addi %mul3A_1252, %add3A_1253 : i32
        %get3A_1255 = arith.constant 1 : i32
        %get3A_1256 = arith.index_cast %get3A_1255 : i32 to index
        %get3A_1257 = arith.index_cast %add3A_1254 : i32 to index
        %get3A_1258 = arith.constant 80 : index
        %get3A_1259 = tpu.vector_load %arg8[%get3A_1256, %get3A_1257, %get3A_1258] {strides = array<i32>} : memref<4x64x128xf32, #tpu.memory_space<vmem>>, vector<1x1x16xf32>,
        %get3A_1260 = vector.shape_cast %get3A_1259 : vector<1x1x16xf32> to vector<16xf32>
        %add3A_1261 = arith.addf %get3A_1250, %get3A_1260 : vector<16xf32>
        %mul3A_1262 = arith.constant 2 : i32
        %mul3A_1263 = arith.muli %mul3A_1262, %scan3A_824 : i32
        %add3A_1264 = arith.constant 1 : i32
        %add3A_1265 = arith.addi %mul3A_1263, %add3A_1264 : i32
        %swap3A_1266 = arith.constant 1 : i32
        %swap3A_1267 = arith.index_cast %swap3A_1266 : i32 to index
        %swap3A_1268 = arith.index_cast %add3A_1265 : i32 to index
        %swap3A_1269 = arith.constant 80 : index
        %swap3A_1270 = tpu.vector_load %arg9[%swap3A_1267, %swap3A_1268, %swap3A_1269] {strides = array<i32>} : memref<4x64x128xf32, #tpu.memory_space<vmem>>, vector<1x1x16xf32>,
        %swap3A_1271 = vector.shape_cast %swap3A_1270 : vector<1x1x16xf32> to vector<16xf32>
        %swap3A_1272 = vector.shape_cast %add3A_1261 : vector<16xf32> to vector<1x1x16xf32>
        tpu.vector_store %arg9[%swap3A_1267, %swap3A_1268, %swap3A_1269], %swap3A_1272 {strides = array<i32>} : memref<4x64x128xf32, #tpu.memory_space<vmem>>, vector<1x1x16xf32>,
        %mul3A_1273 = arith.constant 2 : i32
        %mul3A_1274 = arith.muli %mul3A_1273, %scan3A_824 : i32
        %add3A_1275 = arith.constant 1 : i32
        %add3A_1276 = arith.addi %mul3A_1274, %add3A_1275 : i32
        %get3A_1277 = arith.constant 1 : i32
        %get3A_1278 = arith.index_cast %get3A_1277 : i32 to index
        %get3A_1279 = arith.index_cast %add3A_1276 : i32 to index
        %get3A_1280 = arith.constant 96 : index
        %get3A_1281 = tpu.vector_load %arg9[%get3A_1278, %get3A_1279, %get3A_1280] {strides = array<i32>} : memref<4x64x128xf32, #tpu.memory_space<vmem>>, vector<1x1x16xf32>,
        %get3A_1282 = vector.shape_cast %get3A_1281 : vector<1x1x16xf32> to vector<16xf32>
        %mul3A_1283 = arith.constant 2 : i32
        %mul3A_1284 = arith.muli %mul3A_1283, %scan3A_824 : i32
        %add3A_1285 = arith.constant 1 : i32
        %add3A_1286 = arith.addi %mul3A_1284, %add3A_1285 : i32
        %get3A_1287 = arith.constant 1 : i32
        %get3A_1288 = arith.index_cast %get3A_1287 : i32 to index
        %get3A_1289 = arith.index_cast %add3A_1286 : i32 to index
        %get3A_1290 = arith.constant 96 : index
        %get3A_1291 = tpu.vector_load %arg8[%get3A_1288, %get3A_1289, %get3A_1290] {strides = array<i32>} : memref<4x64x128xf32, #tpu.memory_space<vmem>>, vector<1x1x16xf32>,
        %get3A_1292 = vector.shape_cast %get3A_1291 : vector<1x1x16xf32> to vector<16xf32>
        %add3A_1293 = arith.addf %get3A_1282, %get3A_1292 : vector<16xf32>
        %mul3A_1294 = arith.constant 2 : i32
        %mul3A_1295 = arith.muli %mul3A_1294, %scan3A_824 : i32
        %add3A_1296 = arith.constant 1 : i32
        %add3A_1297 = arith.addi %mul3A_1295, %add3A_1296 : i32
        %swap3A_1298 = arith.constant 1 : i32
        %swap3A_1299 = arith.index_cast %swap3A_1298 : i32 to index
        %swap3A_1300 = arith.index_cast %add3A_1297 : i32 to index
        %swap3A_1301 = arith.constant 96 : index
        %swap3A_1302 = tpu.vector_load %arg9[%swap3A_1299, %swap3A_1300, %swap3A_1301] {strides = array<i32>} : memref<4x64x128xf32, #tpu.memory_space<vmem>>, vector<1x1x16xf32>,
        %swap3A_1303 = vector.shape_cast %swap3A_1302 : vector<1x1x16xf32> to vector<16xf32>
        %swap3A_1304 = vector.shape_cast %add3A_1293 : vector<16xf32> to vector<1x1x16xf32>
        tpu.vector_store %arg9[%swap3A_1299, %swap3A_1300, %swap3A_1301], %swap3A_1304 {strides = array<i32>} : memref<4x64x128xf32, #tpu.memory_space<vmem>>, vector<1x1x16xf32>,
        %mul3A_1305 = arith.constant 2 : i32
        %mul3A_1306 = arith.muli %mul3A_1305, %scan3A_824 : i32
        %add3A_1307 = arith.constant 1 : i32
        %add3A_1308 = arith.addi %mul3A_1306, %add3A_1307 : i32
        %get3A_1309 = arith.constant 1 : i32
        %get3A_1310 = arith.index_cast %get3A_1309 : i32 to index
        %get3A_1311 = arith.index_cast %add3A_1308 : i32 to index
        %get3A_1312 = arith.constant 112 : index
        %get3A_1313 = tpu.vector_load %arg9[%get3A_1310, %get3A_1311, %get3A_1312] {strides = array<i32>} : memref<4x64x128xf32, #tpu.memory_space<vmem>>, vector<1x1x16xf32>,
        %get3A_1314 = vector.shape_cast %get3A_1313 : vector<1x1x16xf32> to vector<16xf32>
        %mul3A_1315 = arith.constant 2 : i32
        %mul3A_1316 = arith.muli %mul3A_1315, %scan3A_824 : i32
        %add3A_1317 = arith.constant 1 : i32
        %add3A_1318 = arith.addi %mul3A_1316, %add3A_1317 : i32
        %get3A_1319 = arith.constant 1 : i32
        %get3A_1320 = arith.index_cast %get3A_1319 : i32 to index
        %get3A_1321 = arith.index_cast %add3A_1318 : i32 to index
        %get3A_1322 = arith.constant 112 : index
        %get3A_1323 = tpu.vector_load %arg8[%get3A_1320, %get3A_1321, %get3A_1322] {strides = array<i32>} : memref<4x64x128xf32, #tpu.memory_space<vmem>>, vector<1x1x16xf32>,
        %get3A_1324 = vector.shape_cast %get3A_1323 : vector<1x1x16xf32> to vector<16xf32>
        %add3A_1325 = arith.addf %get3A_1314, %get3A_1324 : vector<16xf32>
        %mul3A_1326 = arith.constant 2 : i32
        %mul3A_1327 = arith.muli %mul3A_1326, %scan3A_824 : i32
        %add3A_1328 = arith.constant 1 : i32
        %add3A_1329 = arith.addi %mul3A_1327, %add3A_1328 : i32
        %swap3A_1330 = arith.constant 1 : i32
        %swap3A_1331 = arith.index_cast %swap3A_1330 : i32 to index
        %swap3A_1332 = arith.index_cast %add3A_1329 : i32 to index
        %swap3A_1333 = arith.constant 112 : index
        %swap3A_1334 = tpu.vector_load %arg9[%swap3A_1331, %swap3A_1332, %swap3A_1333] {strides = array<i32>} : memref<4x64x128xf32, #tpu.memory_space<vmem>>, vector<1x1x16xf32>,
        %swap3A_1335 = vector.shape_cast %swap3A_1334 : vector<1x1x16xf32> to vector<16xf32>
        %swap3A_1336 = vector.shape_cast %add3A_1325 : vector<16xf32> to vector<1x1x16xf32>
        tpu.vector_store %arg9[%swap3A_1331, %swap3A_1332, %swap3A_1333], %swap3A_1336 {strides = array<i32>} : memref<4x64x128xf32, #tpu.memory_space<vmem>>, vector<1x1x16xf32>,
      }
      %scan3A_602 = arith.constant 32 : i32
      %dma_start3A_603 = arith.constant 1 : i32
      %dma_start3A_604 = arith.constant 1 : i32
      %dma_start3A_605 = arith.constant 0 : i32
      %dma_start3A_606 = arith.constant 0 : i32
      %dma_start3A_607 = tpu.memref_slice %arg9[%dma_start3A_603, %dma_start3A_605, %dma_start3A_606] : memref<4x64x128xf32, #tpu.memory_space<vmem>> -> memref<1x64x128xf32, #tpu.memory_space<vmem>>
      %dma_start3A_608 = tpu.memref_squeeze %dma_start3A_607 : memref<1x64x128xf32, #tpu.memory_space<vmem>> -> memref<64x128xf32, #tpu.memory_space<vmem>>
      %dma_start3A_609 = arith.constant 64 : i32
      %dma_start3A_610 = arith.constant 0 : i32
      %dma_start3A_611 = tpu.memref_slice %arg5[%add3A_561, %dma_start3A_609, %dma_start3A_610] : memref<1024x256x128xf32, #tpu.memory_space<hbm>> -> memref<1x64x128xf32, #tpu.memory_space<hbm>>
      %dma_start3A_612 = tpu.memref_squeeze %dma_start3A_611 : memref<1x64x128xf32, #tpu.memory_space<hbm>> -> memref<64x128xf32, #tpu.memory_space<hbm>>
      %dma_start3A_613 = tpu.memref_slice %arg12[%dma_start3A_604] : memref<4x!tpu.dma_semaphore, #tpu.memory_space<semaphore_mem>> -> memref<1x!tpu.dma_semaphore, #tpu.memory_space<semaphore_mem>>
      %dma_start3A_614 = tpu.memref_squeeze %dma_start3A_613 : memref<1x!tpu.dma_semaphore, #tpu.memory_space<semaphore_mem>> -> memref<!tpu.dma_semaphore, #tpu.memory_space<semaphore_mem>>
      %dma_start3A_615 = arith.constant 64 : i32
      %dma_start3A_616 = arith.constant 0 : i32
      %dma_start3A_617 = tpu.memref_slice %arg5[%add3A_561, %dma_start3A_615, %dma_start3A_616] : memref<1024x256x128xf32, #tpu.memory_space<hbm>> -> memref<1x64x128xf32, #tpu.memory_space<hbm>>
      %dma_start3A_618 = tpu.memref_squeeze %dma_start3A_617 : memref<1x64x128xf32, #tpu.memory_space<hbm>> -> memref<64x128xf32, #tpu.memory_space<hbm>>
      %dma_start3A_619 = arith.constant 0 : i32
      %dma_start3A_620 = arith.constant 0 : i32
      %dma_start3A_621 = tpu.memref_slice %arg9[%dma_start3A_603, %dma_start3A_619, %dma_start3A_620] : memref<4x64x128xf32, #tpu.memory_space<vmem>> -> memref<1x64x128xf32, #tpu.memory_space<vmem>>
      %dma_start3A_622 = tpu.memref_squeeze %dma_start3A_621 : memref<1x64x128xf32, #tpu.memory_space<vmem>> -> memref<64x128xf32, #tpu.memory_space<vmem>>
      tpu.enqueue_dma source(%dma_start3A_622 : memref<64x128xf32, #tpu.memory_space<vmem>>) target(%dma_start3A_618 : memref<64x128xf32, #tpu.memory_space<hbm>>) target_semaphore(%dma_start3A_614 : memref<!tpu.dma_semaphore, #tpu.memory_space<semaphore_mem>>)
      %add3A_623 = arith.addi %mul3A_2, %scan3A_380 : i32
      %dma_wait3A_624 = arith.constant 0 : i32
      %dma_wait3A_625 = arith.constant 0 : i32
      %dma_wait3A_626 = arith.constant 0 : i32
      %dma_wait3A_627 = arith.constant 0 : i32
      %dma_wait3A_628 = tpu.memref_slice %arg9[%dma_wait3A_624, %dma_wait3A_626, %dma_wait3A_627] : memref<4x64x128xf32, #tpu.memory_space<vmem>> -> memref<1x64x128xf32, #tpu.memory_space<vmem>>
      %dma_wait3A_629 = tpu.memref_squeeze %dma_wait3A_628 : memref<1x64x128xf32, #tpu.memory_space<vmem>> -> memref<64x128xf32, #tpu.memory_space<vmem>>
      %dma_wait3A_630 = arith.constant 0 : i32
      %dma_wait3A_631 = arith.constant 0 : i32
      %dma_wait3A_632 = tpu.memref_slice %arg5[%add3A_623, %dma_wait3A_630, %dma_wait3A_631] : memref<1024x256x128xf32, #tpu.memory_space<hbm>> -> memref<1x64x128xf32, #tpu.memory_space<hbm>>
      %dma_wait3A_633 = tpu.memref_squeeze %dma_wait3A_632 : memref<1x64x128xf32, #tpu.memory_space<hbm>> -> memref<64x128xf32, #tpu.memory_space<hbm>>
      %dma_wait3A_634 = tpu.memref_slice %arg12[%dma_wait3A_625] : memref<4x!tpu.dma_semaphore, #tpu.memory_space<semaphore_mem>> -> memref<1x!tpu.dma_semaphore, #tpu.memory_space<semaphore_mem>>
      %dma_wait3A_635 = tpu.memref_squeeze %dma_wait3A_634 : memref<1x!tpu.dma_semaphore, #tpu.memory_space<semaphore_mem>> -> memref<!tpu.dma_semaphore, #tpu.memory_space<semaphore_mem>>
      %dma_wait3A_636 = arith.constant 0 : i32
      %dma_wait3A_637 = arith.constant 0 : i32
      %dma_wait3A_638 = tpu.memref_slice %arg5[%add3A_623, %dma_wait3A_636, %dma_wait3A_637] : memref<1024x256x128xf32, #tpu.memory_space<hbm>> -> memref<1x64x128xf32, #tpu.memory_space<hbm>>
      %dma_wait3A_639 = tpu.memref_squeeze %dma_wait3A_638 : memref<1x64x128xf32, #tpu.memory_space<hbm>> -> memref<64x128xf32, #tpu.memory_space<hbm>>
      %dma_wait3A_640 = arith.constant 0 : i32
      %dma_wait3A_641 = arith.constant 0 : i32
      %dma_wait3A_642 = tpu.memref_slice %arg9[%dma_wait3A_624, %dma_wait3A_640, %dma_wait3A_641] : memref<4x64x128xf32, #tpu.memory_space<vmem>> -> memref<1x64x128xf32, #tpu.memory_space<vmem>>
      %dma_wait3A_643 = tpu.memref_squeeze %dma_wait3A_642 : memref<1x64x128xf32, #tpu.memory_space<vmem>> -> memref<64x128xf32, #tpu.memory_space<vmem>>
      tpu.wait_dma2 semaphore(%dma_wait3A_635 : memref<!tpu.dma_semaphore, #tpu.memory_space<semaphore_mem>>) src(%dma_wait3A_643 : memref<64x128xf32, #tpu.memory_space<vmem>>) dst(%dma_wait3A_639 : memref<64x128xf32, #tpu.memory_space<hbm>>)
      %lt3A = arith.constant 31 : i32
      %lt3A_644 = arith.cmpi slt, %scan3A_380, %lt3A : i32
      %convert_element_type3A_645 = arith.extui %lt3A_644 : i1 to i32
      %cond3A_646 = arith.constant 0 : i32
      %cond3A_647 = arith.cmpi ne, %convert_element_type3A_645, %cond3A_646 : i32
      scf.if %cond3A_647 {
        %add3A_824 = arith.constant 1 : i32
        %add3A_825 = arith.addi %scan3A_380, %add3A_824 : i32
        %add3A_826 = arith.addi %mul3A_2, %add3A_825 : i32
        %get3A_827 = arith.index_cast %add3A_825 : i32 to index
        %get3A_828 = arith.constant 0 : index
        %get3A_829 = tpu.vector_load %arg6[%get3A_827, %get3A_828] {strides = array<i32>} : memref<32x64xi32, #tpu.memory_space<vmem>>, vector<1x16xi32>,
        %get3A_830 = vector.shape_cast %get3A_829 : vector<1x16xi32> to vector<16xi32>
        %add3A_831 = arith.constant 0 : i32
        %add3A_832 = vector.broadcast %add3A_831 : i32 to vector<16xi32>
        %add3A_833 = arith.addi %add3A_832, %shift_right_logical3A_4 : vector<16xi32>
        %broadcast_in_dim3A_834 = vector.shape_cast %add3A_833 : vector<16xi32> to vector<16x1xi32>
        %gather3A_835 = vector.shape_cast %broadcast_in_dim3A_834 : vector<16x1xi32> to vector<16xi32>
        %gather3A_836 = tpu.dynamic_gather %get3A_830[%gather3A_835] in [0] : vector<16xi32>, vector<16xi32> -> vector<16xi32>
        %add3A_837 = arith.constant 0 : i32
        %add3A_838 = vector.broadcast %add3A_837 : i32 to vector<16xi32>
        %add3A_839 = arith.addi %add3A_838, %iota3A : vector<16xi32>
        %mul3A_840 = arith.constant 64 : i32
        %mul3A_841 = vector.broadcast %mul3A_840 : i32 to vector<16xi32>
        %mul3A_842 = arith.muli %add3A_839, %mul3A_841 : vector<16xi32>
        %add3A_843 = arith.addi %mul3A_842, %gather3A_836 : vector<16xi32>
        %swap3A_844 = arith.constant 0 : i32
        %swap3A_845 = arith.index_cast %swap3A_844 : i32 to index
        %swap3A_846 = arith.constant 0 : index
        %swap3A_847 = tpu.vector_load %arg7[%swap3A_845, %swap3A_846] {strides = array<i32>} : memref<4x64xi32, #tpu.memory_space<vmem>>, vector<1x16xi32>,
        %swap3A_848 = vector.shape_cast %swap3A_847 : vector<1x16xi32> to vector<16xi32>
        %swap3A_849 = vector.shape_cast %add3A_843 : vector<16xi32> to vector<1x16xi32>
        tpu.vector_store %arg7[%swap3A_845, %swap3A_846], %swap3A_849 {strides = array<i32>} : memref<4x64xi32, #tpu.memory_space<vmem>>, vector<1x16xi32>,
        %add3A_850 = arith.constant 4 : i32
        %add3A_851 = vector.broadcast %add3A_850 : i32 to vector<16xi32>
        %add3A_852 = arith.addi %add3A_851, %shift_right_logical3A_4 : vector<16xi32>
        %broadcast_in_dim3A_853 = vector.shape_cast %add3A_852 : vector<16xi32> to vector<16x1xi32>
        %gather3A_854 = vector.shape_cast %broadcast_in_dim3A_853 : vector<16x1xi32> to vector<16xi32>
        %gather3A_855 = tpu.dynamic_gather %get3A_830[%gather3A_854] in [0] : vector<16xi32>, vector<16xi32> -> vector<16xi32>
        %add3A_856 = arith.constant 16 : i32
        %add3A_857 = vector.broadcast %add3A_856 : i32 to vector<16xi32>
        %add3A_858 = arith.addi %add3A_857, %iota3A : vector<16xi32>
        %mul3A_859 = arith.constant 64 : i32
        %mul3A_860 = vector.broadcast %mul3A_859 : i32 to vector<16xi32>
        %mul3A_861 = arith.muli %add3A_858, %mul3A_860 : vector<16xi32>
        %add3A_862 = arith.addi %mul3A_861, %gather3A_855 : vector<16xi32>
        %swap3A_863 = arith.constant 0 : i32
        %swap3A_864 = arith.index_cast %swap3A_863 : i32 to index
        %swap3A_865 = arith.constant 16 : index
        %swap3A_866 = tpu.vector_load %arg7[%swap3A_864, %swap3A_865] {strides = array<i32>} : memref<4x64xi32, #tpu.memory_space<vmem>>, vector<1x16xi32>,
        %swap3A_867 = vector.shape_cast %swap3A_866 : vector<1x16xi32> to vector<16xi32>
        %swap3A_868 = vector.shape_cast %add3A_862 : vector<16xi32> to vector<1x16xi32>
        tpu.vector_store %arg7[%swap3A_864, %swap3A_865], %swap3A_868 {strides = array<i32>} : memref<4x64xi32, #tpu.memory_space<vmem>>, vector<1x16xi32>,
        %add3A_869 = arith.constant 8 : i32
        %add3A_870 = vector.broadcast %add3A_869 : i32 to vector<16xi32>
        %add3A_871 = arith.addi %add3A_870, %shift_right_logical3A_4 : vector<16xi32>
        %broadcast_in_dim3A_872 = vector.shape_cast %add3A_871 : vector<16xi32> to vector<16x1xi32>
        %gather3A_873 = vector.shape_cast %broadcast_in_dim3A_872 : vector<16x1xi32> to vector<16xi32>
        %gather3A_874 = tpu.dynamic_gather %get3A_830[%gather3A_873] in [0] : vector<16xi32>, vector<16xi32> -> vector<16xi32>
        %add3A_875 = arith.constant 32 : i32
        %add3A_876 = vector.broadcast %add3A_875 : i32 to vector<16xi32>
        %add3A_877 = arith.addi %add3A_876, %iota3A : vector<16xi32>
        %mul3A_878 = arith.constant 64 : i32
        %mul3A_879 = vector.broadcast %mul3A_878 : i32 to vector<16xi32>
        %mul3A_880 = arith.muli %add3A_877, %mul3A_879 : vector<16xi32>
        %add3A_881 = arith.addi %mul3A_880, %gather3A_874 : vector<16xi32>
        %swap3A_882 = arith.constant 0 : i32
        %swap3A_883 = arith.index_cast %swap3A_882 : i32 to index
        %swap3A_884 = arith.constant 32 : index
        %swap3A_885 = tpu.vector_load %arg7[%swap3A_883, %swap3A_884] {strides = array<i32>} : memref<4x64xi32, #tpu.memory_space<vmem>>, vector<1x16xi32>,
        %swap3A_886 = vector.shape_cast %swap3A_885 : vector<1x16xi32> to vector<16xi32>
        %swap3A_887 = vector.shape_cast %add3A_881 : vector<16xi32> to vector<1x16xi32>
        tpu.vector_store %arg7[%swap3A_883, %swap3A_884], %swap3A_887 {strides = array<i32>} : memref<4x64xi32, #tpu.memory_space<vmem>>, vector<1x16xi32>,
        %add3A_888 = arith.constant 12 : i32
        %add3A_889 = vector.broadcast %add3A_888 : i32 to vector<16xi32>
        %add3A_890 = arith.addi %add3A_889, %shift_right_logical3A_4 : vector<16xi32>
        %broadcast_in_dim3A_891 = vector.shape_cast %add3A_890 : vector<16xi32> to vector<16x1xi32>
        %gather3A_892 = vector.shape_cast %broadcast_in_dim3A_891 : vector<16x1xi32> to vector<16xi32>
        %gather3A_893 = tpu.dynamic_gather %get3A_830[%gather3A_892] in [0] : vector<16xi32>, vector<16xi32> -> vector<16xi32>
        %add3A_894 = arith.constant 48 : i32
        %add3A_895 = vector.broadcast %add3A_894 : i32 to vector<16xi32>
        %add3A_896 = arith.addi %add3A_895, %iota3A : vector<16xi32>
        %mul3A_897 = arith.constant 64 : i32
        %mul3A_898 = vector.broadcast %mul3A_897 : i32 to vector<16xi32>
        %mul3A_899 = arith.muli %add3A_896, %mul3A_898 : vector<16xi32>
        %add3A_900 = arith.addi %mul3A_899, %gather3A_893 : vector<16xi32>
        %swap3A_901 = arith.constant 0 : i32
        %swap3A_902 = arith.index_cast %swap3A_901 : i32 to index
        %swap3A_903 = arith.constant 48 : index
        %swap3A_904 = tpu.vector_load %arg7[%swap3A_902, %swap3A_903] {strides = array<i32>} : memref<4x64xi32, #tpu.memory_space<vmem>>, vector<1x16xi32>,
        %swap3A_905 = vector.shape_cast %swap3A_904 : vector<1x16xi32> to vector<16xi32>
        %swap3A_906 = vector.shape_cast %add3A_900 : vector<16xi32> to vector<1x16xi32>
        tpu.vector_store %arg7[%swap3A_902, %swap3A_903], %swap3A_906 {strides = array<i32>} : memref<4x64xi32, #tpu.memory_space<vmem>>, vector<1x16xi32>,
        %dma_start3A_907 = arith.constant 0 : i32
        %dma_start3A_908 = arith.constant 0 : i32
        %dma_start3A_909 = arith.constant 0 : i32
        %dma_start3A_910 = arith.constant 0 : i32
        %dma_start3A_911 = tpu.memref_slice %arg8[%dma_start3A_907, %dma_start3A_909, %dma_start3A_910] : memref<4x64x128xf32, #tpu.memory_space<vmem>> -> memref<1x64x128xf32, #tpu.memory_space<vmem>>
        %dma_start3A_912 = tpu.memref_squeeze %dma_start3A_911 : memref<1x64x128xf32, #tpu.memory_space<vmem>> -> memref<64x128xf32, #tpu.memory_space<vmem>>
        %dma_start3A_913 = arith.constant 0 : i32
        %dma_start3A_914 = arith.constant 0 : i32
        %dma_start3A_915 = tpu.memref_slice %arg2[%add3A_826, %dma_start3A_913, %dma_start3A_914] : memref<1024x256x128xf32, #tpu.memory_space<hbm>> -> memref<1x64x128xf32, #tpu.memory_space<hbm>>
        %dma_start3A_916 = tpu.memref_squeeze %dma_start3A_915 : memref<1x64x128xf32, #tpu.memory_space<hbm>> -> memref<64x128xf32, #tpu.memory_space<hbm>>
        %dma_start3A_917 = tpu.memref_slice %arg10[%dma_start3A_908] : memref<4x!tpu.dma_semaphore, #tpu.memory_space<semaphore_mem>> -> memref<1x!tpu.dma_semaphore, #tpu.memory_space<semaphore_mem>>
        %dma_start3A_918 = tpu.memref_squeeze %dma_start3A_917 : memref<1x!tpu.dma_semaphore, #tpu.memory_space<semaphore_mem>> -> memref<!tpu.dma_semaphore, #tpu.memory_space<semaphore_mem>>
        %dma_start3A_919 = arith.constant 0 : i32
        %dma_start3A_920 = arith.constant 0 : i32
        %dma_start3A_921 = tpu.memref_slice %arg8[%dma_start3A_907, %dma_start3A_919, %dma_start3A_920] : memref<4x64x128xf32, #tpu.memory_space<vmem>> -> memref<1x64x128xf32, #tpu.memory_space<vmem>>
        %dma_start3A_922 = tpu.memref_squeeze %dma_start3A_921 : memref<1x64x128xf32, #tpu.memory_space<vmem>> -> memref<64x128xf32, #tpu.memory_space<vmem>>
        %dma_start3A_923 = arith.constant 0 : i32
        %dma_start3A_924 = arith.constant 0 : i32
        %dma_start3A_925 = tpu.memref_slice %arg2[%add3A_826, %dma_start3A_923, %dma_start3A_924] : memref<1024x256x128xf32, #tpu.memory_space<hbm>> -> memref<1x64x128xf32, #tpu.memory_space<hbm>>
        %dma_start3A_926 = tpu.memref_squeeze %dma_start3A_925 : memref<1x64x128xf32, #tpu.memory_space<hbm>> -> memref<64x128xf32, #tpu.memory_space<hbm>>
        tpu.enqueue_dma source(%dma_start3A_926 : memref<64x128xf32, #tpu.memory_space<hbm>>) target(%dma_start3A_922 : memref<64x128xf32, #tpu.memory_space<vmem>>) target_semaphore(%dma_start3A_918 : memref<!tpu.dma_semaphore, #tpu.memory_space<semaphore_mem>>)
        %dma_start3A_927 = arith.constant 0 : i32
        %dma_start3A_928 = arith.constant 0 : i32
        %dma_start3A_929 = arith.constant 0 : i32
        %dma_start3A_930 = arith.constant 0 : i32
        %dma_start3A_931 = arith.constant 0 : i32
        %dma_start3A_932 = tpu.memref_slice %arg9[%dma_start3A_928, %dma_start3A_930, %dma_start3A_931] : memref<4x64x128xf32, #tpu.memory_space<vmem>> -> memref<1x64x128xf32, #tpu.memory_space<vmem>>
        %dma_start3A_933 = tpu.memref_squeeze %dma_start3A_932 : memref<1x64x128xf32, #tpu.memory_space<vmem>> -> memref<64x128xf32, #tpu.memory_space<vmem>>
        %dma_start3A_934 = arith.constant 0 : i32
        %dma_start3A_935 = tpu.memref_slice %arg7[%dma_start3A_927, %dma_start3A_934] : memref<4x64xi32, #tpu.memory_space<vmem>> -> memref<1x64xi32, #tpu.memory_space<vmem>>
        %dma_start3A_936 = tpu.memref_squeeze %dma_start3A_935 : memref<1x64xi32, #tpu.memory_space<vmem>> -> memref<64xi32, #tpu.memory_space<vmem>>
        %dma_start3A_937 = arith.constant 0 : i32
        %dma_start3A_938 = arith.constant 0 : i32
        %dma_start3A_939 = tpu.memref_slice %arg4[%dma_start3A_937, %dma_start3A_938] : memref<16384x128xf32, #tpu.memory_space<hbm>> -> memref<16384x128xf32, #tpu.memory_space<hbm>>
        %dma_start3A_940 = tpu.memref_slice %arg11[%dma_start3A_929] : memref<4x!tpu.dma_semaphore, #tpu.memory_space<semaphore_mem>> -> memref<1x!tpu.dma_semaphore, #tpu.memory_space<semaphore_mem>>
        %dma_start3A_941 = tpu.memref_squeeze %dma_start3A_940 : memref<1x!tpu.dma_semaphore, #tpu.memory_space<semaphore_mem>> -> memref<!tpu.dma_semaphore, #tpu.memory_space<semaphore_mem>>
        tpu.enqueue_indirect_dma source(%dma_start3A_939 : memref<16384x128xf32, #tpu.memory_space<hbm>>) target(%dma_start3A_933 : memref<64x128xf32, #tpu.memory_space<vmem>>) offsets(%dma_start3A_936 : memref<64xi32, #tpu.memory_space<vmem>>) semaphore(%dma_start3A_941 : memref<!tpu.dma_semaphore, #tpu.memory_space<semaphore_mem>>)
      } else {
      }
      %add3A_648 = arith.addi %mul3A_2, %scan3A_380 : i32
      %dma_wait3A_649 = arith.constant 2 : i32
      %dma_wait3A_650 = arith.constant 2 : i32
      %dma_wait3A_651 = arith.constant 0 : i32
      %dma_wait3A_652 = arith.constant 0 : i32
      %dma_wait3A_653 = tpu.memref_slice %arg8[%dma_wait3A_649, %dma_wait3A_651, %dma_wait3A_652] : memref<4x64x128xf32, #tpu.memory_space<vmem>> -> memref<1x64x128xf32, #tpu.memory_space<vmem>>
      %dma_wait3A_654 = tpu.memref_squeeze %dma_wait3A_653 : memref<1x64x128xf32, #tpu.memory_space<vmem>> -> memref<64x128xf32, #tpu.memory_space<vmem>>
      %dma_wait3A_655 = arith.constant 128 : i32
      %dma_wait3A_656 = arith.constant 0 : i32
      %dma_wait3A_657 = tpu.memref_slice %arg2[%add3A_648, %dma_wait3A_655, %dma_wait3A_656] : memref<1024x256x128xf32, #tpu.memory_space<hbm>> -> memref<1x64x128xf32, #tpu.memory_space<hbm>>
      %dma_wait3A_658 = tpu.memref_squeeze %dma_wait3A_657 : memref<1x64x128xf32, #tpu.memory_space<hbm>> -> memref<64x128xf32, #tpu.memory_space<hbm>>
      %dma_wait3A_659 = tpu.memref_slice %arg10[%dma_wait3A_650] : memref<4x!tpu.dma_semaphore, #tpu.memory_space<semaphore_mem>> -> memref<1x!tpu.dma_semaphore, #tpu.memory_space<semaphore_mem>>
      %dma_wait3A_660 = tpu.memref_squeeze %dma_wait3A_659 : memref<1x!tpu.dma_semaphore, #tpu.memory_space<semaphore_mem>> -> memref<!tpu.dma_semaphore, #tpu.memory_space<semaphore_mem>>
      %dma_wait3A_661 = arith.constant 0 : i32
      %dma_wait3A_662 = arith.constant 0 : i32
      %dma_wait3A_663 = tpu.memref_slice %arg8[%dma_wait3A_649, %dma_wait3A_661, %dma_wait3A_662] : memref<4x64x128xf32, #tpu.memory_space<vmem>> -> memref<1x64x128xf32, #tpu.memory_space<vmem>>
      %dma_wait3A_664 = tpu.memref_squeeze %dma_wait3A_663 : memref<1x64x128xf32, #tpu.memory_space<vmem>> -> memref<64x128xf32, #tpu.memory_space<vmem>>
      %dma_wait3A_665 = arith.constant 128 : i32
      %dma_wait3A_666 = arith.constant 0 : i32
      %dma_wait3A_667 = tpu.memref_slice %arg2[%add3A_648, %dma_wait3A_665, %dma_wait3A_666] : memref<1024x256x128xf32, #tpu.memory_space<hbm>> -> memref<1x64x128xf32, #tpu.memory_space<hbm>>
      %dma_wait3A_668 = tpu.memref_squeeze %dma_wait3A_667 : memref<1x64x128xf32, #tpu.memory_space<hbm>> -> memref<64x128xf32, #tpu.memory_space<hbm>>
      tpu.wait_dma2 semaphore(%dma_wait3A_660 : memref<!tpu.dma_semaphore, #tpu.memory_space<semaphore_mem>>) src(%dma_wait3A_668 : memref<64x128xf32, #tpu.memory_space<hbm>>) dst(%dma_wait3A_664 : memref<64x128xf32, #tpu.memory_space<vmem>>)
      %dma_wait3A_669 = arith.constant 2 : i32
      %dma_wait3A_670 = arith.constant 2 : i32
      %dma_wait3A_671 = arith.constant 2 : i32
      %dma_wait3A_672 = arith.constant 0 : i32
      %dma_wait3A_673 = arith.constant 0 : i32
      %dma_wait3A_674 = tpu.memref_slice %arg9[%dma_wait3A_670, %dma_wait3A_672, %dma_wait3A_673] : memref<4x64x128xf32, #tpu.memory_space<vmem>> -> memref<1x64x128xf32, #tpu.memory_space<vmem>>
      %dma_wait3A_675 = tpu.memref_squeeze %dma_wait3A_674 : memref<1x64x128xf32, #tpu.memory_space<vmem>> -> memref<64x128xf32, #tpu.memory_space<vmem>>
      %dma_wait3A_676 = arith.constant 0 : i32
      %dma_wait3A_677 = tpu.memref_slice %arg7[%dma_wait3A_669, %dma_wait3A_676] : memref<4x64xi32, #tpu.memory_space<vmem>> -> memref<1x64xi32, #tpu.memory_space<vmem>>
      %dma_wait3A_678 = tpu.memref_squeeze %dma_wait3A_677 : memref<1x64xi32, #tpu.memory_space<vmem>> -> memref<64xi32, #tpu.memory_space<vmem>>
      %dma_wait3A_679 = arith.constant 0 : i32
      %dma_wait3A_680 = arith.constant 0 : i32
      %dma_wait3A_681 = tpu.memref_slice %arg4[%dma_wait3A_679, %dma_wait3A_680] : memref<16384x128xf32, #tpu.memory_space<hbm>> -> memref<16384x128xf32, #tpu.memory_space<hbm>>
      %dma_wait3A_682 = tpu.memref_slice %arg11[%dma_wait3A_671] : memref<4x!tpu.dma_semaphore, #tpu.memory_space<semaphore_mem>> -> memref<1x!tpu.dma_semaphore, #tpu.memory_space<semaphore_mem>>
      %dma_wait3A_683 = tpu.memref_squeeze %dma_wait3A_682 : memref<1x!tpu.dma_semaphore, #tpu.memory_space<semaphore_mem>> -> memref<!tpu.dma_semaphore, #tpu.memory_space<semaphore_mem>>
      tpu.wait_indirect_dma semaphore(%dma_wait3A_683 : memref<!tpu.dma_semaphore, #tpu.memory_space<semaphore_mem>>) src(%dma_wait3A_681 : memref<16384x128xf32, #tpu.memory_space<hbm>>) dst(%dma_wait3A_675 : memref<64x128xf32, #tpu.memory_space<vmem>>)
      %scan3A_684 = arith.constant 0 : i32
      %scan3A_685 = arith.constant 0 : i32
      %scan3A_686 = arith.constant 32 : i32
      %scan3A_687 = arith.addi %scan3A_685, %scan3A_686 : i32
      %scan3A_688 = arith.constant 1 : i32
      scf.for %scan3A_824 = %scan3A_685 to %scan3A_687 step %scan3A_688  : i32 {
        %mul3A_825 = arith.constant 2 : i32
        %mul3A_826 = arith.muli %mul3A_825, %scan3A_824 : i32
        %add3A_827 = arith.constant 0 : i32
        %add3A_828 = arith.addi %mul3A_826, %add3A_827 : i32
        %get3A_829 = arith.constant 2 : i32
        %get3A_830 = arith.index_cast %get3A_829 : i32 to index
        %get3A_831 = arith.index_cast %add3A_828 : i32 to index
        %get3A_832 = arith.constant 0 : index
        %get3A_833 = tpu.vector_load %arg9[%get3A_830, %get3A_831, %get3A_832] {strides = array<i32>} : memref<4x64x128xf32, #tpu.memory_space<vmem>>, vector<1x1x16xf32>,
        %get3A_834 = vector.shape_cast %get3A_833 : vector<1x1x16xf32> to vector<16xf32>
        %mul3A_835 = arith.constant 2 : i32
        %mul3A_836 = arith.muli %mul3A_835, %scan3A_824 : i32
        %add3A_837 = arith.constant 0 : i32
        %add3A_838 = arith.addi %mul3A_836, %add3A_837 : i32
        %get3A_839 = arith.constant 2 : i32
        %get3A_840 = arith.index_cast %get3A_839 : i32 to index
        %get3A_841 = arith.index_cast %add3A_838 : i32 to index
        %get3A_842 = arith.constant 0 : index
        %get3A_843 = tpu.vector_load %arg8[%get3A_840, %get3A_841, %get3A_842] {strides = array<i32>} : memref<4x64x128xf32, #tpu.memory_space<vmem>>, vector<1x1x16xf32>,
        %get3A_844 = vector.shape_cast %get3A_843 : vector<1x1x16xf32> to vector<16xf32>
        %add3A_845 = arith.addf %get3A_834, %get3A_844 : vector<16xf32>
        %mul3A_846 = arith.constant 2 : i32
        %mul3A_847 = arith.muli %mul3A_846, %scan3A_824 : i32
        %add3A_848 = arith.constant 0 : i32
        %add3A_849 = arith.addi %mul3A_847, %add3A_848 : i32
        %swap3A_850 = arith.constant 2 : i32
        %swap3A_851 = arith.index_cast %swap3A_850 : i32 to index
        %swap3A_852 = arith.index_cast %add3A_849 : i32 to index
        %swap3A_853 = arith.constant 0 : index
        %swap3A_854 = tpu.vector_load %arg9[%swap3A_851, %swap3A_852, %swap3A_853] {strides = array<i32>} : memref<4x64x128xf32, #tpu.memory_space<vmem>>, vector<1x1x16xf32>,
        %swap3A_855 = vector.shape_cast %swap3A_854 : vector<1x1x16xf32> to vector<16xf32>
        %swap3A_856 = vector.shape_cast %add3A_845 : vector<16xf32> to vector<1x1x16xf32>
        tpu.vector_store %arg9[%swap3A_851, %swap3A_852, %swap3A_853], %swap3A_856 {strides = array<i32>} : memref<4x64x128xf32, #tpu.memory_space<vmem>>, vector<1x1x16xf32>,
        %mul3A_857 = arith.constant 2 : i32
        %mul3A_858 = arith.muli %mul3A_857, %scan3A_824 : i32
        %add3A_859 = arith.constant 0 : i32
        %add3A_860 = arith.addi %mul3A_858, %add3A_859 : i32
        %get3A_861 = arith.constant 2 : i32
        %get3A_862 = arith.index_cast %get3A_861 : i32 to index
        %get3A_863 = arith.index_cast %add3A_860 : i32 to index
        %get3A_864 = arith.constant 16 : index
        %get3A_865 = tpu.vector_load %arg9[%get3A_862, %get3A_863, %get3A_864] {strides = array<i32>} : memref<4x64x128xf32, #tpu.memory_space<vmem>>, vector<1x1x16xf32>,
        %get3A_866 = vector.shape_cast %get3A_865 : vector<1x1x16xf32> to vector<16xf32>
        %mul3A_867 = arith.constant 2 : i32
        %mul3A_868 = arith.muli %mul3A_867, %scan3A_824 : i32
        %add3A_869 = arith.constant 0 : i32
        %add3A_870 = arith.addi %mul3A_868, %add3A_869 : i32
        %get3A_871 = arith.constant 2 : i32
        %get3A_872 = arith.index_cast %get3A_871 : i32 to index
        %get3A_873 = arith.index_cast %add3A_870 : i32 to index
        %get3A_874 = arith.constant 16 : index
        %get3A_875 = tpu.vector_load %arg8[%get3A_872, %get3A_873, %get3A_874] {strides = array<i32>} : memref<4x64x128xf32, #tpu.memory_space<vmem>>, vector<1x1x16xf32>,
        %get3A_876 = vector.shape_cast %get3A_875 : vector<1x1x16xf32> to vector<16xf32>
        %add3A_877 = arith.addf %get3A_866, %get3A_876 : vector<16xf32>
        %mul3A_878 = arith.constant 2 : i32
        %mul3A_879 = arith.muli %mul3A_878, %scan3A_824 : i32
        %add3A_880 = arith.constant 0 : i32
        %add3A_881 = arith.addi %mul3A_879, %add3A_880 : i32
        %swap3A_882 = arith.constant 2 : i32
        %swap3A_883 = arith.index_cast %swap3A_882 : i32 to index
        %swap3A_884 = arith.index_cast %add3A_881 : i32 to index
        %swap3A_885 = arith.constant 16 : index
        %swap3A_886 = tpu.vector_load %arg9[%swap3A_883, %swap3A_884, %swap3A_885] {strides = array<i32>} : memref<4x64x128xf32, #tpu.memory_space<vmem>>, vector<1x1x16xf32>,
        %swap3A_887 = vector.shape_cast %swap3A_886 : vector<1x1x16xf32> to vector<16xf32>
        %swap3A_888 = vector.shape_cast %add3A_877 : vector<16xf32> to vector<1x1x16xf32>
        tpu.vector_store %arg9[%swap3A_883, %swap3A_884, %swap3A_885], %swap3A_888 {strides = array<i32>} : memref<4x64x128xf32, #tpu.memory_space<vmem>>, vector<1x1x16xf32>,
        %mul3A_889 = arith.constant 2 : i32
        %mul3A_890 = arith.muli %mul3A_889, %scan3A_824 : i32
        %add3A_891 = arith.constant 0 : i32
        %add3A_892 = arith.addi %mul3A_890, %add3A_891 : i32
        %get3A_893 = arith.constant 2 : i32
        %get3A_894 = arith.index_cast %get3A_893 : i32 to index
        %get3A_895 = arith.index_cast %add3A_892 : i32 to index
        %get3A_896 = arith.constant 32 : index
        %get3A_897 = tpu.vector_load %arg9[%get3A_894, %get3A_895, %get3A_896] {strides = array<i32>} : memref<4x64x128xf32, #tpu.memory_space<vmem>>, vector<1x1x16xf32>,
        %get3A_898 = vector.shape_cast %get3A_897 : vector<1x1x16xf32> to vector<16xf32>
        %mul3A_899 = arith.constant 2 : i32
        %mul3A_900 = arith.muli %mul3A_899, %scan3A_824 : i32
        %add3A_901 = arith.constant 0 : i32
        %add3A_902 = arith.addi %mul3A_900, %add3A_901 : i32
        %get3A_903 = arith.constant 2 : i32
        %get3A_904 = arith.index_cast %get3A_903 : i32 to index
        %get3A_905 = arith.index_cast %add3A_902 : i32 to index
        %get3A_906 = arith.constant 32 : index
        %get3A_907 = tpu.vector_load %arg8[%get3A_904, %get3A_905, %get3A_906] {strides = array<i32>} : memref<4x64x128xf32, #tpu.memory_space<vmem>>, vector<1x1x16xf32>,
        %get3A_908 = vector.shape_cast %get3A_907 : vector<1x1x16xf32> to vector<16xf32>
        %add3A_909 = arith.addf %get3A_898, %get3A_908 : vector<16xf32>
        %mul3A_910 = arith.constant 2 : i32
        %mul3A_911 = arith.muli %mul3A_910, %scan3A_824 : i32
        %add3A_912 = arith.constant 0 : i32
        %add3A_913 = arith.addi %mul3A_911, %add3A_912 : i32
        %swap3A_914 = arith.constant 2 : i32
        %swap3A_915 = arith.index_cast %swap3A_914 : i32 to index
        %swap3A_916 = arith.index_cast %add3A_913 : i32 to index
        %swap3A_917 = arith.constant 32 : index
        %swap3A_918 = tpu.vector_load %arg9[%swap3A_915, %swap3A_916, %swap3A_917] {strides = array<i32>} : memref<4x64x128xf32, #tpu.memory_space<vmem>>, vector<1x1x16xf32>,
        %swap3A_919 = vector.shape_cast %swap3A_918 : vector<1x1x16xf32> to vector<16xf32>
        %swap3A_920 = vector.shape_cast %add3A_909 : vector<16xf32> to vector<1x1x16xf32>
        tpu.vector_store %arg9[%swap3A_915, %swap3A_916, %swap3A_917], %swap3A_920 {strides = array<i32>} : memref<4x64x128xf32, #tpu.memory_space<vmem>>, vector<1x1x16xf32>,
        %mul3A_921 = arith.constant 2 : i32
        %mul3A_922 = arith.muli %mul3A_921, %scan3A_824 : i32
        %add3A_923 = arith.constant 0 : i32
        %add3A_924 = arith.addi %mul3A_922, %add3A_923 : i32
        %get3A_925 = arith.constant 2 : i32
        %get3A_926 = arith.index_cast %get3A_925 : i32 to index
        %get3A_927 = arith.index_cast %add3A_924 : i32 to index
        %get3A_928 = arith.constant 48 : index
        %get3A_929 = tpu.vector_load %arg9[%get3A_926, %get3A_927, %get3A_928] {strides = array<i32>} : memref<4x64x128xf32, #tpu.memory_space<vmem>>, vector<1x1x16xf32>,
        %get3A_930 = vector.shape_cast %get3A_929 : vector<1x1x16xf32> to vector<16xf32>
        %mul3A_931 = arith.constant 2 : i32
        %mul3A_932 = arith.muli %mul3A_931, %scan3A_824 : i32
        %add3A_933 = arith.constant 0 : i32
        %add3A_934 = arith.addi %mul3A_932, %add3A_933 : i32
        %get3A_935 = arith.constant 2 : i32
        %get3A_936 = arith.index_cast %get3A_935 : i32 to index
        %get3A_937 = arith.index_cast %add3A_934 : i32 to index
        %get3A_938 = arith.constant 48 : index
        %get3A_939 = tpu.vector_load %arg8[%get3A_936, %get3A_937, %get3A_938] {strides = array<i32>} : memref<4x64x128xf32, #tpu.memory_space<vmem>>, vector<1x1x16xf32>,
        %get3A_940 = vector.shape_cast %get3A_939 : vector<1x1x16xf32> to vector<16xf32>
        %add3A_941 = arith.addf %get3A_930, %get3A_940 : vector<16xf32>
        %mul3A_942 = arith.constant 2 : i32
        %mul3A_943 = arith.muli %mul3A_942, %scan3A_824 : i32
        %add3A_944 = arith.constant 0 : i32
        %add3A_945 = arith.addi %mul3A_943, %add3A_944 : i32
        %swap3A_946 = arith.constant 2 : i32
        %swap3A_947 = arith.index_cast %swap3A_946 : i32 to index
        %swap3A_948 = arith.index_cast %add3A_945 : i32 to index
        %swap3A_949 = arith.constant 48 : index
        %swap3A_950 = tpu.vector_load %arg9[%swap3A_947, %swap3A_948, %swap3A_949] {strides = array<i32>} : memref<4x64x128xf32, #tpu.memory_space<vmem>>, vector<1x1x16xf32>,
        %swap3A_951 = vector.shape_cast %swap3A_950 : vector<1x1x16xf32> to vector<16xf32>
        %swap3A_952 = vector.shape_cast %add3A_941 : vector<16xf32> to vector<1x1x16xf32>
        tpu.vector_store %arg9[%swap3A_947, %swap3A_948, %swap3A_949], %swap3A_952 {strides = array<i32>} : memref<4x64x128xf32, #tpu.memory_space<vmem>>, vector<1x1x16xf32>,
        %mul3A_953 = arith.constant 2 : i32
        %mul3A_954 = arith.muli %mul3A_953, %scan3A_824 : i32
        %add3A_955 = arith.constant 0 : i32
        %add3A_956 = arith.addi %mul3A_954, %add3A_955 : i32
        %get3A_957 = arith.constant 2 : i32
        %get3A_958 = arith.index_cast %get3A_957 : i32 to index
        %get3A_959 = arith.index_cast %add3A_956 : i32 to index
        %get3A_960 = arith.constant 64 : index
        %get3A_961 = tpu.vector_load %arg9[%get3A_958, %get3A_959, %get3A_960] {strides = array<i32>} : memref<4x64x128xf32, #tpu.memory_space<vmem>>, vector<1x1x16xf32>,
        %get3A_962 = vector.shape_cast %get3A_961 : vector<1x1x16xf32> to vector<16xf32>
        %mul3A_963 = arith.constant 2 : i32
        %mul3A_964 = arith.muli %mul3A_963, %scan3A_824 : i32
        %add3A_965 = arith.constant 0 : i32
        %add3A_966 = arith.addi %mul3A_964, %add3A_965 : i32
        %get3A_967 = arith.constant 2 : i32
        %get3A_968 = arith.index_cast %get3A_967 : i32 to index
        %get3A_969 = arith.index_cast %add3A_966 : i32 to index
        %get3A_970 = arith.constant 64 : index
        %get3A_971 = tpu.vector_load %arg8[%get3A_968, %get3A_969, %get3A_970] {strides = array<i32>} : memref<4x64x128xf32, #tpu.memory_space<vmem>>, vector<1x1x16xf32>,
        %get3A_972 = vector.shape_cast %get3A_971 : vector<1x1x16xf32> to vector<16xf32>
        %add3A_973 = arith.addf %get3A_962, %get3A_972 : vector<16xf32>
        %mul3A_974 = arith.constant 2 : i32
        %mul3A_975 = arith.muli %mul3A_974, %scan3A_824 : i32
        %add3A_976 = arith.constant 0 : i32
        %add3A_977 = arith.addi %mul3A_975, %add3A_976 : i32
        %swap3A_978 = arith.constant 2 : i32
        %swap3A_979 = arith.index_cast %swap3A_978 : i32 to index
        %swap3A_980 = arith.index_cast %add3A_977 : i32 to index
        %swap3A_981 = arith.constant 64 : index
        %swap3A_982 = tpu.vector_load %arg9[%swap3A_979, %swap3A_980, %swap3A_981] {strides = array<i32>} : memref<4x64x128xf32, #tpu.memory_space<vmem>>, vector<1x1x16xf32>,
        %swap3A_983 = vector.shape_cast %swap3A_982 : vector<1x1x16xf32> to vector<16xf32>
        %swap3A_984 = vector.shape_cast %add3A_973 : vector<16xf32> to vector<1x1x16xf32>
        tpu.vector_store %arg9[%swap3A_979, %swap3A_980, %swap3A_981], %swap3A_984 {strides = array<i32>} : memref<4x64x128xf32, #tpu.memory_space<vmem>>, vector<1x1x16xf32>,
        %mul3A_985 = arith.constant 2 : i32
        %mul3A_986 = arith.muli %mul3A_985, %scan3A_824 : i32
        %add3A_987 = arith.constant 0 : i32
        %add3A_988 = arith.addi %mul3A_986, %add3A_987 : i32
        %get3A_989 = arith.constant 2 : i32
        %get3A_990 = arith.index_cast %get3A_989 : i32 to index
        %get3A_991 = arith.index_cast %add3A_988 : i32 to index
        %get3A_992 = arith.constant 80 : index
        %get3A_993 = tpu.vector_load %arg9[%get3A_990, %get3A_991, %get3A_992] {strides = array<i32>} : memref<4x64x128xf32, #tpu.memory_space<vmem>>, vector<1x1x16xf32>,
        %get3A_994 = vector.shape_cast %get3A_993 : vector<1x1x16xf32> to vector<16xf32>
        %mul3A_995 = arith.constant 2 : i32
        %mul3A_996 = arith.muli %mul3A_995, %scan3A_824 : i32
        %add3A_997 = arith.constant 0 : i32
        %add3A_998 = arith.addi %mul3A_996, %add3A_997 : i32
        %get3A_999 = arith.constant 2 : i32
        %get3A_1000 = arith.index_cast %get3A_999 : i32 to index
        %get3A_1001 = arith.index_cast %add3A_998 : i32 to index
        %get3A_1002 = arith.constant 80 : index
        %get3A_1003 = tpu.vector_load %arg8[%get3A_1000, %get3A_1001, %get3A_1002] {strides = array<i32>} : memref<4x64x128xf32, #tpu.memory_space<vmem>>, vector<1x1x16xf32>,
        %get3A_1004 = vector.shape_cast %get3A_1003 : vector<1x1x16xf32> to vector<16xf32>
        %add3A_1005 = arith.addf %get3A_994, %get3A_1004 : vector<16xf32>
        %mul3A_1006 = arith.constant 2 : i32
        %mul3A_1007 = arith.muli %mul3A_1006, %scan3A_824 : i32
        %add3A_1008 = arith.constant 0 : i32
        %add3A_1009 = arith.addi %mul3A_1007, %add3A_1008 : i32
        %swap3A_1010 = arith.constant 2 : i32
        %swap3A_1011 = arith.index_cast %swap3A_1010 : i32 to index
        %swap3A_1012 = arith.index_cast %add3A_1009 : i32 to index
        %swap3A_1013 = arith.constant 80 : index
        %swap3A_1014 = tpu.vector_load %arg9[%swap3A_1011, %swap3A_1012, %swap3A_1013] {strides = array<i32>} : memref<4x64x128xf32, #tpu.memory_space<vmem>>, vector<1x1x16xf32>,
        %swap3A_1015 = vector.shape_cast %swap3A_1014 : vector<1x1x16xf32> to vector<16xf32>
        %swap3A_1016 = vector.shape_cast %add3A_1005 : vector<16xf32> to vector<1x1x16xf32>
        tpu.vector_store %arg9[%swap3A_1011, %swap3A_1012, %swap3A_1013], %swap3A_1016 {strides = array<i32>} : memref<4x64x128xf32, #tpu.memory_space<vmem>>, vector<1x1x16xf32>,
        %mul3A_1017 = arith.constant 2 : i32
        %mul3A_1018 = arith.muli %mul3A_1017, %scan3A_824 : i32
        %add3A_1019 = arith.constant 0 : i32
        %add3A_1020 = arith.addi %mul3A_1018, %add3A_1019 : i32
        %get3A_1021 = arith.constant 2 : i32
        %get3A_1022 = arith.index_cast %get3A_1021 : i32 to index
        %get3A_1023 = arith.index_cast %add3A_1020 : i32 to index
        %get3A_1024 = arith.constant 96 : index
        %get3A_1025 = tpu.vector_load %arg9[%get3A_1022, %get3A_1023, %get3A_1024] {strides = array<i32>} : memref<4x64x128xf32, #tpu.memory_space<vmem>>, vector<1x1x16xf32>,
        %get3A_1026 = vector.shape_cast %get3A_1025 : vector<1x1x16xf32> to vector<16xf32>
        %mul3A_1027 = arith.constant 2 : i32
        %mul3A_1028 = arith.muli %mul3A_1027, %scan3A_824 : i32
        %add3A_1029 = arith.constant 0 : i32
        %add3A_1030 = arith.addi %mul3A_1028, %add3A_1029 : i32
        %get3A_1031 = arith.constant 2 : i32
        %get3A_1032 = arith.index_cast %get3A_1031 : i32 to index
        %get3A_1033 = arith.index_cast %add3A_1030 : i32 to index
        %get3A_1034 = arith.constant 96 : index
        %get3A_1035 = tpu.vector_load %arg8[%get3A_1032, %get3A_1033, %get3A_1034] {strides = array<i32>} : memref<4x64x128xf32, #tpu.memory_space<vmem>>, vector<1x1x16xf32>,
        %get3A_1036 = vector.shape_cast %get3A_1035 : vector<1x1x16xf32> to vector<16xf32>
        %add3A_1037 = arith.addf %get3A_1026, %get3A_1036 : vector<16xf32>
        %mul3A_1038 = arith.constant 2 : i32
        %mul3A_1039 = arith.muli %mul3A_1038, %scan3A_824 : i32
        %add3A_1040 = arith.constant 0 : i32
        %add3A_1041 = arith.addi %mul3A_1039, %add3A_1040 : i32
        %swap3A_1042 = arith.constant 2 : i32
        %swap3A_1043 = arith.index_cast %swap3A_1042 : i32 to index
        %swap3A_1044 = arith.index_cast %add3A_1041 : i32 to index
        %swap3A_1045 = arith.constant 96 : index
        %swap3A_1046 = tpu.vector_load %arg9[%swap3A_1043, %swap3A_1044, %swap3A_1045] {strides = array<i32>} : memref<4x64x128xf32, #tpu.memory_space<vmem>>, vector<1x1x16xf32>,
        %swap3A_1047 = vector.shape_cast %swap3A_1046 : vector<1x1x16xf32> to vector<16xf32>
        %swap3A_1048 = vector.shape_cast %add3A_1037 : vector<16xf32> to vector<1x1x16xf32>
        tpu.vector_store %arg9[%swap3A_1043, %swap3A_1044, %swap3A_1045], %swap3A_1048 {strides = array<i32>} : memref<4x64x128xf32, #tpu.memory_space<vmem>>, vector<1x1x16xf32>,
        %mul3A_1049 = arith.constant 2 : i32
        %mul3A_1050 = arith.muli %mul3A_1049, %scan3A_824 : i32
        %add3A_1051 = arith.constant 0 : i32
        %add3A_1052 = arith.addi %mul3A_1050, %add3A_1051 : i32
        %get3A_1053 = arith.constant 2 : i32
        %get3A_1054 = arith.index_cast %get3A_1053 : i32 to index
        %get3A_1055 = arith.index_cast %add3A_1052 : i32 to index
        %get3A_1056 = arith.constant 112 : index
        %get3A_1057 = tpu.vector_load %arg9[%get3A_1054, %get3A_1055, %get3A_1056] {strides = array<i32>} : memref<4x64x128xf32, #tpu.memory_space<vmem>>, vector<1x1x16xf32>,
        %get3A_1058 = vector.shape_cast %get3A_1057 : vector<1x1x16xf32> to vector<16xf32>
        %mul3A_1059 = arith.constant 2 : i32
        %mul3A_1060 = arith.muli %mul3A_1059, %scan3A_824 : i32
        %add3A_1061 = arith.constant 0 : i32
        %add3A_1062 = arith.addi %mul3A_1060, %add3A_1061 : i32
        %get3A_1063 = arith.constant 2 : i32
        %get3A_1064 = arith.index_cast %get3A_1063 : i32 to index
        %get3A_1065 = arith.index_cast %add3A_1062 : i32 to index
        %get3A_1066 = arith.constant 112 : index
        %get3A_1067 = tpu.vector_load %arg8[%get3A_1064, %get3A_1065, %get3A_1066] {strides = array<i32>} : memref<4x64x128xf32, #tpu.memory_space<vmem>>, vector<1x1x16xf32>,
        %get3A_1068 = vector.shape_cast %get3A_1067 : vector<1x1x16xf32> to vector<16xf32>
        %add3A_1069 = arith.addf %get3A_1058, %get3A_1068 : vector<16xf32>
        %mul3A_1070 = arith.constant 2 : i32
        %mul3A_1071 = arith.muli %mul3A_1070, %scan3A_824 : i32
        %add3A_1072 = arith.constant 0 : i32
        %add3A_1073 = arith.addi %mul3A_1071, %add3A_1072 : i32
        %swap3A_1074 = arith.constant 2 : i32
        %swap3A_1075 = arith.index_cast %swap3A_1074 : i32 to index
        %swap3A_1076 = arith.index_cast %add3A_1073 : i32 to index
        %swap3A_1077 = arith.constant 112 : index
        %swap3A_1078 = tpu.vector_load %arg9[%swap3A_1075, %swap3A_1076, %swap3A_1077] {strides = array<i32>} : memref<4x64x128xf32, #tpu.memory_space<vmem>>, vector<1x1x16xf32>,
        %swap3A_1079 = vector.shape_cast %swap3A_1078 : vector<1x1x16xf32> to vector<16xf32>
        %swap3A_1080 = vector.shape_cast %add3A_1069 : vector<16xf32> to vector<1x1x16xf32>
        tpu.vector_store %arg9[%swap3A_1075, %swap3A_1076, %swap3A_1077], %swap3A_1080 {strides = array<i32>} : memref<4x64x128xf32, #tpu.memory_space<vmem>>, vector<1x1x16xf32>,
        %mul3A_1081 = arith.constant 2 : i32
        %mul3A_1082 = arith.muli %mul3A_1081, %scan3A_824 : i32
        %add3A_1083 = arith.constant 1 : i32
        %add3A_1084 = arith.addi %mul3A_1082, %add3A_1083 : i32
        %get3A_1085 = arith.constant 2 : i32
        %get3A_1086 = arith.index_cast %get3A_1085 : i32 to index
        %get3A_1087 = arith.index_cast %add3A_1084 : i32 to index
        %get3A_1088 = arith.constant 0 : index
        %get3A_1089 = tpu.vector_load %arg9[%get3A_1086, %get3A_1087, %get3A_1088] {strides = array<i32>} : memref<4x64x128xf32, #tpu.memory_space<vmem>>, vector<1x1x16xf32>,
        %get3A_1090 = vector.shape_cast %get3A_1089 : vector<1x1x16xf32> to vector<16xf32>
        %mul3A_1091 = arith.constant 2 : i32
        %mul3A_1092 = arith.muli %mul3A_1091, %scan3A_824 : i32
        %add3A_1093 = arith.constant 1 : i32
        %add3A_1094 = arith.addi %mul3A_1092, %add3A_1093 : i32
        %get3A_1095 = arith.constant 2 : i32
        %get3A_1096 = arith.index_cast %get3A_1095 : i32 to index
        %get3A_1097 = arith.index_cast %add3A_1094 : i32 to index
        %get3A_1098 = arith.constant 0 : index
        %get3A_1099 = tpu.vector_load %arg8[%get3A_1096, %get3A_1097, %get3A_1098] {strides = array<i32>} : memref<4x64x128xf32, #tpu.memory_space<vmem>>, vector<1x1x16xf32>,
        %get3A_1100 = vector.shape_cast %get3A_1099 : vector<1x1x16xf32> to vector<16xf32>
        %add3A_1101 = arith.addf %get3A_1090, %get3A_1100 : vector<16xf32>
        %mul3A_1102 = arith.constant 2 : i32
        %mul3A_1103 = arith.muli %mul3A_1102, %scan3A_824 : i32
        %add3A_1104 = arith.constant 1 : i32
        %add3A_1105 = arith.addi %mul3A_1103, %add3A_1104 : i32
        %swap3A_1106 = arith.constant 2 : i32
        %swap3A_1107 = arith.index_cast %swap3A_1106 : i32 to index
        %swap3A_1108 = arith.index_cast %add3A_1105 : i32 to index
        %swap3A_1109 = arith.constant 0 : index
        %swap3A_1110 = tpu.vector_load %arg9[%swap3A_1107, %swap3A_1108, %swap3A_1109] {strides = array<i32>} : memref<4x64x128xf32, #tpu.memory_space<vmem>>, vector<1x1x16xf32>,
        %swap3A_1111 = vector.shape_cast %swap3A_1110 : vector<1x1x16xf32> to vector<16xf32>
        %swap3A_1112 = vector.shape_cast %add3A_1101 : vector<16xf32> to vector<1x1x16xf32>
        tpu.vector_store %arg9[%swap3A_1107, %swap3A_1108, %swap3A_1109], %swap3A_1112 {strides = array<i32>} : memref<4x64x128xf32, #tpu.memory_space<vmem>>, vector<1x1x16xf32>,
        %mul3A_1113 = arith.constant 2 : i32
        %mul3A_1114 = arith.muli %mul3A_1113, %scan3A_824 : i32
        %add3A_1115 = arith.constant 1 : i32
        %add3A_1116 = arith.addi %mul3A_1114, %add3A_1115 : i32
        %get3A_1117 = arith.constant 2 : i32
        %get3A_1118 = arith.index_cast %get3A_1117 : i32 to index
        %get3A_1119 = arith.index_cast %add3A_1116 : i32 to index
        %get3A_1120 = arith.constant 16 : index
        %get3A_1121 = tpu.vector_load %arg9[%get3A_1118, %get3A_1119, %get3A_1120] {strides = array<i32>} : memref<4x64x128xf32, #tpu.memory_space<vmem>>, vector<1x1x16xf32>,
        %get3A_1122 = vector.shape_cast %get3A_1121 : vector<1x1x16xf32> to vector<16xf32>
        %mul3A_1123 = arith.constant 2 : i32
        %mul3A_1124 = arith.muli %mul3A_1123, %scan3A_824 : i32
        %add3A_1125 = arith.constant 1 : i32
        %add3A_1126 = arith.addi %mul3A_1124, %add3A_1125 : i32
        %get3A_1127 = arith.constant 2 : i32
        %get3A_1128 = arith.index_cast %get3A_1127 : i32 to index
        %get3A_1129 = arith.index_cast %add3A_1126 : i32 to index
        %get3A_1130 = arith.constant 16 : index
        %get3A_1131 = tpu.vector_load %arg8[%get3A_1128, %get3A_1129, %get3A_1130] {strides = array<i32>} : memref<4x64x128xf32, #tpu.memory_space<vmem>>, vector<1x1x16xf32>,
        %get3A_1132 = vector.shape_cast %get3A_1131 : vector<1x1x16xf32> to vector<16xf32>
        %add3A_1133 = arith.addf %get3A_1122, %get3A_1132 : vector<16xf32>
        %mul3A_1134 = arith.constant 2 : i32
        %mul3A_1135 = arith.muli %mul3A_1134, %scan3A_824 : i32
        %add3A_1136 = arith.constant 1 : i32
        %add3A_1137 = arith.addi %mul3A_1135, %add3A_1136 : i32
        %swap3A_1138 = arith.constant 2 : i32
        %swap3A_1139 = arith.index_cast %swap3A_1138 : i32 to index
        %swap3A_1140 = arith.index_cast %add3A_1137 : i32 to index
        %swap3A_1141 = arith.constant 16 : index
        %swap3A_1142 = tpu.vector_load %arg9[%swap3A_1139, %swap3A_1140, %swap3A_1141] {strides = array<i32>} : memref<4x64x128xf32, #tpu.memory_space<vmem>>, vector<1x1x16xf32>,
        %swap3A_1143 = vector.shape_cast %swap3A_1142 : vector<1x1x16xf32> to vector<16xf32>
        %swap3A_1144 = vector.shape_cast %add3A_1133 : vector<16xf32> to vector<1x1x16xf32>
        tpu.vector_store %arg9[%swap3A_1139, %swap3A_1140, %swap3A_1141], %swap3A_1144 {strides = array<i32>} : memref<4x64x128xf32, #tpu.memory_space<vmem>>, vector<1x1x16xf32>,
        %mul3A_1145 = arith.constant 2 : i32
        %mul3A_1146 = arith.muli %mul3A_1145, %scan3A_824 : i32
        %add3A_1147 = arith.constant 1 : i32
        %add3A_1148 = arith.addi %mul3A_1146, %add3A_1147 : i32
        %get3A_1149 = arith.constant 2 : i32
        %get3A_1150 = arith.index_cast %get3A_1149 : i32 to index
        %get3A_1151 = arith.index_cast %add3A_1148 : i32 to index
        %get3A_1152 = arith.constant 32 : index
        %get3A_1153 = tpu.vector_load %arg9[%get3A_1150, %get3A_1151, %get3A_1152] {strides = array<i32>} : memref<4x64x128xf32, #tpu.memory_space<vmem>>, vector<1x1x16xf32>,
        %get3A_1154 = vector.shape_cast %get3A_1153 : vector<1x1x16xf32> to vector<16xf32>
        %mul3A_1155 = arith.constant 2 : i32
        %mul3A_1156 = arith.muli %mul3A_1155, %scan3A_824 : i32
        %add3A_1157 = arith.constant 1 : i32
        %add3A_1158 = arith.addi %mul3A_1156, %add3A_1157 : i32
        %get3A_1159 = arith.constant 2 : i32
        %get3A_1160 = arith.index_cast %get3A_1159 : i32 to index
        %get3A_1161 = arith.index_cast %add3A_1158 : i32 to index
        %get3A_1162 = arith.constant 32 : index
        %get3A_1163 = tpu.vector_load %arg8[%get3A_1160, %get3A_1161, %get3A_1162] {strides = array<i32>} : memref<4x64x128xf32, #tpu.memory_space<vmem>>, vector<1x1x16xf32>,
        %get3A_1164 = vector.shape_cast %get3A_1163 : vector<1x1x16xf32> to vector<16xf32>
        %add3A_1165 = arith.addf %get3A_1154, %get3A_1164 : vector<16xf32>
        %mul3A_1166 = arith.constant 2 : i32
        %mul3A_1167 = arith.muli %mul3A_1166, %scan3A_824 : i32
        %add3A_1168 = arith.constant 1 : i32
        %add3A_1169 = arith.addi %mul3A_1167, %add3A_1168 : i32
        %swap3A_1170 = arith.constant 2 : i32
        %swap3A_1171 = arith.index_cast %swap3A_1170 : i32 to index
        %swap3A_1172 = arith.index_cast %add3A_1169 : i32 to index
        %swap3A_1173 = arith.constant 32 : index
        %swap3A_1174 = tpu.vector_load %arg9[%swap3A_1171, %swap3A_1172, %swap3A_1173] {strides = array<i32>} : memref<4x64x128xf32, #tpu.memory_space<vmem>>, vector<1x1x16xf32>,
        %swap3A_1175 = vector.shape_cast %swap3A_1174 : vector<1x1x16xf32> to vector<16xf32>
        %swap3A_1176 = vector.shape_cast %add3A_1165 : vector<16xf32> to vector<1x1x16xf32>
        tpu.vector_store %arg9[%swap3A_1171, %swap3A_1172, %swap3A_1173], %swap3A_1176 {strides = array<i32>} : memref<4x64x128xf32, #tpu.memory_space<vmem>>, vector<1x1x16xf32>,
        %mul3A_1177 = arith.constant 2 : i32
        %mul3A_1178 = arith.muli %mul3A_1177, %scan3A_824 : i32
        %add3A_1179 = arith.constant 1 : i32
        %add3A_1180 = arith.addi %mul3A_1178, %add3A_1179 : i32
        %get3A_1181 = arith.constant 2 : i32
        %get3A_1182 = arith.index_cast %get3A_1181 : i32 to index
        %get3A_1183 = arith.index_cast %add3A_1180 : i32 to index
        %get3A_1184 = arith.constant 48 : index
        %get3A_1185 = tpu.vector_load %arg9[%get3A_1182, %get3A_1183, %get3A_1184] {strides = array<i32>} : memref<4x64x128xf32, #tpu.memory_space<vmem>>, vector<1x1x16xf32>,
        %get3A_1186 = vector.shape_cast %get3A_1185 : vector<1x1x16xf32> to vector<16xf32>
        %mul3A_1187 = arith.constant 2 : i32
        %mul3A_1188 = arith.muli %mul3A_1187, %scan3A_824 : i32
        %add3A_1189 = arith.constant 1 : i32
        %add3A_1190 = arith.addi %mul3A_1188, %add3A_1189 : i32
        %get3A_1191 = arith.constant 2 : i32
        %get3A_1192 = arith.index_cast %get3A_1191 : i32 to index
        %get3A_1193 = arith.index_cast %add3A_1190 : i32 to index
        %get3A_1194 = arith.constant 48 : index
        %get3A_1195 = tpu.vector_load %arg8[%get3A_1192, %get3A_1193, %get3A_1194] {strides = array<i32>} : memref<4x64x128xf32, #tpu.memory_space<vmem>>, vector<1x1x16xf32>,
        %get3A_1196 = vector.shape_cast %get3A_1195 : vector<1x1x16xf32> to vector<16xf32>
        %add3A_1197 = arith.addf %get3A_1186, %get3A_1196 : vector<16xf32>
        %mul3A_1198 = arith.constant 2 : i32
        %mul3A_1199 = arith.muli %mul3A_1198, %scan3A_824 : i32
        %add3A_1200 = arith.constant 1 : i32
        %add3A_1201 = arith.addi %mul3A_1199, %add3A_1200 : i32
        %swap3A_1202 = arith.constant 2 : i32
        %swap3A_1203 = arith.index_cast %swap3A_1202 : i32 to index
        %swap3A_1204 = arith.index_cast %add3A_1201 : i32 to index
        %swap3A_1205 = arith.constant 48 : index
        %swap3A_1206 = tpu.vector_load %arg9[%swap3A_1203, %swap3A_1204, %swap3A_1205] {strides = array<i32>} : memref<4x64x128xf32, #tpu.memory_space<vmem>>, vector<1x1x16xf32>,
        %swap3A_1207 = vector.shape_cast %swap3A_1206 : vector<1x1x16xf32> to vector<16xf32>
        %swap3A_1208 = vector.shape_cast %add3A_1197 : vector<16xf32> to vector<1x1x16xf32>
        tpu.vector_store %arg9[%swap3A_1203, %swap3A_1204, %swap3A_1205], %swap3A_1208 {strides = array<i32>} : memref<4x64x128xf32, #tpu.memory_space<vmem>>, vector<1x1x16xf32>,
        %mul3A_1209 = arith.constant 2 : i32
        %mul3A_1210 = arith.muli %mul3A_1209, %scan3A_824 : i32
        %add3A_1211 = arith.constant 1 : i32
        %add3A_1212 = arith.addi %mul3A_1210, %add3A_1211 : i32
        %get3A_1213 = arith.constant 2 : i32
        %get3A_1214 = arith.index_cast %get3A_1213 : i32 to index
        %get3A_1215 = arith.index_cast %add3A_1212 : i32 to index
        %get3A_1216 = arith.constant 64 : index
        %get3A_1217 = tpu.vector_load %arg9[%get3A_1214, %get3A_1215, %get3A_1216] {strides = array<i32>} : memref<4x64x128xf32, #tpu.memory_space<vmem>>, vector<1x1x16xf32>,
        %get3A_1218 = vector.shape_cast %get3A_1217 : vector<1x1x16xf32> to vector<16xf32>
        %mul3A_1219 = arith.constant 2 : i32
        %mul3A_1220 = arith.muli %mul3A_1219, %scan3A_824 : i32
        %add3A_1221 = arith.constant 1 : i32
        %add3A_1222 = arith.addi %mul3A_1220, %add3A_1221 : i32
        %get3A_1223 = arith.constant 2 : i32
        %get3A_1224 = arith.index_cast %get3A_1223 : i32 to index
        %get3A_1225 = arith.index_cast %add3A_1222 : i32 to index
        %get3A_1226 = arith.constant 64 : index
        %get3A_1227 = tpu.vector_load %arg8[%get3A_1224, %get3A_1225, %get3A_1226] {strides = array<i32>} : memref<4x64x128xf32, #tpu.memory_space<vmem>>, vector<1x1x16xf32>,
        %get3A_1228 = vector.shape_cast %get3A_1227 : vector<1x1x16xf32> to vector<16xf32>
        %add3A_1229 = arith.addf %get3A_1218, %get3A_1228 : vector<16xf32>
        %mul3A_1230 = arith.constant 2 : i32
        %mul3A_1231 = arith.muli %mul3A_1230, %scan3A_824 : i32
        %add3A_1232 = arith.constant 1 : i32
        %add3A_1233 = arith.addi %mul3A_1231, %add3A_1232 : i32
        %swap3A_1234 = arith.constant 2 : i32
        %swap3A_1235 = arith.index_cast %swap3A_1234 : i32 to index
        %swap3A_1236 = arith.index_cast %add3A_1233 : i32 to index
        %swap3A_1237 = arith.constant 64 : index
        %swap3A_1238 = tpu.vector_load %arg9[%swap3A_1235, %swap3A_1236, %swap3A_1237] {strides = array<i32>} : memref<4x64x128xf32, #tpu.memory_space<vmem>>, vector<1x1x16xf32>,
        %swap3A_1239 = vector.shape_cast %swap3A_1238 : vector<1x1x16xf32> to vector<16xf32>
        %swap3A_1240 = vector.shape_cast %add3A_1229 : vector<16xf32> to vector<1x1x16xf32>
        tpu.vector_store %arg9[%swap3A_1235, %swap3A_1236, %swap3A_1237], %swap3A_1240 {strides = array<i32>} : memref<4x64x128xf32, #tpu.memory_space<vmem>>, vector<1x1x16xf32>,
        %mul3A_1241 = arith.constant 2 : i32
        %mul3A_1242 = arith.muli %mul3A_1241, %scan3A_824 : i32
        %add3A_1243 = arith.constant 1 : i32
        %add3A_1244 = arith.addi %mul3A_1242, %add3A_1243 : i32
        %get3A_1245 = arith.constant 2 : i32
        %get3A_1246 = arith.index_cast %get3A_1245 : i32 to index
        %get3A_1247 = arith.index_cast %add3A_1244 : i32 to index
        %get3A_1248 = arith.constant 80 : index
        %get3A_1249 = tpu.vector_load %arg9[%get3A_1246, %get3A_1247, %get3A_1248] {strides = array<i32>} : memref<4x64x128xf32, #tpu.memory_space<vmem>>, vector<1x1x16xf32>,
        %get3A_1250 = vector.shape_cast %get3A_1249 : vector<1x1x16xf32> to vector<16xf32>
        %mul3A_1251 = arith.constant 2 : i32
        %mul3A_1252 = arith.muli %mul3A_1251, %scan3A_824 : i32
        %add3A_1253 = arith.constant 1 : i32
        %add3A_1254 = arith.addi %mul3A_1252, %add3A_1253 : i32
        %get3A_1255 = arith.constant 2 : i32
        %get3A_1256 = arith.index_cast %get3A_1255 : i32 to index
        %get3A_1257 = arith.index_cast %add3A_1254 : i32 to index
        %get3A_1258 = arith.constant 80 : index
        %get3A_1259 = tpu.vector_load %arg8[%get3A_1256, %get3A_1257, %get3A_1258] {strides = array<i32>} : memref<4x64x128xf32, #tpu.memory_space<vmem>>, vector<1x1x16xf32>,
        %get3A_1260 = vector.shape_cast %get3A_1259 : vector<1x1x16xf32> to vector<16xf32>
        %add3A_1261 = arith.addf %get3A_1250, %get3A_1260 : vector<16xf32>
        %mul3A_1262 = arith.constant 2 : i32
        %mul3A_1263 = arith.muli %mul3A_1262, %scan3A_824 : i32
        %add3A_1264 = arith.constant 1 : i32
        %add3A_1265 = arith.addi %mul3A_1263, %add3A_1264 : i32
        %swap3A_1266 = arith.constant 2 : i32
        %swap3A_1267 = arith.index_cast %swap3A_1266 : i32 to index
        %swap3A_1268 = arith.index_cast %add3A_1265 : i32 to index
        %swap3A_1269 = arith.constant 80 : index
        %swap3A_1270 = tpu.vector_load %arg9[%swap3A_1267, %swap3A_1268, %swap3A_1269] {strides = array<i32>} : memref<4x64x128xf32, #tpu.memory_space<vmem>>, vector<1x1x16xf32>,
        %swap3A_1271 = vector.shape_cast %swap3A_1270 : vector<1x1x16xf32> to vector<16xf32>
        %swap3A_1272 = vector.shape_cast %add3A_1261 : vector<16xf32> to vector<1x1x16xf32>
        tpu.vector_store %arg9[%swap3A_1267, %swap3A_1268, %swap3A_1269], %swap3A_1272 {strides = array<i32>} : memref<4x64x128xf32, #tpu.memory_space<vmem>>, vector<1x1x16xf32>,
        %mul3A_1273 = arith.constant 2 : i32
        %mul3A_1274 = arith.muli %mul3A_1273, %scan3A_824 : i32
        %add3A_1275 = arith.constant 1 : i32
        %add3A_1276 = arith.addi %mul3A_1274, %add3A_1275 : i32
        %get3A_1277 = arith.constant 2 : i32
        %get3A_1278 = arith.index_cast %get3A_1277 : i32 to index
        %get3A_1279 = arith.index_cast %add3A_1276 : i32 to index
        %get3A_1280 = arith.constant 96 : index
        %get3A_1281 = tpu.vector_load %arg9[%get3A_1278, %get3A_1279, %get3A_1280] {strides = array<i32>} : memref<4x64x128xf32, #tpu.memory_space<vmem>>, vector<1x1x16xf32>,
        %get3A_1282 = vector.shape_cast %get3A_1281 : vector<1x1x16xf32> to vector<16xf32>
        %mul3A_1283 = arith.constant 2 : i32
        %mul3A_1284 = arith.muli %mul3A_1283, %scan3A_824 : i32
        %add3A_1285 = arith.constant 1 : i32
        %add3A_1286 = arith.addi %mul3A_1284, %add3A_1285 : i32
        %get3A_1287 = arith.constant 2 : i32
        %get3A_1288 = arith.index_cast %get3A_1287 : i32 to index
        %get3A_1289 = arith.index_cast %add3A_1286 : i32 to index
        %get3A_1290 = arith.constant 96 : index
        %get3A_1291 = tpu.vector_load %arg8[%get3A_1288, %get3A_1289, %get3A_1290] {strides = array<i32>} : memref<4x64x128xf32, #tpu.memory_space<vmem>>, vector<1x1x16xf32>,
        %get3A_1292 = vector.shape_cast %get3A_1291 : vector<1x1x16xf32> to vector<16xf32>
        %add3A_1293 = arith.addf %get3A_1282, %get3A_1292 : vector<16xf32>
        %mul3A_1294 = arith.constant 2 : i32
        %mul3A_1295 = arith.muli %mul3A_1294, %scan3A_824 : i32
        %add3A_1296 = arith.constant 1 : i32
        %add3A_1297 = arith.addi %mul3A_1295, %add3A_1296 : i32
        %swap3A_1298 = arith.constant 2 : i32
        %swap3A_1299 = arith.index_cast %swap3A_1298 : i32 to index
        %swap3A_1300 = arith.index_cast %add3A_1297 : i32 to index
        %swap3A_1301 = arith.constant 96 : index
        %swap3A_1302 = tpu.vector_load %arg9[%swap3A_1299, %swap3A_1300, %swap3A_1301] {strides = array<i32>} : memref<4x64x128xf32, #tpu.memory_space<vmem>>, vector<1x1x16xf32>,
        %swap3A_1303 = vector.shape_cast %swap3A_1302 : vector<1x1x16xf32> to vector<16xf32>
        %swap3A_1304 = vector.shape_cast %add3A_1293 : vector<16xf32> to vector<1x1x16xf32>
        tpu.vector_store %arg9[%swap3A_1299, %swap3A_1300, %swap3A_1301], %swap3A_1304 {strides = array<i32>} : memref<4x64x128xf32, #tpu.memory_space<vmem>>, vector<1x1x16xf32>,
        %mul3A_1305 = arith.constant 2 : i32
        %mul3A_1306 = arith.muli %mul3A_1305, %scan3A_824 : i32
        %add3A_1307 = arith.constant 1 : i32
        %add3A_1308 = arith.addi %mul3A_1306, %add3A_1307 : i32
        %get3A_1309 = arith.constant 2 : i32
        %get3A_1310 = arith.index_cast %get3A_1309 : i32 to index
        %get3A_1311 = arith.index_cast %add3A_1308 : i32 to index
        %get3A_1312 = arith.constant 112 : index
        %get3A_1313 = tpu.vector_load %arg9[%get3A_1310, %get3A_1311, %get3A_1312] {strides = array<i32>} : memref<4x64x128xf32, #tpu.memory_space<vmem>>, vector<1x1x16xf32>,
        %get3A_1314 = vector.shape_cast %get3A_1313 : vector<1x1x16xf32> to vector<16xf32>
        %mul3A_1315 = arith.constant 2 : i32
        %mul3A_1316 = arith.muli %mul3A_1315, %scan3A_824 : i32
        %add3A_1317 = arith.constant 1 : i32
        %add3A_1318 = arith.addi %mul3A_1316, %add3A_1317 : i32
        %get3A_1319 = arith.constant 2 : i32
        %get3A_1320 = arith.index_cast %get3A_1319 : i32 to index
        %get3A_1321 = arith.index_cast %add3A_1318 : i32 to index
        %get3A_1322 = arith.constant 112 : index
        %get3A_1323 = tpu.vector_load %arg8[%get3A_1320, %get3A_1321, %get3A_1322] {strides = array<i32>} : memref<4x64x128xf32, #tpu.memory_space<vmem>>, vector<1x1x16xf32>,
        %get3A_1324 = vector.shape_cast %get3A_1323 : vector<1x1x16xf32> to vector<16xf32>
        %add3A_1325 = arith.addf %get3A_1314, %get3A_1324 : vector<16xf32>
        %mul3A_1326 = arith.constant 2 : i32
        %mul3A_1327 = arith.muli %mul3A_1326, %scan3A_824 : i32
        %add3A_1328 = arith.constant 1 : i32
        %add3A_1329 = arith.addi %mul3A_1327, %add3A_1328 : i32
        %swap3A_1330 = arith.constant 2 : i32
        %swap3A_1331 = arith.index_cast %swap3A_1330 : i32 to index
        %swap3A_1332 = arith.index_cast %add3A_1329 : i32 to index
        %swap3A_1333 = arith.constant 112 : index
        %swap3A_1334 = tpu.vector_load %arg9[%swap3A_1331, %swap3A_1332, %swap3A_1333] {strides = array<i32>} : memref<4x64x128xf32, #tpu.memory_space<vmem>>, vector<1x1x16xf32>,
        %swap3A_1335 = vector.shape_cast %swap3A_1334 : vector<1x1x16xf32> to vector<16xf32>
        %swap3A_1336 = vector.shape_cast %add3A_1325 : vector<16xf32> to vector<1x1x16xf32>
        tpu.vector_store %arg9[%swap3A_1331, %swap3A_1332, %swap3A_1333], %swap3A_1336 {strides = array<i32>} : memref<4x64x128xf32, #tpu.memory_space<vmem>>, vector<1x1x16xf32>,
      }
      %scan3A_689 = arith.constant 32 : i32
      %dma_start3A_690 = arith.constant 2 : i32
      %dma_start3A_691 = arith.constant 2 : i32
      %dma_start3A_692 = arith.constant 0 : i32
      %dma_start3A_693 = arith.constant 0 : i32
      %dma_start3A_694 = tpu.memref_slice %arg9[%dma_start3A_690, %dma_start3A_692, %dma_start3A_693] : memref<4x64x128xf32, #tpu.memory_space<vmem>> -> memref<1x64x128xf32, #tpu.memory_space<vmem>>
      %dma_start3A_695 = tpu.memref_squeeze %dma_start3A_694 : memref<1x64x128xf32, #tpu.memory_space<vmem>> -> memref<64x128xf32, #tpu.memory_space<vmem>>
      %dma_start3A_696 = arith.constant 128 : i32
      %dma_start3A_697 = arith.constant 0 : i32
      %dma_start3A_698 = tpu.memref_slice %arg5[%add3A_648, %dma_start3A_696, %dma_start3A_697] : memref<1024x256x128xf32, #tpu.memory_space<hbm>> -> memref<1x64x128xf32, #tpu.memory_space<hbm>>
      %dma_start3A_699 = tpu.memref_squeeze %dma_start3A_698 : memref<1x64x128xf32, #tpu.memory_space<hbm>> -> memref<64x128xf32, #tpu.memory_space<hbm>>
      %dma_start3A_700 = tpu.memref_slice %arg12[%dma_start3A_691] : memref<4x!tpu.dma_semaphore, #tpu.memory_space<semaphore_mem>> -> memref<1x!tpu.dma_semaphore, #tpu.memory_space<semaphore_mem>>
      %dma_start3A_701 = tpu.memref_squeeze %dma_start3A_700 : memref<1x!tpu.dma_semaphore, #tpu.memory_space<semaphore_mem>> -> memref<!tpu.dma_semaphore, #tpu.memory_space<semaphore_mem>>
      %dma_start3A_702 = arith.constant 128 : i32
      %dma_start3A_703 = arith.constant 0 : i32
      %dma_start3A_704 = tpu.memref_slice %arg5[%add3A_648, %dma_start3A_702, %dma_start3A_703] : memref<1024x256x128xf32, #tpu.memory_space<hbm>> -> memref<1x64x128xf32, #tpu.memory_space<hbm>>
      %dma_start3A_705 = tpu.memref_squeeze %dma_start3A_704 : memref<1x64x128xf32, #tpu.memory_space<hbm>> -> memref<64x128xf32, #tpu.memory_space<hbm>>
      %dma_start3A_706 = arith.constant 0 : i32
      %dma_start3A_707 = arith.constant 0 : i32
      %dma_start3A_708 = tpu.memref_slice %arg9[%dma_start3A_690, %dma_start3A_706, %dma_start3A_707] : memref<4x64x128xf32, #tpu.memory_space<vmem>> -> memref<1x64x128xf32, #tpu.memory_space<vmem>>
      %dma_start3A_709 = tpu.memref_squeeze %dma_start3A_708 : memref<1x64x128xf32, #tpu.memory_space<vmem>> -> memref<64x128xf32, #tpu.memory_space<vmem>>
      tpu.enqueue_dma source(%dma_start3A_709 : memref<64x128xf32, #tpu.memory_space<vmem>>) target(%dma_start3A_705 : memref<64x128xf32, #tpu.memory_space<hbm>>) target_semaphore(%dma_start3A_701 : memref<!tpu.dma_semaphore, #tpu.memory_space<semaphore_mem>>)
      %add3A_710 = arith.addi %mul3A_2, %scan3A_380 : i32
      %dma_wait3A_711 = arith.constant 1 : i32
      %dma_wait3A_712 = arith.constant 1 : i32
      %dma_wait3A_713 = arith.constant 0 : i32
      %dma_wait3A_714 = arith.constant 0 : i32
      %dma_wait3A_715 = tpu.memref_slice %arg9[%dma_wait3A_711, %dma_wait3A_713, %dma_wait3A_714] : memref<4x64x128xf32, #tpu.memory_space<vmem>> -> memref<1x64x128xf32, #tpu.memory_space<vmem>>
      %dma_wait3A_716 = tpu.memref_squeeze %dma_wait3A_715 : memref<1x64x128xf32, #tpu.memory_space<vmem>> -> memref<64x128xf32, #tpu.memory_space<vmem>>
      %dma_wait3A_717 = arith.constant 64 : i32
      %dma_wait3A_718 = arith.constant 0 : i32
      %dma_wait3A_719 = tpu.memref_slice %arg5[%add3A_710, %dma_wait3A_717, %dma_wait3A_718] : memref<1024x256x128xf32, #tpu.memory_space<hbm>> -> memref<1x64x128xf32, #tpu.memory_space<hbm>>
      %dma_wait3A_720 = tpu.memref_squeeze %dma_wait3A_719 : memref<1x64x128xf32, #tpu.memory_space<hbm>> -> memref<64x128xf32, #tpu.memory_space<hbm>>
      %dma_wait3A_721 = tpu.memref_slice %arg12[%dma_wait3A_712] : memref<4x!tpu.dma_semaphore, #tpu.memory_space<semaphore_mem>> -> memref<1x!tpu.dma_semaphore, #tpu.memory_space<semaphore_mem>>
      %dma_wait3A_722 = tpu.memref_squeeze %dma_wait3A_721 : memref<1x!tpu.dma_semaphore, #tpu.memory_space<semaphore_mem>> -> memref<!tpu.dma_semaphore, #tpu.memory_space<semaphore_mem>>
      %dma_wait3A_723 = arith.constant 64 : i32
      %dma_wait3A_724 = arith.constant 0 : i32
      %dma_wait3A_725 = tpu.memref_slice %arg5[%add3A_710, %dma_wait3A_723, %dma_wait3A_724] : memref<1024x256x128xf32, #tpu.memory_space<hbm>> -> memref<1x64x128xf32, #tpu.memory_space<hbm>>
      %dma_wait3A_726 = tpu.memref_squeeze %dma_wait3A_725 : memref<1x64x128xf32, #tpu.memory_space<hbm>> -> memref<64x128xf32, #tpu.memory_space<hbm>>
      %dma_wait3A_727 = arith.constant 0 : i32
      %dma_wait3A_728 = arith.constant 0 : i32
      %dma_wait3A_729 = tpu.memref_slice %arg9[%dma_wait3A_711, %dma_wait3A_727, %dma_wait3A_728] : memref<4x64x128xf32, #tpu.memory_space<vmem>> -> memref<1x64x128xf32, #tpu.memory_space<vmem>>
      %dma_wait3A_730 = tpu.memref_squeeze %dma_wait3A_729 : memref<1x64x128xf32, #tpu.memory_space<vmem>> -> memref<64x128xf32, #tpu.memory_space<vmem>>
      tpu.wait_dma2 semaphore(%dma_wait3A_722 : memref<!tpu.dma_semaphore, #tpu.memory_space<semaphore_mem>>) src(%dma_wait3A_730 : memref<64x128xf32, #tpu.memory_space<vmem>>) dst(%dma_wait3A_726 : memref<64x128xf32, #tpu.memory_space<hbm>>)
      %lt3A_731 = arith.constant 31 : i32
      %lt3A_732 = arith.cmpi slt, %scan3A_380, %lt3A_731 : i32
      %convert_element_type3A_733 = arith.extui %lt3A_732 : i1 to i32
      %cond3A_734 = arith.constant 0 : i32
      %cond3A_735 = arith.cmpi ne, %convert_element_type3A_733, %cond3A_734 : i32
      scf.if %cond3A_735 {
        %add3A_824 = arith.constant 1 : i32
        %add3A_825 = arith.addi %scan3A_380, %add3A_824 : i32
        %add3A_826 = arith.addi %mul3A_2, %add3A_825 : i32
        %get3A_827 = arith.index_cast %add3A_825 : i32 to index
        %get3A_828 = arith.constant 16 : index
        %get3A_829 = tpu.vector_load %arg6[%get3A_827, %get3A_828] {strides = array<i32>} : memref<32x64xi32, #tpu.memory_space<vmem>>, vector<1x16xi32>,
        %get3A_830 = vector.shape_cast %get3A_829 : vector<1x16xi32> to vector<16xi32>
        %add3A_831 = arith.constant 0 : i32
        %add3A_832 = vector.broadcast %add3A_831 : i32 to vector<16xi32>
        %add3A_833 = arith.addi %add3A_832, %shift_right_logical3A_4 : vector<16xi32>
        %broadcast_in_dim3A_834 = vector.shape_cast %add3A_833 : vector<16xi32> to vector<16x1xi32>
        %gather3A_835 = vector.shape_cast %broadcast_in_dim3A_834 : vector<16x1xi32> to vector<16xi32>
        %gather3A_836 = tpu.dynamic_gather %get3A_830[%gather3A_835] in [0] : vector<16xi32>, vector<16xi32> -> vector<16xi32>
        %add3A_837 = arith.constant 64 : i32
        %add3A_838 = vector.broadcast %add3A_837 : i32 to vector<16xi32>
        %add3A_839 = arith.addi %add3A_838, %iota3A : vector<16xi32>
        %mul3A_840 = arith.constant 64 : i32
        %mul3A_841 = vector.broadcast %mul3A_840 : i32 to vector<16xi32>
        %mul3A_842 = arith.muli %add3A_839, %mul3A_841 : vector<16xi32>
        %add3A_843 = arith.addi %mul3A_842, %gather3A_836 : vector<16xi32>
        %swap3A_844 = arith.constant 1 : i32
        %swap3A_845 = arith.index_cast %swap3A_844 : i32 to index
        %swap3A_846 = arith.constant 0 : index
        %swap3A_847 = tpu.vector_load %arg7[%swap3A_845, %swap3A_846] {strides = array<i32>} : memref<4x64xi32, #tpu.memory_space<vmem>>, vector<1x16xi32>,
        %swap3A_848 = vector.shape_cast %swap3A_847 : vector<1x16xi32> to vector<16xi32>
        %swap3A_849 = vector.shape_cast %add3A_843 : vector<16xi32> to vector<1x16xi32>
        tpu.vector_store %arg7[%swap3A_845, %swap3A_846], %swap3A_849 {strides = array<i32>} : memref<4x64xi32, #tpu.memory_space<vmem>>, vector<1x16xi32>,
        %add3A_850 = arith.constant 4 : i32
        %add3A_851 = vector.broadcast %add3A_850 : i32 to vector<16xi32>
        %add3A_852 = arith.addi %add3A_851, %shift_right_logical3A_4 : vector<16xi32>
        %broadcast_in_dim3A_853 = vector.shape_cast %add3A_852 : vector<16xi32> to vector<16x1xi32>
        %gather3A_854 = vector.shape_cast %broadcast_in_dim3A_853 : vector<16x1xi32> to vector<16xi32>
        %gather3A_855 = tpu.dynamic_gather %get3A_830[%gather3A_854] in [0] : vector<16xi32>, vector<16xi32> -> vector<16xi32>
        %add3A_856 = arith.constant 80 : i32
        %add3A_857 = vector.broadcast %add3A_856 : i32 to vector<16xi32>
        %add3A_858 = arith.addi %add3A_857, %iota3A : vector<16xi32>
        %mul3A_859 = arith.constant 64 : i32
        %mul3A_860 = vector.broadcast %mul3A_859 : i32 to vector<16xi32>
        %mul3A_861 = arith.muli %add3A_858, %mul3A_860 : vector<16xi32>
        %add3A_862 = arith.addi %mul3A_861, %gather3A_855 : vector<16xi32>
        %swap3A_863 = arith.constant 1 : i32
        %swap3A_864 = arith.index_cast %swap3A_863 : i32 to index
        %swap3A_865 = arith.constant 16 : index
        %swap3A_866 = tpu.vector_load %arg7[%swap3A_864, %swap3A_865] {strides = array<i32>} : memref<4x64xi32, #tpu.memory_space<vmem>>, vector<1x16xi32>,
        %swap3A_867 = vector.shape_cast %swap3A_866 : vector<1x16xi32> to vector<16xi32>
        %swap3A_868 = vector.shape_cast %add3A_862 : vector<16xi32> to vector<1x16xi32>
        tpu.vector_store %arg7[%swap3A_864, %swap3A_865], %swap3A_868 {strides = array<i32>} : memref<4x64xi32, #tpu.memory_space<vmem>>, vector<1x16xi32>,
        %add3A_869 = arith.constant 8 : i32
        %add3A_870 = vector.broadcast %add3A_869 : i32 to vector<16xi32>
        %add3A_871 = arith.addi %add3A_870, %shift_right_logical3A_4 : vector<16xi32>
        %broadcast_in_dim3A_872 = vector.shape_cast %add3A_871 : vector<16xi32> to vector<16x1xi32>
        %gather3A_873 = vector.shape_cast %broadcast_in_dim3A_872 : vector<16x1xi32> to vector<16xi32>
        %gather3A_874 = tpu.dynamic_gather %get3A_830[%gather3A_873] in [0] : vector<16xi32>, vector<16xi32> -> vector<16xi32>
        %add3A_875 = arith.constant 96 : i32
        %add3A_876 = vector.broadcast %add3A_875 : i32 to vector<16xi32>
        %add3A_877 = arith.addi %add3A_876, %iota3A : vector<16xi32>
        %mul3A_878 = arith.constant 64 : i32
        %mul3A_879 = vector.broadcast %mul3A_878 : i32 to vector<16xi32>
        %mul3A_880 = arith.muli %add3A_877, %mul3A_879 : vector<16xi32>
        %add3A_881 = arith.addi %mul3A_880, %gather3A_874 : vector<16xi32>
        %swap3A_882 = arith.constant 1 : i32
        %swap3A_883 = arith.index_cast %swap3A_882 : i32 to index
        %swap3A_884 = arith.constant 32 : index
        %swap3A_885 = tpu.vector_load %arg7[%swap3A_883, %swap3A_884] {strides = array<i32>} : memref<4x64xi32, #tpu.memory_space<vmem>>, vector<1x16xi32>,
        %swap3A_886 = vector.shape_cast %swap3A_885 : vector<1x16xi32> to vector<16xi32>
        %swap3A_887 = vector.shape_cast %add3A_881 : vector<16xi32> to vector<1x16xi32>
        tpu.vector_store %arg7[%swap3A_883, %swap3A_884], %swap3A_887 {strides = array<i32>} : memref<4x64xi32, #tpu.memory_space<vmem>>, vector<1x16xi32>,
        %add3A_888 = arith.constant 12 : i32
        %add3A_889 = vector.broadcast %add3A_888 : i32 to vector<16xi32>
        %add3A_890 = arith.addi %add3A_889, %shift_right_logical3A_4 : vector<16xi32>
        %broadcast_in_dim3A_891 = vector.shape_cast %add3A_890 : vector<16xi32> to vector<16x1xi32>
        %gather3A_892 = vector.shape_cast %broadcast_in_dim3A_891 : vector<16x1xi32> to vector<16xi32>
        %gather3A_893 = tpu.dynamic_gather %get3A_830[%gather3A_892] in [0] : vector<16xi32>, vector<16xi32> -> vector<16xi32>
        %add3A_894 = arith.constant 112 : i32
        %add3A_895 = vector.broadcast %add3A_894 : i32 to vector<16xi32>
        %add3A_896 = arith.addi %add3A_895, %iota3A : vector<16xi32>
        %mul3A_897 = arith.constant 64 : i32
        %mul3A_898 = vector.broadcast %mul3A_897 : i32 to vector<16xi32>
        %mul3A_899 = arith.muli %add3A_896, %mul3A_898 : vector<16xi32>
        %add3A_900 = arith.addi %mul3A_899, %gather3A_893 : vector<16xi32>
        %swap3A_901 = arith.constant 1 : i32
        %swap3A_902 = arith.index_cast %swap3A_901 : i32 to index
        %swap3A_903 = arith.constant 48 : index
        %swap3A_904 = tpu.vector_load %arg7[%swap3A_902, %swap3A_903] {strides = array<i32>} : memref<4x64xi32, #tpu.memory_space<vmem>>, vector<1x16xi32>,
        %swap3A_905 = vector.shape_cast %swap3A_904 : vector<1x16xi32> to vector<16xi32>
        %swap3A_906 = vector.shape_cast %add3A_900 : vector<16xi32> to vector<1x16xi32>
        tpu.vector_store %arg7[%swap3A_902, %swap3A_903], %swap3A_906 {strides = array<i32>} : memref<4x64xi32, #tpu.memory_space<vmem>>, vector<1x16xi32>,
        %dma_start3A_907 = arith.constant 1 : i32
        %dma_start3A_908 = arith.constant 1 : i32
        %dma_start3A_909 = arith.constant 0 : i32
        %dma_start3A_910 = arith.constant 0 : i32
        %dma_start3A_911 = tpu.memref_slice %arg8[%dma_start3A_907, %dma_start3A_909, %dma_start3A_910] : memref<4x64x128xf32, #tpu.memory_space<vmem>> -> memref<1x64x128xf32, #tpu.memory_space<vmem>>
        %dma_start3A_912 = tpu.memref_squeeze %dma_start3A_911 : memref<1x64x128xf32, #tpu.memory_space<vmem>> -> memref<64x128xf32, #tpu.memory_space<vmem>>
        %dma_start3A_913 = arith.constant 64 : i32
        %dma_start3A_914 = arith.constant 0 : i32
        %dma_start3A_915 = tpu.memref_slice %arg2[%add3A_826, %dma_start3A_913, %dma_start3A_914] : memref<1024x256x128xf32, #tpu.memory_space<hbm>> -> memref<1x64x128xf32, #tpu.memory_space<hbm>>
        %dma_start3A_916 = tpu.memref_squeeze %dma_start3A_915 : memref<1x64x128xf32, #tpu.memory_space<hbm>> -> memref<64x128xf32, #tpu.memory_space<hbm>>
        %dma_start3A_917 = tpu.memref_slice %arg10[%dma_start3A_908] : memref<4x!tpu.dma_semaphore, #tpu.memory_space<semaphore_mem>> -> memref<1x!tpu.dma_semaphore, #tpu.memory_space<semaphore_mem>>
        %dma_start3A_918 = tpu.memref_squeeze %dma_start3A_917 : memref<1x!tpu.dma_semaphore, #tpu.memory_space<semaphore_mem>> -> memref<!tpu.dma_semaphore, #tpu.memory_space<semaphore_mem>>
        %dma_start3A_919 = arith.constant 0 : i32
        %dma_start3A_920 = arith.constant 0 : i32
        %dma_start3A_921 = tpu.memref_slice %arg8[%dma_start3A_907, %dma_start3A_919, %dma_start3A_920] : memref<4x64x128xf32, #tpu.memory_space<vmem>> -> memref<1x64x128xf32, #tpu.memory_space<vmem>>
        %dma_start3A_922 = tpu.memref_squeeze %dma_start3A_921 : memref<1x64x128xf32, #tpu.memory_space<vmem>> -> memref<64x128xf32, #tpu.memory_space<vmem>>
        %dma_start3A_923 = arith.constant 64 : i32
        %dma_start3A_924 = arith.constant 0 : i32
        %dma_start3A_925 = tpu.memref_slice %arg2[%add3A_826, %dma_start3A_923, %dma_start3A_924] : memref<1024x256x128xf32, #tpu.memory_space<hbm>> -> memref<1x64x128xf32, #tpu.memory_space<hbm>>
        %dma_start3A_926 = tpu.memref_squeeze %dma_start3A_925 : memref<1x64x128xf32, #tpu.memory_space<hbm>> -> memref<64x128xf32, #tpu.memory_space<hbm>>
        tpu.enqueue_dma source(%dma_start3A_926 : memref<64x128xf32, #tpu.memory_space<hbm>>) target(%dma_start3A_922 : memref<64x128xf32, #tpu.memory_space<vmem>>) target_semaphore(%dma_start3A_918 : memref<!tpu.dma_semaphore, #tpu.memory_space<semaphore_mem>>)
        %dma_start3A_927 = arith.constant 1 : i32
        %dma_start3A_928 = arith.constant 1 : i32
        %dma_start3A_929 = arith.constant 1 : i32
        %dma_start3A_930 = arith.constant 0 : i32
        %dma_start3A_931 = arith.constant 0 : i32
        %dma_start3A_932 = tpu.memref_slice %arg9[%dma_start3A_928, %dma_start3A_930, %dma_start3A_931] : memref<4x64x128xf32, #tpu.memory_space<vmem>> -> memref<1x64x128xf32, #tpu.memory_space<vmem>>
        %dma_start3A_933 = tpu.memref_squeeze %dma_start3A_932 : memref<1x64x128xf32, #tpu.memory_space<vmem>> -> memref<64x128xf32, #tpu.memory_space<vmem>>
        %dma_start3A_934 = arith.constant 0 : i32
        %dma_start3A_935 = tpu.memref_slice %arg7[%dma_start3A_927, %dma_start3A_934] : memref<4x64xi32, #tpu.memory_space<vmem>> -> memref<1x64xi32, #tpu.memory_space<vmem>>
        %dma_start3A_936 = tpu.memref_squeeze %dma_start3A_935 : memref<1x64xi32, #tpu.memory_space<vmem>> -> memref<64xi32, #tpu.memory_space<vmem>>
        %dma_start3A_937 = arith.constant 0 : i32
        %dma_start3A_938 = arith.constant 0 : i32
        %dma_start3A_939 = tpu.memref_slice %arg4[%dma_start3A_937, %dma_start3A_938] : memref<16384x128xf32, #tpu.memory_space<hbm>> -> memref<16384x128xf32, #tpu.memory_space<hbm>>
        %dma_start3A_940 = tpu.memref_slice %arg11[%dma_start3A_929] : memref<4x!tpu.dma_semaphore, #tpu.memory_space<semaphore_mem>> -> memref<1x!tpu.dma_semaphore, #tpu.memory_space<semaphore_mem>>
        %dma_start3A_941 = tpu.memref_squeeze %dma_start3A_940 : memref<1x!tpu.dma_semaphore, #tpu.memory_space<semaphore_mem>> -> memref<!tpu.dma_semaphore, #tpu.memory_space<semaphore_mem>>
        tpu.enqueue_indirect_dma source(%dma_start3A_939 : memref<16384x128xf32, #tpu.memory_space<hbm>>) target(%dma_start3A_933 : memref<64x128xf32, #tpu.memory_space<vmem>>) offsets(%dma_start3A_936 : memref<64xi32, #tpu.memory_space<vmem>>) semaphore(%dma_start3A_941 : memref<!tpu.dma_semaphore, #tpu.memory_space<semaphore_mem>>)
      } else {
      }
      %add3A_736 = arith.addi %mul3A_2, %scan3A_380 : i32
      %dma_wait3A_737 = arith.constant 3 : i32
      %dma_wait3A_738 = arith.constant 3 : i32
      %dma_wait3A_739 = arith.constant 0 : i32
      %dma_wait3A_740 = arith.constant 0 : i32
      %dma_wait3A_741 = tpu.memref_slice %arg8[%dma_wait3A_737, %dma_wait3A_739, %dma_wait3A_740] : memref<4x64x128xf32, #tpu.memory_space<vmem>> -> memref<1x64x128xf32, #tpu.memory_space<vmem>>
      %dma_wait3A_742 = tpu.memref_squeeze %dma_wait3A_741 : memref<1x64x128xf32, #tpu.memory_space<vmem>> -> memref<64x128xf32, #tpu.memory_space<vmem>>
      %dma_wait3A_743 = arith.constant 192 : i32
      %dma_wait3A_744 = arith.constant 0 : i32
      %dma_wait3A_745 = tpu.memref_slice %arg2[%add3A_736, %dma_wait3A_743, %dma_wait3A_744] : memref<1024x256x128xf32, #tpu.memory_space<hbm>> -> memref<1x64x128xf32, #tpu.memory_space<hbm>>
      %dma_wait3A_746 = tpu.memref_squeeze %dma_wait3A_745 : memref<1x64x128xf32, #tpu.memory_space<hbm>> -> memref<64x128xf32, #tpu.memory_space<hbm>>
      %dma_wait3A_747 = tpu.memref_slice %arg10[%dma_wait3A_738] : memref<4x!tpu.dma_semaphore, #tpu.memory_space<semaphore_mem>> -> memref<1x!tpu.dma_semaphore, #tpu.memory_space<semaphore_mem>>
      %dma_wait3A_748 = tpu.memref_squeeze %dma_wait3A_747 : memref<1x!tpu.dma_semaphore, #tpu.memory_space<semaphore_mem>> -> memref<!tpu.dma_semaphore, #tpu.memory_space<semaphore_mem>>
      %dma_wait3A_749 = arith.constant 0 : i32
      %dma_wait3A_750 = arith.constant 0 : i32
      %dma_wait3A_751 = tpu.memref_slice %arg8[%dma_wait3A_737, %dma_wait3A_749, %dma_wait3A_750] : memref<4x64x128xf32, #tpu.memory_space<vmem>> -> memref<1x64x128xf32, #tpu.memory_space<vmem>>
      %dma_wait3A_752 = tpu.memref_squeeze %dma_wait3A_751 : memref<1x64x128xf32, #tpu.memory_space<vmem>> -> memref<64x128xf32, #tpu.memory_space<vmem>>
      %dma_wait3A_753 = arith.constant 192 : i32
      %dma_wait3A_754 = arith.constant 0 : i32
      %dma_wait3A_755 = tpu.memref_slice %arg2[%add3A_736, %dma_wait3A_753, %dma_wait3A_754] : memref<1024x256x128xf32, #tpu.memory_space<hbm>> -> memref<1x64x128xf32, #tpu.memory_space<hbm>>
      %dma_wait3A_756 = tpu.memref_squeeze %dma_wait3A_755 : memref<1x64x128xf32, #tpu.memory_space<hbm>> -> memref<64x128xf32, #tpu.memory_space<hbm>>
      tpu.wait_dma2 semaphore(%dma_wait3A_748 : memref<!tpu.dma_semaphore, #tpu.memory_space<semaphore_mem>>) src(%dma_wait3A_756 : memref<64x128xf32, #tpu.memory_space<hbm>>) dst(%dma_wait3A_752 : memref<64x128xf32, #tpu.memory_space<vmem>>)
      %dma_wait3A_757 = arith.constant 3 : i32
      %dma_wait3A_758 = arith.constant 3 : i32
      %dma_wait3A_759 = arith.constant 3 : i32
      %dma_wait3A_760 = arith.constant 0 : i32
      %dma_wait3A_761 = arith.constant 0 : i32
      %dma_wait3A_762 = tpu.memref_slice %arg9[%dma_wait3A_758, %dma_wait3A_760, %dma_wait3A_761] : memref<4x64x128xf32, #tpu.memory_space<vmem>> -> memref<1x64x128xf32, #tpu.memory_space<vmem>>
      %dma_wait3A_763 = tpu.memref_squeeze %dma_wait3A_762 : memref<1x64x128xf32, #tpu.memory_space<vmem>> -> memref<64x128xf32, #tpu.memory_space<vmem>>
      %dma_wait3A_764 = arith.constant 0 : i32
      %dma_wait3A_765 = tpu.memref_slice %arg7[%dma_wait3A_757, %dma_wait3A_764] : memref<4x64xi32, #tpu.memory_space<vmem>> -> memref<1x64xi32, #tpu.memory_space<vmem>>
      %dma_wait3A_766 = tpu.memref_squeeze %dma_wait3A_765 : memref<1x64xi32, #tpu.memory_space<vmem>> -> memref<64xi32, #tpu.memory_space<vmem>>
      %dma_wait3A_767 = arith.constant 0 : i32
      %dma_wait3A_768 = arith.constant 0 : i32
      %dma_wait3A_769 = tpu.memref_slice %arg4[%dma_wait3A_767, %dma_wait3A_768] : memref<16384x128xf32, #tpu.memory_space<hbm>> -> memref<16384x128xf32, #tpu.memory_space<hbm>>
      %dma_wait3A_770 = tpu.memref_slice %arg11[%dma_wait3A_759] : memref<4x!tpu.dma_semaphore, #tpu.memory_space<semaphore_mem>> -> memref<1x!tpu.dma_semaphore, #tpu.memory_space<semaphore_mem>>
      %dma_wait3A_771 = tpu.memref_squeeze %dma_wait3A_770 : memref<1x!tpu.dma_semaphore, #tpu.memory_space<semaphore_mem>> -> memref<!tpu.dma_semaphore, #tpu.memory_space<semaphore_mem>>
      tpu.wait_indirect_dma semaphore(%dma_wait3A_771 : memref<!tpu.dma_semaphore, #tpu.memory_space<semaphore_mem>>) src(%dma_wait3A_769 : memref<16384x128xf32, #tpu.memory_space<hbm>>) dst(%dma_wait3A_763 : memref<64x128xf32, #tpu.memory_space<vmem>>)
      %scan3A_772 = arith.constant 0 : i32
      %scan3A_773 = arith.constant 0 : i32
      %scan3A_774 = arith.constant 32 : i32
      %scan3A_775 = arith.addi %scan3A_773, %scan3A_774 : i32
      %scan3A_776 = arith.constant 1 : i32
      scf.for %scan3A_824 = %scan3A_773 to %scan3A_775 step %scan3A_776  : i32 {
        %mul3A_825 = arith.constant 2 : i32
        %mul3A_826 = arith.muli %mul3A_825, %scan3A_824 : i32
        %add3A_827 = arith.constant 0 : i32
        %add3A_828 = arith.addi %mul3A_826, %add3A_827 : i32
        %get3A_829 = arith.constant 3 : i32
        %get3A_830 = arith.index_cast %get3A_829 : i32 to index
        %get3A_831 = arith.index_cast %add3A_828 : i32 to index
        %get3A_832 = arith.constant 0 : index
        %get3A_833 = tpu.vector_load %arg9[%get3A_830, %get3A_831, %get3A_832] {strides = array<i32>} : memref<4x64x128xf32, #tpu.memory_space<vmem>>, vector<1x1x16xf32>,
        %get3A_834 = vector.shape_cast %get3A_833 : vector<1x1x16xf32> to vector<16xf32>
        %mul3A_835 = arith.constant 2 : i32
        %mul3A_836 = arith.muli %mul3A_835, %scan3A_824 : i32
        %add3A_837 = arith.constant 0 : i32
        %add3A_838 = arith.addi %mul3A_836, %add3A_837 : i32
        %get3A_839 = arith.constant 3 : i32
        %get3A_840 = arith.index_cast %get3A_839 : i32 to index
        %get3A_841 = arith.index_cast %add3A_838 : i32 to index
        %get3A_842 = arith.constant 0 : index
        %get3A_843 = tpu.vector_load %arg8[%get3A_840, %get3A_841, %get3A_842] {strides = array<i32>} : memref<4x64x128xf32, #tpu.memory_space<vmem>>, vector<1x1x16xf32>,
        %get3A_844 = vector.shape_cast %get3A_843 : vector<1x1x16xf32> to vector<16xf32>
        %add3A_845 = arith.addf %get3A_834, %get3A_844 : vector<16xf32>
        %mul3A_846 = arith.constant 2 : i32
        %mul3A_847 = arith.muli %mul3A_846, %scan3A_824 : i32
        %add3A_848 = arith.constant 0 : i32
        %add3A_849 = arith.addi %mul3A_847, %add3A_848 : i32
        %swap3A_850 = arith.constant 3 : i32
        %swap3A_851 = arith.index_cast %swap3A_850 : i32 to index
        %swap3A_852 = arith.index_cast %add3A_849 : i32 to index
        %swap3A_853 = arith.constant 0 : index
        %swap3A_854 = tpu.vector_load %arg9[%swap3A_851, %swap3A_852, %swap3A_853] {strides = array<i32>} : memref<4x64x128xf32, #tpu.memory_space<vmem>>, vector<1x1x16xf32>,
        %swap3A_855 = vector.shape_cast %swap3A_854 : vector<1x1x16xf32> to vector<16xf32>
        %swap3A_856 = vector.shape_cast %add3A_845 : vector<16xf32> to vector<1x1x16xf32>
        tpu.vector_store %arg9[%swap3A_851, %swap3A_852, %swap3A_853], %swap3A_856 {strides = array<i32>} : memref<4x64x128xf32, #tpu.memory_space<vmem>>, vector<1x1x16xf32>,
        %mul3A_857 = arith.constant 2 : i32
        %mul3A_858 = arith.muli %mul3A_857, %scan3A_824 : i32
        %add3A_859 = arith.constant 0 : i32
        %add3A_860 = arith.addi %mul3A_858, %add3A_859 : i32
        %get3A_861 = arith.constant 3 : i32
        %get3A_862 = arith.index_cast %get3A_861 : i32 to index
        %get3A_863 = arith.index_cast %add3A_860 : i32 to index
        %get3A_864 = arith.constant 16 : index
        %get3A_865 = tpu.vector_load %arg9[%get3A_862, %get3A_863, %get3A_864] {strides = array<i32>} : memref<4x64x128xf32, #tpu.memory_space<vmem>>, vector<1x1x16xf32>,
        %get3A_866 = vector.shape_cast %get3A_865 : vector<1x1x16xf32> to vector<16xf32>
        %mul3A_867 = arith.constant 2 : i32
        %mul3A_868 = arith.muli %mul3A_867, %scan3A_824 : i32
        %add3A_869 = arith.constant 0 : i32
        %add3A_870 = arith.addi %mul3A_868, %add3A_869 : i32
        %get3A_871 = arith.constant 3 : i32
        %get3A_872 = arith.index_cast %get3A_871 : i32 to index
        %get3A_873 = arith.index_cast %add3A_870 : i32 to index
        %get3A_874 = arith.constant 16 : index
        %get3A_875 = tpu.vector_load %arg8[%get3A_872, %get3A_873, %get3A_874] {strides = array<i32>} : memref<4x64x128xf32, #tpu.memory_space<vmem>>, vector<1x1x16xf32>,
        %get3A_876 = vector.shape_cast %get3A_875 : vector<1x1x16xf32> to vector<16xf32>
        %add3A_877 = arith.addf %get3A_866, %get3A_876 : vector<16xf32>
        %mul3A_878 = arith.constant 2 : i32
        %mul3A_879 = arith.muli %mul3A_878, %scan3A_824 : i32
        %add3A_880 = arith.constant 0 : i32
        %add3A_881 = arith.addi %mul3A_879, %add3A_880 : i32
        %swap3A_882 = arith.constant 3 : i32
        %swap3A_883 = arith.index_cast %swap3A_882 : i32 to index
        %swap3A_884 = arith.index_cast %add3A_881 : i32 to index
        %swap3A_885 = arith.constant 16 : index
        %swap3A_886 = tpu.vector_load %arg9[%swap3A_883, %swap3A_884, %swap3A_885] {strides = array<i32>} : memref<4x64x128xf32, #tpu.memory_space<vmem>>, vector<1x1x16xf32>,
        %swap3A_887 = vector.shape_cast %swap3A_886 : vector<1x1x16xf32> to vector<16xf32>
        %swap3A_888 = vector.shape_cast %add3A_877 : vector<16xf32> to vector<1x1x16xf32>
        tpu.vector_store %arg9[%swap3A_883, %swap3A_884, %swap3A_885], %swap3A_888 {strides = array<i32>} : memref<4x64x128xf32, #tpu.memory_space<vmem>>, vector<1x1x16xf32>,
        %mul3A_889 = arith.constant 2 : i32
        %mul3A_890 = arith.muli %mul3A_889, %scan3A_824 : i32
        %add3A_891 = arith.constant 0 : i32
        %add3A_892 = arith.addi %mul3A_890, %add3A_891 : i32
        %get3A_893 = arith.constant 3 : i32
        %get3A_894 = arith.index_cast %get3A_893 : i32 to index
        %get3A_895 = arith.index_cast %add3A_892 : i32 to index
        %get3A_896 = arith.constant 32 : index
        %get3A_897 = tpu.vector_load %arg9[%get3A_894, %get3A_895, %get3A_896] {strides = array<i32>} : memref<4x64x128xf32, #tpu.memory_space<vmem>>, vector<1x1x16xf32>,
        %get3A_898 = vector.shape_cast %get3A_897 : vector<1x1x16xf32> to vector<16xf32>
        %mul3A_899 = arith.constant 2 : i32
        %mul3A_900 = arith.muli %mul3A_899, %scan3A_824 : i32
        %add3A_901 = arith.constant 0 : i32
        %add3A_902 = arith.addi %mul3A_900, %add3A_901 : i32
        %get3A_903 = arith.constant 3 : i32
        %get3A_904 = arith.index_cast %get3A_903 : i32 to index
        %get3A_905 = arith.index_cast %add3A_902 : i32 to index
        %get3A_906 = arith.constant 32 : index
        %get3A_907 = tpu.vector_load %arg8[%get3A_904, %get3A_905, %get3A_906] {strides = array<i32>} : memref<4x64x128xf32, #tpu.memory_space<vmem>>, vector<1x1x16xf32>,
        %get3A_908 = vector.shape_cast %get3A_907 : vector<1x1x16xf32> to vector<16xf32>
        %add3A_909 = arith.addf %get3A_898, %get3A_908 : vector<16xf32>
        %mul3A_910 = arith.constant 2 : i32
        %mul3A_911 = arith.muli %mul3A_910, %scan3A_824 : i32
        %add3A_912 = arith.constant 0 : i32
        %add3A_913 = arith.addi %mul3A_911, %add3A_912 : i32
        %swap3A_914 = arith.constant 3 : i32
        %swap3A_915 = arith.index_cast %swap3A_914 : i32 to index
        %swap3A_916 = arith.index_cast %add3A_913 : i32 to index
        %swap3A_917 = arith.constant 32 : index
        %swap3A_918 = tpu.vector_load %arg9[%swap3A_915, %swap3A_916, %swap3A_917] {strides = array<i32>} : memref<4x64x128xf32, #tpu.memory_space<vmem>>, vector<1x1x16xf32>,
        %swap3A_919 = vector.shape_cast %swap3A_918 : vector<1x1x16xf32> to vector<16xf32>
        %swap3A_920 = vector.shape_cast %add3A_909 : vector<16xf32> to vector<1x1x16xf32>
        tpu.vector_store %arg9[%swap3A_915, %swap3A_916, %swap3A_917], %swap3A_920 {strides = array<i32>} : memref<4x64x128xf32, #tpu.memory_space<vmem>>, vector<1x1x16xf32>,
        %mul3A_921 = arith.constant 2 : i32
        %mul3A_922 = arith.muli %mul3A_921, %scan3A_824 : i32
        %add3A_923 = arith.constant 0 : i32
        %add3A_924 = arith.addi %mul3A_922, %add3A_923 : i32
        %get3A_925 = arith.constant 3 : i32
        %get3A_926 = arith.index_cast %get3A_925 : i32 to index
        %get3A_927 = arith.index_cast %add3A_924 : i32 to index
        %get3A_928 = arith.constant 48 : index
        %get3A_929 = tpu.vector_load %arg9[%get3A_926, %get3A_927, %get3A_928] {strides = array<i32>} : memref<4x64x128xf32, #tpu.memory_space<vmem>>, vector<1x1x16xf32>,
        %get3A_930 = vector.shape_cast %get3A_929 : vector<1x1x16xf32> to vector<16xf32>
        %mul3A_931 = arith.constant 2 : i32
        %mul3A_932 = arith.muli %mul3A_931, %scan3A_824 : i32
        %add3A_933 = arith.constant 0 : i32
        %add3A_934 = arith.addi %mul3A_932, %add3A_933 : i32
        %get3A_935 = arith.constant 3 : i32
        %get3A_936 = arith.index_cast %get3A_935 : i32 to index
        %get3A_937 = arith.index_cast %add3A_934 : i32 to index
        %get3A_938 = arith.constant 48 : index
        %get3A_939 = tpu.vector_load %arg8[%get3A_936, %get3A_937, %get3A_938] {strides = array<i32>} : memref<4x64x128xf32, #tpu.memory_space<vmem>>, vector<1x1x16xf32>,
        %get3A_940 = vector.shape_cast %get3A_939 : vector<1x1x16xf32> to vector<16xf32>
        %add3A_941 = arith.addf %get3A_930, %get3A_940 : vector<16xf32>
        %mul3A_942 = arith.constant 2 : i32
        %mul3A_943 = arith.muli %mul3A_942, %scan3A_824 : i32
        %add3A_944 = arith.constant 0 : i32
        %add3A_945 = arith.addi %mul3A_943, %add3A_944 : i32
        %swap3A_946 = arith.constant 3 : i32
        %swap3A_947 = arith.index_cast %swap3A_946 : i32 to index
        %swap3A_948 = arith.index_cast %add3A_945 : i32 to index
        %swap3A_949 = arith.constant 48 : index
        %swap3A_950 = tpu.vector_load %arg9[%swap3A_947, %swap3A_948, %swap3A_949] {strides = array<i32>} : memref<4x64x128xf32, #tpu.memory_space<vmem>>, vector<1x1x16xf32>,
        %swap3A_951 = vector.shape_cast %swap3A_950 : vector<1x1x16xf32> to vector<16xf32>
        %swap3A_952 = vector.shape_cast %add3A_941 : vector<16xf32> to vector<1x1x16xf32>
        tpu.vector_store %arg9[%swap3A_947, %swap3A_948, %swap3A_949], %swap3A_952 {strides = array<i32>} : memref<4x64x128xf32, #tpu.memory_space<vmem>>, vector<1x1x16xf32>,
        %mul3A_953 = arith.constant 2 : i32
        %mul3A_954 = arith.muli %mul3A_953, %scan3A_824 : i32
        %add3A_955 = arith.constant 0 : i32
        %add3A_956 = arith.addi %mul3A_954, %add3A_955 : i32
        %get3A_957 = arith.constant 3 : i32
        %get3A_958 = arith.index_cast %get3A_957 : i32 to index
        %get3A_959 = arith.index_cast %add3A_956 : i32 to index
        %get3A_960 = arith.constant 64 : index
        %get3A_961 = tpu.vector_load %arg9[%get3A_958, %get3A_959, %get3A_960] {strides = array<i32>} : memref<4x64x128xf32, #tpu.memory_space<vmem>>, vector<1x1x16xf32>,
        %get3A_962 = vector.shape_cast %get3A_961 : vector<1x1x16xf32> to vector<16xf32>
        %mul3A_963 = arith.constant 2 : i32
        %mul3A_964 = arith.muli %mul3A_963, %scan3A_824 : i32
        %add3A_965 = arith.constant 0 : i32
        %add3A_966 = arith.addi %mul3A_964, %add3A_965 : i32
        %get3A_967 = arith.constant 3 : i32
        %get3A_968 = arith.index_cast %get3A_967 : i32 to index
        %get3A_969 = arith.index_cast %add3A_966 : i32 to index
        %get3A_970 = arith.constant 64 : index
        %get3A_971 = tpu.vector_load %arg8[%get3A_968, %get3A_969, %get3A_970] {strides = array<i32>} : memref<4x64x128xf32, #tpu.memory_space<vmem>>, vector<1x1x16xf32>,
        %get3A_972 = vector.shape_cast %get3A_971 : vector<1x1x16xf32> to vector<16xf32>
        %add3A_973 = arith.addf %get3A_962, %get3A_972 : vector<16xf32>
        %mul3A_974 = arith.constant 2 : i32
        %mul3A_975 = arith.muli %mul3A_974, %scan3A_824 : i32
        %add3A_976 = arith.constant 0 : i32
        %add3A_977 = arith.addi %mul3A_975, %add3A_976 : i32
        %swap3A_978 = arith.constant 3 : i32
        %swap3A_979 = arith.index_cast %swap3A_978 : i32 to index
        %swap3A_980 = arith.index_cast %add3A_977 : i32 to index
        %swap3A_981 = arith.constant 64 : index
        %swap3A_982 = tpu.vector_load %arg9[%swap3A_979, %swap3A_980, %swap3A_981] {strides = array<i32>} : memref<4x64x128xf32, #tpu.memory_space<vmem>>, vector<1x1x16xf32>,
        %swap3A_983 = vector.shape_cast %swap3A_982 : vector<1x1x16xf32> to vector<16xf32>
        %swap3A_984 = vector.shape_cast %add3A_973 : vector<16xf32> to vector<1x1x16xf32>
        tpu.vector_store %arg9[%swap3A_979, %swap3A_980, %swap3A_981], %swap3A_984 {strides = array<i32>} : memref<4x64x128xf32, #tpu.memory_space<vmem>>, vector<1x1x16xf32>,
        %mul3A_985 = arith.constant 2 : i32
        %mul3A_986 = arith.muli %mul3A_985, %scan3A_824 : i32
        %add3A_987 = arith.constant 0 : i32
        %add3A_988 = arith.addi %mul3A_986, %add3A_987 : i32
        %get3A_989 = arith.constant 3 : i32
        %get3A_990 = arith.index_cast %get3A_989 : i32 to index
        %get3A_991 = arith.index_cast %add3A_988 : i32 to index
        %get3A_992 = arith.constant 80 : index
        %get3A_993 = tpu.vector_load %arg9[%get3A_990, %get3A_991, %get3A_992] {strides = array<i32>} : memref<4x64x128xf32, #tpu.memory_space<vmem>>, vector<1x1x16xf32>,
        %get3A_994 = vector.shape_cast %get3A_993 : vector<1x1x16xf32> to vector<16xf32>
        %mul3A_995 = arith.constant 2 : i32
        %mul3A_996 = arith.muli %mul3A_995, %scan3A_824 : i32
        %add3A_997 = arith.constant 0 : i32
        %add3A_998 = arith.addi %mul3A_996, %add3A_997 : i32
        %get3A_999 = arith.constant 3 : i32
        %get3A_1000 = arith.index_cast %get3A_999 : i32 to index
        %get3A_1001 = arith.index_cast %add3A_998 : i32 to index
        %get3A_1002 = arith.constant 80 : index
        %get3A_1003 = tpu.vector_load %arg8[%get3A_1000, %get3A_1001, %get3A_1002] {strides = array<i32>} : memref<4x64x128xf32, #tpu.memory_space<vmem>>, vector<1x1x16xf32>,
        %get3A_1004 = vector.shape_cast %get3A_1003 : vector<1x1x16xf32> to vector<16xf32>
        %add3A_1005 = arith.addf %get3A_994, %get3A_1004 : vector<16xf32>
        %mul3A_1006 = arith.constant 2 : i32
        %mul3A_1007 = arith.muli %mul3A_1006, %scan3A_824 : i32
        %add3A_1008 = arith.constant 0 : i32
        %add3A_1009 = arith.addi %mul3A_1007, %add3A_1008 : i32
        %swap3A_1010 = arith.constant 3 : i32
        %swap3A_1011 = arith.index_cast %swap3A_1010 : i32 to index
        %swap3A_1012 = arith.index_cast %add3A_1009 : i32 to index
        %swap3A_1013 = arith.constant 80 : index
        %swap3A_1014 = tpu.vector_load %arg9[%swap3A_1011, %swap3A_1012, %swap3A_1013] {strides = array<i32>} : memref<4x64x128xf32, #tpu.memory_space<vmem>>, vector<1x1x16xf32>,
        %swap3A_1015 = vector.shape_cast %swap3A_1014 : vector<1x1x16xf32> to vector<16xf32>
        %swap3A_1016 = vector.shape_cast %add3A_1005 : vector<16xf32> to vector<1x1x16xf32>
        tpu.vector_store %arg9[%swap3A_1011, %swap3A_1012, %swap3A_1013], %swap3A_1016 {strides = array<i32>} : memref<4x64x128xf32, #tpu.memory_space<vmem>>, vector<1x1x16xf32>,
        %mul3A_1017 = arith.constant 2 : i32
        %mul3A_1018 = arith.muli %mul3A_1017, %scan3A_824 : i32
        %add3A_1019 = arith.constant 0 : i32
        %add3A_1020 = arith.addi %mul3A_1018, %add3A_1019 : i32
        %get3A_1021 = arith.constant 3 : i32
        %get3A_1022 = arith.index_cast %get3A_1021 : i32 to index
        %get3A_1023 = arith.index_cast %add3A_1020 : i32 to index
        %get3A_1024 = arith.constant 96 : index
        %get3A_1025 = tpu.vector_load %arg9[%get3A_1022, %get3A_1023, %get3A_1024] {strides = array<i32>} : memref<4x64x128xf32, #tpu.memory_space<vmem>>, vector<1x1x16xf32>,
        %get3A_1026 = vector.shape_cast %get3A_1025 : vector<1x1x16xf32> to vector<16xf32>
        %mul3A_1027 = arith.constant 2 : i32
        %mul3A_1028 = arith.muli %mul3A_1027, %scan3A_824 : i32
        %add3A_1029 = arith.constant 0 : i32
        %add3A_1030 = arith.addi %mul3A_1028, %add3A_1029 : i32
        %get3A_1031 = arith.constant 3 : i32
        %get3A_1032 = arith.index_cast %get3A_1031 : i32 to index
        %get3A_1033 = arith.index_cast %add3A_1030 : i32 to index
        %get3A_1034 = arith.constant 96 : index
        %get3A_1035 = tpu.vector_load %arg8[%get3A_1032, %get3A_1033, %get3A_1034] {strides = array<i32>} : memref<4x64x128xf32, #tpu.memory_space<vmem>>, vector<1x1x16xf32>,
        %get3A_1036 = vector.shape_cast %get3A_1035 : vector<1x1x16xf32> to vector<16xf32>
        %add3A_1037 = arith.addf %get3A_1026, %get3A_1036 : vector<16xf32>
        %mul3A_1038 = arith.constant 2 : i32
        %mul3A_1039 = arith.muli %mul3A_1038, %scan3A_824 : i32
        %add3A_1040 = arith.constant 0 : i32
        %add3A_1041 = arith.addi %mul3A_1039, %add3A_1040 : i32
        %swap3A_1042 = arith.constant 3 : i32
        %swap3A_1043 = arith.index_cast %swap3A_1042 : i32 to index
        %swap3A_1044 = arith.index_cast %add3A_1041 : i32 to index
        %swap3A_1045 = arith.constant 96 : index
        %swap3A_1046 = tpu.vector_load %arg9[%swap3A_1043, %swap3A_1044, %swap3A_1045] {strides = array<i32>} : memref<4x64x128xf32, #tpu.memory_space<vmem>>, vector<1x1x16xf32>,
        %swap3A_1047 = vector.shape_cast %swap3A_1046 : vector<1x1x16xf32> to vector<16xf32>
        %swap3A_1048 = vector.shape_cast %add3A_1037 : vector<16xf32> to vector<1x1x16xf32>
        tpu.vector_store %arg9[%swap3A_1043, %swap3A_1044, %swap3A_1045], %swap3A_1048 {strides = array<i32>} : memref<4x64x128xf32, #tpu.memory_space<vmem>>, vector<1x1x16xf32>,
        %mul3A_1049 = arith.constant 2 : i32
        %mul3A_1050 = arith.muli %mul3A_1049, %scan3A_824 : i32
        %add3A_1051 = arith.constant 0 : i32
        %add3A_1052 = arith.addi %mul3A_1050, %add3A_1051 : i32
        %get3A_1053 = arith.constant 3 : i32
        %get3A_1054 = arith.index_cast %get3A_1053 : i32 to index
        %get3A_1055 = arith.index_cast %add3A_1052 : i32 to index
        %get3A_1056 = arith.constant 112 : index
        %get3A_1057 = tpu.vector_load %arg9[%get3A_1054, %get3A_1055, %get3A_1056] {strides = array<i32>} : memref<4x64x128xf32, #tpu.memory_space<vmem>>, vector<1x1x16xf32>,
        %get3A_1058 = vector.shape_cast %get3A_1057 : vector<1x1x16xf32> to vector<16xf32>
        %mul3A_1059 = arith.constant 2 : i32
        %mul3A_1060 = arith.muli %mul3A_1059, %scan3A_824 : i32
        %add3A_1061 = arith.constant 0 : i32
        %add3A_1062 = arith.addi %mul3A_1060, %add3A_1061 : i32
        %get3A_1063 = arith.constant 3 : i32
        %get3A_1064 = arith.index_cast %get3A_1063 : i32 to index
        %get3A_1065 = arith.index_cast %add3A_1062 : i32 to index
        %get3A_1066 = arith.constant 112 : index
        %get3A_1067 = tpu.vector_load %arg8[%get3A_1064, %get3A_1065, %get3A_1066] {strides = array<i32>} : memref<4x64x128xf32, #tpu.memory_space<vmem>>, vector<1x1x16xf32>,
        %get3A_1068 = vector.shape_cast %get3A_1067 : vector<1x1x16xf32> to vector<16xf32>
        %add3A_1069 = arith.addf %get3A_1058, %get3A_1068 : vector<16xf32>
        %mul3A_1070 = arith.constant 2 : i32
        %mul3A_1071 = arith.muli %mul3A_1070, %scan3A_824 : i32
        %add3A_1072 = arith.constant 0 : i32
        %add3A_1073 = arith.addi %mul3A_1071, %add3A_1072 : i32
        %swap3A_1074 = arith.constant 3 : i32
        %swap3A_1075 = arith.index_cast %swap3A_1074 : i32 to index
        %swap3A_1076 = arith.index_cast %add3A_1073 : i32 to index
        %swap3A_1077 = arith.constant 112 : index
        %swap3A_1078 = tpu.vector_load %arg9[%swap3A_1075, %swap3A_1076, %swap3A_1077] {strides = array<i32>} : memref<4x64x128xf32, #tpu.memory_space<vmem>>, vector<1x1x16xf32>,
        %swap3A_1079 = vector.shape_cast %swap3A_1078 : vector<1x1x16xf32> to vector<16xf32>
        %swap3A_1080 = vector.shape_cast %add3A_1069 : vector<16xf32> to vector<1x1x16xf32>
        tpu.vector_store %arg9[%swap3A_1075, %swap3A_1076, %swap3A_1077], %swap3A_1080 {strides = array<i32>} : memref<4x64x128xf32, #tpu.memory_space<vmem>>, vector<1x1x16xf32>,
        %mul3A_1081 = arith.constant 2 : i32
        %mul3A_1082 = arith.muli %mul3A_1081, %scan3A_824 : i32
        %add3A_1083 = arith.constant 1 : i32
        %add3A_1084 = arith.addi %mul3A_1082, %add3A_1083 : i32
        %get3A_1085 = arith.constant 3 : i32
        %get3A_1086 = arith.index_cast %get3A_1085 : i32 to index
        %get3A_1087 = arith.index_cast %add3A_1084 : i32 to index
        %get3A_1088 = arith.constant 0 : index
        %get3A_1089 = tpu.vector_load %arg9[%get3A_1086, %get3A_1087, %get3A_1088] {strides = array<i32>} : memref<4x64x128xf32, #tpu.memory_space<vmem>>, vector<1x1x16xf32>,
        %get3A_1090 = vector.shape_cast %get3A_1089 : vector<1x1x16xf32> to vector<16xf32>
        %mul3A_1091 = arith.constant 2 : i32
        %mul3A_1092 = arith.muli %mul3A_1091, %scan3A_824 : i32
        %add3A_1093 = arith.constant 1 : i32
        %add3A_1094 = arith.addi %mul3A_1092, %add3A_1093 : i32
        %get3A_1095 = arith.constant 3 : i32
        %get3A_1096 = arith.index_cast %get3A_1095 : i32 to index
        %get3A_1097 = arith.index_cast %add3A_1094 : i32 to index
        %get3A_1098 = arith.constant 0 : index
        %get3A_1099 = tpu.vector_load %arg8[%get3A_1096, %get3A_1097, %get3A_1098] {strides = array<i32>} : memref<4x64x128xf32, #tpu.memory_space<vmem>>, vector<1x1x16xf32>,
        %get3A_1100 = vector.shape_cast %get3A_1099 : vector<1x1x16xf32> to vector<16xf32>
        %add3A_1101 = arith.addf %get3A_1090, %get3A_1100 : vector<16xf32>
        %mul3A_1102 = arith.constant 2 : i32
        %mul3A_1103 = arith.muli %mul3A_1102, %scan3A_824 : i32
        %add3A_1104 = arith.constant 1 : i32
        %add3A_1105 = arith.addi %mul3A_1103, %add3A_1104 : i32
        %swap3A_1106 = arith.constant 3 : i32
        %swap3A_1107 = arith.index_cast %swap3A_1106 : i32 to index
        %swap3A_1108 = arith.index_cast %add3A_1105 : i32 to index
        %swap3A_1109 = arith.constant 0 : index
        %swap3A_1110 = tpu.vector_load %arg9[%swap3A_1107, %swap3A_1108, %swap3A_1109] {strides = array<i32>} : memref<4x64x128xf32, #tpu.memory_space<vmem>>, vector<1x1x16xf32>,
        %swap3A_1111 = vector.shape_cast %swap3A_1110 : vector<1x1x16xf32> to vector<16xf32>
        %swap3A_1112 = vector.shape_cast %add3A_1101 : vector<16xf32> to vector<1x1x16xf32>
        tpu.vector_store %arg9[%swap3A_1107, %swap3A_1108, %swap3A_1109], %swap3A_1112 {strides = array<i32>} : memref<4x64x128xf32, #tpu.memory_space<vmem>>, vector<1x1x16xf32>,
        %mul3A_1113 = arith.constant 2 : i32
        %mul3A_1114 = arith.muli %mul3A_1113, %scan3A_824 : i32
        %add3A_1115 = arith.constant 1 : i32
        %add3A_1116 = arith.addi %mul3A_1114, %add3A_1115 : i32
        %get3A_1117 = arith.constant 3 : i32
        %get3A_1118 = arith.index_cast %get3A_1117 : i32 to index
        %get3A_1119 = arith.index_cast %add3A_1116 : i32 to index
        %get3A_1120 = arith.constant 16 : index
        %get3A_1121 = tpu.vector_load %arg9[%get3A_1118, %get3A_1119, %get3A_1120] {strides = array<i32>} : memref<4x64x128xf32, #tpu.memory_space<vmem>>, vector<1x1x16xf32>,
        %get3A_1122 = vector.shape_cast %get3A_1121 : vector<1x1x16xf32> to vector<16xf32>
        %mul3A_1123 = arith.constant 2 : i32
        %mul3A_1124 = arith.muli %mul3A_1123, %scan3A_824 : i32
        %add3A_1125 = arith.constant 1 : i32
        %add3A_1126 = arith.addi %mul3A_1124, %add3A_1125 : i32
        %get3A_1127 = arith.constant 3 : i32
        %get3A_1128 = arith.index_cast %get3A_1127 : i32 to index
        %get3A_1129 = arith.index_cast %add3A_1126 : i32 to index
        %get3A_1130 = arith.constant 16 : index
        %get3A_1131 = tpu.vector_load %arg8[%get3A_1128, %get3A_1129, %get3A_1130] {strides = array<i32>} : memref<4x64x128xf32, #tpu.memory_space<vmem>>, vector<1x1x16xf32>,
        %get3A_1132 = vector.shape_cast %get3A_1131 : vector<1x1x16xf32> to vector<16xf32>
        %add3A_1133 = arith.addf %get3A_1122, %get3A_1132 : vector<16xf32>
        %mul3A_1134 = arith.constant 2 : i32
        %mul3A_1135 = arith.muli %mul3A_1134, %scan3A_824 : i32
        %add3A_1136 = arith.constant 1 : i32
        %add3A_1137 = arith.addi %mul3A_1135, %add3A_1136 : i32
        %swap3A_1138 = arith.constant 3 : i32
        %swap3A_1139 = arith.index_cast %swap3A_1138 : i32 to index
        %swap3A_1140 = arith.index_cast %add3A_1137 : i32 to index
        %swap3A_1141 = arith.constant 16 : index
        %swap3A_1142 = tpu.vector_load %arg9[%swap3A_1139, %swap3A_1140, %swap3A_1141] {strides = array<i32>} : memref<4x64x128xf32, #tpu.memory_space<vmem>>, vector<1x1x16xf32>,
        %swap3A_1143 = vector.shape_cast %swap3A_1142 : vector<1x1x16xf32> to vector<16xf32>
        %swap3A_1144 = vector.shape_cast %add3A_1133 : vector<16xf32> to vector<1x1x16xf32>
        tpu.vector_store %arg9[%swap3A_1139, %swap3A_1140, %swap3A_1141], %swap3A_1144 {strides = array<i32>} : memref<4x64x128xf32, #tpu.memory_space<vmem>>, vector<1x1x16xf32>,
        %mul3A_1145 = arith.constant 2 : i32
        %mul3A_1146 = arith.muli %mul3A_1145, %scan3A_824 : i32
        %add3A_1147 = arith.constant 1 : i32
        %add3A_1148 = arith.addi %mul3A_1146, %add3A_1147 : i32
        %get3A_1149 = arith.constant 3 : i32
        %get3A_1150 = arith.index_cast %get3A_1149 : i32 to index
        %get3A_1151 = arith.index_cast %add3A_1148 : i32 to index
        %get3A_1152 = arith.constant 32 : index
        %get3A_1153 = tpu.vector_load %arg9[%get3A_1150, %get3A_1151, %get3A_1152] {strides = array<i32>} : memref<4x64x128xf32, #tpu.memory_space<vmem>>, vector<1x1x16xf32>,
        %get3A_1154 = vector.shape_cast %get3A_1153 : vector<1x1x16xf32> to vector<16xf32>
        %mul3A_1155 = arith.constant 2 : i32
        %mul3A_1156 = arith.muli %mul3A_1155, %scan3A_824 : i32
        %add3A_1157 = arith.constant 1 : i32
        %add3A_1158 = arith.addi %mul3A_1156, %add3A_1157 : i32
        %get3A_1159 = arith.constant 3 : i32
        %get3A_1160 = arith.index_cast %get3A_1159 : i32 to index
        %get3A_1161 = arith.index_cast %add3A_1158 : i32 to index
        %get3A_1162 = arith.constant 32 : index
        %get3A_1163 = tpu.vector_load %arg8[%get3A_1160, %get3A_1161, %get3A_1162] {strides = array<i32>} : memref<4x64x128xf32, #tpu.memory_space<vmem>>, vector<1x1x16xf32>,
        %get3A_1164 = vector.shape_cast %get3A_1163 : vector<1x1x16xf32> to vector<16xf32>
        %add3A_1165 = arith.addf %get3A_1154, %get3A_1164 : vector<16xf32>
        %mul3A_1166 = arith.constant 2 : i32
        %mul3A_1167 = arith.muli %mul3A_1166, %scan3A_824 : i32
        %add3A_1168 = arith.constant 1 : i32
        %add3A_1169 = arith.addi %mul3A_1167, %add3A_1168 : i32
        %swap3A_1170 = arith.constant 3 : i32
        %swap3A_1171 = arith.index_cast %swap3A_1170 : i32 to index
        %swap3A_1172 = arith.index_cast %add3A_1169 : i32 to index
        %swap3A_1173 = arith.constant 32 : index
        %swap3A_1174 = tpu.vector_load %arg9[%swap3A_1171, %swap3A_1172, %swap3A_1173] {strides = array<i32>} : memref<4x64x128xf32, #tpu.memory_space<vmem>>, vector<1x1x16xf32>,
        %swap3A_1175 = vector.shape_cast %swap3A_1174 : vector<1x1x16xf32> to vector<16xf32>
        %swap3A_1176 = vector.shape_cast %add3A_1165 : vector<16xf32> to vector<1x1x16xf32>
        tpu.vector_store %arg9[%swap3A_1171, %swap3A_1172, %swap3A_1173], %swap3A_1176 {strides = array<i32>} : memref<4x64x128xf32, #tpu.memory_space<vmem>>, vector<1x1x16xf32>,
        %mul3A_1177 = arith.constant 2 : i32
        %mul3A_1178 = arith.muli %mul3A_1177, %scan3A_824 : i32
        %add3A_1179 = arith.constant 1 : i32
        %add3A_1180 = arith.addi %mul3A_1178, %add3A_1179 : i32
        %get3A_1181 = arith.constant 3 : i32
        %get3A_1182 = arith.index_cast %get3A_1181 : i32 to index
        %get3A_1183 = arith.index_cast %add3A_1180 : i32 to index
        %get3A_1184 = arith.constant 48 : index
        %get3A_1185 = tpu.vector_load %arg9[%get3A_1182, %get3A_1183, %get3A_1184] {strides = array<i32>} : memref<4x64x128xf32, #tpu.memory_space<vmem>>, vector<1x1x16xf32>,
        %get3A_1186 = vector.shape_cast %get3A_1185 : vector<1x1x16xf32> to vector<16xf32>
        %mul3A_1187 = arith.constant 2 : i32
        %mul3A_1188 = arith.muli %mul3A_1187, %scan3A_824 : i32
        %add3A_1189 = arith.constant 1 : i32
        %add3A_1190 = arith.addi %mul3A_1188, %add3A_1189 : i32
        %get3A_1191 = arith.constant 3 : i32
        %get3A_1192 = arith.index_cast %get3A_1191 : i32 to index
        %get3A_1193 = arith.index_cast %add3A_1190 : i32 to index
        %get3A_1194 = arith.constant 48 : index
        %get3A_1195 = tpu.vector_load %arg8[%get3A_1192, %get3A_1193, %get3A_1194] {strides = array<i32>} : memref<4x64x128xf32, #tpu.memory_space<vmem>>, vector<1x1x16xf32>,
        %get3A_1196 = vector.shape_cast %get3A_1195 : vector<1x1x16xf32> to vector<16xf32>
        %add3A_1197 = arith.addf %get3A_1186, %get3A_1196 : vector<16xf32>
        %mul3A_1198 = arith.constant 2 : i32
        %mul3A_1199 = arith.muli %mul3A_1198, %scan3A_824 : i32
        %add3A_1200 = arith.constant 1 : i32
        %add3A_1201 = arith.addi %mul3A_1199, %add3A_1200 : i32
        %swap3A_1202 = arith.constant 3 : i32
        %swap3A_1203 = arith.index_cast %swap3A_1202 : i32 to index
        %swap3A_1204 = arith.index_cast %add3A_1201 : i32 to index
        %swap3A_1205 = arith.constant 48 : index
        %swap3A_1206 = tpu.vector_load %arg9[%swap3A_1203, %swap3A_1204, %swap3A_1205] {strides = array<i32>} : memref<4x64x128xf32, #tpu.memory_space<vmem>>, vector<1x1x16xf32>,
        %swap3A_1207 = vector.shape_cast %swap3A_1206 : vector<1x1x16xf32> to vector<16xf32>
        %swap3A_1208 = vector.shape_cast %add3A_1197 : vector<16xf32> to vector<1x1x16xf32>
        tpu.vector_store %arg9[%swap3A_1203, %swap3A_1204, %swap3A_1205], %swap3A_1208 {strides = array<i32>} : memref<4x64x128xf32, #tpu.memory_space<vmem>>, vector<1x1x16xf32>,
        %mul3A_1209 = arith.constant 2 : i32
        %mul3A_1210 = arith.muli %mul3A_1209, %scan3A_824 : i32
        %add3A_1211 = arith.constant 1 : i32
        %add3A_1212 = arith.addi %mul3A_1210, %add3A_1211 : i32
        %get3A_1213 = arith.constant 3 : i32
        %get3A_1214 = arith.index_cast %get3A_1213 : i32 to index
        %get3A_1215 = arith.index_cast %add3A_1212 : i32 to index
        %get3A_1216 = arith.constant 64 : index
        %get3A_1217 = tpu.vector_load %arg9[%get3A_1214, %get3A_1215, %get3A_1216] {strides = array<i32>} : memref<4x64x128xf32, #tpu.memory_space<vmem>>, vector<1x1x16xf32>,
        %get3A_1218 = vector.shape_cast %get3A_1217 : vector<1x1x16xf32> to vector<16xf32>
        %mul3A_1219 = arith.constant 2 : i32
        %mul3A_1220 = arith.muli %mul3A_1219, %scan3A_824 : i32
        %add3A_1221 = arith.constant 1 : i32
        %add3A_1222 = arith.addi %mul3A_1220, %add3A_1221 : i32
        %get3A_1223 = arith.constant 3 : i32
        %get3A_1224 = arith.index_cast %get3A_1223 : i32 to index
        %get3A_1225 = arith.index_cast %add3A_1222 : i32 to index
        %get3A_1226 = arith.constant 64 : index
        %get3A_1227 = tpu.vector_load %arg8[%get3A_1224, %get3A_1225, %get3A_1226] {strides = array<i32>} : memref<4x64x128xf32, #tpu.memory_space<vmem>>, vector<1x1x16xf32>,
        %get3A_1228 = vector.shape_cast %get3A_1227 : vector<1x1x16xf32> to vector<16xf32>
        %add3A_1229 = arith.addf %get3A_1218, %get3A_1228 : vector<16xf32>
        %mul3A_1230 = arith.constant 2 : i32
        %mul3A_1231 = arith.muli %mul3A_1230, %scan3A_824 : i32
        %add3A_1232 = arith.constant 1 : i32
        %add3A_1233 = arith.addi %mul3A_1231, %add3A_1232 : i32
        %swap3A_1234 = arith.constant 3 : i32
        %swap3A_1235 = arith.index_cast %swap3A_1234 : i32 to index
        %swap3A_1236 = arith.index_cast %add3A_1233 : i32 to index
        %swap3A_1237 = arith.constant 64 : index
        %swap3A_1238 = tpu.vector_load %arg9[%swap3A_1235, %swap3A_1236, %swap3A_1237] {strides = array<i32>} : memref<4x64x128xf32, #tpu.memory_space<vmem>>, vector<1x1x16xf32>,
        %swap3A_1239 = vector.shape_cast %swap3A_1238 : vector<1x1x16xf32> to vector<16xf32>
        %swap3A_1240 = vector.shape_cast %add3A_1229 : vector<16xf32> to vector<1x1x16xf32>
        tpu.vector_store %arg9[%swap3A_1235, %swap3A_1236, %swap3A_1237], %swap3A_1240 {strides = array<i32>} : memref<4x64x128xf32, #tpu.memory_space<vmem>>, vector<1x1x16xf32>,
        %mul3A_1241 = arith.constant 2 : i32
        %mul3A_1242 = arith.muli %mul3A_1241, %scan3A_824 : i32
        %add3A_1243 = arith.constant 1 : i32
        %add3A_1244 = arith.addi %mul3A_1242, %add3A_1243 : i32
        %get3A_1245 = arith.constant 3 : i32
        %get3A_1246 = arith.index_cast %get3A_1245 : i32 to index
        %get3A_1247 = arith.index_cast %add3A_1244 : i32 to index
        %get3A_1248 = arith.constant 80 : index
        %get3A_1249 = tpu.vector_load %arg9[%get3A_1246, %get3A_1247, %get3A_1248] {strides = array<i32>} : memref<4x64x128xf32, #tpu.memory_space<vmem>>, vector<1x1x16xf32>,
        %get3A_1250 = vector.shape_cast %get3A_1249 : vector<1x1x16xf32> to vector<16xf32>
        %mul3A_1251 = arith.constant 2 : i32
        %mul3A_1252 = arith.muli %mul3A_1251, %scan3A_824 : i32
        %add3A_1253 = arith.constant 1 : i32
        %add3A_1254 = arith.addi %mul3A_1252, %add3A_1253 : i32
        %get3A_1255 = arith.constant 3 : i32
        %get3A_1256 = arith.index_cast %get3A_1255 : i32 to index
        %get3A_1257 = arith.index_cast %add3A_1254 : i32 to index
        %get3A_1258 = arith.constant 80 : index
        %get3A_1259 = tpu.vector_load %arg8[%get3A_1256, %get3A_1257, %get3A_1258] {strides = array<i32>} : memref<4x64x128xf32, #tpu.memory_space<vmem>>, vector<1x1x16xf32>,
        %get3A_1260 = vector.shape_cast %get3A_1259 : vector<1x1x16xf32> to vector<16xf32>
        %add3A_1261 = arith.addf %get3A_1250, %get3A_1260 : vector<16xf32>
        %mul3A_1262 = arith.constant 2 : i32
        %mul3A_1263 = arith.muli %mul3A_1262, %scan3A_824 : i32
        %add3A_1264 = arith.constant 1 : i32
        %add3A_1265 = arith.addi %mul3A_1263, %add3A_1264 : i32
        %swap3A_1266 = arith.constant 3 : i32
        %swap3A_1267 = arith.index_cast %swap3A_1266 : i32 to index
        %swap3A_1268 = arith.index_cast %add3A_1265 : i32 to index
        %swap3A_1269 = arith.constant 80 : index
        %swap3A_1270 = tpu.vector_load %arg9[%swap3A_1267, %swap3A_1268, %swap3A_1269] {strides = array<i32>} : memref<4x64x128xf32, #tpu.memory_space<vmem>>, vector<1x1x16xf32>,
        %swap3A_1271 = vector.shape_cast %swap3A_1270 : vector<1x1x16xf32> to vector<16xf32>
        %swap3A_1272 = vector.shape_cast %add3A_1261 : vector<16xf32> to vector<1x1x16xf32>
        tpu.vector_store %arg9[%swap3A_1267, %swap3A_1268, %swap3A_1269], %swap3A_1272 {strides = array<i32>} : memref<4x64x128xf32, #tpu.memory_space<vmem>>, vector<1x1x16xf32>,
        %mul3A_1273 = arith.constant 2 : i32
        %mul3A_1274 = arith.muli %mul3A_1273, %scan3A_824 : i32
        %add3A_1275 = arith.constant 1 : i32
        %add3A_1276 = arith.addi %mul3A_1274, %add3A_1275 : i32
        %get3A_1277 = arith.constant 3 : i32
        %get3A_1278 = arith.index_cast %get3A_1277 : i32 to index
        %get3A_1279 = arith.index_cast %add3A_1276 : i32 to index
        %get3A_1280 = arith.constant 96 : index
        %get3A_1281 = tpu.vector_load %arg9[%get3A_1278, %get3A_1279, %get3A_1280] {strides = array<i32>} : memref<4x64x128xf32, #tpu.memory_space<vmem>>, vector<1x1x16xf32>,
        %get3A_1282 = vector.shape_cast %get3A_1281 : vector<1x1x16xf32> to vector<16xf32>
        %mul3A_1283 = arith.constant 2 : i32
        %mul3A_1284 = arith.muli %mul3A_1283, %scan3A_824 : i32
        %add3A_1285 = arith.constant 1 : i32
        %add3A_1286 = arith.addi %mul3A_1284, %add3A_1285 : i32
        %get3A_1287 = arith.constant 3 : i32
        %get3A_1288 = arith.index_cast %get3A_1287 : i32 to index
        %get3A_1289 = arith.index_cast %add3A_1286 : i32 to index
        %get3A_1290 = arith.constant 96 : index
        %get3A_1291 = tpu.vector_load %arg8[%get3A_1288, %get3A_1289, %get3A_1290] {strides = array<i32>} : memref<4x64x128xf32, #tpu.memory_space<vmem>>, vector<1x1x16xf32>,
        %get3A_1292 = vector.shape_cast %get3A_1291 : vector<1x1x16xf32> to vector<16xf32>
        %add3A_1293 = arith.addf %get3A_1282, %get3A_1292 : vector<16xf32>
        %mul3A_1294 = arith.constant 2 : i32
        %mul3A_1295 = arith.muli %mul3A_1294, %scan3A_824 : i32
        %add3A_1296 = arith.constant 1 : i32
        %add3A_1297 = arith.addi %mul3A_1295, %add3A_1296 : i32
        %swap3A_1298 = arith.constant 3 : i32
        %swap3A_1299 = arith.index_cast %swap3A_1298 : i32 to index
        %swap3A_1300 = arith.index_cast %add3A_1297 : i32 to index
        %swap3A_1301 = arith.constant 96 : index
        %swap3A_1302 = tpu.vector_load %arg9[%swap3A_1299, %swap3A_1300, %swap3A_1301] {strides = array<i32>} : memref<4x64x128xf32, #tpu.memory_space<vmem>>, vector<1x1x16xf32>,
        %swap3A_1303 = vector.shape_cast %swap3A_1302 : vector<1x1x16xf32> to vector<16xf32>
        %swap3A_1304 = vector.shape_cast %add3A_1293 : vector<16xf32> to vector<1x1x16xf32>
        tpu.vector_store %arg9[%swap3A_1299, %swap3A_1300, %swap3A_1301], %swap3A_1304 {strides = array<i32>} : memref<4x64x128xf32, #tpu.memory_space<vmem>>, vector<1x1x16xf32>,
        %mul3A_1305 = arith.constant 2 : i32
        %mul3A_1306 = arith.muli %mul3A_1305, %scan3A_824 : i32
        %add3A_1307 = arith.constant 1 : i32
        %add3A_1308 = arith.addi %mul3A_1306, %add3A_1307 : i32
        %get3A_1309 = arith.constant 3 : i32
        %get3A_1310 = arith.index_cast %get3A_1309 : i32 to index
        %get3A_1311 = arith.index_cast %add3A_1308 : i32 to index
        %get3A_1312 = arith.constant 112 : index
        %get3A_1313 = tpu.vector_load %arg9[%get3A_1310, %get3A_1311, %get3A_1312] {strides = array<i32>} : memref<4x64x128xf32, #tpu.memory_space<vmem>>, vector<1x1x16xf32>,
        %get3A_1314 = vector.shape_cast %get3A_1313 : vector<1x1x16xf32> to vector<16xf32>
        %mul3A_1315 = arith.constant 2 : i32
        %mul3A_1316 = arith.muli %mul3A_1315, %scan3A_824 : i32
        %add3A_1317 = arith.constant 1 : i32
        %add3A_1318 = arith.addi %mul3A_1316, %add3A_1317 : i32
        %get3A_1319 = arith.constant 3 : i32
        %get3A_1320 = arith.index_cast %get3A_1319 : i32 to index
        %get3A_1321 = arith.index_cast %add3A_1318 : i32 to index
        %get3A_1322 = arith.constant 112 : index
        %get3A_1323 = tpu.vector_load %arg8[%get3A_1320, %get3A_1321, %get3A_1322] {strides = array<i32>} : memref<4x64x128xf32, #tpu.memory_space<vmem>>, vector<1x1x16xf32>,
        %get3A_1324 = vector.shape_cast %get3A_1323 : vector<1x1x16xf32> to vector<16xf32>
        %add3A_1325 = arith.addf %get3A_1314, %get3A_1324 : vector<16xf32>
        %mul3A_1326 = arith.constant 2 : i32
        %mul3A_1327 = arith.muli %mul3A_1326, %scan3A_824 : i32
        %add3A_1328 = arith.constant 1 : i32
        %add3A_1329 = arith.addi %mul3A_1327, %add3A_1328 : i32
        %swap3A_1330 = arith.constant 3 : i32
        %swap3A_1331 = arith.index_cast %swap3A_1330 : i32 to index
        %swap3A_1332 = arith.index_cast %add3A_1329 : i32 to index
        %swap3A_1333 = arith.constant 112 : index
        %swap3A_1334 = tpu.vector_load %arg9[%swap3A_1331, %swap3A_1332, %swap3A_1333] {strides = array<i32>} : memref<4x64x128xf32, #tpu.memory_space<vmem>>, vector<1x1x16xf32>,
        %swap3A_1335 = vector.shape_cast %swap3A_1334 : vector<1x1x16xf32> to vector<16xf32>
        %swap3A_1336 = vector.shape_cast %add3A_1325 : vector<16xf32> to vector<1x1x16xf32>
        tpu.vector_store %arg9[%swap3A_1331, %swap3A_1332, %swap3A_1333], %swap3A_1336 {strides = array<i32>} : memref<4x64x128xf32, #tpu.memory_space<vmem>>, vector<1x1x16xf32>,
      }
      %scan3A_777 = arith.constant 32 : i32
      %dma_start3A_778 = arith.constant 3 : i32
      %dma_start3A_779 = arith.constant 3 : i32
      %dma_start3A_780 = arith.constant 0 : i32
      %dma_start3A_781 = arith.constant 0 : i32
      %dma_start3A_782 = tpu.memref_slice %arg9[%dma_start3A_778, %dma_start3A_780, %dma_start3A_781] : memref<4x64x128xf32, #tpu.memory_space<vmem>> -> memref<1x64x128xf32, #tpu.memory_space<vmem>>
      %dma_start3A_783 = tpu.memref_squeeze %dma_start3A_782 : memref<1x64x128xf32, #tpu.memory_space<vmem>> -> memref<64x128xf32, #tpu.memory_space<vmem>>
      %dma_start3A_784 = arith.constant 192 : i32
      %dma_start3A_785 = arith.constant 0 : i32
      %dma_start3A_786 = tpu.memref_slice %arg5[%add3A_736, %dma_start3A_784, %dma_start3A_785] : memref<1024x256x128xf32, #tpu.memory_space<hbm>> -> memref<1x64x128xf32, #tpu.memory_space<hbm>>
      %dma_start3A_787 = tpu.memref_squeeze %dma_start3A_786 : memref<1x64x128xf32, #tpu.memory_space<hbm>> -> memref<64x128xf32, #tpu.memory_space<hbm>>
      %dma_start3A_788 = tpu.memref_slice %arg12[%dma_start3A_779] : memref<4x!tpu.dma_semaphore, #tpu.memory_space<semaphore_mem>> -> memref<1x!tpu.dma_semaphore, #tpu.memory_space<semaphore_mem>>
      %dma_start3A_789 = tpu.memref_squeeze %dma_start3A_788 : memref<1x!tpu.dma_semaphore, #tpu.memory_space<semaphore_mem>> -> memref<!tpu.dma_semaphore, #tpu.memory_space<semaphore_mem>>
      %dma_start3A_790 = arith.constant 192 : i32
      %dma_start3A_791 = arith.constant 0 : i32
      %dma_start3A_792 = tpu.memref_slice %arg5[%add3A_736, %dma_start3A_790, %dma_start3A_791] : memref<1024x256x128xf32, #tpu.memory_space<hbm>> -> memref<1x64x128xf32, #tpu.memory_space<hbm>>
      %dma_start3A_793 = tpu.memref_squeeze %dma_start3A_792 : memref<1x64x128xf32, #tpu.memory_space<hbm>> -> memref<64x128xf32, #tpu.memory_space<hbm>>
      %dma_start3A_794 = arith.constant 0 : i32
      %dma_start3A_795 = arith.constant 0 : i32
      %dma_start3A_796 = tpu.memref_slice %arg9[%dma_start3A_778, %dma_start3A_794, %dma_start3A_795] : memref<4x64x128xf32, #tpu.memory_space<vmem>> -> memref<1x64x128xf32, #tpu.memory_space<vmem>>
      %dma_start3A_797 = tpu.memref_squeeze %dma_start3A_796 : memref<1x64x128xf32, #tpu.memory_space<vmem>> -> memref<64x128xf32, #tpu.memory_space<vmem>>
      tpu.enqueue_dma source(%dma_start3A_797 : memref<64x128xf32, #tpu.memory_space<vmem>>) target(%dma_start3A_793 : memref<64x128xf32, #tpu.memory_space<hbm>>) target_semaphore(%dma_start3A_789 : memref<!tpu.dma_semaphore, #tpu.memory_space<semaphore_mem>>)
      %add3A_798 = arith.addi %mul3A_2, %scan3A_380 : i32
      %dma_wait3A_799 = arith.constant 2 : i32
      %dma_wait3A_800 = arith.constant 2 : i32
      %dma_wait3A_801 = arith.constant 0 : i32
      %dma_wait3A_802 = arith.constant 0 : i32
      %dma_wait3A_803 = tpu.memref_slice %arg9[%dma_wait3A_799, %dma_wait3A_801, %dma_wait3A_802] : memref<4x64x128xf32, #tpu.memory_space<vmem>> -> memref<1x64x128xf32, #tpu.memory_space<vmem>>
      %dma_wait3A_804 = tpu.memref_squeeze %dma_wait3A_803 : memref<1x64x128xf32, #tpu.memory_space<vmem>> -> memref<64x128xf32, #tpu.memory_space<vmem>>
      %dma_wait3A_805 = arith.constant 128 : i32
      %dma_wait3A_806 = arith.constant 0 : i32
      %dma_wait3A_807 = tpu.memref_slice %arg5[%add3A_798, %dma_wait3A_805, %dma_wait3A_806] : memref<1024x256x128xf32, #tpu.memory_space<hbm>> -> memref<1x64x128xf32, #tpu.memory_space<hbm>>
      %dma_wait3A_808 = tpu.memref_squeeze %dma_wait3A_807 : memref<1x64x128xf32, #tpu.memory_space<hbm>> -> memref<64x128xf32, #tpu.memory_space<hbm>>
      %dma_wait3A_809 = tpu.memref_slice %arg12[%dma_wait3A_800] : memref<4x!tpu.dma_semaphore, #tpu.memory_space<semaphore_mem>> -> memref<1x!tpu.dma_semaphore, #tpu.memory_space<semaphore_mem>>
      %dma_wait3A_810 = tpu.memref_squeeze %dma_wait3A_809 : memref<1x!tpu.dma_semaphore, #tpu.memory_space<semaphore_mem>> -> memref<!tpu.dma_semaphore, #tpu.memory_space<semaphore_mem>>
      %dma_wait3A_811 = arith.constant 128 : i32
      %dma_wait3A_812 = arith.constant 0 : i32
      %dma_wait3A_813 = tpu.memref_slice %arg5[%add3A_798, %dma_wait3A_811, %dma_wait3A_812] : memref<1024x256x128xf32, #tpu.memory_space<hbm>> -> memref<1x64x128xf32, #tpu.memory_space<hbm>>
      %dma_wait3A_814 = tpu.memref_squeeze %dma_wait3A_813 : memref<1x64x128xf32, #tpu.memory_space<hbm>> -> memref<64x128xf32, #tpu.memory_space<hbm>>
      %dma_wait3A_815 = arith.constant 0 : i32
      %dma_wait3A_816 = arith.constant 0 : i32
      %dma_wait3A_817 = tpu.memref_slice %arg9[%dma_wait3A_799, %dma_wait3A_815, %dma_wait3A_816] : memref<4x64x128xf32, #tpu.memory_space<vmem>> -> memref<1x64x128xf32, #tpu.memory_space<vmem>>
      %dma_wait3A_818 = tpu.memref_squeeze %dma_wait3A_817 : memref<1x64x128xf32, #tpu.memory_space<vmem>> -> memref<64x128xf32, #tpu.memory_space<vmem>>
      tpu.wait_dma2 semaphore(%dma_wait3A_810 : memref<!tpu.dma_semaphore, #tpu.memory_space<semaphore_mem>>) src(%dma_wait3A_818 : memref<64x128xf32, #tpu.memory_space<vmem>>) dst(%dma_wait3A_814 : memref<64x128xf32, #tpu.memory_space<hbm>>)
      %lt3A_819 = arith.constant 31 : i32
      %lt3A_820 = arith.cmpi slt, %scan3A_380, %lt3A_819 : i32
      %convert_element_type3A_821 = arith.extui %lt3A_820 : i1 to i32
      %cond3A_822 = arith.constant 0 : i32
      %cond3A_823 = arith.cmpi ne, %convert_element_type3A_821, %cond3A_822 : i32
      scf.if %cond3A_823 {
        %add3A_824 = arith.constant 1 : i32
        %add3A_825 = arith.addi %scan3A_380, %add3A_824 : i32
        %add3A_826 = arith.addi %mul3A_2, %add3A_825 : i32
        %get3A_827 = arith.index_cast %add3A_825 : i32 to index
        %get3A_828 = arith.constant 32 : index
        %get3A_829 = tpu.vector_load %arg6[%get3A_827, %get3A_828] {strides = array<i32>} : memref<32x64xi32, #tpu.memory_space<vmem>>, vector<1x16xi32>,
        %get3A_830 = vector.shape_cast %get3A_829 : vector<1x16xi32> to vector<16xi32>
        %add3A_831 = arith.constant 0 : i32
        %add3A_832 = vector.broadcast %add3A_831 : i32 to vector<16xi32>
        %add3A_833 = arith.addi %add3A_832, %shift_right_logical3A_4 : vector<16xi32>
        %broadcast_in_dim3A_834 = vector.shape_cast %add3A_833 : vector<16xi32> to vector<16x1xi32>
        %gather3A_835 = vector.shape_cast %broadcast_in_dim3A_834 : vector<16x1xi32> to vector<16xi32>
        %gather3A_836 = tpu.dynamic_gather %get3A_830[%gather3A_835] in [0] : vector<16xi32>, vector<16xi32> -> vector<16xi32>
        %add3A_837 = arith.constant 128 : i32
        %add3A_838 = vector.broadcast %add3A_837 : i32 to vector<16xi32>
        %add3A_839 = arith.addi %add3A_838, %iota3A : vector<16xi32>
        %mul3A_840 = arith.constant 64 : i32
        %mul3A_841 = vector.broadcast %mul3A_840 : i32 to vector<16xi32>
        %mul3A_842 = arith.muli %add3A_839, %mul3A_841 : vector<16xi32>
        %add3A_843 = arith.addi %mul3A_842, %gather3A_836 : vector<16xi32>
        %swap3A_844 = arith.constant 2 : i32
        %swap3A_845 = arith.index_cast %swap3A_844 : i32 to index
        %swap3A_846 = arith.constant 0 : index
        %swap3A_847 = tpu.vector_load %arg7[%swap3A_845, %swap3A_846] {strides = array<i32>} : memref<4x64xi32, #tpu.memory_space<vmem>>, vector<1x16xi32>,
        %swap3A_848 = vector.shape_cast %swap3A_847 : vector<1x16xi32> to vector<16xi32>
        %swap3A_849 = vector.shape_cast %add3A_843 : vector<16xi32> to vector<1x16xi32>
        tpu.vector_store %arg7[%swap3A_845, %swap3A_846], %swap3A_849 {strides = array<i32>} : memref<4x64xi32, #tpu.memory_space<vmem>>, vector<1x16xi32>,
        %add3A_850 = arith.constant 4 : i32
        %add3A_851 = vector.broadcast %add3A_850 : i32 to vector<16xi32>
        %add3A_852 = arith.addi %add3A_851, %shift_right_logical3A_4 : vector<16xi32>
        %broadcast_in_dim3A_853 = vector.shape_cast %add3A_852 : vector<16xi32> to vector<16x1xi32>
        %gather3A_854 = vector.shape_cast %broadcast_in_dim3A_853 : vector<16x1xi32> to vector<16xi32>
        %gather3A_855 = tpu.dynamic_gather %get3A_830[%gather3A_854] in [0] : vector<16xi32>, vector<16xi32> -> vector<16xi32>
        %add3A_856 = arith.constant 144 : i32
        %add3A_857 = vector.broadcast %add3A_856 : i32 to vector<16xi32>
        %add3A_858 = arith.addi %add3A_857, %iota3A : vector<16xi32>
        %mul3A_859 = arith.constant 64 : i32
        %mul3A_860 = vector.broadcast %mul3A_859 : i32 to vector<16xi32>
        %mul3A_861 = arith.muli %add3A_858, %mul3A_860 : vector<16xi32>
        %add3A_862 = arith.addi %mul3A_861, %gather3A_855 : vector<16xi32>
        %swap3A_863 = arith.constant 2 : i32
        %swap3A_864 = arith.index_cast %swap3A_863 : i32 to index
        %swap3A_865 = arith.constant 16 : index
        %swap3A_866 = tpu.vector_load %arg7[%swap3A_864, %swap3A_865] {strides = array<i32>} : memref<4x64xi32, #tpu.memory_space<vmem>>, vector<1x16xi32>,
        %swap3A_867 = vector.shape_cast %swap3A_866 : vector<1x16xi32> to vector<16xi32>
        %swap3A_868 = vector.shape_cast %add3A_862 : vector<16xi32> to vector<1x16xi32>
        tpu.vector_store %arg7[%swap3A_864, %swap3A_865], %swap3A_868 {strides = array<i32>} : memref<4x64xi32, #tpu.memory_space<vmem>>, vector<1x16xi32>,
        %add3A_869 = arith.constant 8 : i32
        %add3A_870 = vector.broadcast %add3A_869 : i32 to vector<16xi32>
        %add3A_871 = arith.addi %add3A_870, %shift_right_logical3A_4 : vector<16xi32>
        %broadcast_in_dim3A_872 = vector.shape_cast %add3A_871 : vector<16xi32> to vector<16x1xi32>
        %gather3A_873 = vector.shape_cast %broadcast_in_dim3A_872 : vector<16x1xi32> to vector<16xi32>
        %gather3A_874 = tpu.dynamic_gather %get3A_830[%gather3A_873] in [0] : vector<16xi32>, vector<16xi32> -> vector<16xi32>
        %add3A_875 = arith.constant 160 : i32
        %add3A_876 = vector.broadcast %add3A_875 : i32 to vector<16xi32>
        %add3A_877 = arith.addi %add3A_876, %iota3A : vector<16xi32>
        %mul3A_878 = arith.constant 64 : i32
        %mul3A_879 = vector.broadcast %mul3A_878 : i32 to vector<16xi32>
        %mul3A_880 = arith.muli %add3A_877, %mul3A_879 : vector<16xi32>
        %add3A_881 = arith.addi %mul3A_880, %gather3A_874 : vector<16xi32>
        %swap3A_882 = arith.constant 2 : i32
        %swap3A_883 = arith.index_cast %swap3A_882 : i32 to index
        %swap3A_884 = arith.constant 32 : index
        %swap3A_885 = tpu.vector_load %arg7[%swap3A_883, %swap3A_884] {strides = array<i32>} : memref<4x64xi32, #tpu.memory_space<vmem>>, vector<1x16xi32>,
        %swap3A_886 = vector.shape_cast %swap3A_885 : vector<1x16xi32> to vector<16xi32>
        %swap3A_887 = vector.shape_cast %add3A_881 : vector<16xi32> to vector<1x16xi32>
        tpu.vector_store %arg7[%swap3A_883, %swap3A_884], %swap3A_887 {strides = array<i32>} : memref<4x64xi32, #tpu.memory_space<vmem>>, vector<1x16xi32>,
        %add3A_888 = arith.constant 12 : i32
        %add3A_889 = vector.broadcast %add3A_888 : i32 to vector<16xi32>
        %add3A_890 = arith.addi %add3A_889, %shift_right_logical3A_4 : vector<16xi32>
        %broadcast_in_dim3A_891 = vector.shape_cast %add3A_890 : vector<16xi32> to vector<16x1xi32>
        %gather3A_892 = vector.shape_cast %broadcast_in_dim3A_891 : vector<16x1xi32> to vector<16xi32>
        %gather3A_893 = tpu.dynamic_gather %get3A_830[%gather3A_892] in [0] : vector<16xi32>, vector<16xi32> -> vector<16xi32>
        %add3A_894 = arith.constant 176 : i32
        %add3A_895 = vector.broadcast %add3A_894 : i32 to vector<16xi32>
        %add3A_896 = arith.addi %add3A_895, %iota3A : vector<16xi32>
        %mul3A_897 = arith.constant 64 : i32
        %mul3A_898 = vector.broadcast %mul3A_897 : i32 to vector<16xi32>
        %mul3A_899 = arith.muli %add3A_896, %mul3A_898 : vector<16xi32>
        %add3A_900 = arith.addi %mul3A_899, %gather3A_893 : vector<16xi32>
        %swap3A_901 = arith.constant 2 : i32
        %swap3A_902 = arith.index_cast %swap3A_901 : i32 to index
        %swap3A_903 = arith.constant 48 : index
        %swap3A_904 = tpu.vector_load %arg7[%swap3A_902, %swap3A_903] {strides = array<i32>} : memref<4x64xi32, #tpu.memory_space<vmem>>, vector<1x16xi32>,
        %swap3A_905 = vector.shape_cast %swap3A_904 : vector<1x16xi32> to vector<16xi32>
        %swap3A_906 = vector.shape_cast %add3A_900 : vector<16xi32> to vector<1x16xi32>
        tpu.vector_store %arg7[%swap3A_902, %swap3A_903], %swap3A_906 {strides = array<i32>} : memref<4x64xi32, #tpu.memory_space<vmem>>, vector<1x16xi32>,
        %dma_start3A_907 = arith.constant 2 : i32
        %dma_start3A_908 = arith.constant 2 : i32
        %dma_start3A_909 = arith.constant 0 : i32
        %dma_start3A_910 = arith.constant 0 : i32
        %dma_start3A_911 = tpu.memref_slice %arg8[%dma_start3A_907, %dma_start3A_909, %dma_start3A_910] : memref<4x64x128xf32, #tpu.memory_space<vmem>> -> memref<1x64x128xf32, #tpu.memory_space<vmem>>
        %dma_start3A_912 = tpu.memref_squeeze %dma_start3A_911 : memref<1x64x128xf32, #tpu.memory_space<vmem>> -> memref<64x128xf32, #tpu.memory_space<vmem>>
        %dma_start3A_913 = arith.constant 128 : i32
        %dma_start3A_914 = arith.constant 0 : i32
        %dma_start3A_915 = tpu.memref_slice %arg2[%add3A_826, %dma_start3A_913, %dma_start3A_914] : memref<1024x256x128xf32, #tpu.memory_space<hbm>> -> memref<1x64x128xf32, #tpu.memory_space<hbm>>
        %dma_start3A_916 = tpu.memref_squeeze %dma_start3A_915 : memref<1x64x128xf32, #tpu.memory_space<hbm>> -> memref<64x128xf32, #tpu.memory_space<hbm>>
        %dma_start3A_917 = tpu.memref_slice %arg10[%dma_start3A_908] : memref<4x!tpu.dma_semaphore, #tpu.memory_space<semaphore_mem>> -> memref<1x!tpu.dma_semaphore, #tpu.memory_space<semaphore_mem>>
        %dma_start3A_918 = tpu.memref_squeeze %dma_start3A_917 : memref<1x!tpu.dma_semaphore, #tpu.memory_space<semaphore_mem>> -> memref<!tpu.dma_semaphore, #tpu.memory_space<semaphore_mem>>
        %dma_start3A_919 = arith.constant 0 : i32
        %dma_start3A_920 = arith.constant 0 : i32
        %dma_start3A_921 = tpu.memref_slice %arg8[%dma_start3A_907, %dma_start3A_919, %dma_start3A_920] : memref<4x64x128xf32, #tpu.memory_space<vmem>> -> memref<1x64x128xf32, #tpu.memory_space<vmem>>
        %dma_start3A_922 = tpu.memref_squeeze %dma_start3A_921 : memref<1x64x128xf32, #tpu.memory_space<vmem>> -> memref<64x128xf32, #tpu.memory_space<vmem>>
        %dma_start3A_923 = arith.constant 128 : i32
        %dma_start3A_924 = arith.constant 0 : i32
        %dma_start3A_925 = tpu.memref_slice %arg2[%add3A_826, %dma_start3A_923, %dma_start3A_924] : memref<1024x256x128xf32, #tpu.memory_space<hbm>> -> memref<1x64x128xf32, #tpu.memory_space<hbm>>
        %dma_start3A_926 = tpu.memref_squeeze %dma_start3A_925 : memref<1x64x128xf32, #tpu.memory_space<hbm>> -> memref<64x128xf32, #tpu.memory_space<hbm>>
        tpu.enqueue_dma source(%dma_start3A_926 : memref<64x128xf32, #tpu.memory_space<hbm>>) target(%dma_start3A_922 : memref<64x128xf32, #tpu.memory_space<vmem>>) target_semaphore(%dma_start3A_918 : memref<!tpu.dma_semaphore, #tpu.memory_space<semaphore_mem>>)
        %dma_start3A_927 = arith.constant 2 : i32
        %dma_start3A_928 = arith.constant 2 : i32
        %dma_start3A_929 = arith.constant 2 : i32
        %dma_start3A_930 = arith.constant 0 : i32
        %dma_start3A_931 = arith.constant 0 : i32
        %dma_start3A_932 = tpu.memref_slice %arg9[%dma_start3A_928, %dma_start3A_930, %dma_start3A_931] : memref<4x64x128xf32, #tpu.memory_space<vmem>> -> memref<1x64x128xf32, #tpu.memory_space<vmem>>
        %dma_start3A_933 = tpu.memref_squeeze %dma_start3A_932 : memref<1x64x128xf32, #tpu.memory_space<vmem>> -> memref<64x128xf32, #tpu.memory_space<vmem>>
        %dma_start3A_934 = arith.constant 0 : i32
        %dma_start3A_935 = tpu.memref_slice %arg7[%dma_start3A_927, %dma_start3A_934] : memref<4x64xi32, #tpu.memory_space<vmem>> -> memref<1x64xi32, #tpu.memory_space<vmem>>
        %dma_start3A_936 = tpu.memref_squeeze %dma_start3A_935 : memref<1x64xi32, #tpu.memory_space<vmem>> -> memref<64xi32, #tpu.memory_space<vmem>>
        %dma_start3A_937 = arith.constant 0 : i32
        %dma_start3A_938 = arith.constant 0 : i32
        %dma_start3A_939 = tpu.memref_slice %arg4[%dma_start3A_937, %dma_start3A_938] : memref<16384x128xf32, #tpu.memory_space<hbm>> -> memref<16384x128xf32, #tpu.memory_space<hbm>>
        %dma_start3A_940 = tpu.memref_slice %arg11[%dma_start3A_929] : memref<4x!tpu.dma_semaphore, #tpu.memory_space<semaphore_mem>> -> memref<1x!tpu.dma_semaphore, #tpu.memory_space<semaphore_mem>>
        %dma_start3A_941 = tpu.memref_squeeze %dma_start3A_940 : memref<1x!tpu.dma_semaphore, #tpu.memory_space<semaphore_mem>> -> memref<!tpu.dma_semaphore, #tpu.memory_space<semaphore_mem>>
        tpu.enqueue_indirect_dma source(%dma_start3A_939 : memref<16384x128xf32, #tpu.memory_space<hbm>>) target(%dma_start3A_933 : memref<64x128xf32, #tpu.memory_space<vmem>>) offsets(%dma_start3A_936 : memref<64xi32, #tpu.memory_space<vmem>>) semaphore(%dma_start3A_941 : memref<!tpu.dma_semaphore, #tpu.memory_space<semaphore_mem>>)
      } else {
      }
    }
    %scan3A_358 = arith.constant 32 : i32
    %add3A_359 = arith.constant 31 : i32
    %add3A_360 = arith.addi %mul3A_2, %add3A_359 : i32
    %dma_wait3A = arith.constant 3 : i32
    %dma_wait3A_361 = arith.constant 3 : i32
    %dma_wait3A_362 = arith.constant 0 : i32
    %dma_wait3A_363 = arith.constant 0 : i32
    %dma_wait3A_364 = tpu.memref_slice %arg9[%dma_wait3A, %dma_wait3A_362, %dma_wait3A_363] : memref<4x64x128xf32, #tpu.memory_space<vmem>> -> memref<1x64x128xf32, #tpu.memory_space<vmem>>
    %dma_wait3A_365 = tpu.memref_squeeze %dma_wait3A_364 : memref<1x64x128xf32, #tpu.memory_space<vmem>> -> memref<64x128xf32, #tpu.memory_space<vmem>>
    %dma_wait3A_366 = arith.constant 192 : i32
    %dma_wait3A_367 = arith.constant 0 : i32
    %dma_wait3A_368 = tpu.memref_slice %arg5[%add3A_360, %dma_wait3A_366, %dma_wait3A_367] : memref<1024x256x128xf32, #tpu.memory_space<hbm>> -> memref<1x64x128xf32, #tpu.memory_space<hbm>>
    %dma_wait3A_369 = tpu.memref_squeeze %dma_wait3A_368 : memref<1x64x128xf32, #tpu.memory_space<hbm>> -> memref<64x128xf32, #tpu.memory_space<hbm>>
    %dma_wait3A_370 = tpu.memref_slice %arg12[%dma_wait3A_361] : memref<4x!tpu.dma_semaphore, #tpu.memory_space<semaphore_mem>> -> memref<1x!tpu.dma_semaphore, #tpu.memory_space<semaphore_mem>>
    %dma_wait3A_371 = tpu.memref_squeeze %dma_wait3A_370 : memref<1x!tpu.dma_semaphore, #tpu.memory_space<semaphore_mem>> -> memref<!tpu.dma_semaphore, #tpu.memory_space<semaphore_mem>>
    %dma_wait3A_372 = arith.constant 192 : i32
    %dma_wait3A_373 = arith.constant 0 : i32
    %dma_wait3A_374 = tpu.memref_slice %arg5[%add3A_360, %dma_wait3A_372, %dma_wait3A_373] : memref<1024x256x128xf32, #tpu.memory_space<hbm>> -> memref<1x64x128xf32, #tpu.memory_space<hbm>>
    %dma_wait3A_375 = tpu.memref_squeeze %dma_wait3A_374 : memref<1x64x128xf32, #tpu.memory_space<hbm>> -> memref<64x128xf32, #tpu.memory_space<hbm>>
    %dma_wait3A_376 = arith.constant 0 : i32
    %dma_wait3A_377 = arith.constant 0 : i32
    %dma_wait3A_378 = tpu.memref_slice %arg9[%dma_wait3A, %dma_wait3A_376, %dma_wait3A_377] : memref<4x64x128xf32, #tpu.memory_space<vmem>> -> memref<1x64x128xf32, #tpu.memory_space<vmem>>
    %dma_wait3A_379 = tpu.memref_squeeze %dma_wait3A_378 : memref<1x64x128xf32, #tpu.memory_space<vmem>> -> memref<64x128xf32, #tpu.memory_space<vmem>>
    tpu.wait_dma2 semaphore(%dma_wait3A_371 : memref<!tpu.dma_semaphore, #tpu.memory_space<semaphore_mem>>) src(%dma_wait3A_379 : memref<64x128xf32, #tpu.memory_space<vmem>>) dst(%dma_wait3A_375 : memref<64x128xf32, #tpu.memory_space<hbm>>)
    return
  }
}

</mosaic_0001>

<sc_bundles>
// kernel: kernel.3.cloned.1.call-start
scs
__scs_entry_jumppad:
0x0: {  	(pc) =	sbr.rel $0x88, $3  }
0x1: {  	(tag) =	ssettag $0x0;
	lr =	simm.s32 $0x1  }
0x2: {  	[smem:$0x3F9E] =	sst lr;
	_ =	strace $0xD0000000  }
0x3: {  	_ = 	snop  }
0x4: {  	_ = 	snop  }
0x5: {  	_ = 	snop  }
0x6: {  	_ = 	snop  }
0x7: {  	_ = 	snop  }
__scs_overlays_trampoline_lowered:
0x8: {  	[smem:$0x3FAD] =	sst s0  }
0x9: {  	[smem:$0x3FAE] =	sst s1  }
0xa: {  	[smem:$0x3FAF] =	sst s2  }
0xb: {  	[smem:$0x3FB0] =	sst s3  }
0xc: {  	[smem:$0x3FB1] =	sst s4  }
0xd: {  	[smem:$0x3FB2] =	sst s5  }
0xe: {  	[smem:$0x3FB3] =	sst s6  }
0xf: {  	[smem:$0x3FB4] =	sst s7  }
0x10: {  	[smem:$0x3FB5] =	sst s8  }
0x11: {  	[smem:$0x3FB6] =	sst s9;
	s0 =	simm.s32 @!p0 $0x0  }
0x12: {  	s1 =	sld [smem:$0x3F9C];
	s0 =	simm.s32 @p0 $0x1  }
0x13: {  	[smem:$0x3FB7] =	sst s0;
	s0 =	simm.s32 @!p1 $0x0  }
0x14: {  	s2 =	sld [smem:$0x3F9B];
	s0 =	simm.s32 @p1 $0x1  }
0x15: {  	[smem:$0x3FB8] =	sst s0;
	s0 =	simm.s32 @!p2 $0x0  }
0x16: {  	s3 =	sld [smem:$0x3FDB];
	s0 =	simm.s32 @p2 $0x1  }
0x17: {  	s4 =	simm.s32 $0x1BF5;
	[smem:$0x3FBA] =	sst s0  }
0x18: {  	s0 =	sld [smem:$0x3F9D];
	_ =	swait.ge [sflag:s4], $0x0  }
0x19: {  	s7 =	sld [smem:$0x3F9E]  }
0x1a: {  	s8 =	sadd.s32 $0xFFFFE003, lr  }
0x1b: {  	s9 =	sadd.s32 $0xFFFFFEF7, lr;
	s5 =	simm.s32 $0xFFFFFFFF;
	p2 =	slt.u32 s8, $0xFFFFF086  }
0x1c: {  	p1 =	slt.u32 s9, $0xF7A;
	s5 =	simm.s32 @!p2 $0x0  }
0x1d: {  	s5 =	simm.s32 @p1 $0x1;
	p0 =	seq.s32 s7, s2  }
0x1e: {  	s7 =	smul.u32 @!p0 $0xF7A, s2;
	p2 =	seq.s32 @!p0 s5, $0x0  }
0x1f: {  	s9 =	smul.u32 $0xF7A, s1;
	s8 =	simm.s32 @!p0 $0x1BF5;
	p2 =	por !p2, p0  }
0x20: {  	[sflag:s8] =	ssyncset.s32 @!p0 $0xFFFFF086;
	s6 =	sadd.s32 @!p0 s3, s7;
	s7 =	simm.s32 @!p0 $0x108  }
0x21: {  	s3 =	sadd.s32 s3, s9;
	s6 =	sadd.s32 @!p0 $0x88, s6;
	s7 =	simm.s32 @p2 $0x1082  }
0x22: {  	[simem:s7], [sflag:s8] =	dma.local @!p0 [hbm:s6], $0xF7A  }
0x23: {  	s9 =	sor.u32 $0xD0000000, s2;
	s6 =	simm.s32 $0x108;
	_ =	swait.ge @!p0 [sflag:s8], $0x0  }
0x24: {  	s3 =	sadd.s32 $0x88, s3;
	s6 =	simm.s32 @!p1 $0x1082;
	[sflag:s4] =	ssyncset.s32 $0xFFFFF086  }
0x25: {  	[simem:s6], [sflag:s4] =	dma.local [hbm:s3], $0xF7A  }
0x26: {  	[smem:$0x3F9E] =	sst s1;
	(tag) =	ssettag s2;
	_ =	strace s9  }
0x27: {  	s1 =	sld [smem:$0x3FAE]  }
0x28: {  	s2 =	sld [smem:$0x3FAF]  }
0x29: {  	s4 =	sld [smem:$0x3FB1]  }
0x2a: {  	p0 =	seq.s32 s5, $0x0;
	s5 =	sld [smem:$0x3FB2]  }
0x2b: {  	s6 =	sld [smem:$0x3FB3]  }
0x2c: {  	s7 =	sld [smem:$0x3FB4]  }
0x2d: {  	s3 =	simm.s32 $0x108;
	s8 =	sld [smem:$0x3FB5]  }
0x2e: {  	s3 =	simm.s32 @!p0 $0x1082;
	s9 =	sld [smem:$0x3FB6]  }
0x2f: {  	lr =	sadd.s32 s0, s3;
	s0 =	sld [smem:$0x3FAD]  }
0x30: {  	s3 =	sld [smem:$0x3FB0]  }
0x31: {  	[smem:$0x3FB9] =	sst s10  }
0x32: {  	s10 =	sld [smem:$0x3FB7];
	_ =	sdelay $0x3  }
0x33: {  	p0 =	seq.s32 s10, $0x1;
	s10 =	sld [smem:$0x3FB9];
	_ =	sdelay $0x3  }
0x34: {  	[smem:$0x3FB9] =	sst s10  }
0x35: {  	s10 =	sld [smem:$0x3FB8];
	_ =	sdelay $0x3  }
0x36: {  	p1 =	seq.s32 s10, $0x1;
	s10 =	sld [smem:$0x3FB9];
	_ =	sdelay $0x3  }
0x37: {  	[smem:$0x3FB9] =	sst s10  }
0x38: {  	s10 =	sld [smem:$0x3FBA]  }
0x39: {  	_ = 	snop;
	(pc) =	sbr.ind lr, $3  }
0x3a: {  	_ = 	snop  }
0x3b: {  	_ = 	snop  }
0x3c: {  	p2 =	seq.s32 s10, $0x1;
	s10 =	sld [smem:$0x3FB9]  }
0x3d: {  	_ =	shalt  }
0x3e: {  	_ =	shalt  }
0x3f: {  	_ =	shalt  }
0x40: {  	_ =	shalt  }
0x41: {  	_ =	shalt  }
0x42: {  	_ =	shalt  }
0x43: {  	_ =	shalt  }
0x44: {  	_ =	shalt  }
0x45: {  	_ =	shalt  }
0x46: {  	_ =	shalt  }
0x47: {  	_ =	shalt  }
0x48: {  	_ =	shalt  }
0x49: {  	_ =	shalt  }
0x4a: {  	_ =	shalt  }
0x4b: {  	_ =	shalt  }
0x4c: {  	_ =	shalt  }
0x4d: {  	_ =	shalt  }
0x4e: {  	_ =	shalt  }
0x4f: {  	_ =	shalt  }
0x50: {  	_ =	shalt  }
0x51: {  	_ =	shalt  }
0x52: {  	_ =	shalt  }
0x53: {  	_ =	shalt  }
0x54: {  	_ =	shalt  }
0x55: {  	_ =	shalt  }
0x56: {  	_ =	shalt  }
0x57: {  	_ =	shalt  }
0x58: {  	_ =	shalt  }
0x59: {  	_ =	shalt  }
0x5a: {  	_ =	shalt  }
0x5b: {  	_ =	shalt  }
0x5c: {  	_ =	shalt  }
0x5d: {  	_ =	shalt  }
0x5e: {  	_ =	shalt  }
0x5f: {  	_ =	shalt  }
0x60: {  	_ =	shalt  }
0x61: {  	_ =	shalt  }
0x62: {  	_ =	shalt  }
0x63: {  	_ =	shalt  }
0x64: {  	_ =	shalt  }
0x65: {  	_ =	shalt  }
0x66: {  	_ =	shalt  }
0x67: {  	_ =	shalt  }
0x68: {  	_ =	shalt  }
0x69: {  	_ =	shalt  }
0x6a: {  	_ =	shalt  }
0x6b: {  	_ =	shalt  }
0x6c: {  	_ =	shalt  }
0x6d: {  	_ =	shalt  }
0x6e: {  	_ =	shalt  }
0x6f: {  	_ =	shalt  }
0x70: {  	_ =	shalt  }
0x71: {  	_ =	shalt  }
0x72: {  	_ =	shalt  }
0x73: {  	_ =	shalt  }
0x74: {  	_ =	shalt  }
0x75: {  	_ =	shalt  }
0x76: {  	_ =	shalt  }
0x77: {  	_ =	shalt  }
0x78: {  	_ =	shalt  }
0x79: {  	_ =	shalt  }
0x7a: {  	_ =	shalt  }
0x7b: {  	_ =	shalt  }
0x7c: {  	_ =	shalt  }
0x7d: {  	_ =	shalt  }
0x7e: {  	_ =	shalt  }
0x7f: {  	_ =	shalt  }
0x80: {  	_ =	shalt  }
0x81: {  	_ =	shalt  }
0x82: {  	_ =	shalt  }
0x83: {  	_ =	shalt  }
0x84: {  	_ =	shalt  }
0x85: {  	_ =	shalt  }
0x86: {  	_ =	shalt  }
0x87: {  	_ =	shalt  }
.Lfunc_end0:
.L_simem_size_0:
called_computation_lowered:
.L_overlay_start_0:
0x88: {  	s2 =	sld [smem:$0x3FD9]  }
0x89: {  	s3 =	sld [smem:$0x3FFE];
	_ =	sdelay $0x1  }
0x8a: {  	s1 =	srdreg.scid  }
0x8b: {  	s0 =	sand.u32 $0x1, s1  }
0x8c: {  	s17 =	sshll.u32 s0, $0xA;
	s2 =	sadd.s32 s3, s2  }
0x8d: {  	s2 =	sadd.s32 s2, s17  }
0x8e: {  	[smem:$0x3FC5] =	sst s2  }
0x8f: {  	_ = 	snop  }
0x90: {  	s2 =	sld [smem:$0x3FC9]  }
0x91: {  	s18 =	sld [smem:$0x3FC7]  }
0x92: {  	s4 =	sld [smem:$0x3FD0];
	(tm) =	ssettm $0x1  }
0x93: {  	s5 =	sld [smem:$0x3FFB];
	_ =	sdelay $0x3  }
0x94: {  	_ =	strace s5  }
0x95: {  	s5 =	sld [smem:$0x3FFC];
	_ =	sdelay $0x3  }
0x96: {  	_ =	strace s5  }
0x97: {  	s5 =	sld [smem:$0x3FFD];
	_ =	sdelay $0x3  }
0x98: {  	_ =	strace s5  }
0x99: {  	_ =	strace $0x8FFFFFFF  }
0x9a: {  	s19 =	sld [smem:$0x3FDB];
	_ =	sdelay $0x1  }
0x9b: {  	s6 =	simm.s32 $_scs_section_size  }
0x9c: {  	s7 =	simm.s32 $_size__tile_overlayer_lowered;
	s8 =	simm.s32 $_tile_overlayer_lowered  }
0x9d: {  	s22 =	simm.s32 $0x1BFF;
	s21 =	sshll.u32 s8, $0x1;
	s5 =	sadd.s32 s6, s19  }
0x9e: {  	s9 =	simm.s32 $0x0;
	s20 =	sshll.u32 s7, $0x1;
	s7 =	sadd.s32 s21, s5  }
0x9f: {  	[timem:s9], [sflag:s22] =	dma.local [hbm:s7], s20  }
0xa0: {  	_ =	swait.ge [sflag:s22], s20  }
0xa1: {  	s6 =	ssub.s32 $0x0, s20;
	[sflag:s22] =	ssyncset.done $0x0  }
0xa2: {  	[sflag:s22] =	ssyncadd.s32 s6;
	_ =	sdelay $0x1  }
0xa3: {  	s23 =	simm.s32 $0x1B8B  }
0xa4: {  	_ =	swait.ge [sflag:s23], $0x1  }
0xa5: {  	[sflag:s23] =	ssyncset.done $0x0  }
0xa6: {  	s25 =	simm.s32 $0x1B8E;
	s24 =	sld [smem:$0x3FFE];
	[sflag:s23] =	ssyncadd.s32 $0xFFFFFFFF  }
0xa7: {  	s26 =	simm.s32 $execute0_lowered;
	[smem:$0x3FD2] =	sst s25  }
0xa8: {  	s7 =	sshll.u32 s26, $0x1;
	_ =	strace $0x80000046;
	[dreg:$0x1] =	wrdreg $0xFFFFFFFF  }
0xa9: {  	s28 =	simm.s32 $_size_execute0_lowered;
	s5 =	sadd.s32 s5, s7;
	[dreg:$0x0] =	wrdreg $0x0  }
0xaa: {  	s7 =	sshll.u32 s28, $0x1;
	[dreg:$0x2] =	wrdreg s5  }
0xab: {  	[dreg:$0x3] =	wrdreg s7  }
0xac: {  	[dreg:$0x4] =	wrdreg $0xC0  }
0xad: {  	_ =	task [dreg:s9], $0x5FFFF  }
0xae: {  	[dreg:$0x1] =	wrdreg $0xFFFFFFFF  }
0xaf: {  	[dreg:$0x0] =	wrdreg $0x60  }
0xb0: {  	[dreg:$0x2] =	wrdreg s2  }
0xb1: {  	[dreg:$0x3] =	wrdreg s24  }
0xb2: {  	[dreg:$0x4] =	wrdreg s18  }
0xb3: {  	[dreg:$0x5] =	wrdreg s4  }
0xb4: {  	[dreg:$0x6] =	wrdreg $0x9  }
0xb5: {  	_ =	task.clear_ibuf [dreg:s9], $0x7FFFF;
	_ =	strace $0x90000046  }
0xb6: {  	s29 =	simm.s32 $0x9;
	_ =	strace $0x80000048  }
0xb7: {  	_ =	swait.ge [sflag:s29], $0x1  }
0xb8: {  	[sflag:s29] =	ssyncadd.s32 $0xFFFFFFFF  }
0xb9: {  	_ =	strace $0x90000048  }
0xba: {  	_ =	sfence  }
0xbb: {  	s30 =	sld [smem:$0x0];
	_ =	sdelay $0x2  }
0xbc: {  	s31 =	sshll.u32 s1, $0xD;
	s1 =	sshrl.u32 s1, $0x2  }
0xbd: {  	s3 =	sand.u32 $0x4000, s31;
	s1 =	sadd.s32 s1, s30  }
0xbe: {  	s0 =	sor.u32 s3, s0;
	s1 =	sshll.u32 s1, $0x11  }
0xbf: {  	s0 =	sor.u32 s1, s0  }
0xc0: {  	s0 =	sadd.s32 $0x8F2B, s0  }
0xc1: {  	[sflag:s0] =	ssyncadd.remote.s32 $0x1  }
0xc2: {  	_ =	sfence.sel $0xFFFF  }
0xc3: {  	[dreg:$0x0] =	wrdreg $0xFFFFFFFF;
	(pc) =	sbr.abs _section_cstart, $3  }
0xc4: {  	[dreg:$0x1] =	wrdreg $0xFFFFFFFF  }
0xc5: {  	_ =	task.clear_ibuf [dreg:s9], $0x2FFFF;
	_ =	strace $0x9FFFFFFF  }
0xc6: {  	(tm) =	ssettm $0x7FFFFFFF  }
0xc7: {  	_ =	shalt  }
tec
execute0_lowered:
.L_overlay_start_1:
0x0: {  	(tag) =	ssettag $0x1  }
0x1: {  	s0 =	rddreg [dreg:$0x0]  }
0x2: {  	s1 =	rddreg [dreg:$0x1]  }
0x3: {  	s3 =	rddreg [dreg:$0x2];
	s2 =	srdreg.scid  }
0x4: {  	s4 =	rddreg [dreg:$0x3];
	s5 =	stileid.u32  }
0x5: {  	s18 =	simm.s32 $0x40;
	s28 =	simm.s32 $0x1;
	s29 =	simm.s32 $0x5  }
0x6: {  	s17 =	simm.s32 $0x6;
	s19 =	simm.s32 $0x9;
	s21 =	simm.s32 $0x3  }
0x7: {  	s22 =	simm.s32 $0x7;
	s10 =	simm.s32 $0x4;
	s11 =	simm.s32 $0x8  }
0x8: {  	s15 =	simm.s32 $0xB;
	s20 =	simm.s32 $0x0;
	s2 =	sand.u32 $0x1, s2  }
0x9: {  	s6 =	sshll.u32 s5, $0x6;
	s5 =	simm.s32 $0x0;
	s9 =	sadd.s32 $0x400, s0  }
0xa: {  	s12 =	sadd.s32 $0x800, s0;
	s13 =	sadd.s32 $0x400, s4;
	s14 =	sadd.s32 $0x800, s4  }
0xb: {  	v1 =	vlaneseq.u32;
	s7 =	sshll.u32 s2, $0x5;
	s2 =	ssub.s32 $0x2, s2;
	[smem:$0x7FF] =	sst s5  }
0xc: {  	v0 =	vmul.u32 $0x40, v1;
	v1 =	vshrl.u32 v1, $0x2;
	s6 =	sor.u32 s7, s6;
	s8 =	sshrl.u32 s2, $0x1;
	_ =	strace $0x80000047  }
0xd: {  	v2 =	vor.u32 $0x4, v1;
	v4 =	vor.u32 $0x8, v1;
	v6 =	vor.u32 $0xC, v1;
	s7 =	sshll.u32 s6, $0x4;
	s2 =	ssub.s32 s2, s8;
	s26 =	sshll.u32 s6, $0xC  }
.Ltmp0:
0xe: {  	v3 =	vor.u32 $0x400, v0;
	v5 =	vor.u32 $0x800, v0;
	v7 =	vor.u32 $0xC00, v0;
	s30 =	sadd.s32 s0, s26;
	[dreg:$0x6] =	wrdreg s26;
	(pc) =	sbr.rel .LBB2_1-.Ltmp0, $4  }
0xf: {  	v8 =	vor.u32 $0x1000, v0;
	v9 =	vor.u32 $0x1400, v0;
	v10 =	vor.u32 $0x1800, v0;
	s1 =	sadd.s32 s7, s1;
	s31 =	smax.u32 s2, $0x1;
	[dreg:$0x7] =	wrdreg s30  }
0x10: {  	v11 =	vor.u32 $0x1C00, v0;
	v12 =	vor.u32 $0x2000, v0;
	v13 =	vor.u32 $0x2400, v0;
	s2 =	simm.s32 $0x2;
	s1 =	sadd.s32 $0x400, s1;
	[dreg:$0x9] =	wrdreg s31  }
0x11: {  	v14 =	vor.u32 $0x2800, v0;
	v15 =	vor.u32 $0x2C00, v0;
	v16 =	vor.u32 $0x3000, v0;
	s7 =	simm.s32 $0xA;
	[dreg:$0x5] =	wrdreg s1;
	s1 =	sadd.s32 s26, s9  }
0x12: {  	v17 =	vor.u32 $0x3400, v0;
	v18 =	vor.u32 $0x3800, v0;
	v19 =	vor.u32 $0x3C00, v0;
	s26 =	simm.s32 $0xD200;
	[dreg:$0x8] =	wrdreg s1;
	s1 =	simm.s32 $0xF200  }
.LBB2_12:
0x13: {  	s16 =	simm.s32 $0xC  }
0x14: {  	_ =	swait.ge [sflag:s16], $0x2000  }
0x15: {  	s20 =	rddreg [dreg:$0xa]  }
0x16: {  	s8 =	rddreg [dreg:$0x9];
	s20 =	sadd.s32 $0x1, s20  }
0x17: {  	p0 =	sne.s32 s20, s8  }
.Ltmp1:
0x18: {  	_ = 	snop;
	(pc) =	sbr.rel @!p0 .LBB2_13-.Ltmp1, $3  }
0x19: {  	_ =	sdelay $0x1  }
0x1a: {  	[sflag:s16] =	ssyncset.done $0x0  }
0x1b: {  	[sflag:s16] =	ssyncadd.s32 $0xFFFFE000  }
.LBB2_1:
0x1c: {  	[dreg:$0xa] =	wrdreg s20  }
0x1d: {  	s8 =	rddreg [dreg:$0x5];
	s30 =	simm.s32 $0xD  }
0x1e: {  	[tilespmem:s5], [sflag:$0xD] =	stream.linear.gather [hbm4b:s8+s5], $0x1000, $0x38;
	[tilespmem:$0x11200] =	vst v63  }
0x1f: {  	_ =	swait.ge [sflag:s30], $0x1000  }
0x20: {  	[sflag:s30] =	ssyncset.done $0x0  }
0x21: {  	[sflag:s30] =	ssyncadd.s32 $0xFFFFF000  }
0x22: {  	v20 =	vld [tilespmem:$0x0];
	_ =	sdelay $0x4  }
0x23: {  	v21 =	vperm.xlane v20, v1  }
0x24: {  	v22 =	vperm.xlane v20, v2  }
0x25: {  	v23 =	vperm.xlane v20, v4;
	v21 =	vadd.s32 v0, v21  }
0x26: {  	v20 =	vperm.xlane v20, v6;
	v52 =	vadd.s32 v3, v22;
	[tilespmem:$0x1000] =	vst v21  }
0x27: {  	v53 =	vadd.s32 v5, v23;
	[tilespmem:$0x1010] =	vst v52  }
0x28: {  	v20 =	vadd.s32 v7, v20;
	[tilespmem:$0x1020] =	vst v53  }
0x29: {  	s16 =	simm.s32 $0x1200;
	s31 =	rddreg [dreg:$0x7];
	[tilespmem:$0x1030] =	vst v20  }
0x2a: {  	[tilespmem:s16], [sflag:$0x1] =	stream.linear.gather [hbm4b:s31+s5], $0x2000, $0x38;
	[tilespmem:$0x11200] =	vst v63  }
0x2b: {  	s20 =	simm.s32 $0x1000;
	s23 =	simm.s32 $0x9200  }
0x2c: {  	[tilespmem:s23], [sflag:$0x5] =	stream.indirect.gather [hbm4b:s3+s18], $0x80, s20, s18, $0xb8;
	[tilespmem:$0x11200] =	vst v63  }
0x2d: {  	v20 =	vld [tilespmem:$0x10];
	_ =	sdelay $0x4  }
0x2e: {  	v54 =	vperm.xlane v20, v1  }
0x2f: {  	v55 =	vperm.xlane v20, v2  }
0x30: {  	v56 =	vperm.xlane v20, v4;
	v21 =	vadd.s32 v8, v54  }
0x31: {  	v20 =	vperm.xlane v20, v6;
	v57 =	vadd.s32 v9, v55;
	[tilespmem:$0x1080] =	vst v21  }
0x32: {  	v58 =	vadd.s32 v10, v56;
	[tilespmem:$0x1090] =	vst v57  }
0x33: {  	v20 =	vadd.s32 v11, v20;
	[tilespmem:$0x10A0] =	vst v58  }
0x34: {  	s25 =	simm.s32 $0x3200;
	s24 =	rddreg [dreg:$0x8];
	[tilespmem:$0x10B0] =	vst v20  }
0x35: {  	[tilespmem:s25], [sflag:$0x2] =	stream.linear.gather [hbm4b:s24+s5], $0x2000, $0x38;
	[tilespmem:$0x11200] =	vst v63  }
0x36: {  	s30 =	simm.s32 $0x1080;
	s31 =	simm.s32 $0xB200  }
0x37: {  	[tilespmem:s31], [sflag:$0x6] =	stream.indirect.gather [hbm4b:s3+s18], $0x80, s30, s18, $0xb8;
	[tilespmem:$0x11200] =	vst v63  }
0x38: {  	v20 =	vld [tilespmem:$0x20];
	_ =	sdelay $0x4  }
0x39: {  	v59 =	vperm.xlane v20, v1  }
0x3a: {  	v60 =	vperm.xlane v20, v2  }
0x3b: {  	v61 =	vperm.xlane v20, v4;
	v21 =	vadd.s32 v12, v59  }
0x3c: {  	v20 =	vperm.xlane v20, v6;
	v62 =	vadd.s32 v13, v60;
	[tilespmem:$0x1100] =	vst v21  }
0x3d: {  	v63 =	vadd.s32 v14, v61;
	[tilespmem:$0x1110] =	vst v62  }
0x3e: {  	v20 =	vadd.s32 v15, v20;
	[tilespmem:$0x1120] =	vst v63  }
0x3f: {  	s8 =	simm.s32 $0x0;
	s16 =	rddreg [dreg:$0x6];
	[tilespmem:$0x1130] =	vst v20  }
.LBB2_2:
0x40: {  	s16 =	sadd.s32 s16, s12;
	s20 =	simm.s32 $0x0;
	s23 =	simm.s32 $0x5200  }
0x41: {  	[tilespmem:s23], [sflag:$0x3] =	stream.linear.gather [hbm4b:s16+s20], $0x2000, $0x38;
	[tilespmem:$0x11200] =	vst v63  }
0x42: {  	s31 =	simm.s32 $0x1100  }
0x43: {  	[tilespmem:s26], [sflag:$0x7] =	stream.indirect.gather [hbm4b:s3+s18], $0x80, s31, s18, $0xb8;
	[tilespmem:$0x11200] =	vst v63  }
0x44: {  	_ =	swait.ge [sflag:s28], $0x2000  }
0x45: {  	[sflag:s28] =	ssyncset.done $0x0  }
0x46: {  	[sflag:s28] =	ssyncadd.s32 $0xFFFFE000  }
0x47: {  	_ =	swait.ge [sflag:s29], $0x2000  }
0x48: {  	[sflag:s29] =	ssyncset.done $0x0  }
0x49: {  	s16 =	simm.s32 $0x0;
	[sflag:s29] =	ssyncadd.s32 $0xFFFFE000  }
0x4a: {  	v26 =	vld [tilespmem:s16+$0x1200]  }
0x4b: {  	v27 =	vld [tilespmem:s16+$0x1210]  }
0x4c: {  	v28 =	vld [tilespmem:s16+$0x1220]  }
0x4d: {  	v29 =	vld [tilespmem:s16+$0x1230]  }
0x4e: {  	v30 =	vld [tilespmem:s16+$0x1240]  }
0x4f: {  	v31 =	vld [tilespmem:s16+$0x1250]  }
0x50: {  	v32 =	vld [tilespmem:s16+$0x1260]  }
0x51: {  	v33 =	vld [tilespmem:s16+$0x1270]  }
0x52: {  	v34 =	vld [tilespmem:s16+$0x1280]  }
0x53: {  	v35 =	vld [tilespmem:s16+$0x1290]  }
0x54: {  	v25 =	vld [tilespmem:s16+$0x12A0]  }
0x55: {  	v24 =	vld [tilespmem:s16+$0x12B0]  }
0x56: {  	v23 =	vld [tilespmem:s16+$0x12C0]  }
0x57: {  	v22 =	vld [tilespmem:s16+$0x12D0]  }
0x58: {  	v21 =	vld [tilespmem:s16+$0x12E0]  }
0x59: {  	v20 =	vld [tilespmem:s16+$0x12F0]  }
0x5a: {  	v36 =	vld [tilespmem:s16+$0x9200]  }
0x5b: {  	v37 =	vld [tilespmem:s16+$0x9210]  }
0x5c: {  	v38 =	vld [tilespmem:s16+$0x9220]  }
0x5d: {  	v39 =	vld [tilespmem:s16+$0x9230]  }
0x5e: {  	v40 =	vld [tilespmem:s16+$0x9240]  }
0x5f: {  	v60 =	vld [tilespmem:s16+$0x9250];
	v26 =	vadd.f32 v26, v36  }
0x60: {  	v41 =	vld [tilespmem:s16+$0x9260];
	v27 =	vadd.f32 v27, v37  }
0x61: {  	v61 =	vld [tilespmem:s16+$0x9270];
	[tilespmem:s16+$0x9200] =	vst v26;
	v26 =	vadd.f32 v28, v38  }
0x62: {  	v62 =	vld [tilespmem:s16+$0x9280];
	[tilespmem:s16+$0x9210] =	vst v27;
	v27 =	vadd.f32 v29, v39  }
0x63: {  	v63 =	vld [tilespmem:s16+$0x9290];
	[tilespmem:s16+$0x9220] =	vst v26;
	v26 =	vadd.f32 v30, v40  }
0x64: {  	v28 =	vadd.f32 v31, v60;
	[tilespmem:s16+$0x9230] =	vst v27;
	v27 =	vld [tilespmem:s16+$0x92A0]  }
0x65: {  	v29 =	vadd.f32 v32, v41;
	[tilespmem:s16+$0x9240] =	vst v26;
	v26 =	vld [tilespmem:s16+$0x92B0]  }
0x66: {  	[tilespmem:s16+$0x9250] =	vst v28;
	v28 =	vld [tilespmem:s16+$0x92C0];
	v30 =	vadd.f32 v33, v61  }
0x67: {  	v32 =	vadd.f32 v34, v62;
	[tilespmem:s16+$0x9260] =	vst v29;
	v29 =	vld [tilespmem:s16+$0x92D0]  }
0x68: {  	s24 =	simm.s32 $0x400;
	v31 =	vadd.f32 v35, v63;
	[tilespmem:s16+$0x9270] =	vst v30;
	v30 =	vld [tilespmem:s16+$0x92E0]  }
.LBB2_3:
0x69: {  	s20 =	sshra.s32 s24, $0x2;
	p0 =	sne.s32 s24, $0x7C00;
	[tilespmem:s16+$0x9280] =	vst v32;
	v25 =	vadd.f32 v25, v27;
	v27 =	vld [tilespmem:s16+$0x92F0]  }
0x6a: {  	v32 =	vld [tilespmem:s20+$0x1200];
	[tilespmem:s16+$0x9290] =	vst v31;
	v24 =	vadd.f32 v24, v26  }
0x6b: {  	v26 =	vld [tilespmem:s20+$0x1210];
	[tilespmem:s16+$0x92A0] =	vst v25;
	v23 =	vadd.f32 v23, v28  }
0x6c: {  	v28 =	vld [tilespmem:s20+$0x1220];
	[tilespmem:s16+$0x92B0] =	vst v24;
	v22 =	vadd.f32 v22, v29  }
0x6d: {  	v29 =	vld [tilespmem:s20+$0x1230];
	[tilespmem:s16+$0x92C0] =	vst v23;
	v21 =	vadd.f32 v21, v30  }
0x6e: {  	v30 =	vld [tilespmem:s20+$0x1240];
	[tilespmem:s16+$0x92D0] =	vst v22;
	v20 =	vadd.f32 v20, v27  }
0x6f: {  	v27 =	vld [tilespmem:s20+$0x1250];
	[tilespmem:s16+$0x92E0] =	vst v21  }
0x70: {  	v31 =	vld [tilespmem:s20+$0x1260];
	[tilespmem:s16+$0x92F0] =	vst v20;
	s16 =	smov.u32 s20  }
0x71: {  	v33 =	vld [tilespmem:s16+$0x1270]  }
0x72: {  	v34 =	vld [tilespmem:s16+$0x1280]  }
0x73: {  	v35 =	vld [tilespmem:s16+$0x1290]  }
0x74: {  	v25 =	vld [tilespmem:s16+$0x12A0]  }
0x75: {  	v24 =	vld [tilespmem:s16+$0x12B0]  }
0x76: {  	v23 =	vld [tilespmem:s16+$0x12C0]  }
0x77: {  	v22 =	vld [tilespmem:s16+$0x12D0]  }
0x78: {  	v21 =	vld [tilespmem:s16+$0x12E0]  }
0x79: {  	v20 =	vld [tilespmem:s16+$0x12F0]  }
0x7a: {  	v36 =	vld [tilespmem:s16+$0x9200]  }
0x7b: {  	v37 =	vld [tilespmem:s16+$0x9210]  }
0x7c: {  	v38 =	vld [tilespmem:s16+$0x9220]  }
0x7d: {  	v39 =	vld [tilespmem:s16+$0x9230]  }
0x7e: {  	v40 =	vld [tilespmem:s16+$0x9240]  }
0x7f: {  	v32 =	vadd.f32 v32, v36;
	v36 =	vld [tilespmem:s16+$0x9250]  }
0x80: {  	v26 =	vadd.f32 v26, v37;
	v37 =	vld [tilespmem:s16+$0x9260]  }
0x81: {  	[tilespmem:s16+$0x9200] =	vst v32;
	v28 =	vadd.f32 v28, v38;
	v32 =	vld [tilespmem:s16+$0x9270]  }
0x82: {  	[tilespmem:s16+$0x9210] =	vst v26;
	v26 =	vadd.f32 v29, v39;
	v29 =	vld [tilespmem:s16+$0x9280]  }
0x83: {  	[tilespmem:s16+$0x9220] =	vst v28;
	v28 =	vadd.f32 v30, v40;
	v30 =	vld [tilespmem:s16+$0x9290]  }
.Ltmp2:
0x84: {  	[tilespmem:s16+$0x9230] =	vst v26;
	v36 =	vadd.f32 v27, v36;
	v27 =	vld [tilespmem:s16+$0x92A0];
	(pc) =	sbr.rel @p0 .LBB2_3-.Ltmp2, $4  }
0x85: {  	[tilespmem:s16+$0x9240] =	vst v28;
	v31 =	vadd.f32 v31, v37;
	v26 =	vld [tilespmem:s16+$0x92B0]  }
0x86: {  	[tilespmem:s16+$0x9250] =	vst v36;
	v33 =	vadd.f32 v33, v32;
	v28 =	vld [tilespmem:s16+$0x92C0]  }
0x87: {  	[tilespmem:s16+$0x9260] =	vst v31;
	v32 =	vadd.f32 v34, v29;
	v29 =	vld [tilespmem:s16+$0x92D0]  }
0x88: {  	s24 =	sadd.s32 $0x400, s24;
	[tilespmem:s16+$0x9270] =	vst v33;
	v31 =	vadd.f32 v35, v30;
	v30 =	vld [tilespmem:s16+$0x92E0]  }
0x89: {  	[tilespmem:s16+$0x9280] =	vst v32;
	v25 =	vadd.f32 v25, v27;
	v27 =	vld [tilespmem:s16+$0x92F0]  }
0x8a: {  	[tilespmem:s16+$0x9290] =	vst v31;
	v24 =	vadd.f32 v24, v26  }
0x8b: {  	[tilespmem:s16+$0x92A0] =	vst v25;
	v23 =	vadd.f32 v23, v28  }
0x8c: {  	[tilespmem:s16+$0x92B0] =	vst v24;
	v22 =	vadd.f32 v22, v29  }
0x8d: {  	[tilespmem:s16+$0x92C0] =	vst v23;
	v21 =	vadd.f32 v21, v30  }
0x8e: {  	s20 =	sor.u32 s6, s8;
	[tilespmem:s16+$0x92D0] =	vst v22;
	v20 =	vadd.f32 v20, v27  }
0x8f: {  	p0 =	seq.s32 s8, $0x0;
	s24 =	sshll.u32 s20, $0xC;
	[tilespmem:s16+$0x92E0] =	vst v21  }
0x90: {  	s31 =	simm.s32 $0x9200;
	s25 =	sadd.s32 s4, s24;
	[tilespmem:s16+$0x92F0] =	vst v20;
	s16 =	simm.s32 @!p0 $0xC  }
0x91: {  	[hbm4b:s25+s5] =	stream.linear.scatter [tilespmem:s31], [sflag:$0x9], $0x2000, $0x38;
	[tilespmem:$0x11200] =	vst v63  }
0x92: {  	_ =	swait.ge @!p0 [sflag:s16], $0x2000  }
0x93: {  	s23 =	sshll.u32 s8, $0x7;
	[sflag:s16] =	ssyncset.done @!p0 $0x0  }
0x94: {  	s25 =	sand.u32 $0x3FFFFF80, s23;
	[sflag:s16] =	ssyncadd.s32 @!p0 $0xFFFFE000  }
0x95: {  	v20 =	vld [tilespmem:s25+$0x30];
	_ =	sdelay $0x4  }
0x96: {  	v21 =	vperm.xlane v20, v1;
	v22 =	vperm.xlane v20, v2  }
0x97: {  	v23 =	vperm.xlane v20, v4;
	v20 =	vperm.xlane v20, v6  }
0x98: {  	v21 =	vadd.s32 v16, v21  }
0x99: {  	v20 =	vadd.s32 v19, v20;
	[tilespmem:$0x1180] =	vst v21  }
0x9a: {  	v21 =	vadd.s32 v17, v22;
	[tilespmem:$0x11B0] =	vst v20  }
0x9b: {  	s16 =	sor.u32 $0xC00, s24;
	[tilespmem:$0x1190] =	vst v21;
	v21 =	vadd.s32 v18, v23  }
0x9c: {  	s23 =	simm.s32 $0x7200;
	s31 =	sadd.s32 s0, s16;
	s25 =	simm.s32 $0x0;
	[tilespmem:$0x11A0] =	vst v21  }
0x9d: {  	[tilespmem:s23], [sflag:$0x4] =	stream.linear.gather [hbm4b:s31+s25], $0x2000, $0x38;
	[tilespmem:$0x11200] =	vst v63  }
0x9e: {  	s31 =	simm.s32 $0x1180  }
0x9f: {  	[tilespmem:s1], [sflag:$0x8] =	stream.indirect.gather [hbm4b:s3+s18], $0x80, s31, s18, $0xb8;
	[tilespmem:$0x11200] =	vst v63  }
0xa0: {  	_ =	swait.ge [sflag:s2], $0x2000  }
0xa1: {  	[sflag:s2] =	ssyncset.done $0x0  }
0xa2: {  	[sflag:s2] =	ssyncadd.s32 $0xFFFFE000  }
0xa3: {  	_ =	swait.ge [sflag:s17], $0x2000  }
0xa4: {  	[sflag:s17] =	ssyncset.done $0x0  }
0xa5: {  	s25 =	simm.s32 $0x0;
	[sflag:s17] =	ssyncadd.s32 $0xFFFFE000  }
0xa6: {  	v26 =	vld [tilespmem:s25+$0x3200]  }
0xa7: {  	v27 =	vld [tilespmem:s25+$0x3210]  }
0xa8: {  	v28 =	vld [tilespmem:s25+$0x3220]  }
0xa9: {  	v29 =	vld [tilespmem:s25+$0x3230]  }
0xaa: {  	v30 =	vld [tilespmem:s25+$0x3240]  }
0xab: {  	v31 =	vld [tilespmem:s25+$0x3250]  }
0xac: {  	v59 =	vld [tilespmem:s25+$0x3260]  }
0xad: {  	v33 =	vld [tilespmem:s25+$0x3270]  }
0xae: {  	v34 =	vld [tilespmem:s25+$0x3280]  }
0xaf: {  	v35 =	vld [tilespmem:s25+$0x3290]  }
0xb0: {  	v25 =	vld [tilespmem:s25+$0x32A0]  }
0xb1: {  	v24 =	vld [tilespmem:s25+$0x32B0]  }
0xb2: {  	v23 =	vld [tilespmem:s25+$0x32C0]  }
0xb3: {  	v22 =	vld [tilespmem:s25+$0x32D0]  }
0xb4: {  	v21 =	vld [tilespmem:s25+$0x32E0]  }
0xb5: {  	v20 =	vld [tilespmem:s25+$0x32F0]  }
0xb6: {  	v36 =	vld [tilespmem:s25+$0xB200]  }
0xb7: {  	v37 =	vld [tilespmem:s25+$0xB210]  }
0xb8: {  	v38 =	vld [tilespmem:s25+$0xB220]  }
0xb9: {  	v39 =	vld [tilespmem:s25+$0xB230]  }
0xba: {  	v40 =	vld [tilespmem:s25+$0xB240]  }
0xbb: {  	v60 =	vld [tilespmem:s25+$0xB250];
	v26 =	vadd.f32 v26, v36  }
0xbc: {  	v41 =	vld [tilespmem:s25+$0xB260];
	v27 =	vadd.f32 v27, v37  }
0xbd: {  	v61 =	vld [tilespmem:s25+$0xB270];
	[tilespmem:s25+$0xB200] =	vst v26;
	v26 =	vadd.f32 v28, v38  }
0xbe: {  	v62 =	vld [tilespmem:s25+$0xB280];
	[tilespmem:s25+$0xB210] =	vst v27;
	v27 =	vadd.f32 v29, v39  }
0xbf: {  	v63 =	vld [tilespmem:s25+$0xB290];
	[tilespmem:s25+$0xB220] =	vst v26;
	v26 =	vadd.f32 v30, v40  }
0xc0: {  	v28 =	vadd.f32 v31, v60;
	[tilespmem:s25+$0xB230] =	vst v27;
	v27 =	vld [tilespmem:s25+$0xB2A0]  }
0xc1: {  	v29 =	vadd.f32 v59, v41;
	[tilespmem:s25+$0xB240] =	vst v26;
	v26 =	vld [tilespmem:s25+$0xB2B0]  }
0xc2: {  	[tilespmem:s25+$0xB250] =	vst v28;
	v28 =	vld [tilespmem:s25+$0xB2C0];
	v30 =	vadd.f32 v33, v61  }
0xc3: {  	v32 =	vadd.f32 v34, v62;
	[tilespmem:s25+$0xB260] =	vst v29;
	v29 =	vld [tilespmem:s25+$0xB2D0]  }
0xc4: {  	s30 =	simm.s32 $0x400;
	v31 =	vadd.f32 v35, v63;
	[tilespmem:s25+$0xB270] =	vst v30;
	v30 =	vld [tilespmem:s25+$0xB2E0]  }
.LBB2_5:
0xc5: {  	s20 =	sshra.s32 s30, $0x2;
	p0 =	sne.s32 s30, $0x7C00;
	[tilespmem:s25+$0xB280] =	vst v32;
	v25 =	vadd.f32 v25, v27;
	v27 =	vld [tilespmem:s25+$0xB2F0]  }
0xc6: {  	v32 =	vld [tilespmem:s20+$0x3200];
	[tilespmem:s25+$0xB290] =	vst v31;
	v24 =	vadd.f32 v24, v26  }
0xc7: {  	v26 =	vld [tilespmem:s20+$0x3210];
	[tilespmem:s25+$0xB2A0] =	vst v25;
	v23 =	vadd.f32 v23, v28  }
0xc8: {  	v28 =	vld [tilespmem:s20+$0x3220];
	[tilespmem:s25+$0xB2B0] =	vst v24;
	v22 =	vadd.f32 v22, v29  }
0xc9: {  	v29 =	vld [tilespmem:s20+$0x3230];
	[tilespmem:s25+$0xB2C0] =	vst v23;
	v21 =	vadd.f32 v21, v30  }
0xca: {  	v30 =	vld [tilespmem:s20+$0x3240];
	[tilespmem:s25+$0xB2D0] =	vst v22;
	v20 =	vadd.f32 v20, v27  }
0xcb: {  	v27 =	vld [tilespmem:s20+$0x3250];
	[tilespmem:s25+$0xB2E0] =	vst v21  }
0xcc: {  	v31 =	vld [tilespmem:s20+$0x3260];
	[tilespmem:s25+$0xB2F0] =	vst v20;
	s25 =	smov.u32 s20  }
0xcd: {  	v33 =	vld [tilespmem:s25+$0x3270]  }
0xce: {  	v34 =	vld [tilespmem:s25+$0x3280]  }
0xcf: {  	v35 =	vld [tilespmem:s25+$0x3290]  }
0xd0: {  	v25 =	vld [tilespmem:s25+$0x32A0]  }
0xd1: {  	v24 =	vld [tilespmem:s25+$0x32B0]  }
0xd2: {  	v23 =	vld [tilespmem:s25+$0x32C0]  }
0xd3: {  	v22 =	vld [tilespmem:s25+$0x32D0]  }
0xd4: {  	v21 =	vld [tilespmem:s25+$0x32E0]  }
0xd5: {  	v20 =	vld [tilespmem:s25+$0x32F0]  }
0xd6: {  	v36 =	vld [tilespmem:s25+$0xB200]  }
0xd7: {  	v37 =	vld [tilespmem:s25+$0xB210]  }
0xd8: {  	v38 =	vld [tilespmem:s25+$0xB220]  }
0xd9: {  	v39 =	vld [tilespmem:s25+$0xB230]  }
0xda: {  	v40 =	vld [tilespmem:s25+$0xB240]  }
0xdb: {  	v32 =	vadd.f32 v32, v36;
	v36 =	vld [tilespmem:s25+$0xB250]  }
0xdc: {  	v26 =	vadd.f32 v26, v37;
	v37 =	vld [tilespmem:s25+$0xB260]  }
0xdd: {  	[tilespmem:s25+$0xB200] =	vst v32;
	v28 =	vadd.f32 v28, v38;
	v32 =	vld [tilespmem:s25+$0xB270]  }
0xde: {  	[tilespmem:s25+$0xB210] =	vst v26;
	v26 =	vadd.f32 v29, v39;
	v29 =	vld [tilespmem:s25+$0xB280]  }
0xdf: {  	[tilespmem:s25+$0xB220] =	vst v28;
	v28 =	vadd.f32 v30, v40;
	v30 =	vld [tilespmem:s25+$0xB290]  }
.Ltmp3:
0xe0: {  	[tilespmem:s25+$0xB230] =	vst v26;
	v36 =	vadd.f32 v27, v36;
	v27 =	vld [tilespmem:s25+$0xB2A0];
	(pc) =	sbr.rel @p0 .LBB2_5-.Ltmp3, $4  }
0xe1: {  	[tilespmem:s25+$0xB240] =	vst v28;
	v31 =	vadd.f32 v31, v37;
	v26 =	vld [tilespmem:s25+$0xB2B0]  }
0xe2: {  	[tilespmem:s25+$0xB250] =	vst v36;
	v33 =	vadd.f32 v33, v32;
	v28 =	vld [tilespmem:s25+$0xB2C0]  }
0xe3: {  	[tilespmem:s25+$0xB260] =	vst v31;
	v32 =	vadd.f32 v34, v29;
	v29 =	vld [tilespmem:s25+$0xB2D0]  }
0xe4: {  	s30 =	sadd.s32 $0x400, s30;
	[tilespmem:s25+$0xB270] =	vst v33;
	v31 =	vadd.f32 v35, v30;
	v30 =	vld [tilespmem:s25+$0xB2E0]  }
0xe5: {  	[tilespmem:s25+$0xB280] =	vst v32;
	v25 =	vadd.f32 v25, v27;
	v27 =	vld [tilespmem:s25+$0xB2F0]  }
0xe6: {  	[tilespmem:s25+$0xB290] =	vst v31;
	v24 =	vadd.f32 v24, v26  }
0xe7: {  	[tilespmem:s25+$0xB2A0] =	vst v25;
	v23 =	vadd.f32 v23, v28  }
0xe8: {  	[tilespmem:s25+$0xB2B0] =	vst v24;
	v22 =	vadd.f32 v22, v29  }
0xe9: {  	[tilespmem:s25+$0xB2C0] =	vst v23;
	v21 =	vadd.f32 v21, v30  }
0xea: {  	[tilespmem:s25+$0xB2D0] =	vst v22;
	v20 =	vadd.f32 v20, v27  }
0xeb: {  	[tilespmem:s25+$0xB2E0] =	vst v21  }
0xec: {  	s20 =	sadd.s32 s24, s13;
	s23 =	simm.s32 $0xB200;
	p0 =	seq.s32 s8, $0x1F;
	[tilespmem:s25+$0xB2F0] =	vst v20  }
0xed: {  	[hbm4b:s20+s5] =	stream.linear.scatter [tilespmem:s23], [sflag:$0xA], $0x2000, $0x38;
	[tilespmem:$0x11200] =	vst v63  }
0xee: {  	s20 =	sadd.s32 @!p0 $0x1, s8;
	_ =	swait.ge [sflag:s19], $0x2000  }
0xef: {  	s25 =	sshll.u32 @!p0 s20, $0x7;
	[sflag:s19] =	ssyncset.done $0x0  }
0xf0: {  	s25 =	sand.u32 @!p0 $0x3FFFFF80, s25;
	[sflag:s19] =	ssyncadd.s32 $0xFFFFE000  }
0xf1: {  	v20 =	vld @!p0 [tilespmem:s25+$0x0];
	_ =	sdelay $0x2  }
0xf2: {  	v21 =	vlaneseq.u32 @!p0  }
0xf3: {  	v22 =	vshrl.u32 @!p0 v21, $0x2;
	v21 =	vmul.u32 @!p0 $0x40, v21  }
0xf4: {  	v24 =	vor.u32 @!p0 $0x4, v22;
	v23 =	vperm.xlane @!p0 v20, v22  }
0xf5: {  	v25 =	vor.u32 @!p0 $0x8, v22;
	v26 =	vor.u32 @!p0 $0x400, v21;
	v24 =	vperm.xlane @!p0 v20, v24  }
0xf6: {  	v25 =	vperm.xlane @!p0 v20, v25;
	v22 =	vor.u32 @!p0 $0xC, v22;
	v23 =	vadd.s32 @!p0 v21, v23  }
0xf7: {  	v20 =	vperm.xlane @!p0 v20, v22;
	[tilespmem:$0x1000] =	vst @!p0 v23;
	v23 =	vadd.s32 @!p0 v26, v24;
	v24 =	vor.u32 @!p0 $0x800, v21  }
0xf8: {  	s20 =	sadd.s32 @!p0 s6, s20;
	v21 =	vor.u32 @!p0 $0xC00, v21;
	[tilespmem:$0x1010] =	vst @!p0 v23;
	v22 =	vadd.s32 @!p0 v24, v25  }
0xf9: {  	s30 =	sshll.u32 @!p0 s20, $0xC;
	v20 =	vadd.s32 @!p0 v21, v20;
	[tilespmem:$0x1020] =	vst @!p0 v22  }
0xfa: {  	s31 =	simm.s32 @!p0 $0x0;
	s23 =	simm.s32 @!p0 $0x1200;
	s20 =	sadd.s32 @!p0 s0, s30;
	[tilespmem:$0x1030] =	vst @!p0 v20  }
0xfb: {  	[tilespmem:s23], [sflag:$0x1] =	stream.linear.gather @!p0 [hbm4b:s20+s31], $0x2000, $0x38;
	[tilespmem:$0x11200] =	vst v63  }
0xfc: {  	s20 =	simm.s32 @!p0 $0x40;
	s23 =	simm.s32 @!p0 $0x1000;
	s31 =	simm.s32 @!p0 $0x9200  }
0xfd: {  	[tilespmem:s31], [sflag:$0x5] =	stream.indirect.gather @!p0 [hbm4b:s3+s20], $0x80, s23, s20, $0xb8;
	[tilespmem:$0x11200] =	vst v63  }
0xfe: {  	_ =	swait.ge [sflag:s21], $0x2000  }
0xff: {  	[sflag:s21] =	ssyncset.done $0x0  }
0x100: {  	[sflag:s21] =	ssyncadd.s32 $0xFFFFE000  }
0x101: {  	_ =	swait.ge [sflag:s22], $0x2000  }
0x102: {  	[sflag:s22] =	ssyncset.done $0x0  }
0x103: {  	s31 =	simm.s32 $0x0;
	[sflag:s22] =	ssyncadd.s32 $0xFFFFE000  }
0x104: {  	v26 =	vld [tilespmem:s31+$0x5200]  }
0x105: {  	v27 =	vld [tilespmem:s31+$0x5210]  }
0x106: {  	v28 =	vld [tilespmem:s31+$0x5220]  }
0x107: {  	v29 =	vld [tilespmem:s31+$0x5230]  }
0x108: {  	v30 =	vld [tilespmem:s31+$0x5240]  }
0x109: {  	v31 =	vld [tilespmem:s31+$0x5250]  }
0x10a: {  	v59 =	vld [tilespmem:s31+$0x5260]  }
0x10b: {  	v33 =	vld [tilespmem:s31+$0x5270]  }
0x10c: {  	v34 =	vld [tilespmem:s31+$0x5280]  }
0x10d: {  	v35 =	vld [tilespmem:s31+$0x5290]  }
0x10e: {  	v25 =	vld [tilespmem:s31+$0x52A0]  }
0x10f: {  	v24 =	vld [tilespmem:s31+$0x52B0]  }
0x110: {  	v23 =	vld [tilespmem:s31+$0x52C0]  }
0x111: {  	v22 =	vld [tilespmem:s31+$0x52D0]  }
0x112: {  	v21 =	vld [tilespmem:s31+$0x52E0]  }
0x113: {  	v20 =	vld [tilespmem:s31+$0x52F0]  }
0x114: {  	v36 =	vld [tilespmem:s31+$0xD200]  }
0x115: {  	v37 =	vld [tilespmem:s31+$0xD210]  }
0x116: {  	v38 =	vld [tilespmem:s31+$0xD220]  }
0x117: {  	v39 =	vld [tilespmem:s31+$0xD230]  }
0x118: {  	v40 =	vld [tilespmem:s31+$0xD240]  }
0x119: {  	v60 =	vld [tilespmem:s31+$0xD250];
	v26 =	vadd.f32 v26, v36  }
0x11a: {  	v41 =	vld [tilespmem:s31+$0xD260];
	v27 =	vadd.f32 v27, v37  }
0x11b: {  	v61 =	vld [tilespmem:s31+$0xD270];
	[tilespmem:s31+$0xD200] =	vst v26;
	v26 =	vadd.f32 v28, v38  }
0x11c: {  	v62 =	vld [tilespmem:s31+$0xD280];
	[tilespmem:s31+$0xD210] =	vst v27;
	v27 =	vadd.f32 v29, v39  }
0x11d: {  	v63 =	vld [tilespmem:s31+$0xD290];
	[tilespmem:s31+$0xD220] =	vst v26;
	v26 =	vadd.f32 v30, v40  }
0x11e: {  	v28 =	vadd.f32 v31, v60;
	[tilespmem:s31+$0xD230] =	vst v27;
	v27 =	vld [tilespmem:s31+$0xD2A0]  }
0x11f: {  	v29 =	vadd.f32 v59, v41;
	[tilespmem:s31+$0xD240] =	vst v26;
	v26 =	vld [tilespmem:s31+$0xD2B0]  }
0x120: {  	[tilespmem:s31+$0xD250] =	vst v28;
	v28 =	vld [tilespmem:s31+$0xD2C0];
	v30 =	vadd.f32 v33, v61  }
0x121: {  	v32 =	vadd.f32 v34, v62;
	[tilespmem:s31+$0xD260] =	vst v29;
	v29 =	vld [tilespmem:s31+$0xD2D0]  }
0x122: {  	s20 =	simm.s32 $0x400;
	v31 =	vadd.f32 v35, v63;
	[tilespmem:s31+$0xD270] =	vst v30;
	v30 =	vld [tilespmem:s31+$0xD2E0]  }
.LBB2_7:
0x123: {  	s23 =	sshra.s32 s20, $0x2;
	p1 =	sne.s32 s20, $0x7C00;
	[tilespmem:s31+$0xD280] =	vst v32;
	v25 =	vadd.f32 v25, v27;
	v27 =	vld [tilespmem:s31+$0xD2F0]  }
0x124: {  	v32 =	vld [tilespmem:s23+$0x5200];
	[tilespmem:s31+$0xD290] =	vst v31;
	v24 =	vadd.f32 v24, v26  }
0x125: {  	v26 =	vld [tilespmem:s23+$0x5210];
	[tilespmem:s31+$0xD2A0] =	vst v25;
	v23 =	vadd.f32 v23, v28  }
0x126: {  	v28 =	vld [tilespmem:s23+$0x5220];
	[tilespmem:s31+$0xD2B0] =	vst v24;
	v22 =	vadd.f32 v22, v29  }
0x127: {  	v29 =	vld [tilespmem:s23+$0x5230];
	[tilespmem:s31+$0xD2C0] =	vst v23;
	v21 =	vadd.f32 v21, v30  }
0x128: {  	v30 =	vld [tilespmem:s23+$0x5240];
	[tilespmem:s31+$0xD2D0] =	vst v22;
	v20 =	vadd.f32 v20, v27  }
0x129: {  	v27 =	vld [tilespmem:s23+$0x5250];
	[tilespmem:s31+$0xD2E0] =	vst v21  }
0x12a: {  	v31 =	vld [tilespmem:s23+$0x5260];
	[tilespmem:s31+$0xD2F0] =	vst v20;
	s31 =	smov.u32 s23  }
0x12b: {  	v33 =	vld [tilespmem:s31+$0x5270]  }
0x12c: {  	v34 =	vld [tilespmem:s31+$0x5280]  }
0x12d: {  	v35 =	vld [tilespmem:s31+$0x5290]  }
0x12e: {  	v25 =	vld [tilespmem:s31+$0x52A0]  }
0x12f: {  	v24 =	vld [tilespmem:s31+$0x52B0]  }
0x130: {  	v23 =	vld [tilespmem:s31+$0x52C0]  }
0x131: {  	v22 =	vld [tilespmem:s31+$0x52D0]  }
0x132: {  	v21 =	vld [tilespmem:s31+$0x52E0]  }
0x133: {  	v20 =	vld [tilespmem:s31+$0x52F0]  }
0x134: {  	v36 =	vld [tilespmem:s31+$0xD200]  }
0x135: {  	v37 =	vld [tilespmem:s31+$0xD210]  }
0x136: {  	v38 =	vld [tilespmem:s31+$0xD220]  }
0x137: {  	v39 =	vld [tilespmem:s31+$0xD230]  }
0x138: {  	v40 =	vld [tilespmem:s31+$0xD240]  }
0x139: {  	v32 =	vadd.f32 v32, v36;
	v36 =	vld [tilespmem:s31+$0xD250]  }
0x13a: {  	v26 =	vadd.f32 v26, v37;
	v37 =	vld [tilespmem:s31+$0xD260]  }
0x13b: {  	[tilespmem:s31+$0xD200] =	vst v32;
	v28 =	vadd.f32 v28, v38;
	v32 =	vld [tilespmem:s31+$0xD270]  }
0x13c: {  	[tilespmem:s31+$0xD210] =	vst v26;
	v26 =	vadd.f32 v29, v39;
	v29 =	vld [tilespmem:s31+$0xD280]  }
0x13d: {  	[tilespmem:s31+$0xD220] =	vst v28;
	v28 =	vadd.f32 v30, v40;
	v30 =	vld [tilespmem:s31+$0xD290]  }
.Ltmp4:
0x13e: {  	[tilespmem:s31+$0xD230] =	vst v26;
	v36 =	vadd.f32 v27, v36;
	v27 =	vld [tilespmem:s31+$0xD2A0];
	(pc) =	sbr.rel @p1 .LBB2_7-.Ltmp4, $4  }
0x13f: {  	[tilespmem:s31+$0xD240] =	vst v28;
	v31 =	vadd.f32 v31, v37;
	v26 =	vld [tilespmem:s31+$0xD2B0]  }
0x140: {  	[tilespmem:s31+$0xD250] =	vst v36;
	v33 =	vadd.f32 v33, v32;
	v28 =	vld [tilespmem:s31+$0xD2C0]  }
0x141: {  	[tilespmem:s31+$0xD260] =	vst v31;
	v32 =	vadd.f32 v34, v29;
	v29 =	vld [tilespmem:s31+$0xD2D0]  }
0x142: {  	s20 =	sadd.s32 $0x400, s20;
	[tilespmem:s31+$0xD270] =	vst v33;
	v31 =	vadd.f32 v35, v30;
	v30 =	vld [tilespmem:s31+$0xD2E0]  }
0x143: {  	[tilespmem:s31+$0xD280] =	vst v32;
	v25 =	vadd.f32 v25, v27;
	v27 =	vld [tilespmem:s31+$0xD2F0]  }
0x144: {  	[tilespmem:s31+$0xD290] =	vst v31;
	v24 =	vadd.f32 v24, v26  }
0x145: {  	[tilespmem:s31+$0xD2A0] =	vst v25;
	v23 =	vadd.f32 v23, v28  }
0x146: {  	[tilespmem:s31+$0xD2B0] =	vst v24;
	v22 =	vadd.f32 v22, v29  }
0x147: {  	[tilespmem:s31+$0xD2C0] =	vst v23;
	v21 =	vadd.f32 v21, v30  }
0x148: {  	[tilespmem:s31+$0xD2D0] =	vst v22;
	v20 =	vadd.f32 v20, v27  }
0x149: {  	[tilespmem:s31+$0xD2E0] =	vst v21  }
0x14a: {  	s20 =	sadd.s32 s24, s14;
	[tilespmem:s31+$0xD2F0] =	vst v20  }
0x14b: {  	[hbm4b:s20+s5] =	stream.linear.scatter [tilespmem:s26], [sflag:$0xB], $0x2000, $0x38;
	[tilespmem:$0x11200] =	vst v63  }
0x14c: {  	_ =	swait.ge [sflag:s7], $0x2000  }
0x14d: {  	[sflag:s7] =	ssyncset.done $0x0  }
0x14e: {  	[sflag:s7] =	ssyncadd.s32 $0xFFFFE000  }
0x14f: {  	v20 =	vld @!p0 [tilespmem:s25+$0x10];
	_ =	sdelay $0x2  }
0x150: {  	v21 =	vlaneseq.u32 @!p0  }
0x151: {  	v22 =	vshrl.u32 @!p0 v21, $0x2;
	v21 =	vmul.u32 @!p0 $0x40, v21  }
0x152: {  	v23 =	vperm.xlane @!p0 v20, v22  }
0x153: {  	v25 =	vor.u32 @!p0 $0x4, v22;
	v24 =	vor.u32 @!p0 $0x1000, v21  }
0x154: {  	v23 =	vadd.s32 @!p0 v24, v23;
	v24 =	vperm.xlane @!p0 v20, v25;
	v25 =	vor.u32 @!p0 $0x8, v22  }
0x155: {  	v26 =	vor.u32 @!p0 $0x1400, v21;
	v22 =	vor.u32 @!p0 $0xC, v22;
	v25 =	vperm.xlane @!p0 v20, v25  }
0x156: {  	[tilespmem:$0x1080] =	vst @!p0 v23;
	v20 =	vperm.xlane @!p0 v20, v22;
	v23 =	vadd.s32 @!p0 v26, v24;
	v24 =	vor.u32 @!p0 $0x1800, v21  }
0x157: {  	v21 =	vor.u32 @!p0 $0x1C00, v21;
	[tilespmem:$0x1090] =	vst @!p0 v23;
	v22 =	vadd.s32 @!p0 v24, v25  }
0x158: {  	v20 =	vadd.s32 @!p0 v21, v20;
	[tilespmem:$0x10A0] =	vst @!p0 v22  }
0x159: {  	s23 =	simm.s32 @!p0 $0x0;
	s24 =	simm.s32 @!p0 $0x3200;
	s20 =	sadd.s32 @!p0 s30, s9;
	[tilespmem:$0x10B0] =	vst @!p0 v20  }
0x15a: {  	[tilespmem:s24], [sflag:$0x2] =	stream.linear.gather @!p0 [hbm4b:s20+s23], $0x2000, $0x38;
	[tilespmem:$0x11200] =	vst v63  }
0x15b: {  	s20 =	simm.s32 @!p0 $0x40;
	s23 =	simm.s32 @!p0 $0x1080;
	s24 =	simm.s32 @!p0 $0xB200  }
0x15c: {  	[tilespmem:s24], [sflag:$0x6] =	stream.indirect.gather @!p0 [hbm4b:s3+s20], $0x80, s23, s20, $0xb8;
	[tilespmem:$0x11200] =	vst v63  }
0x15d: {  	_ =	swait.ge [sflag:s10], $0x2000  }
0x15e: {  	[sflag:s10] =	ssyncset.done $0x0  }
0x15f: {  	[sflag:s10] =	ssyncadd.s32 $0xFFFFE000  }
0x160: {  	_ =	swait.ge [sflag:s11], $0x2000  }
0x161: {  	[sflag:s11] =	ssyncset.done $0x0  }
0x162: {  	s24 =	simm.s32 $0x0;
	[sflag:s11] =	ssyncadd.s32 $0xFFFFE000  }
0x163: {  	v26 =	vld [tilespmem:s24+$0x7200]  }
0x164: {  	v27 =	vld [tilespmem:s24+$0x7210]  }
0x165: {  	v28 =	vld [tilespmem:s24+$0x7220]  }
0x166: {  	v29 =	vld [tilespmem:s24+$0x7230]  }
0x167: {  	v30 =	vld [tilespmem:s24+$0x7240]  }
0x168: {  	v31 =	vld [tilespmem:s24+$0x7250]  }
0x169: {  	v59 =	vld [tilespmem:s24+$0x7260]  }
0x16a: {  	v33 =	vld [tilespmem:s24+$0x7270]  }
0x16b: {  	v34 =	vld [tilespmem:s24+$0x7280]  }
0x16c: {  	v35 =	vld [tilespmem:s24+$0x7290]  }
0x16d: {  	v25 =	vld [tilespmem:s24+$0x72A0]  }
0x16e: {  	v24 =	vld [tilespmem:s24+$0x72B0]  }
0x16f: {  	v23 =	vld [tilespmem:s24+$0x72C0]  }
0x170: {  	v22 =	vld [tilespmem:s24+$0x72D0]  }
0x171: {  	v21 =	vld [tilespmem:s24+$0x72E0]  }
0x172: {  	v20 =	vld [tilespmem:s24+$0x72F0]  }
0x173: {  	v36 =	vld [tilespmem:s24+$0xF200]  }
0x174: {  	v37 =	vld [tilespmem:s24+$0xF210]  }
0x175: {  	v38 =	vld [tilespmem:s24+$0xF220]  }
0x176: {  	v39 =	vld [tilespmem:s24+$0xF230]  }
0x177: {  	v40 =	vld [tilespmem:s24+$0xF240]  }
0x178: {  	v60 =	vld [tilespmem:s24+$0xF250];
	v26 =	vadd.f32 v26, v36  }
0x179: {  	v41 =	vld [tilespmem:s24+$0xF260];
	v27 =	vadd.f32 v27, v37  }
0x17a: {  	v61 =	vld [tilespmem:s24+$0xF270];
	[tilespmem:s24+$0xF200] =	vst v26;
	v26 =	vadd.f32 v28, v38  }
0x17b: {  	v62 =	vld [tilespmem:s24+$0xF280];
	[tilespmem:s24+$0xF210] =	vst v27;
	v27 =	vadd.f32 v29, v39  }
0x17c: {  	v63 =	vld [tilespmem:s24+$0xF290];
	[tilespmem:s24+$0xF220] =	vst v26;
	v26 =	vadd.f32 v30, v40  }
0x17d: {  	v28 =	vadd.f32 v31, v60;
	[tilespmem:s24+$0xF230] =	vst v27;
	v27 =	vld [tilespmem:s24+$0xF2A0]  }
0x17e: {  	v29 =	vadd.f32 v59, v41;
	[tilespmem:s24+$0xF240] =	vst v26;
	v26 =	vld [tilespmem:s24+$0xF2B0]  }
0x17f: {  	[tilespmem:s24+$0xF250] =	vst v28;
	v28 =	vld [tilespmem:s24+$0xF2C0];
	v30 =	vadd.f32 v33, v61  }
0x180: {  	v32 =	vadd.f32 v34, v62;
	[tilespmem:s24+$0xF260] =	vst v29;
	v29 =	vld [tilespmem:s24+$0xF2D0]  }
0x181: {  	s20 =	simm.s32 $0x400;
	v31 =	vadd.f32 v35, v63;
	[tilespmem:s24+$0xF270] =	vst v30;
	v30 =	vld [tilespmem:s24+$0xF2E0]  }
.LBB2_9:
0x182: {  	s23 =	sshra.s32 s20, $0x2;
	p1 =	sne.s32 s20, $0x7C00;
	[tilespmem:s24+$0xF280] =	vst v32;
	v25 =	vadd.f32 v25, v27;
	v27 =	vld [tilespmem:s24+$0xF2F0]  }
0x183: {  	v32 =	vld [tilespmem:s23+$0x7200];
	[tilespmem:s24+$0xF290] =	vst v31;
	v24 =	vadd.f32 v24, v26  }
0x184: {  	v26 =	vld [tilespmem:s23+$0x7210];
	[tilespmem:s24+$0xF2A0] =	vst v25;
	v23 =	vadd.f32 v23, v28  }
0x185: {  	v28 =	vld [tilespmem:s23+$0x7220];
	[tilespmem:s24+$0xF2B0] =	vst v24;
	v22 =	vadd.f32 v22, v29  }
0x186: {  	v29 =	vld [tilespmem:s23+$0x7230];
	[tilespmem:s24+$0xF2C0] =	vst v23;
	v21 =	vadd.f32 v21, v30  }
0x187: {  	v30 =	vld [tilespmem:s23+$0x7240];
	[tilespmem:s24+$0xF2D0] =	vst v22;
	v20 =	vadd.f32 v20, v27  }
0x188: {  	v27 =	vld [tilespmem:s23+$0x7250];
	[tilespmem:s24+$0xF2E0] =	vst v21  }
0x189: {  	v31 =	vld [tilespmem:s23+$0x7260];
	[tilespmem:s24+$0xF2F0] =	vst v20;
	s24 =	smov.u32 s23  }
0x18a: {  	v33 =	vld [tilespmem:s24+$0x7270]  }
0x18b: {  	v34 =	vld [tilespmem:s24+$0x7280]  }
0x18c: {  	v35 =	vld [tilespmem:s24+$0x7290]  }
0x18d: {  	v25 =	vld [tilespmem:s24+$0x72A0]  }
0x18e: {  	v24 =	vld [tilespmem:s24+$0x72B0]  }
0x18f: {  	v23 =	vld [tilespmem:s24+$0x72C0]  }
0x190: {  	v22 =	vld [tilespmem:s24+$0x72D0]  }
0x191: {  	v21 =	vld [tilespmem:s24+$0x72E0]  }
0x192: {  	v20 =	vld [tilespmem:s24+$0x72F0]  }
0x193: {  	v36 =	vld [tilespmem:s24+$0xF200]  }
0x194: {  	v37 =	vld [tilespmem:s24+$0xF210]  }
0x195: {  	v38 =	vld [tilespmem:s24+$0xF220]  }
0x196: {  	v39 =	vld [tilespmem:s24+$0xF230]  }
0x197: {  	v40 =	vld [tilespmem:s24+$0xF240]  }
0x198: {  	v32 =	vadd.f32 v32, v36;
	v36 =	vld [tilespmem:s24+$0xF250]  }
0x199: {  	v26 =	vadd.f32 v26, v37;
	v37 =	vld [tilespmem:s24+$0xF260]  }
0x19a: {  	[tilespmem:s24+$0xF200] =	vst v32;
	v28 =	vadd.f32 v28, v38;
	v32 =	vld [tilespmem:s24+$0xF270]  }
0x19b: {  	[tilespmem:s24+$0xF210] =	vst v26;
	v26 =	vadd.f32 v29, v39;
	v29 =	vld [tilespmem:s24+$0xF280]  }
0x19c: {  	[tilespmem:s24+$0xF220] =	vst v28;
	v28 =	vadd.f32 v30, v40;
	v30 =	vld [tilespmem:s24+$0xF290]  }
.Ltmp5:
0x19d: {  	[tilespmem:s24+$0xF230] =	vst v26;
	v36 =	vadd.f32 v27, v36;
	v27 =	vld [tilespmem:s24+$0xF2A0];
	(pc) =	sbr.rel @p1 .LBB2_9-.Ltmp5, $4  }
0x19e: {  	[tilespmem:s24+$0xF240] =	vst v28;
	v31 =	vadd.f32 v31, v37;
	v26 =	vld [tilespmem:s24+$0xF2B0]  }
0x19f: {  	[tilespmem:s24+$0xF250] =	vst v36;
	v33 =	vadd.f32 v33, v32;
	v28 =	vld [tilespmem:s24+$0xF2C0]  }
0x1a0: {  	[tilespmem:s24+$0xF260] =	vst v31;
	v32 =	vadd.f32 v34, v29;
	v29 =	vld [tilespmem:s24+$0xF2D0]  }
0x1a1: {  	s20 =	sadd.s32 $0x400, s20;
	[tilespmem:s24+$0xF270] =	vst v33;
	v31 =	vadd.f32 v35, v30;
	v30 =	vld [tilespmem:s24+$0xF2E0]  }
0x1a2: {  	[tilespmem:s24+$0xF280] =	vst v32;
	v25 =	vadd.f32 v25, v27;
	v63 =	vld [tilespmem:s24+$0xF2F0]  }
0x1a3: {  	[tilespmem:s24+$0xF290] =	vst v31;
	v24 =	vadd.f32 v24, v26  }
0x1a4: {  	[tilespmem:s24+$0xF2A0] =	vst v25;
	v23 =	vadd.f32 v23, v28  }
0x1a5: {  	[tilespmem:s24+$0xF2B0] =	vst v24;
	v22 =	vadd.f32 v22, v29  }
0x1a6: {  	[tilespmem:s24+$0xF2C0] =	vst v23;
	v21 =	vadd.f32 v21, v30  }
0x1a7: {  	[tilespmem:s24+$0xF2D0] =	vst v22;
	v20 =	vadd.f32 v20, v63  }
0x1a8: {  	[tilespmem:s24+$0xF2E0] =	vst v21  }
.Ltmp6:
0x1a9: {  	s16 =	sadd.s32 s4, s16;
	[tilespmem:s24+$0xF2F0] =	vst v20;
	(pc) =	sbr.rel @p0 .LBB2_12-.Ltmp6, $4  }
0x1aa: {  	[hbm4b:s16+s5] =	stream.linear.scatter [tilespmem:s1], [sflag:$0xC], $0x2000, $0x38;
	[tilespmem:$0x11200] =	vst v63  }
0x1ab: {  	_ =	swait.ge [sflag:s15], $0x2000  }
0x1ac: {  	[sflag:s15] =	ssyncset.done $0x0  }
0x1ad: {  	[sflag:s15] =	ssyncadd.s32 $0xFFFFE000  }
0x1ae: {  	s8 =	sadd.s32 $0x1, s8  }
0x1af: {  	s16 =	sshll.u32 s8, $0x7  }
0x1b0: {  	s16 =	sand.u32 $0x3FFFFF80, s16  }
0x1b1: {  	v20 =	vld [tilespmem:s16+$0x20];
	_ =	sdelay $0x4  }
0x1b2: {  	v21 =	vperm.xlane v20, v1  }
0x1b3: {  	v22 =	vperm.xlane v20, v2  }
.Ltmp7:
0x1b4: {  	v23 =	vperm.xlane v20, v4;
	v21 =	vadd.s32 v12, v21;
	(pc) =	sbr.rel .LBB2_2-.Ltmp7, $4  }
0x1b5: {  	v20 =	vperm.xlane v20, v6;
	v62 =	vadd.s32 v13, v22;
	[tilespmem:$0x1100] =	vst v21  }
0x1b6: {  	v63 =	vadd.s32 v14, v23;
	[tilespmem:$0x1110] =	vst v62  }
0x1b7: {  	s31 =	sadd.s32 s6, s8;
	v20 =	vadd.s32 v15, v20;
	[tilespmem:$0x1120] =	vst v63  }
0x1b8: {  	s16 =	sshll.u32 s31, $0xC;
	[tilespmem:$0x1130] =	vst v20  }
.LBB2_13:
0x1b9: {  	_ =	sfence.sel $0x180000  }
0x1ba: {  	[bflag:$0x0] =	sbarrier.arrive $0xFFFF  }
0x1bb: {  	_ =	strace $0x90000047  }
0x1bc: {  	s0 =	stileid.u32;
	[bflag:$0x2] =	sbarrier.arrive $0xFFFF  }
0x1bd: {  	p0 =	sne.s32 s0, $0x0;
	s0 =	rddreg [dreg:$0x4]  }
0x1be: {  	s0 =	sadd.s32 @!p0 $0x100000, s0  }
0x1bf: {  	[sflag:s0] =	ssyncadd.tile.s32 @!p0 $0x1;
	_ =	shalt  }
.Lfunc_end2:
_tile_overlayer_lowered:
.L_overlay_start_2:
0x1c0: {  	(tag) =	ssettag $0x2  }
0x1c1: {  	s0 =	rddreg [dreg:$0x0];
	s2 =	stileid.u32  }
0x1c2: {  	s1 =	rddreg [dreg:$0x1];
	p0 =	sne.s32 s2, $0x0  }
0x1c3: {  	s3 =	rddreg [dreg:$0x2];
	[bflag:$0x3] =	sbarrier.arrive $0xFFFF;
	s2 =	simm.s32 @!p0 $0x1C0D  }
0x1c4: {  	[timem:s3], [sflag:s2] =	dma.local @!p0 [hbm:s0], s1  }
0x1c5: {  	s0 =	simm.s32 @!p0 $0xD  }
0x1c6: {  	_ =	swait.ge @!p0 [sflag:s0], s1  }
0x1c7: {  	s1 =	ssub.s32 @!p0 $0x0, s1;
	[sflag:s0] =	ssyncset.done @!p0 $0x0  }
0x1c8: {  	[sflag:s0] =	ssyncadd.s32 @!p0 s1  }
0x1c9: {  	[bflag:$0x3] =	sbarrier.arrive $0xFFFF  }
0x1ca: {  	_ =	shalt  }

</sc_bundles>
